<compile_context>
chip_gen: v7x
topology: tpu7x:2x2x1
jax: 0.10.2.dev20260603
libtpu: 0.0.44.dev20260713+nightly
codegen_flags: <defaults>
</compile_context>

<pallas_src>
import jax
import jax.numpy as jnp
from jax import lax
from jax.experimental import pallas as pl
from jax.experimental.pallas import tpu as pltpu
from jax.experimental.pallas import tpu_sc as plsc
import functools

LANES = 16
N_WORKERS = 32
ROWS = 16
PASSES = 2
D_CHUNK = 1024
NBUF = 2
SIGN_BIT = -2147483648


def _sjlt_body(D, PROJ, x_hbm, c_hbm, out_hbm, xbuf, cbuf, acc, sem0, sem1):
    wid = lax.axis_index("s") * 2 + lax.axis_index("c")
    n_chunks = D // D_CHUNK
    n_groups = D_CHUNK // LANES
    sems = (sem0, sem1)

    def copies(slot, ci, row0):
        k0 = pl.multiple_of(ci * D_CHUNK, D_CHUNK)
        return (
            (x_hbm.at[pl.ds(row0, ROWS), pl.ds(k0, D_CHUNK)], xbuf.at[slot]),
            (c_hbm.at[pl.ds(k0, D_CHUNK)], cbuf.at[slot]),
        )

    def issue(slot, ci, row0):
        for src, dst in copies(slot, ci, row0):
            pltpu.async_copy(src, dst, sems[slot])

    def wait(slot, ci, row0):
        for src, dst in copies(slot, ci, row0):
            pltpu.make_async_copy(src, dst, sems[slot]).wait()

    def compute(slot):
        @plsc.parallel_loop(0, n_groups, unroll=4)
        def gbody(g):
            base = g * LANES
            cv = cbuf[slot, pl.ds(base, LANES)]
            idxv = cv & (PROJ - 1)
            sbit = cv & SIGN_BIT
            for r in range(ROWS):
                xv = xbuf[slot, r, pl.ds(base, LANES)]
                xs = plsc.bitcast(plsc.bitcast(xv, jnp.int32) ^ sbit,
                                  jnp.float32)
                plsc.addupdate_scatter(acc, [idxv + (r * PROJ)], xs)

    for half in range(PASSES):
        row0 = wid * (ROWS * PASSES) + half * ROWS

        @plsc.parallel_loop(0, (ROWS * PROJ) // LANES, unroll=4)
        def zero_body(i):
            acc[pl.ds(i * LANES, LANES)] = jnp.zeros((LANES,), jnp.float32)

        issue(0, 0, row0)
        issue(1, 1, row0)

        def pair_body(i, _):
            c0 = 2 * i
            wait(0, c0, row0)
            compute(0)

            @pl.when(i < n_chunks // 2 - 1)
            def _():
                issue(0, c0 + 2, row0)

            wait(1, c0 + 1, row0)
            compute(1)

            @pl.when(i < n_chunks // 2 - 1)
            def _():
                issue(1, c0 + 3, row0)
            return 0
        lax.fori_loop(0, n_chunks // 2, pair_body, 0)

        pltpu.sync_copy(acc, out_hbm.at[pl.ds(row0 * PROJ, ROWS * PROJ)])


@functools.partial(jax.jit, static_argnums=(2, 3))
def _sjlt(x, c, D, PROJ):
    mesh = plsc.VectorSubcoreMesh(core_axis_name="c", subcore_axis_name="s",
                                  num_cores=2, num_subcores=16)
    body = functools.partial(_sjlt_body, D, PROJ)
    B = x.shape[0]
    return pl.kernel(
        body,
        out_type=jax.ShapeDtypeStruct((B * PROJ,), jnp.float32),
        mesh=mesh,
        scratch_types=[
            pltpu.VMEM((NBUF, ROWS, D_CHUNK), jnp.float32),
            pltpu.VMEM((NBUF, D_CHUNK), jnp.int32),
            pltpu.VMEM((ROWS * PROJ,), jnp.float32),
            pltpu.SemaphoreType.DMA,
            pltpu.SemaphoreType.DMA,
        ],
        compiler_params=pltpu.CompilerParams(needs_layout_passes=False),
    )(x, c)


def kernel(x, rand_indices, rand_signs):
    B, D = x.shape
    PROJ = 4096
    idx = rand_indices.reshape(-1).astype(jnp.int32)
    neg = rand_signs.reshape(-1) < 0
    c = jnp.where(neg, idx | jnp.int32(SIGN_BIT), idx)
    return _sjlt(x, c, D, PROJ).reshape(B, PROJ)

# --- scband reference (transcript-rebuilt; emitter-appended) ---
"""Pipeline reference for scband-sjltprojection-12584254177373 (READ-ONLY COPY).

The authoritative reference and input builder live on the scoring server;
editing this copy changes nothing except your own understanding.
"""

import jax, jax.numpy as jnp
import numpy as np

BATCH = 1024
ORIGINAL_DIM = 65536
PROJ_DIM = 4096
C = 1


def setup_inputs(seed: int = 0) -> dict:
    key = jax.random.key(seed)
    k1, k2, k3 = jax.random.split(key, 3)
    x = jax.random.normal(k1, (BATCH, ORIGINAL_DIM), dtype=jnp.float32)
    # buffers registered in __init__ of the torch module
    rand_indices = jax.random.randint(k2, (ORIGINAL_DIM, C), 0, PROJ_DIM, dtype=jnp.int32)
    rand_signs = (jax.random.randint(k3, (ORIGINAL_DIM, C), 0, 2, dtype=jnp.int32) * 2 - 1).astype(jnp.int8)
    return {"x": x, "rand_indices": rand_indices, "rand_signs": rand_signs}


def reference(x, rand_indices, rand_signs):
    # SJLT projection: for each input coordinate d and each of its c hash slots,
    # scatter-add sign[d, j] * x[:, d] into output column rand_indices[d, j].
    B = x.shape[0]
    idx = rand_indices.reshape(-1)  # [D * C]
    signs = rand_signs.astype(x.dtype)  # [D, C]
    vals = (x[:, :, None] * signs[None, :, :]).reshape(B, -1)  # [B, D * C]
    out = jnp.zeros((B, PROJ_DIM), dtype=x.dtype).at[:, idx].add(vals)
    return out

if __name__ == "__main__":
    import jax
    _d = setup_inputs()
    print(jax.jit(kernel)(*tuple(_d.values())))

</pallas_src>

<mosaic_0001>
#map = affine_map<(d0, d1) -> (0, 0)>
#map1 = affine_map<(d0, d1) -> (0)>
module attributes {stable_mosaic.version = 14 : i64} {
  func.func @_sjlt_body(%arg0: i32, %arg1: i32, %arg2: memref<1024x65536xf32, #tpu.memory_space<hbm>>, %arg3: memref<65536xi32, #tpu.memory_space<hbm>>, %arg4: memref<4194304xf32, #tpu.memory_space<hbm>>, %arg5: memref<2x16x1024xf32, #tpu.memory_space<vmem>>, %arg6: memref<2x1024xi32, #tpu.memory_space<vmem>>, %arg7: memref<65536xf32, #tpu.memory_space<vmem>>, %arg8: memref<!tpu.dma_semaphore, #tpu.memory_space<semaphore_mem>>, %arg9: memref<!tpu.dma_semaphore, #tpu.memory_space<semaphore_mem>>) attributes {dimension_semantics = [#tpu.dimension_semantics<core_parallel>, #tpu.dimension_semantics<subcore_parallel>], iteration_bounds = array<i64: 2, 16>, scalar_prefetch = 0 : i64, scratch_operands = 5 : i64, tpu.core_type = #tpu.core_type<sc_vector_subcore>, window_params = [{transform_indices = #map}, {transform_indices = #map1}, {transform_indices = #map1}]} {
    %mul3A = arith.constant 2 : i32
    %mul3A_0 = arith.muli %arg1, %mul3A : i32
    %add3A = arith.addi %mul3A_0, %arg0 : i32
    %mul3A_1 = arith.constant 32 : i32
    %mul3A_2 = arith.muli %add3A, %mul3A_1 : i32
    %add3A_3 = arith.constant 0 : i32
    %add3A_4 = arith.addi %mul3A_2, %add3A_3 : i32
    %parallel_loop3A = arith.constant 0 : i32
    %parallel_loop3A_5 = arith.constant 4096 : i32
    %parallel_loop3A_6 = arith.constant 1 : i32
    scf.for %parallel_loop3A_117 = %parallel_loop3A to %parallel_loop3A_5 step %parallel_loop3A_6  : i32 {
      %parallel_loop3A_118 = arith.constant 0.000000e+00 : f32
      %parallel_loop3A_119 = vector.broadcast %parallel_loop3A_118 : f32 to vector<16xf32>
      %parallel_loop3A_120 = arith.constant 16 : i32
      %parallel_loop3A_121 = arith.muli %parallel_loop3A_117, %parallel_loop3A_120 : i32
      %parallel_loop3A_122 = arith.index_cast %parallel_loop3A_121 : i32 to index
      %parallel_loop3A_123 = tpu.vector_load %arg7[%parallel_loop3A_122] {strides = array<i32>} : memref<65536xf32, #tpu.memory_space<vmem>>, vector<16xf32>,
      tpu.vector_store %arg7[%parallel_loop3A_122], %parallel_loop3A_119 {strides = array<i32>} : memref<65536xf32, #tpu.memory_space<vmem>>, vector<16xf32>,
    } {sc.loop_unroll_factor = 4 : i64, sc.parallel_access}
    %multiple_of3A = arith.constant 0 : i32
    %multiple_of3A_7 = tpu.assume_multiple %multiple_of3A, 1024 : i32
    %dma_start3A = arith.constant 0 : i32
    %dma_start3A_8 = arith.constant 0 : i32
    %dma_start3A_9 = arith.constant 0 : i32
    %dma_start3A_10 = tpu.memref_slice %arg5[%dma_start3A, %dma_start3A_8, %dma_start3A_9] : memref<2x16x1024xf32, #tpu.memory_space<vmem>> -> memref<1x16x1024xf32, #tpu.memory_space<vmem>>
    %dma_start3A_11 = tpu.memref_squeeze %dma_start3A_10 : memref<1x16x1024xf32, #tpu.memory_space<vmem>> -> memref<16x1024xf32, #tpu.memory_space<vmem>>
    %dma_start3A_12 = tpu.memref_slice %arg2[%add3A_4, %multiple_of3A_7] : memref<1024x65536xf32, #tpu.memory_space<hbm>> -> memref<16x1024xf32, #tpu.memory_space<hbm>>
    %dma_start3A_13 = arith.constant 0 : i32
    %dma_start3A_14 = arith.constant 0 : i32
    %dma_start3A_15 = tpu.memref_slice %arg5[%dma_start3A, %dma_start3A_13, %dma_start3A_14] : memref<2x16x1024xf32, #tpu.memory_space<vmem>> -> memref<1x16x1024xf32, #tpu.memory_space<vmem>>
    %dma_start3A_16 = tpu.memref_squeeze %dma_start3A_15 : memref<1x16x1024xf32, #tpu.memory_space<vmem>> -> memref<16x1024xf32, #tpu.memory_space<vmem>>
    %dma_start3A_17 = tpu.memref_slice %arg2[%add3A_4, %multiple_of3A_7] : memref<1024x65536xf32, #tpu.memory_space<hbm>> -> memref<16x1024xf32, #tpu.memory_space<hbm>>
    tpu.enqueue_dma source(%dma_start3A_17 : memref<16x1024xf32, #tpu.memory_space<hbm>>) target(%dma_start3A_16 : memref<16x1024xf32, #tpu.memory_space<vmem>>) target_semaphore(%arg8 : memref<!tpu.dma_semaphore, #tpu.memory_space<semaphore_mem>>)
    %dma_start3A_18 = arith.constant 0 : i32
    %dma_start3A_19 = arith.constant 0 : i32
    %dma_start3A_20 = tpu.memref_slice %arg6[%dma_start3A_18, %dma_start3A_19] : memref<2x1024xi32, #tpu.memory_space<vmem>> -> memref<1x1024xi32, #tpu.memory_space<vmem>>
    %dma_start3A_21 = tpu.memref_squeeze %dma_start3A_20 : memref<1x1024xi32, #tpu.memory_space<vmem>> -> memref<1024xi32, #tpu.memory_space<vmem>>
    %dma_start3A_22 = tpu.memref_slice %arg3[%multiple_of3A_7] : memref<65536xi32, #tpu.memory_space<hbm>> -> memref<1024xi32, #tpu.memory_space<hbm>>
    %dma_start3A_23 = arith.constant 0 : i32
    %dma_start3A_24 = tpu.memref_slice %arg6[%dma_start3A_18, %dma_start3A_23] : memref<2x1024xi32, #tpu.memory_space<vmem>> -> memref<1x1024xi32, #tpu.memory_space<vmem>>
    %dma_start3A_25 = tpu.memref_squeeze %dma_start3A_24 : memref<1x1024xi32, #tpu.memory_space<vmem>> -> memref<1024xi32, #tpu.memory_space<vmem>>
    %dma_start3A_26 = tpu.memref_slice %arg3[%multiple_of3A_7] : memref<65536xi32, #tpu.memory_space<hbm>> -> memref<1024xi32, #tpu.memory_space<hbm>>
    tpu.enqueue_dma source(%dma_start3A_26 : memref<1024xi32, #tpu.memory_space<hbm>>) target(%dma_start3A_25 : memref<1024xi32, #tpu.memory_space<vmem>>) target_semaphore(%arg8 : memref<!tpu.dma_semaphore, #tpu.memory_space<semaphore_mem>>)
    %multiple_of3A_27 = arith.constant 1024 : i32
    %multiple_of3A_28 = tpu.assume_multiple %multiple_of3A_27, 1024 : i32
    %dma_start3A_29 = arith.constant 1 : i32
    %dma_start3A_30 = arith.constant 0 : i32
    %dma_start3A_31 = arith.constant 0 : i32
    %dma_start3A_32 = tpu.memref_slice %arg5[%dma_start3A_29, %dma_start3A_30, %dma_start3A_31] : memref<2x16x1024xf32, #tpu.memory_space<vmem>> -> memref<1x16x1024xf32, #tpu.memory_space<vmem>>
    %dma_start3A_33 = tpu.memref_squeeze %dma_start3A_32 : memref<1x16x1024xf32, #tpu.memory_space<vmem>> -> memref<16x1024xf32, #tpu.memory_space<vmem>>
    %dma_start3A_34 = tpu.memref_slice %arg2[%add3A_4, %multiple_of3A_28] : memref<1024x65536xf32, #tpu.memory_space<hbm>> -> memref<16x1024xf32, #tpu.memory_space<hbm>>
    %dma_start3A_35 = arith.constant 0 : i32
    %dma_start3A_36 = arith.constant 0 : i32
    %dma_start3A_37 = tpu.memref_slice %arg5[%dma_start3A_29, %dma_start3A_35, %dma_start3A_36] : memref<2x16x1024xf32, #tpu.memory_space<vmem>> -> memref<1x16x1024xf32, #tpu.memory_space<vmem>>
    %dma_start3A_38 = tpu.memref_squeeze %dma_start3A_37 : memref<1x16x1024xf32, #tpu.memory_space<vmem>> -> memref<16x1024xf32, #tpu.memory_space<vmem>>
    %dma_start3A_39 = tpu.memref_slice %arg2[%add3A_4, %multiple_of3A_28] : memref<1024x65536xf32, #tpu.memory_space<hbm>> -> memref<16x1024xf32, #tpu.memory_space<hbm>>
    tpu.enqueue_dma source(%dma_start3A_39 : memref<16x1024xf32, #tpu.memory_space<hbm>>) target(%dma_start3A_38 : memref<16x1024xf32, #tpu.memory_space<vmem>>) target_semaphore(%arg9 : memref<!tpu.dma_semaphore, #tpu.memory_space<semaphore_mem>>)
    %dma_start3A_40 = arith.constant 1 : i32
    %dma_start3A_41 = arith.constant 0 : i32
    %dma_start3A_42 = tpu.memref_slice %arg6[%dma_start3A_40, %dma_start3A_41] : memref<2x1024xi32, #tpu.memory_space<vmem>> -> memref<1x1024xi32, #tpu.memory_space<vmem>>
    %dma_start3A_43 = tpu.memref_squeeze %dma_start3A_42 : memref<1x1024xi32, #tpu.memory_space<vmem>> -> memref<1024xi32, #tpu.memory_space<vmem>>
    %dma_start3A_44 = tpu.memref_slice %arg3[%multiple_of3A_28] : memref<65536xi32, #tpu.memory_space<hbm>> -> memref<1024xi32, #tpu.memory_space<hbm>>
    %dma_start3A_45 = arith.constant 0 : i32
    %dma_start3A_46 = tpu.memref_slice %arg6[%dma_start3A_40, %dma_start3A_45] : memref<2x1024xi32, #tpu.memory_space<vmem>> -> memref<1x1024xi32, #tpu.memory_space<vmem>>
    %dma_start3A_47 = tpu.memref_squeeze %dma_start3A_46 : memref<1x1024xi32, #tpu.memory_space<vmem>> -> memref<1024xi32, #tpu.memory_space<vmem>>
    %dma_start3A_48 = tpu.memref_slice %arg3[%multiple_of3A_28] : memref<65536xi32, #tpu.memory_space<hbm>> -> memref<1024xi32, #tpu.memory_space<hbm>>
    tpu.enqueue_dma source(%dma_start3A_48 : memref<1024xi32, #tpu.memory_space<hbm>>) target(%dma_start3A_47 : memref<1024xi32, #tpu.memory_space<vmem>>) target_semaphore(%arg9 : memref<!tpu.dma_semaphore, #tpu.memory_space<semaphore_mem>>)
    %scan3A = arith.constant 0 : i32
    %scan3A_49 = arith.constant 0 : i32
    %scan3A_50 = arith.constant 32 : i32
    %scan3A_51 = arith.addi %scan3A_49, %scan3A_50 : i32
    %scan3A_52 = arith.constant 1 : i32
    %scan3A_53 = scf.for %scan3A_117 = %scan3A_49 to %scan3A_51 step %scan3A_52 iter_args(%scan3A_118 = %scan3A) -> (i32)  : i32 {
      %mul3A_119 = arith.constant 2 : i32
      %mul3A_120 = arith.muli %mul3A_119, %scan3A_117 : i32
      %mul3A_121 = arith.constant 1024 : i32
      %mul3A_122 = arith.muli %mul3A_120, %mul3A_121 : i32
      %multiple_of3A_123 = tpu.assume_multiple %mul3A_122, 1024 : i32
      %dma_wait3A = arith.constant 0 : i32
      %dma_wait3A_124 = arith.constant 0 : i32
      %dma_wait3A_125 = arith.constant 0 : i32
      %dma_wait3A_126 = tpu.memref_slice %arg5[%dma_wait3A, %dma_wait3A_124, %dma_wait3A_125] : memref<2x16x1024xf32, #tpu.memory_space<vmem>> -> memref<1x16x1024xf32, #tpu.memory_space<vmem>>
      %dma_wait3A_127 = tpu.memref_squeeze %dma_wait3A_126 : memref<1x16x1024xf32, #tpu.memory_space<vmem>> -> memref<16x1024xf32, #tpu.memory_space<vmem>>
      %dma_wait3A_128 = tpu.memref_slice %arg2[%add3A_4, %multiple_of3A_123] : memref<1024x65536xf32, #tpu.memory_space<hbm>> -> memref<16x1024xf32, #tpu.memory_space<hbm>>
      %dma_wait3A_129 = arith.constant 0 : i32
      %dma_wait3A_130 = arith.constant 0 : i32
      %dma_wait3A_131 = tpu.memref_slice %arg5[%dma_wait3A, %dma_wait3A_129, %dma_wait3A_130] : memref<2x16x1024xf32, #tpu.memory_space<vmem>> -> memref<1x16x1024xf32, #tpu.memory_space<vmem>>
      %dma_wait3A_132 = tpu.memref_squeeze %dma_wait3A_131 : memref<1x16x1024xf32, #tpu.memory_space<vmem>> -> memref<16x1024xf32, #tpu.memory_space<vmem>>
      %dma_wait3A_133 = tpu.memref_slice %arg2[%add3A_4, %multiple_of3A_123] : memref<1024x65536xf32, #tpu.memory_space<hbm>> -> memref<16x1024xf32, #tpu.memory_space<hbm>>
      tpu.wait_dma2 semaphore(%arg8 : memref<!tpu.dma_semaphore, #tpu.memory_space<semaphore_mem>>) src(%dma_wait3A_133 : memref<16x1024xf32, #tpu.memory_space<hbm>>) dst(%dma_wait3A_132 : memref<16x1024xf32, #tpu.memory_space<vmem>>)
      %dma_wait3A_134 = arith.constant 0 : i32
      %dma_wait3A_135 = arith.constant 0 : i32
      %dma_wait3A_136 = tpu.memref_slice %arg6[%dma_wait3A_134, %dma_wait3A_135] : memref<2x1024xi32, #tpu.memory_space<vmem>> -> memref<1x1024xi32, #tpu.memory_space<vmem>>
      %dma_wait3A_137 = tpu.memref_squeeze %dma_wait3A_136 : memref<1x1024xi32, #tpu.memory_space<vmem>> -> memref<1024xi32, #tpu.memory_space<vmem>>
      %dma_wait3A_138 = tpu.memref_slice %arg3[%multiple_of3A_123] : memref<65536xi32, #tpu.memory_space<hbm>> -> memref<1024xi32, #tpu.memory_space<hbm>>
      %dma_wait3A_139 = arith.constant 0 : i32
      %dma_wait3A_140 = tpu.memref_slice %arg6[%dma_wait3A_134, %dma_wait3A_139] : memref<2x1024xi32, #tpu.memory_space<vmem>> -> memref<1x1024xi32, #tpu.memory_space<vmem>>
      %dma_wait3A_141 = tpu.memref_squeeze %dma_wait3A_140 : memref<1x1024xi32, #tpu.memory_space<vmem>> -> memref<1024xi32, #tpu.memory_space<vmem>>
      %dma_wait3A_142 = tpu.memref_slice %arg3[%multiple_of3A_123] : memref<65536xi32, #tpu.memory_space<hbm>> -> memref<1024xi32, #tpu.memory_space<hbm>>
      tpu.wait_dma2 semaphore(%arg8 : memref<!tpu.dma_semaphore, #tpu.memory_space<semaphore_mem>>) src(%dma_wait3A_142 : memref<1024xi32, #tpu.memory_space<hbm>>) dst(%dma_wait3A_141 : memref<1024xi32, #tpu.memory_space<vmem>>)
      %parallel_loop3A_143 = arith.constant 0 : i32
      %parallel_loop3A_144 = arith.constant 64 : i32
      %parallel_loop3A_145 = arith.constant 1 : i32
      scf.for %parallel_loop3A_182 = %parallel_loop3A_143 to %parallel_loop3A_144 step %parallel_loop3A_145  : i32 {
        %parallel_loop3A_183 = arith.constant 16 : i32
        %parallel_loop3A_184 = arith.muli %parallel_loop3A_182, %parallel_loop3A_183 : i32
        %parallel_loop3A_185 = arith.constant 0 : i32
        %parallel_loop3A_186 = arith.index_cast %parallel_loop3A_185 : i32 to index
        %parallel_loop3A_187 = arith.index_cast %parallel_loop3A_184 : i32 to index
        %parallel_loop3A_188 = tpu.vector_load %arg6[%parallel_loop3A_186, %parallel_loop3A_187] {strides = array<i32>} : memref<2x1024xi32, #tpu.memory_space<vmem>>, vector<16xi32>,
        %parallel_loop3A_189 = arith.constant 4095 : i32
        %parallel_loop3A_190 = vector.broadcast %parallel_loop3A_189 : i32 to vector<16xi32>
        %parallel_loop3A_191 = arith.andi %parallel_loop3A_188, %parallel_loop3A_190 : vector<16xi32>
        %parallel_loop3A_192 = arith.constant -2147483648 : i32
        %parallel_loop3A_193 = vector.broadcast %parallel_loop3A_192 : i32 to vector<16xi32>
        %parallel_loop3A_194 = arith.andi %parallel_loop3A_188, %parallel_loop3A_193 : vector<16xi32>
        %parallel_loop3A_195 = arith.constant 0 : i32
        %parallel_loop3A_196 = arith.constant 0 : i32
        %parallel_loop3A_197 = arith.index_cast %parallel_loop3A_195 : i32 to index
        %parallel_loop3A_198 = arith.index_cast %parallel_loop3A_196 : i32 to index
        %parallel_loop3A_199 = arith.index_cast %parallel_loop3A_184 : i32 to index
        %parallel_loop3A_200 = tpu.vector_load %arg5[%parallel_loop3A_197, %parallel_loop3A_198, %parallel_loop3A_199] {strides = array<i32>} : memref<2x16x1024xf32, #tpu.memory_space<vmem>>, vector<16xf32>,
        %parallel_loop3A_201 = vector.bitcast %parallel_loop3A_200 : vector<16xf32> to vector<16xi32>
        %parallel_loop3A_202 = arith.xori %parallel_loop3A_201, %parallel_loop3A_194 : vector<16xi32>
        %parallel_loop3A_203 = vector.bitcast %parallel_loop3A_202 : vector<16xi32> to vector<16xf32>
        %parallel_loop3A_204 = arith.constant 0 : i32
        %parallel_loop3A_205 = vector.broadcast %parallel_loop3A_204 : i32 to vector<16xi32>
        %parallel_loop3A_206 = arith.addi %parallel_loop3A_191, %parallel_loop3A_205 : vector<16xi32>
        tpu.vector_store_idx %arg7[%parallel_loop3A_206], %parallel_loop3A_203 {add = true} : memref<65536xf32, #tpu.memory_space<vmem>>[vector<16xi32>], vector<16xf32>,
        %parallel_loop3A_207 = arith.constant 0 : i32
        %parallel_loop3A_208 = arith.constant 1 : i32
        %parallel_loop3A_209 = arith.index_cast %parallel_loop3A_207 : i32 to index
        %parallel_loop3A_210 = arith.index_cast %parallel_loop3A_208 : i32 to index
        %parallel_loop3A_211 = arith.index_cast %parallel_loop3A_184 : i32 to index
        %parallel_loop3A_212 = tpu.vector_load %arg5[%parallel_loop3A_209, %parallel_loop3A_210, %parallel_loop3A_211] {strides = array<i32>} : memref<2x16x1024xf32, #tpu.memory_space<vmem>>, vector<16xf32>,
        %parallel_loop3A_213 = vector.bitcast %parallel_loop3A_212 : vector<16xf32> to vector<16xi32>
        %parallel_loop3A_214 = arith.xori %parallel_loop3A_213, %parallel_loop3A_194 : vector<16xi32>
        %parallel_loop3A_215 = vector.bitcast %parallel_loop3A_214 : vector<16xi32> to vector<16xf32>
        %parallel_loop3A_216 = arith.constant 4096 : i32
        %parallel_loop3A_217 = vector.broadcast %parallel_loop3A_216 : i32 to vector<16xi32>
        %parallel_loop3A_218 = arith.addi %parallel_loop3A_191, %parallel_loop3A_217 : vector<16xi32>
        tpu.vector_store_idx %arg7[%parallel_loop3A_218], %parallel_loop3A_215 {add = true} : memref<65536xf32, #tpu.memory_space<vmem>>[vector<16xi32>], vector<16xf32>,
        %parallel_loop3A_219 = arith.constant 0 : i32
        %parallel_loop3A_220 = arith.constant 2 : i32
        %parallel_loop3A_221 = arith.index_cast %parallel_loop3A_219 : i32 to index
        %parallel_loop3A_222 = arith.index_cast %parallel_loop3A_220 : i32 to index
        %parallel_loop3A_223 = arith.index_cast %parallel_loop3A_184 : i32 to index
        %parallel_loop3A_224 = tpu.vector_load %arg5[%parallel_loop3A_221, %parallel_loop3A_222, %parallel_loop3A_223] {strides = array<i32>} : memref<2x16x1024xf32, #tpu.memory_space<vmem>>, vector<16xf32>,
        %parallel_loop3A_225 = vector.bitcast %parallel_loop3A_224 : vector<16xf32> to vector<16xi32>
        %parallel_loop3A_226 = arith.xori %parallel_loop3A_225, %parallel_loop3A_194 : vector<16xi32>
        %parallel_loop3A_227 = vector.bitcast %parallel_loop3A_226 : vector<16xi32> to vector<16xf32>
        %parallel_loop3A_228 = arith.constant 8192 : i32
        %parallel_loop3A_229 = vector.broadcast %parallel_loop3A_228 : i32 to vector<16xi32>
        %parallel_loop3A_230 = arith.addi %parallel_loop3A_191, %parallel_loop3A_229 : vector<16xi32>
        tpu.vector_store_idx %arg7[%parallel_loop3A_230], %parallel_loop3A_227 {add = true} : memref<65536xf32, #tpu.memory_space<vmem>>[vector<16xi32>], vector<16xf32>,
        %parallel_loop3A_231 = arith.constant 0 : i32
        %parallel_loop3A_232 = arith.constant 3 : i32
        %parallel_loop3A_233 = arith.index_cast %parallel_loop3A_231 : i32 to index
        %parallel_loop3A_234 = arith.index_cast %parallel_loop3A_232 : i32 to index
        %parallel_loop3A_235 = arith.index_cast %parallel_loop3A_184 : i32 to index
        %parallel_loop3A_236 = tpu.vector_load %arg5[%parallel_loop3A_233, %parallel_loop3A_234, %parallel_loop3A_235] {strides = array<i32>} : memref<2x16x1024xf32, #tpu.memory_space<vmem>>, vector<16xf32>,
        %parallel_loop3A_237 = vector.bitcast %parallel_loop3A_236 : vector<16xf32> to vector<16xi32>
        %parallel_loop3A_238 = arith.xori %parallel_loop3A_237, %parallel_loop3A_194 : vector<16xi32>
        %parallel_loop3A_239 = vector.bitcast %parallel_loop3A_238 : vector<16xi32> to vector<16xf32>
        %parallel_loop3A_240 = arith.constant 12288 : i32
        %parallel_loop3A_241 = vector.broadcast %parallel_loop3A_240 : i32 to vector<16xi32>
        %parallel_loop3A_242 = arith.addi %parallel_loop3A_191, %parallel_loop3A_241 : vector<16xi32>
        tpu.vector_store_idx %arg7[%parallel_loop3A_242], %parallel_loop3A_239 {add = true} : memref<65536xf32, #tpu.memory_space<vmem>>[vector<16xi32>], vector<16xf32>,
        %parallel_loop3A_243 = arith.constant 0 : i32
        %parallel_loop3A_244 = arith.constant 4 : i32
        %parallel_loop3A_245 = arith.index_cast %parallel_loop3A_243 : i32 to index
        %parallel_loop3A_246 = arith.index_cast %parallel_loop3A_244 : i32 to index
        %parallel_loop3A_247 = arith.index_cast %parallel_loop3A_184 : i32 to index
        %parallel_loop3A_248 = tpu.vector_load %arg5[%parallel_loop3A_245, %parallel_loop3A_246, %parallel_loop3A_247] {strides = array<i32>} : memref<2x16x1024xf32, #tpu.memory_space<vmem>>, vector<16xf32>,
        %parallel_loop3A_249 = vector.bitcast %parallel_loop3A_248 : vector<16xf32> to vector<16xi32>
        %parallel_loop3A_250 = arith.xori %parallel_loop3A_249, %parallel_loop3A_194 : vector<16xi32>
        %parallel_loop3A_251 = vector.bitcast %parallel_loop3A_250 : vector<16xi32> to vector<16xf32>
        %parallel_loop3A_252 = arith.constant 16384 : i32
        %parallel_loop3A_253 = vector.broadcast %parallel_loop3A_252 : i32 to vector<16xi32>
        %parallel_loop3A_254 = arith.addi %parallel_loop3A_191, %parallel_loop3A_253 : vector<16xi32>
        tpu.vector_store_idx %arg7[%parallel_loop3A_254], %parallel_loop3A_251 {add = true} : memref<65536xf32, #tpu.memory_space<vmem>>[vector<16xi32>], vector<16xf32>,
        %parallel_loop3A_255 = arith.constant 0 : i32
        %parallel_loop3A_256 = arith.constant 5 : i32
        %parallel_loop3A_257 = arith.index_cast %parallel_loop3A_255 : i32 to index
        %parallel_loop3A_258 = arith.index_cast %parallel_loop3A_256 : i32 to index
        %parallel_loop3A_259 = arith.index_cast %parallel_loop3A_184 : i32 to index
        %parallel_loop3A_260 = tpu.vector_load %arg5[%parallel_loop3A_257, %parallel_loop3A_258, %parallel_loop3A_259] {strides = array<i32>} : memref<2x16x1024xf32, #tpu.memory_space<vmem>>, vector<16xf32>,
        %parallel_loop3A_261 = vector.bitcast %parallel_loop3A_260 : vector<16xf32> to vector<16xi32>
        %parallel_loop3A_262 = arith.xori %parallel_loop3A_261, %parallel_loop3A_194 : vector<16xi32>
        %parallel_loop3A_263 = vector.bitcast %parallel_loop3A_262 : vector<16xi32> to vector<16xf32>
        %parallel_loop3A_264 = arith.constant 20480 : i32
        %parallel_loop3A_265 = vector.broadcast %parallel_loop3A_264 : i32 to vector<16xi32>
        %parallel_loop3A_266 = arith.addi %parallel_loop3A_191, %parallel_loop3A_265 : vector<16xi32>
        tpu.vector_store_idx %arg7[%parallel_loop3A_266], %parallel_loop3A_263 {add = true} : memref<65536xf32, #tpu.memory_space<vmem>>[vector<16xi32>], vector<16xf32>,
        %parallel_loop3A_267 = arith.constant 0 : i32
        %parallel_loop3A_268 = arith.constant 6 : i32
        %parallel_loop3A_269 = arith.index_cast %parallel_loop3A_267 : i32 to index
        %parallel_loop3A_270 = arith.index_cast %parallel_loop3A_268 : i32 to index
        %parallel_loop3A_271 = arith.index_cast %parallel_loop3A_184 : i32 to index
        %parallel_loop3A_272 = tpu.vector_load %arg5[%parallel_loop3A_269, %parallel_loop3A_270, %parallel_loop3A_271] {strides = array<i32>} : memref<2x16x1024xf32, #tpu.memory_space<vmem>>, vector<16xf32>,
        %parallel_loop3A_273 = vector.bitcast %parallel_loop3A_272 : vector<16xf32> to vector<16xi32>
        %parallel_loop3A_274 = arith.xori %parallel_loop3A_273, %parallel_loop3A_194 : vector<16xi32>
        %parallel_loop3A_275 = vector.bitcast %parallel_loop3A_274 : vector<16xi32> to vector<16xf32>
        %parallel_loop3A_276 = arith.constant 24576 : i32
        %parallel_loop3A_277 = vector.broadcast %parallel_loop3A_276 : i32 to vector<16xi32>
        %parallel_loop3A_278 = arith.addi %parallel_loop3A_191, %parallel_loop3A_277 : vector<16xi32>
        tpu.vector_store_idx %arg7[%parallel_loop3A_278], %parallel_loop3A_275 {add = true} : memref<65536xf32, #tpu.memory_space<vmem>>[vector<16xi32>], vector<16xf32>,
        %parallel_loop3A_279 = arith.constant 0 : i32
        %parallel_loop3A_280 = arith.constant 7 : i32
        %parallel_loop3A_281 = arith.index_cast %parallel_loop3A_279 : i32 to index
        %parallel_loop3A_282 = arith.index_cast %parallel_loop3A_280 : i32 to index
        %parallel_loop3A_283 = arith.index_cast %parallel_loop3A_184 : i32 to index
        %parallel_loop3A_284 = tpu.vector_load %arg5[%parallel_loop3A_281, %parallel_loop3A_282, %parallel_loop3A_283] {strides = array<i32>} : memref<2x16x1024xf32, #tpu.memory_space<vmem>>, vector<16xf32>,
        %parallel_loop3A_285 = vector.bitcast %parallel_loop3A_284 : vector<16xf32> to vector<16xi32>
        %parallel_loop3A_286 = arith.xori %parallel_loop3A_285, %parallel_loop3A_194 : vector<16xi32>
        %parallel_loop3A_287 = vector.bitcast %parallel_loop3A_286 : vector<16xi32> to vector<16xf32>
        %parallel_loop3A_288 = arith.constant 28672 : i32
        %parallel_loop3A_289 = vector.broadcast %parallel_loop3A_288 : i32 to vector<16xi32>
        %parallel_loop3A_290 = arith.addi %parallel_loop3A_191, %parallel_loop3A_289 : vector<16xi32>
        tpu.vector_store_idx %arg7[%parallel_loop3A_290], %parallel_loop3A_287 {add = true} : memref<65536xf32, #tpu.memory_space<vmem>>[vector<16xi32>], vector<16xf32>,
        %parallel_loop3A_291 = arith.constant 0 : i32
        %parallel_loop3A_292 = arith.constant 8 : i32
        %parallel_loop3A_293 = arith.index_cast %parallel_loop3A_291 : i32 to index
        %parallel_loop3A_294 = arith.index_cast %parallel_loop3A_292 : i32 to index
        %parallel_loop3A_295 = arith.index_cast %parallel_loop3A_184 : i32 to index
        %parallel_loop3A_296 = tpu.vector_load %arg5[%parallel_loop3A_293, %parallel_loop3A_294, %parallel_loop3A_295] {strides = array<i32>} : memref<2x16x1024xf32, #tpu.memory_space<vmem>>, vector<16xf32>,
        %parallel_loop3A_297 = vector.bitcast %parallel_loop3A_296 : vector<16xf32> to vector<16xi32>
        %parallel_loop3A_298 = arith.xori %parallel_loop3A_297, %parallel_loop3A_194 : vector<16xi32>
        %parallel_loop3A_299 = vector.bitcast %parallel_loop3A_298 : vector<16xi32> to vector<16xf32>
        %parallel_loop3A_300 = arith.constant 32768 : i32
        %parallel_loop3A_301 = vector.broadcast %parallel_loop3A_300 : i32 to vector<16xi32>
        %parallel_loop3A_302 = arith.addi %parallel_loop3A_191, %parallel_loop3A_301 : vector<16xi32>
        tpu.vector_store_idx %arg7[%parallel_loop3A_302], %parallel_loop3A_299 {add = true} : memref<65536xf32, #tpu.memory_space<vmem>>[vector<16xi32>], vector<16xf32>,
        %parallel_loop3A_303 = arith.constant 0 : i32
        %parallel_loop3A_304 = arith.constant 9 : i32
        %parallel_loop3A_305 = arith.index_cast %parallel_loop3A_303 : i32 to index
        %parallel_loop3A_306 = arith.index_cast %parallel_loop3A_304 : i32 to index
        %parallel_loop3A_307 = arith.index_cast %parallel_loop3A_184 : i32 to index
        %parallel_loop3A_308 = tpu.vector_load %arg5[%parallel_loop3A_305, %parallel_loop3A_306, %parallel_loop3A_307] {strides = array<i32>} : memref<2x16x1024xf32, #tpu.memory_space<vmem>>, vector<16xf32>,
        %parallel_loop3A_309 = vector.bitcast %parallel_loop3A_308 : vector<16xf32> to vector<16xi32>
        %parallel_loop3A_310 = arith.xori %parallel_loop3A_309, %parallel_loop3A_194 : vector<16xi32>
        %parallel_loop3A_311 = vector.bitcast %parallel_loop3A_310 : vector<16xi32> to vector<16xf32>
        %parallel_loop3A_312 = arith.constant 36864 : i32
        %parallel_loop3A_313 = vector.broadcast %parallel_loop3A_312 : i32 to vector<16xi32>
        %parallel_loop3A_314 = arith.addi %parallel_loop3A_191, %parallel_loop3A_313 : vector<16xi32>
        tpu.vector_store_idx %arg7[%parallel_loop3A_314], %parallel_loop3A_311 {add = true} : memref<65536xf32, #tpu.memory_space<vmem>>[vector<16xi32>], vector<16xf32>,
        %parallel_loop3A_315 = arith.constant 0 : i32
        %parallel_loop3A_316 = arith.constant 10 : i32
        %parallel_loop3A_317 = arith.index_cast %parallel_loop3A_315 : i32 to index
        %parallel_loop3A_318 = arith.index_cast %parallel_loop3A_316 : i32 to index
        %parallel_loop3A_319 = arith.index_cast %parallel_loop3A_184 : i32 to index
        %parallel_loop3A_320 = tpu.vector_load %arg5[%parallel_loop3A_317, %parallel_loop3A_318, %parallel_loop3A_319] {strides = array<i32>} : memref<2x16x1024xf32, #tpu.memory_space<vmem>>, vector<16xf32>,
        %parallel_loop3A_321 = vector.bitcast %parallel_loop3A_320 : vector<16xf32> to vector<16xi32>
        %parallel_loop3A_322 = arith.xori %parallel_loop3A_321, %parallel_loop3A_194 : vector<16xi32>
        %parallel_loop3A_323 = vector.bitcast %parallel_loop3A_322 : vector<16xi32> to vector<16xf32>
        %parallel_loop3A_324 = arith.constant 40960 : i32
        %parallel_loop3A_325 = vector.broadcast %parallel_loop3A_324 : i32 to vector<16xi32>
        %parallel_loop3A_326 = arith.addi %parallel_loop3A_191, %parallel_loop3A_325 : vector<16xi32>
        tpu.vector_store_idx %arg7[%parallel_loop3A_326], %parallel_loop3A_323 {add = true} : memref<65536xf32, #tpu.memory_space<vmem>>[vector<16xi32>], vector<16xf32>,
        %parallel_loop3A_327 = arith.constant 0 : i32
        %parallel_loop3A_328 = arith.constant 11 : i32
        %parallel_loop3A_329 = arith.index_cast %parallel_loop3A_327 : i32 to index
        %parallel_loop3A_330 = arith.index_cast %parallel_loop3A_328 : i32 to index
        %parallel_loop3A_331 = arith.index_cast %parallel_loop3A_184 : i32 to index
        %parallel_loop3A_332 = tpu.vector_load %arg5[%parallel_loop3A_329, %parallel_loop3A_330, %parallel_loop3A_331] {strides = array<i32>} : memref<2x16x1024xf32, #tpu.memory_space<vmem>>, vector<16xf32>,
        %parallel_loop3A_333 = vector.bitcast %parallel_loop3A_332 : vector<16xf32> to vector<16xi32>
        %parallel_loop3A_334 = arith.xori %parallel_loop3A_333, %parallel_loop3A_194 : vector<16xi32>
        %parallel_loop3A_335 = vector.bitcast %parallel_loop3A_334 : vector<16xi32> to vector<16xf32>
        %parallel_loop3A_336 = arith.constant 45056 : i32
        %parallel_loop3A_337 = vector.broadcast %parallel_loop3A_336 : i32 to vector<16xi32>
        %parallel_loop3A_338 = arith.addi %parallel_loop3A_191, %parallel_loop3A_337 : vector<16xi32>
        tpu.vector_store_idx %arg7[%parallel_loop3A_338], %parallel_loop3A_335 {add = true} : memref<65536xf32, #tpu.memory_space<vmem>>[vector<16xi32>], vector<16xf32>,
        %parallel_loop3A_339 = arith.constant 0 : i32
        %parallel_loop3A_340 = arith.constant 12 : i32
        %parallel_loop3A_341 = arith.index_cast %parallel_loop3A_339 : i32 to index
        %parallel_loop3A_342 = arith.index_cast %parallel_loop3A_340 : i32 to index
        %parallel_loop3A_343 = arith.index_cast %parallel_loop3A_184 : i32 to index
        %parallel_loop3A_344 = tpu.vector_load %arg5[%parallel_loop3A_341, %parallel_loop3A_342, %parallel_loop3A_343] {strides = array<i32>} : memref<2x16x1024xf32, #tpu.memory_space<vmem>>, vector<16xf32>,
        %parallel_loop3A_345 = vector.bitcast %parallel_loop3A_344 : vector<16xf32> to vector<16xi32>
        %parallel_loop3A_346 = arith.xori %parallel_loop3A_345, %parallel_loop3A_194 : vector<16xi32>
        %parallel_loop3A_347 = vector.bitcast %parallel_loop3A_346 : vector<16xi32> to vector<16xf32>
        %parallel_loop3A_348 = arith.constant 49152 : i32
        %parallel_loop3A_349 = vector.broadcast %parallel_loop3A_348 : i32 to vector<16xi32>
        %parallel_loop3A_350 = arith.addi %parallel_loop3A_191, %parallel_loop3A_349 : vector<16xi32>
        tpu.vector_store_idx %arg7[%parallel_loop3A_350], %parallel_loop3A_347 {add = true} : memref<65536xf32, #tpu.memory_space<vmem>>[vector<16xi32>], vector<16xf32>,
        %parallel_loop3A_351 = arith.constant 0 : i32
        %parallel_loop3A_352 = arith.constant 13 : i32
        %parallel_loop3A_353 = arith.index_cast %parallel_loop3A_351 : i32 to index
        %parallel_loop3A_354 = arith.index_cast %parallel_loop3A_352 : i32 to index
        %parallel_loop3A_355 = arith.index_cast %parallel_loop3A_184 : i32 to index
        %parallel_loop3A_356 = tpu.vector_load %arg5[%parallel_loop3A_353, %parallel_loop3A_354, %parallel_loop3A_355] {strides = array<i32>} : memref<2x16x1024xf32, #tpu.memory_space<vmem>>, vector<16xf32>,
        %parallel_loop3A_357 = vector.bitcast %parallel_loop3A_356 : vector<16xf32> to vector<16xi32>
        %parallel_loop3A_358 = arith.xori %parallel_loop3A_357, %parallel_loop3A_194 : vector<16xi32>
        %parallel_loop3A_359 = vector.bitcast %parallel_loop3A_358 : vector<16xi32> to vector<16xf32>
        %parallel_loop3A_360 = arith.constant 53248 : i32
        %parallel_loop3A_361 = vector.broadcast %parallel_loop3A_360 : i32 to vector<16xi32>
        %parallel_loop3A_362 = arith.addi %parallel_loop3A_191, %parallel_loop3A_361 : vector<16xi32>
        tpu.vector_store_idx %arg7[%parallel_loop3A_362], %parallel_loop3A_359 {add = true} : memref<65536xf32, #tpu.memory_space<vmem>>[vector<16xi32>], vector<16xf32>,
        %parallel_loop3A_363 = arith.constant 0 : i32
        %parallel_loop3A_364 = arith.constant 14 : i32
        %parallel_loop3A_365 = arith.index_cast %parallel_loop3A_363 : i32 to index
        %parallel_loop3A_366 = arith.index_cast %parallel_loop3A_364 : i32 to index
        %parallel_loop3A_367 = arith.index_cast %parallel_loop3A_184 : i32 to index
        %parallel_loop3A_368 = tpu.vector_load %arg5[%parallel_loop3A_365, %parallel_loop3A_366, %parallel_loop3A_367] {strides = array<i32>} : memref<2x16x1024xf32, #tpu.memory_space<vmem>>, vector<16xf32>,
        %parallel_loop3A_369 = vector.bitcast %parallel_loop3A_368 : vector<16xf32> to vector<16xi32>
        %parallel_loop3A_370 = arith.xori %parallel_loop3A_369, %parallel_loop3A_194 : vector<16xi32>
        %parallel_loop3A_371 = vector.bitcast %parallel_loop3A_370 : vector<16xi32> to vector<16xf32>
        %parallel_loop3A_372 = arith.constant 57344 : i32
        %parallel_loop3A_373 = vector.broadcast %parallel_loop3A_372 : i32 to vector<16xi32>
        %parallel_loop3A_374 = arith.addi %parallel_loop3A_191, %parallel_loop3A_373 : vector<16xi32>
        tpu.vector_store_idx %arg7[%parallel_loop3A_374], %parallel_loop3A_371 {add = true} : memref<65536xf32, #tpu.memory_space<vmem>>[vector<16xi32>], vector<16xf32>,
        %parallel_loop3A_375 = arith.constant 0 : i32
        %parallel_loop3A_376 = arith.constant 15 : i32
        %parallel_loop3A_377 = arith.index_cast %parallel_loop3A_375 : i32 to index
        %parallel_loop3A_378 = arith.index_cast %parallel_loop3A_376 : i32 to index
        %parallel_loop3A_379 = arith.index_cast %parallel_loop3A_184 : i32 to index
        %parallel_loop3A_380 = tpu.vector_load %arg5[%parallel_loop3A_377, %parallel_loop3A_378, %parallel_loop3A_379] {strides = array<i32>} : memref<2x16x1024xf32, #tpu.memory_space<vmem>>, vector<16xf32>,
        %parallel_loop3A_381 = vector.bitcast %parallel_loop3A_380 : vector<16xf32> to vector<16xi32>
        %parallel_loop3A_382 = arith.xori %parallel_loop3A_381, %parallel_loop3A_194 : vector<16xi32>
        %parallel_loop3A_383 = vector.bitcast %parallel_loop3A_382 : vector<16xi32> to vector<16xf32>
        %parallel_loop3A_384 = arith.constant 61440 : i32
        %parallel_loop3A_385 = vector.broadcast %parallel_loop3A_384 : i32 to vector<16xi32>
        %parallel_loop3A_386 = arith.addi %parallel_loop3A_191, %parallel_loop3A_385 : vector<16xi32>
        tpu.vector_store_idx %arg7[%parallel_loop3A_386], %parallel_loop3A_383 {add = true} : memref<65536xf32, #tpu.memory_space<vmem>>[vector<16xi32>], vector<16xf32>,
      } {sc.loop_unroll_factor = 4 : i64, sc.parallel_access}
      %lt3A = arith.constant 31 : i32
      %lt3A_146 = arith.cmpi slt, %scan3A_117, %lt3A : i32
      %convert_element_type3A = arith.extui %lt3A_146 : i1 to i32
      %cond3A = arith.constant 0 : i32
      %cond3A_147 = arith.cmpi ne, %convert_element_type3A, %cond3A : i32
      scf.if %cond3A_147 {
        %add3A_182 = arith.constant 2 : i32
        %add3A_183 = arith.addi %mul3A_120, %add3A_182 : i32
        %mul3A_184 = arith.constant 1024 : i32
        %mul3A_185 = arith.muli %add3A_183, %mul3A_184 : i32
        %multiple_of3A_186 = tpu.assume_multiple %mul3A_185, 1024 : i32
        %dma_start3A_187 = arith.constant 0 : i32
        %dma_start3A_188 = arith.constant 0 : i32
        %dma_start3A_189 = arith.constant 0 : i32
        %dma_start3A_190 = tpu.memref_slice %arg5[%dma_start3A_187, %dma_start3A_188, %dma_start3A_189] : memref<2x16x1024xf32, #tpu.memory_space<vmem>> -> memref<1x16x1024xf32, #tpu.memory_space<vmem>>
        %dma_start3A_191 = tpu.memref_squeeze %dma_start3A_190 : memref<1x16x1024xf32, #tpu.memory_space<vmem>> -> memref<16x1024xf32, #tpu.memory_space<vmem>>
        %dma_start3A_192 = tpu.memref_slice %arg2[%add3A_4, %multiple_of3A_186] : memref<1024x65536xf32, #tpu.memory_space<hbm>> -> memref<16x1024xf32, #tpu.memory_space<hbm>>
        %dma_start3A_193 = arith.constant 0 : i32
        %dma_start3A_194 = arith.constant 0 : i32
        %dma_start3A_195 = tpu.memref_slice %arg5[%dma_start3A_187, %dma_start3A_193, %dma_start3A_194] : memref<2x16x1024xf32, #tpu.memory_space<vmem>> -> memref<1x16x1024xf32, #tpu.memory_space<vmem>>
        %dma_start3A_196 = tpu.memref_squeeze %dma_start3A_195 : memref<1x16x1024xf32, #tpu.memory_space<vmem>> -> memref<16x1024xf32, #tpu.memory_space<vmem>>
        %dma_start3A_197 = tpu.memref_slice %arg2[%add3A_4, %multiple_of3A_186] : memref<1024x65536xf32, #tpu.memory_space<hbm>> -> memref<16x1024xf32, #tpu.memory_space<hbm>>
        tpu.enqueue_dma source(%dma_start3A_197 : memref<16x1024xf32, #tpu.memory_space<hbm>>) target(%dma_start3A_196 : memref<16x1024xf32, #tpu.memory_space<vmem>>) target_semaphore(%arg8 : memref<!tpu.dma_semaphore, #tpu.memory_space<semaphore_mem>>)
        %dma_start3A_198 = arith.constant 0 : i32
        %dma_start3A_199 = arith.constant 0 : i32
        %dma_start3A_200 = tpu.memref_slice %arg6[%dma_start3A_198, %dma_start3A_199] : memref<2x1024xi32, #tpu.memory_space<vmem>> -> memref<1x1024xi32, #tpu.memory_space<vmem>>
        %dma_start3A_201 = tpu.memref_squeeze %dma_start3A_200 : memref<1x1024xi32, #tpu.memory_space<vmem>> -> memref<1024xi32, #tpu.memory_space<vmem>>
        %dma_start3A_202 = tpu.memref_slice %arg3[%multiple_of3A_186] : memref<65536xi32, #tpu.memory_space<hbm>> -> memref<1024xi32, #tpu.memory_space<hbm>>
        %dma_start3A_203 = arith.constant 0 : i32
        %dma_start3A_204 = tpu.memref_slice %arg6[%dma_start3A_198, %dma_start3A_203] : memref<2x1024xi32, #tpu.memory_space<vmem>> -> memref<1x1024xi32, #tpu.memory_space<vmem>>
        %dma_start3A_205 = tpu.memref_squeeze %dma_start3A_204 : memref<1x1024xi32, #tpu.memory_space<vmem>> -> memref<1024xi32, #tpu.memory_space<vmem>>
        %dma_start3A_206 = tpu.memref_slice %arg3[%multiple_of3A_186] : memref<65536xi32, #tpu.memory_space<hbm>> -> memref<1024xi32, #tpu.memory_space<hbm>>
        tpu.enqueue_dma source(%dma_start3A_206 : memref<1024xi32, #tpu.memory_space<hbm>>) target(%dma_start3A_205 : memref<1024xi32, #tpu.memory_space<vmem>>) target_semaphore(%arg8 : memref<!tpu.dma_semaphore, #tpu.memory_space<semaphore_mem>>)
      } else {
      }
      %add3A_148 = arith.constant 1 : i32
      %add3A_149 = arith.addi %mul3A_120, %add3A_148 : i32
      %mul3A_150 = arith.constant 1024 : i32
      %mul3A_151 = arith.muli %add3A_149, %mul3A_150 : i32
      %multiple_of3A_152 = tpu.assume_multiple %mul3A_151, 1024 : i32
      %dma_wait3A_153 = arith.constant 1 : i32
      %dma_wait3A_154 = arith.constant 0 : i32
      %dma_wait3A_155 = arith.constant 0 : i32
      %dma_wait3A_156 = tpu.memref_slice %arg5[%dma_wait3A_153, %dma_wait3A_154, %dma_wait3A_155] : memref<2x16x1024xf32, #tpu.memory_space<vmem>> -> memref<1x16x1024xf32, #tpu.memory_space<vmem>>
      %dma_wait3A_157 = tpu.memref_squeeze %dma_wait3A_156 : memref<1x16x1024xf32, #tpu.memory_space<vmem>> -> memref<16x1024xf32, #tpu.memory_space<vmem>>
      %dma_wait3A_158 = tpu.memref_slice %arg2[%add3A_4, %multiple_of3A_152] : memref<1024x65536xf32, #tpu.memory_space<hbm>> -> memref<16x1024xf32, #tpu.memory_space<hbm>>
      %dma_wait3A_159 = arith.constant 0 : i32
      %dma_wait3A_160 = arith.constant 0 : i32
      %dma_wait3A_161 = tpu.memref_slice %arg5[%dma_wait3A_153, %dma_wait3A_159, %dma_wait3A_160] : memref<2x16x1024xf32, #tpu.memory_space<vmem>> -> memref<1x16x1024xf32, #tpu.memory_space<vmem>>
      %dma_wait3A_162 = tpu.memref_squeeze %dma_wait3A_161 : memref<1x16x1024xf32, #tpu.memory_space<vmem>> -> memref<16x1024xf32, #tpu.memory_space<vmem>>
      %dma_wait3A_163 = tpu.memref_slice %arg2[%add3A_4, %multiple_of3A_152] : memref<1024x65536xf32, #tpu.memory_space<hbm>> -> memref<16x1024xf32, #tpu.memory_space<hbm>>
      tpu.wait_dma2 semaphore(%arg9 : memref<!tpu.dma_semaphore, #tpu.memory_space<semaphore_mem>>) src(%dma_wait3A_163 : memref<16x1024xf32, #tpu.memory_space<hbm>>) dst(%dma_wait3A_162 : memref<16x1024xf32, #tpu.memory_space<vmem>>)
      %dma_wait3A_164 = arith.constant 1 : i32
      %dma_wait3A_165 = arith.constant 0 : i32
      %dma_wait3A_166 = tpu.memref_slice %arg6[%dma_wait3A_164, %dma_wait3A_165] : memref<2x1024xi32, #tpu.memory_space<vmem>> -> memref<1x1024xi32, #tpu.memory_space<vmem>>
      %dma_wait3A_167 = tpu.memref_squeeze %dma_wait3A_166 : memref<1x1024xi32, #tpu.memory_space<vmem>> -> memref<1024xi32, #tpu.memory_space<vmem>>
      %dma_wait3A_168 = tpu.memref_slice %arg3[%multiple_of3A_152] : memref<65536xi32, #tpu.memory_space<hbm>> -> memref<1024xi32, #tpu.memory_space<hbm>>
      %dma_wait3A_169 = arith.constant 0 : i32
      %dma_wait3A_170 = tpu.memref_slice %arg6[%dma_wait3A_164, %dma_wait3A_169] : memref<2x1024xi32, #tpu.memory_space<vmem>> -> memref<1x1024xi32, #tpu.memory_space<vmem>>
      %dma_wait3A_171 = tpu.memref_squeeze %dma_wait3A_170 : memref<1x1024xi32, #tpu.memory_space<vmem>> -> memref<1024xi32, #tpu.memory_space<vmem>>
      %dma_wait3A_172 = tpu.memref_slice %arg3[%multiple_of3A_152] : memref<65536xi32, #tpu.memory_space<hbm>> -> memref<1024xi32, #tpu.memory_space<hbm>>
      tpu.wait_dma2 semaphore(%arg9 : memref<!tpu.dma_semaphore, #tpu.memory_space<semaphore_mem>>) src(%dma_wait3A_172 : memref<1024xi32, #tpu.memory_space<hbm>>) dst(%dma_wait3A_171 : memref<1024xi32, #tpu.memory_space<vmem>>)
      %parallel_loop3A_173 = arith.constant 0 : i32
      %parallel_loop3A_174 = arith.constant 64 : i32
      %parallel_loop3A_175 = arith.constant 1 : i32
      scf.for %parallel_loop3A_182 = %parallel_loop3A_173 to %parallel_loop3A_174 step %parallel_loop3A_175  : i32 {
        %parallel_loop3A_183 = arith.constant 16 : i32
        %parallel_loop3A_184 = arith.muli %parallel_loop3A_182, %parallel_loop3A_183 : i32
        %parallel_loop3A_185 = arith.constant 1 : i32
        %parallel_loop3A_186 = arith.index_cast %parallel_loop3A_185 : i32 to index
        %parallel_loop3A_187 = arith.index_cast %parallel_loop3A_184 : i32 to index
        %parallel_loop3A_188 = tpu.vector_load %arg6[%parallel_loop3A_186, %parallel_loop3A_187] {strides = array<i32>} : memref<2x1024xi32, #tpu.memory_space<vmem>>, vector<16xi32>,
        %parallel_loop3A_189 = arith.constant 4095 : i32
        %parallel_loop3A_190 = vector.broadcast %parallel_loop3A_189 : i32 to vector<16xi32>
        %parallel_loop3A_191 = arith.andi %parallel_loop3A_188, %parallel_loop3A_190 : vector<16xi32>
        %parallel_loop3A_192 = arith.constant -2147483648 : i32
        %parallel_loop3A_193 = vector.broadcast %parallel_loop3A_192 : i32 to vector<16xi32>
        %parallel_loop3A_194 = arith.andi %parallel_loop3A_188, %parallel_loop3A_193 : vector<16xi32>
        %parallel_loop3A_195 = arith.constant 1 : i32
        %parallel_loop3A_196 = arith.constant 0 : i32
        %parallel_loop3A_197 = arith.index_cast %parallel_loop3A_195 : i32 to index
        %parallel_loop3A_198 = arith.index_cast %parallel_loop3A_196 : i32 to index
        %parallel_loop3A_199 = arith.index_cast %parallel_loop3A_184 : i32 to index
        %parallel_loop3A_200 = tpu.vector_load %arg5[%parallel_loop3A_197, %parallel_loop3A_198, %parallel_loop3A_199] {strides = array<i32>} : memref<2x16x1024xf32, #tpu.memory_space<vmem>>, vector<16xf32>,
        %parallel_loop3A_201 = vector.bitcast %parallel_loop3A_200 : vector<16xf32> to vector<16xi32>
        %parallel_loop3A_202 = arith.xori %parallel_loop3A_201, %parallel_loop3A_194 : vector<16xi32>
        %parallel_loop3A_203 = vector.bitcast %parallel_loop3A_202 : vector<16xi32> to vector<16xf32>
        %parallel_loop3A_204 = arith.constant 0 : i32
        %parallel_loop3A_205 = vector.broadcast %parallel_loop3A_204 : i32 to vector<16xi32>
        %parallel_loop3A_206 = arith.addi %parallel_loop3A_191, %parallel_loop3A_205 : vector<16xi32>
        tpu.vector_store_idx %arg7[%parallel_loop3A_206], %parallel_loop3A_203 {add = true} : memref<65536xf32, #tpu.memory_space<vmem>>[vector<16xi32>], vector<16xf32>,
        %parallel_loop3A_207 = arith.constant 1 : i32
        %parallel_loop3A_208 = arith.constant 1 : i32
        %parallel_loop3A_209 = arith.index_cast %parallel_loop3A_207 : i32 to index
        %parallel_loop3A_210 = arith.index_cast %parallel_loop3A_208 : i32 to index
        %parallel_loop3A_211 = arith.index_cast %parallel_loop3A_184 : i32 to index
        %parallel_loop3A_212 = tpu.vector_load %arg5[%parallel_loop3A_209, %parallel_loop3A_210, %parallel_loop3A_211] {strides = array<i32>} : memref<2x16x1024xf32, #tpu.memory_space<vmem>>, vector<16xf32>,
        %parallel_loop3A_213 = vector.bitcast %parallel_loop3A_212 : vector<16xf32> to vector<16xi32>
        %parallel_loop3A_214 = arith.xori %parallel_loop3A_213, %parallel_loop3A_194 : vector<16xi32>
        %parallel_loop3A_215 = vector.bitcast %parallel_loop3A_214 : vector<16xi32> to vector<16xf32>
        %parallel_loop3A_216 = arith.constant 4096 : i32
        %parallel_loop3A_217 = vector.broadcast %parallel_loop3A_216 : i32 to vector<16xi32>
        %parallel_loop3A_218 = arith.addi %parallel_loop3A_191, %parallel_loop3A_217 : vector<16xi32>
        tpu.vector_store_idx %arg7[%parallel_loop3A_218], %parallel_loop3A_215 {add = true} : memref<65536xf32, #tpu.memory_space<vmem>>[vector<16xi32>], vector<16xf32>,
        %parallel_loop3A_219 = arith.constant 1 : i32
        %parallel_loop3A_220 = arith.constant 2 : i32
        %parallel_loop3A_221 = arith.index_cast %parallel_loop3A_219 : i32 to index
        %parallel_loop3A_222 = arith.index_cast %parallel_loop3A_220 : i32 to index
        %parallel_loop3A_223 = arith.index_cast %parallel_loop3A_184 : i32 to index
        %parallel_loop3A_224 = tpu.vector_load %arg5[%parallel_loop3A_221, %parallel_loop3A_222, %parallel_loop3A_223] {strides = array<i32>} : memref<2x16x1024xf32, #tpu.memory_space<vmem>>, vector<16xf32>,
        %parallel_loop3A_225 = vector.bitcast %parallel_loop3A_224 : vector<16xf32> to vector<16xi32>
        %parallel_loop3A_226 = arith.xori %parallel_loop3A_225, %parallel_loop3A_194 : vector<16xi32>
        %parallel_loop3A_227 = vector.bitcast %parallel_loop3A_226 : vector<16xi32> to vector<16xf32>
        %parallel_loop3A_228 = arith.constant 8192 : i32
        %parallel_loop3A_229 = vector.broadcast %parallel_loop3A_228 : i32 to vector<16xi32>
        %parallel_loop3A_230 = arith.addi %parallel_loop3A_191, %parallel_loop3A_229 : vector<16xi32>
        tpu.vector_store_idx %arg7[%parallel_loop3A_230], %parallel_loop3A_227 {add = true} : memref<65536xf32, #tpu.memory_space<vmem>>[vector<16xi32>], vector<16xf32>,
        %parallel_loop3A_231 = arith.constant 1 : i32
        %parallel_loop3A_232 = arith.constant 3 : i32
        %parallel_loop3A_233 = arith.index_cast %parallel_loop3A_231 : i32 to index
        %parallel_loop3A_234 = arith.index_cast %parallel_loop3A_232 : i32 to index
        %parallel_loop3A_235 = arith.index_cast %parallel_loop3A_184 : i32 to index
        %parallel_loop3A_236 = tpu.vector_load %arg5[%parallel_loop3A_233, %parallel_loop3A_234, %parallel_loop3A_235] {strides = array<i32>} : memref<2x16x1024xf32, #tpu.memory_space<vmem>>, vector<16xf32>,
        %parallel_loop3A_237 = vector.bitcast %parallel_loop3A_236 : vector<16xf32> to vector<16xi32>
        %parallel_loop3A_238 = arith.xori %parallel_loop3A_237, %parallel_loop3A_194 : vector<16xi32>
        %parallel_loop3A_239 = vector.bitcast %parallel_loop3A_238 : vector<16xi32> to vector<16xf32>
        %parallel_loop3A_240 = arith.constant 12288 : i32
        %parallel_loop3A_241 = vector.broadcast %parallel_loop3A_240 : i32 to vector<16xi32>
        %parallel_loop3A_242 = arith.addi %parallel_loop3A_191, %parallel_loop3A_241 : vector<16xi32>
        tpu.vector_store_idx %arg7[%parallel_loop3A_242], %parallel_loop3A_239 {add = true} : memref<65536xf32, #tpu.memory_space<vmem>>[vector<16xi32>], vector<16xf32>,
        %parallel_loop3A_243 = arith.constant 1 : i32
        %parallel_loop3A_244 = arith.constant 4 : i32
        %parallel_loop3A_245 = arith.index_cast %parallel_loop3A_243 : i32 to index
        %parallel_loop3A_246 = arith.index_cast %parallel_loop3A_244 : i32 to index
        %parallel_loop3A_247 = arith.index_cast %parallel_loop3A_184 : i32 to index
        %parallel_loop3A_248 = tpu.vector_load %arg5[%parallel_loop3A_245, %parallel_loop3A_246, %parallel_loop3A_247] {strides = array<i32>} : memref<2x16x1024xf32, #tpu.memory_space<vmem>>, vector<16xf32>,
        %parallel_loop3A_249 = vector.bitcast %parallel_loop3A_248 : vector<16xf32> to vector<16xi32>
        %parallel_loop3A_250 = arith.xori %parallel_loop3A_249, %parallel_loop3A_194 : vector<16xi32>
        %parallel_loop3A_251 = vector.bitcast %parallel_loop3A_250 : vector<16xi32> to vector<16xf32>
        %parallel_loop3A_252 = arith.constant 16384 : i32
        %parallel_loop3A_253 = vector.broadcast %parallel_loop3A_252 : i32 to vector<16xi32>
        %parallel_loop3A_254 = arith.addi %parallel_loop3A_191, %parallel_loop3A_253 : vector<16xi32>
        tpu.vector_store_idx %arg7[%parallel_loop3A_254], %parallel_loop3A_251 {add = true} : memref<65536xf32, #tpu.memory_space<vmem>>[vector<16xi32>], vector<16xf32>,
        %parallel_loop3A_255 = arith.constant 1 : i32
        %parallel_loop3A_256 = arith.constant 5 : i32
        %parallel_loop3A_257 = arith.index_cast %parallel_loop3A_255 : i32 to index
        %parallel_loop3A_258 = arith.index_cast %parallel_loop3A_256 : i32 to index
        %parallel_loop3A_259 = arith.index_cast %parallel_loop3A_184 : i32 to index
        %parallel_loop3A_260 = tpu.vector_load %arg5[%parallel_loop3A_257, %parallel_loop3A_258, %parallel_loop3A_259] {strides = array<i32>} : memref<2x16x1024xf32, #tpu.memory_space<vmem>>, vector<16xf32>,
        %parallel_loop3A_261 = vector.bitcast %parallel_loop3A_260 : vector<16xf32> to vector<16xi32>
        %parallel_loop3A_262 = arith.xori %parallel_loop3A_261, %parallel_loop3A_194 : vector<16xi32>
        %parallel_loop3A_263 = vector.bitcast %parallel_loop3A_262 : vector<16xi32> to vector<16xf32>
        %parallel_loop3A_264 = arith.constant 20480 : i32
        %parallel_loop3A_265 = vector.broadcast %parallel_loop3A_264 : i32 to vector<16xi32>
        %parallel_loop3A_266 = arith.addi %parallel_loop3A_191, %parallel_loop3A_265 : vector<16xi32>
        tpu.vector_store_idx %arg7[%parallel_loop3A_266], %parallel_loop3A_263 {add = true} : memref<65536xf32, #tpu.memory_space<vmem>>[vector<16xi32>], vector<16xf32>,
        %parallel_loop3A_267 = arith.constant 1 : i32
        %parallel_loop3A_268 = arith.constant 6 : i32
        %parallel_loop3A_269 = arith.index_cast %parallel_loop3A_267 : i32 to index
        %parallel_loop3A_270 = arith.index_cast %parallel_loop3A_268 : i32 to index
        %parallel_loop3A_271 = arith.index_cast %parallel_loop3A_184 : i32 to index
        %parallel_loop3A_272 = tpu.vector_load %arg5[%parallel_loop3A_269, %parallel_loop3A_270, %parallel_loop3A_271] {strides = array<i32>} : memref<2x16x1024xf32, #tpu.memory_space<vmem>>, vector<16xf32>,
        %parallel_loop3A_273 = vector.bitcast %parallel_loop3A_272 : vector<16xf32> to vector<16xi32>
        %parallel_loop3A_274 = arith.xori %parallel_loop3A_273, %parallel_loop3A_194 : vector<16xi32>
        %parallel_loop3A_275 = vector.bitcast %parallel_loop3A_274 : vector<16xi32> to vector<16xf32>
        %parallel_loop3A_276 = arith.constant 24576 : i32
        %parallel_loop3A_277 = vector.broadcast %parallel_loop3A_276 : i32 to vector<16xi32>
        %parallel_loop3A_278 = arith.addi %parallel_loop3A_191, %parallel_loop3A_277 : vector<16xi32>
        tpu.vector_store_idx %arg7[%parallel_loop3A_278], %parallel_loop3A_275 {add = true} : memref<65536xf32, #tpu.memory_space<vmem>>[vector<16xi32>], vector<16xf32>,
        %parallel_loop3A_279 = arith.constant 1 : i32
        %parallel_loop3A_280 = arith.constant 7 : i32
        %parallel_loop3A_281 = arith.index_cast %parallel_loop3A_279 : i32 to index
        %parallel_loop3A_282 = arith.index_cast %parallel_loop3A_280 : i32 to index
        %parallel_loop3A_283 = arith.index_cast %parallel_loop3A_184 : i32 to index
        %parallel_loop3A_284 = tpu.vector_load %arg5[%parallel_loop3A_281, %parallel_loop3A_282, %parallel_loop3A_283] {strides = array<i32>} : memref<2x16x1024xf32, #tpu.memory_space<vmem>>, vector<16xf32>,
        %parallel_loop3A_285 = vector.bitcast %parallel_loop3A_284 : vector<16xf32> to vector<16xi32>
        %parallel_loop3A_286 = arith.xori %parallel_loop3A_285, %parallel_loop3A_194 : vector<16xi32>
        %parallel_loop3A_287 = vector.bitcast %parallel_loop3A_286 : vector<16xi32> to vector<16xf32>
        %parallel_loop3A_288 = arith.constant 28672 : i32
        %parallel_loop3A_289 = vector.broadcast %parallel_loop3A_288 : i32 to vector<16xi32>
        %parallel_loop3A_290 = arith.addi %parallel_loop3A_191, %parallel_loop3A_289 : vector<16xi32>
        tpu.vector_store_idx %arg7[%parallel_loop3A_290], %parallel_loop3A_287 {add = true} : memref<65536xf32, #tpu.memory_space<vmem>>[vector<16xi32>], vector<16xf32>,
        %parallel_loop3A_291 = arith.constant 1 : i32
        %parallel_loop3A_292 = arith.constant 8 : i32
        %parallel_loop3A_293 = arith.index_cast %parallel_loop3A_291 : i32 to index
        %parallel_loop3A_294 = arith.index_cast %parallel_loop3A_292 : i32 to index
        %parallel_loop3A_295 = arith.index_cast %parallel_loop3A_184 : i32 to index
        %parallel_loop3A_296 = tpu.vector_load %arg5[%parallel_loop3A_293, %parallel_loop3A_294, %parallel_loop3A_295] {strides = array<i32>} : memref<2x16x1024xf32, #tpu.memory_space<vmem>>, vector<16xf32>,
        %parallel_loop3A_297 = vector.bitcast %parallel_loop3A_296 : vector<16xf32> to vector<16xi32>
        %parallel_loop3A_298 = arith.xori %parallel_loop3A_297, %parallel_loop3A_194 : vector<16xi32>
        %parallel_loop3A_299 = vector.bitcast %parallel_loop3A_298 : vector<16xi32> to vector<16xf32>
        %parallel_loop3A_300 = arith.constant 32768 : i32
        %parallel_loop3A_301 = vector.broadcast %parallel_loop3A_300 : i32 to vector<16xi32>
        %parallel_loop3A_302 = arith.addi %parallel_loop3A_191, %parallel_loop3A_301 : vector<16xi32>
        tpu.vector_store_idx %arg7[%parallel_loop3A_302], %parallel_loop3A_299 {add = true} : memref<65536xf32, #tpu.memory_space<vmem>>[vector<16xi32>], vector<16xf32>,
        %parallel_loop3A_303 = arith.constant 1 : i32
        %parallel_loop3A_304 = arith.constant 9 : i32
        %parallel_loop3A_305 = arith.index_cast %parallel_loop3A_303 : i32 to index
        %parallel_loop3A_306 = arith.index_cast %parallel_loop3A_304 : i32 to index
        %parallel_loop3A_307 = arith.index_cast %parallel_loop3A_184 : i32 to index
        %parallel_loop3A_308 = tpu.vector_load %arg5[%parallel_loop3A_305, %parallel_loop3A_306, %parallel_loop3A_307] {strides = array<i32>} : memref<2x16x1024xf32, #tpu.memory_space<vmem>>, vector<16xf32>,
        %parallel_loop3A_309 = vector.bitcast %parallel_loop3A_308 : vector<16xf32> to vector<16xi32>
        %parallel_loop3A_310 = arith.xori %parallel_loop3A_309, %parallel_loop3A_194 : vector<16xi32>
        %parallel_loop3A_311 = vector.bitcast %parallel_loop3A_310 : vector<16xi32> to vector<16xf32>
        %parallel_loop3A_312 = arith.constant 36864 : i32
        %parallel_loop3A_313 = vector.broadcast %parallel_loop3A_312 : i32 to vector<16xi32>
        %parallel_loop3A_314 = arith.addi %parallel_loop3A_191, %parallel_loop3A_313 : vector<16xi32>
        tpu.vector_store_idx %arg7[%parallel_loop3A_314], %parallel_loop3A_311 {add = true} : memref<65536xf32, #tpu.memory_space<vmem>>[vector<16xi32>], vector<16xf32>,
        %parallel_loop3A_315 = arith.constant 1 : i32
        %parallel_loop3A_316 = arith.constant 10 : i32
        %parallel_loop3A_317 = arith.index_cast %parallel_loop3A_315 : i32 to index
        %parallel_loop3A_318 = arith.index_cast %parallel_loop3A_316 : i32 to index
        %parallel_loop3A_319 = arith.index_cast %parallel_loop3A_184 : i32 to index
        %parallel_loop3A_320 = tpu.vector_load %arg5[%parallel_loop3A_317, %parallel_loop3A_318, %parallel_loop3A_319] {strides = array<i32>} : memref<2x16x1024xf32, #tpu.memory_space<vmem>>, vector<16xf32>,
        %parallel_loop3A_321 = vector.bitcast %parallel_loop3A_320 : vector<16xf32> to vector<16xi32>
        %parallel_loop3A_322 = arith.xori %parallel_loop3A_321, %parallel_loop3A_194 : vector<16xi32>
        %parallel_loop3A_323 = vector.bitcast %parallel_loop3A_322 : vector<16xi32> to vector<16xf32>
        %parallel_loop3A_324 = arith.constant 40960 : i32
        %parallel_loop3A_325 = vector.broadcast %parallel_loop3A_324 : i32 to vector<16xi32>
        %parallel_loop3A_326 = arith.addi %parallel_loop3A_191, %parallel_loop3A_325 : vector<16xi32>
        tpu.vector_store_idx %arg7[%parallel_loop3A_326], %parallel_loop3A_323 {add = true} : memref<65536xf32, #tpu.memory_space<vmem>>[vector<16xi32>], vector<16xf32>,
        %parallel_loop3A_327 = arith.constant 1 : i32
        %parallel_loop3A_328 = arith.constant 11 : i32
        %parallel_loop3A_329 = arith.index_cast %parallel_loop3A_327 : i32 to index
        %parallel_loop3A_330 = arith.index_cast %parallel_loop3A_328 : i32 to index
        %parallel_loop3A_331 = arith.index_cast %parallel_loop3A_184 : i32 to index
        %parallel_loop3A_332 = tpu.vector_load %arg5[%parallel_loop3A_329, %parallel_loop3A_330, %parallel_loop3A_331] {strides = array<i32>} : memref<2x16x1024xf32, #tpu.memory_space<vmem>>, vector<16xf32>,
        %parallel_loop3A_333 = vector.bitcast %parallel_loop3A_332 : vector<16xf32> to vector<16xi32>
        %parallel_loop3A_334 = arith.xori %parallel_loop3A_333, %parallel_loop3A_194 : vector<16xi32>
        %parallel_loop3A_335 = vector.bitcast %parallel_loop3A_334 : vector<16xi32> to vector<16xf32>
        %parallel_loop3A_336 = arith.constant 45056 : i32
        %parallel_loop3A_337 = vector.broadcast %parallel_loop3A_336 : i32 to vector<16xi32>
        %parallel_loop3A_338 = arith.addi %parallel_loop3A_191, %parallel_loop3A_337 : vector<16xi32>
        tpu.vector_store_idx %arg7[%parallel_loop3A_338], %parallel_loop3A_335 {add = true} : memref<65536xf32, #tpu.memory_space<vmem>>[vector<16xi32>], vector<16xf32>,
        %parallel_loop3A_339 = arith.constant 1 : i32
        %parallel_loop3A_340 = arith.constant 12 : i32
        %parallel_loop3A_341 = arith.index_cast %parallel_loop3A_339 : i32 to index
        %parallel_loop3A_342 = arith.index_cast %parallel_loop3A_340 : i32 to index
        %parallel_loop3A_343 = arith.index_cast %parallel_loop3A_184 : i32 to index
        %parallel_loop3A_344 = tpu.vector_load %arg5[%parallel_loop3A_341, %parallel_loop3A_342, %parallel_loop3A_343] {strides = array<i32>} : memref<2x16x1024xf32, #tpu.memory_space<vmem>>, vector<16xf32>,
        %parallel_loop3A_345 = vector.bitcast %parallel_loop3A_344 : vector<16xf32> to vector<16xi32>
        %parallel_loop3A_346 = arith.xori %parallel_loop3A_345, %parallel_loop3A_194 : vector<16xi32>
        %parallel_loop3A_347 = vector.bitcast %parallel_loop3A_346 : vector<16xi32> to vector<16xf32>
        %parallel_loop3A_348 = arith.constant 49152 : i32
        %parallel_loop3A_349 = vector.broadcast %parallel_loop3A_348 : i32 to vector<16xi32>
        %parallel_loop3A_350 = arith.addi %parallel_loop3A_191, %parallel_loop3A_349 : vector<16xi32>
        tpu.vector_store_idx %arg7[%parallel_loop3A_350], %parallel_loop3A_347 {add = true} : memref<65536xf32, #tpu.memory_space<vmem>>[vector<16xi32>], vector<16xf32>,
        %parallel_loop3A_351 = arith.constant 1 : i32
        %parallel_loop3A_352 = arith.constant 13 : i32
        %parallel_loop3A_353 = arith.index_cast %parallel_loop3A_351 : i32 to index
        %parallel_loop3A_354 = arith.index_cast %parallel_loop3A_352 : i32 to index
        %parallel_loop3A_355 = arith.index_cast %parallel_loop3A_184 : i32 to index
        %parallel_loop3A_356 = tpu.vector_load %arg5[%parallel_loop3A_353, %parallel_loop3A_354, %parallel_loop3A_355] {strides = array<i32>} : memref<2x16x1024xf32, #tpu.memory_space<vmem>>, vector<16xf32>,
        %parallel_loop3A_357 = vector.bitcast %parallel_loop3A_356 : vector<16xf32> to vector<16xi32>
        %parallel_loop3A_358 = arith.xori %parallel_loop3A_357, %parallel_loop3A_194 : vector<16xi32>
        %parallel_loop3A_359 = vector.bitcast %parallel_loop3A_358 : vector<16xi32> to vector<16xf32>
        %parallel_loop3A_360 = arith.constant 53248 : i32
        %parallel_loop3A_361 = vector.broadcast %parallel_loop3A_360 : i32 to vector<16xi32>
        %parallel_loop3A_362 = arith.addi %parallel_loop3A_191, %parallel_loop3A_361 : vector<16xi32>
        tpu.vector_store_idx %arg7[%parallel_loop3A_362], %parallel_loop3A_359 {add = true} : memref<65536xf32, #tpu.memory_space<vmem>>[vector<16xi32>], vector<16xf32>,
        %parallel_loop3A_363 = arith.constant 1 : i32
        %parallel_loop3A_364 = arith.constant 14 : i32
        %parallel_loop3A_365 = arith.index_cast %parallel_loop3A_363 : i32 to index
        %parallel_loop3A_366 = arith.index_cast %parallel_loop3A_364 : i32 to index
        %parallel_loop3A_367 = arith.index_cast %parallel_loop3A_184 : i32 to index
        %parallel_loop3A_368 = tpu.vector_load %arg5[%parallel_loop3A_365, %parallel_loop3A_366, %parallel_loop3A_367] {strides = array<i32>} : memref<2x16x1024xf32, #tpu.memory_space<vmem>>, vector<16xf32>,
        %parallel_loop3A_369 = vector.bitcast %parallel_loop3A_368 : vector<16xf32> to vector<16xi32>
        %parallel_loop3A_370 = arith.xori %parallel_loop3A_369, %parallel_loop3A_194 : vector<16xi32>
        %parallel_loop3A_371 = vector.bitcast %parallel_loop3A_370 : vector<16xi32> to vector<16xf32>
        %parallel_loop3A_372 = arith.constant 57344 : i32
        %parallel_loop3A_373 = vector.broadcast %parallel_loop3A_372 : i32 to vector<16xi32>
        %parallel_loop3A_374 = arith.addi %parallel_loop3A_191, %parallel_loop3A_373 : vector<16xi32>
        tpu.vector_store_idx %arg7[%parallel_loop3A_374], %parallel_loop3A_371 {add = true} : memref<65536xf32, #tpu.memory_space<vmem>>[vector<16xi32>], vector<16xf32>,
        %parallel_loop3A_375 = arith.constant 1 : i32
        %parallel_loop3A_376 = arith.constant 15 : i32
        %parallel_loop3A_377 = arith.index_cast %parallel_loop3A_375 : i32 to index
        %parallel_loop3A_378 = arith.index_cast %parallel_loop3A_376 : i32 to index
        %parallel_loop3A_379 = arith.index_cast %parallel_loop3A_184 : i32 to index
        %parallel_loop3A_380 = tpu.vector_load %arg5[%parallel_loop3A_377, %parallel_loop3A_378, %parallel_loop3A_379] {strides = array<i32>} : memref<2x16x1024xf32, #tpu.memory_space<vmem>>, vector<16xf32>,
        %parallel_loop3A_381 = vector.bitcast %parallel_loop3A_380 : vector<16xf32> to vector<16xi32>
        %parallel_loop3A_382 = arith.xori %parallel_loop3A_381, %parallel_loop3A_194 : vector<16xi32>
        %parallel_loop3A_383 = vector.bitcast %parallel_loop3A_382 : vector<16xi32> to vector<16xf32>
        %parallel_loop3A_384 = arith.constant 61440 : i32
        %parallel_loop3A_385 = vector.broadcast %parallel_loop3A_384 : i32 to vector<16xi32>
        %parallel_loop3A_386 = arith.addi %parallel_loop3A_191, %parallel_loop3A_385 : vector<16xi32>
        tpu.vector_store_idx %arg7[%parallel_loop3A_386], %parallel_loop3A_383 {add = true} : memref<65536xf32, #tpu.memory_space<vmem>>[vector<16xi32>], vector<16xf32>,
      } {sc.loop_unroll_factor = 4 : i64, sc.parallel_access}
      %lt3A_176 = arith.constant 31 : i32
      %lt3A_177 = arith.cmpi slt, %scan3A_117, %lt3A_176 : i32
      %convert_element_type3A_178 = arith.extui %lt3A_177 : i1 to i32
      %cond3A_179 = arith.constant 0 : i32
      %cond3A_180 = arith.cmpi ne, %convert_element_type3A_178, %cond3A_179 : i32
      scf.if %cond3A_180 {
        %add3A_182 = arith.constant 3 : i32
        %add3A_183 = arith.addi %mul3A_120, %add3A_182 : i32
        %mul3A_184 = arith.constant 1024 : i32
        %mul3A_185 = arith.muli %add3A_183, %mul3A_184 : i32
        %multiple_of3A_186 = tpu.assume_multiple %mul3A_185, 1024 : i32
        %dma_start3A_187 = arith.constant 1 : i32
        %dma_start3A_188 = arith.constant 0 : i32
        %dma_start3A_189 = arith.constant 0 : i32
        %dma_start3A_190 = tpu.memref_slice %arg5[%dma_start3A_187, %dma_start3A_188, %dma_start3A_189] : memref<2x16x1024xf32, #tpu.memory_space<vmem>> -> memref<1x16x1024xf32, #tpu.memory_space<vmem>>
        %dma_start3A_191 = tpu.memref_squeeze %dma_start3A_190 : memref<1x16x1024xf32, #tpu.memory_space<vmem>> -> memref<16x1024xf32, #tpu.memory_space<vmem>>
        %dma_start3A_192 = tpu.memref_slice %arg2[%add3A_4, %multiple_of3A_186] : memref<1024x65536xf32, #tpu.memory_space<hbm>> -> memref<16x1024xf32, #tpu.memory_space<hbm>>
        %dma_start3A_193 = arith.constant 0 : i32
        %dma_start3A_194 = arith.constant 0 : i32
        %dma_start3A_195 = tpu.memref_slice %arg5[%dma_start3A_187, %dma_start3A_193, %dma_start3A_194] : memref<2x16x1024xf32, #tpu.memory_space<vmem>> -> memref<1x16x1024xf32, #tpu.memory_space<vmem>>
        %dma_start3A_196 = tpu.memref_squeeze %dma_start3A_195 : memref<1x16x1024xf32, #tpu.memory_space<vmem>> -> memref<16x1024xf32, #tpu.memory_space<vmem>>
        %dma_start3A_197 = tpu.memref_slice %arg2[%add3A_4, %multiple_of3A_186] : memref<1024x65536xf32, #tpu.memory_space<hbm>> -> memref<16x1024xf32, #tpu.memory_space<hbm>>
        tpu.enqueue_dma source(%dma_start3A_197 : memref<16x1024xf32, #tpu.memory_space<hbm>>) target(%dma_start3A_196 : memref<16x1024xf32, #tpu.memory_space<vmem>>) target_semaphore(%arg9 : memref<!tpu.dma_semaphore, #tpu.memory_space<semaphore_mem>>)
        %dma_start3A_198 = arith.constant 1 : i32
        %dma_start3A_199 = arith.constant 0 : i32
        %dma_start3A_200 = tpu.memref_slice %arg6[%dma_start3A_198, %dma_start3A_199] : memref<2x1024xi32, #tpu.memory_space<vmem>> -> memref<1x1024xi32, #tpu.memory_space<vmem>>
        %dma_start3A_201 = tpu.memref_squeeze %dma_start3A_200 : memref<1x1024xi32, #tpu.memory_space<vmem>> -> memref<1024xi32, #tpu.memory_space<vmem>>
        %dma_start3A_202 = tpu.memref_slice %arg3[%multiple_of3A_186] : memref<65536xi32, #tpu.memory_space<hbm>> -> memref<1024xi32, #tpu.memory_space<hbm>>
        %dma_start3A_203 = arith.constant 0 : i32
        %dma_start3A_204 = tpu.memref_slice %arg6[%dma_start3A_198, %dma_start3A_203] : memref<2x1024xi32, #tpu.memory_space<vmem>> -> memref<1x1024xi32, #tpu.memory_space<vmem>>
        %dma_start3A_205 = tpu.memref_squeeze %dma_start3A_204 : memref<1x1024xi32, #tpu.memory_space<vmem>> -> memref<1024xi32, #tpu.memory_space<vmem>>
        %dma_start3A_206 = tpu.memref_slice %arg3[%multiple_of3A_186] : memref<65536xi32, #tpu.memory_space<hbm>> -> memref<1024xi32, #tpu.memory_space<hbm>>
        tpu.enqueue_dma source(%dma_start3A_206 : memref<1024xi32, #tpu.memory_space<hbm>>) target(%dma_start3A_205 : memref<1024xi32, #tpu.memory_space<vmem>>) target_semaphore(%arg9 : memref<!tpu.dma_semaphore, #tpu.memory_space<semaphore_mem>>)
      } else {
      }
      %scan3A_181 = arith.constant 0 : i32
      scf.yield %scan3A_181 : i32
    }
    %scan3A_54 = arith.constant 32 : i32
    %mul3A_55 = arith.constant 4096 : i32
    %mul3A_56 = arith.muli %add3A_4, %mul3A_55 : i32
    "tpu.region"() ({
      %run_scoped3A = tpu.sem_alloc : memref<!tpu.dma_semaphore, #tpu.memory_space<semaphore_mem>>
      %dma_start3A_117 = tpu.memref_slice %arg4[%mul3A_56] : memref<4194304xf32, #tpu.memory_space<hbm>> -> memref<65536xf32, #tpu.memory_space<hbm>>
      %dma_start3A_118 = tpu.memref_slice %arg4[%mul3A_56] : memref<4194304xf32, #tpu.memory_space<hbm>> -> memref<65536xf32, #tpu.memory_space<hbm>>
      tpu.enqueue_dma source(%arg7 : memref<65536xf32, #tpu.memory_space<vmem>>) target(%dma_start3A_118 : memref<65536xf32, #tpu.memory_space<hbm>>) target_semaphore(%run_scoped3A : memref<!tpu.dma_semaphore, #tpu.memory_space<semaphore_mem>>)
      %dma_wait3A = tpu.memref_slice %arg4[%mul3A_56] : memref<4194304xf32, #tpu.memory_space<hbm>> -> memref<65536xf32, #tpu.memory_space<hbm>>
      %dma_wait3A_119 = tpu.memref_slice %arg4[%mul3A_56] : memref<4194304xf32, #tpu.memory_space<hbm>> -> memref<65536xf32, #tpu.memory_space<hbm>>
      tpu.wait_dma2 semaphore(%run_scoped3A : memref<!tpu.dma_semaphore, #tpu.memory_space<semaphore_mem>>) src(%arg7 : memref<65536xf32, #tpu.memory_space<vmem>>) dst(%dma_wait3A_119 : memref<65536xf32, #tpu.memory_space<hbm>>)
      tpu.yield
    }) : () -> ()
    %mul3A_57 = arith.constant 32 : i32
    %mul3A_58 = arith.muli %add3A, %mul3A_57 : i32
    %add3A_59 = arith.constant 16 : i32
    %add3A_60 = arith.addi %mul3A_58, %add3A_59 : i32
    %parallel_loop3A_61 = arith.constant 0 : i32
    %parallel_loop3A_62 = arith.constant 4096 : i32
    %parallel_loop3A_63 = arith.constant 1 : i32
    scf.for %parallel_loop3A_117 = %parallel_loop3A_61 to %parallel_loop3A_62 step %parallel_loop3A_63  : i32 {
      %parallel_loop3A_118 = arith.constant 0.000000e+00 : f32
      %parallel_loop3A_119 = vector.broadcast %parallel_loop3A_118 : f32 to vector<16xf32>
      %parallel_loop3A_120 = arith.constant 16 : i32
      %parallel_loop3A_121 = arith.muli %parallel_loop3A_117, %parallel_loop3A_120 : i32
      %parallel_loop3A_122 = arith.index_cast %parallel_loop3A_121 : i32 to index
      %parallel_loop3A_123 = tpu.vector_load %arg7[%parallel_loop3A_122] {strides = array<i32>} : memref<65536xf32, #tpu.memory_space<vmem>>, vector<16xf32>,
      tpu.vector_store %arg7[%parallel_loop3A_122], %parallel_loop3A_119 {strides = array<i32>} : memref<65536xf32, #tpu.memory_space<vmem>>, vector<16xf32>,
    } {sc.loop_unroll_factor = 4 : i64, sc.parallel_access}
    %multiple_of3A_64 = arith.constant 0 : i32
    %multiple_of3A_65 = tpu.assume_multiple %multiple_of3A_64, 1024 : i32
    %dma_start3A_66 = arith.constant 0 : i32
    %dma_start3A_67 = arith.constant 0 : i32
    %dma_start3A_68 = arith.constant 0 : i32
    %dma_start3A_69 = tpu.memref_slice %arg5[%dma_start3A_66, %dma_start3A_67, %dma_start3A_68] : memref<2x16x1024xf32, #tpu.memory_space<vmem>> -> memref<1x16x1024xf32, #tpu.memory_space<vmem>>
    %dma_start3A_70 = tpu.memref_squeeze %dma_start3A_69 : memref<1x16x1024xf32, #tpu.memory_space<vmem>> -> memref<16x1024xf32, #tpu.memory_space<vmem>>
    %dma_start3A_71 = tpu.memref_slice %arg2[%add3A_60, %multiple_of3A_65] : memref<1024x65536xf32, #tpu.memory_space<hbm>> -> memref<16x1024xf32, #tpu.memory_space<hbm>>
    %dma_start3A_72 = arith.constant 0 : i32
    %dma_start3A_73 = arith.constant 0 : i32
    %dma_start3A_74 = tpu.memref_slice %arg5[%dma_start3A_66, %dma_start3A_72, %dma_start3A_73] : memref<2x16x1024xf32, #tpu.memory_space<vmem>> -> memref<1x16x1024xf32, #tpu.memory_space<vmem>>
    %dma_start3A_75 = tpu.memref_squeeze %dma_start3A_74 : memref<1x16x1024xf32, #tpu.memory_space<vmem>> -> memref<16x1024xf32, #tpu.memory_space<vmem>>
    %dma_start3A_76 = tpu.memref_slice %arg2[%add3A_60, %multiple_of3A_65] : memref<1024x65536xf32, #tpu.memory_space<hbm>> -> memref<16x1024xf32, #tpu.memory_space<hbm>>
    tpu.enqueue_dma source(%dma_start3A_76 : memref<16x1024xf32, #tpu.memory_space<hbm>>) target(%dma_start3A_75 : memref<16x1024xf32, #tpu.memory_space<vmem>>) target_semaphore(%arg8 : memref<!tpu.dma_semaphore, #tpu.memory_space<semaphore_mem>>)
    %dma_start3A_77 = arith.constant 0 : i32
    %dma_start3A_78 = arith.constant 0 : i32
    %dma_start3A_79 = tpu.memref_slice %arg6[%dma_start3A_77, %dma_start3A_78] : memref<2x1024xi32, #tpu.memory_space<vmem>> -> memref<1x1024xi32, #tpu.memory_space<vmem>>
    %dma_start3A_80 = tpu.memref_squeeze %dma_start3A_79 : memref<1x1024xi32, #tpu.memory_space<vmem>> -> memref<1024xi32, #tpu.memory_space<vmem>>
    %dma_start3A_81 = tpu.memref_slice %arg3[%multiple_of3A_65] : memref<65536xi32, #tpu.memory_space<hbm>> -> memref<1024xi32, #tpu.memory_space<hbm>>
    %dma_start3A_82 = arith.constant 0 : i32
    %dma_start3A_83 = tpu.memref_slice %arg6[%dma_start3A_77, %dma_start3A_82] : memref<2x1024xi32, #tpu.memory_space<vmem>> -> memref<1x1024xi32, #tpu.memory_space<vmem>>
    %dma_start3A_84 = tpu.memref_squeeze %dma_start3A_83 : memref<1x1024xi32, #tpu.memory_space<vmem>> -> memref<1024xi32, #tpu.memory_space<vmem>>
    %dma_start3A_85 = tpu.memref_slice %arg3[%multiple_of3A_65] : memref<65536xi32, #tpu.memory_space<hbm>> -> memref<1024xi32, #tpu.memory_space<hbm>>
    tpu.enqueue_dma source(%dma_start3A_85 : memref<1024xi32, #tpu.memory_space<hbm>>) target(%dma_start3A_84 : memref<1024xi32, #tpu.memory_space<vmem>>) target_semaphore(%arg8 : memref<!tpu.dma_semaphore, #tpu.memory_space<semaphore_mem>>)
    %multiple_of3A_86 = arith.constant 1024 : i32
    %multiple_of3A_87 = tpu.assume_multiple %multiple_of3A_86, 1024 : i32
    %dma_start3A_88 = arith.constant 1 : i32
    %dma_start3A_89 = arith.constant 0 : i32
    %dma_start3A_90 = arith.constant 0 : i32
    %dma_start3A_91 = tpu.memref_slice %arg5[%dma_start3A_88, %dma_start3A_89, %dma_start3A_90] : memref<2x16x1024xf32, #tpu.memory_space<vmem>> -> memref<1x16x1024xf32, #tpu.memory_space<vmem>>
    %dma_start3A_92 = tpu.memref_squeeze %dma_start3A_91 : memref<1x16x1024xf32, #tpu.memory_space<vmem>> -> memref<16x1024xf32, #tpu.memory_space<vmem>>
    %dma_start3A_93 = tpu.memref_slice %arg2[%add3A_60, %multiple_of3A_87] : memref<1024x65536xf32, #tpu.memory_space<hbm>> -> memref<16x1024xf32, #tpu.memory_space<hbm>>
    %dma_start3A_94 = arith.constant 0 : i32
    %dma_start3A_95 = arith.constant 0 : i32
    %dma_start3A_96 = tpu.memref_slice %arg5[%dma_start3A_88, %dma_start3A_94, %dma_start3A_95] : memref<2x16x1024xf32, #tpu.memory_space<vmem>> -> memref<1x16x1024xf32, #tpu.memory_space<vmem>>
    %dma_start3A_97 = tpu.memref_squeeze %dma_start3A_96 : memref<1x16x1024xf32, #tpu.memory_space<vmem>> -> memref<16x1024xf32, #tpu.memory_space<vmem>>
    %dma_start3A_98 = tpu.memref_slice %arg2[%add3A_60, %multiple_of3A_87] : memref<1024x65536xf32, #tpu.memory_space<hbm>> -> memref<16x1024xf32, #tpu.memory_space<hbm>>
    tpu.enqueue_dma source(%dma_start3A_98 : memref<16x1024xf32, #tpu.memory_space<hbm>>) target(%dma_start3A_97 : memref<16x1024xf32, #tpu.memory_space<vmem>>) target_semaphore(%arg9 : memref<!tpu.dma_semaphore, #tpu.memory_space<semaphore_mem>>)
    %dma_start3A_99 = arith.constant 1 : i32
    %dma_start3A_100 = arith.constant 0 : i32
    %dma_start3A_101 = tpu.memref_slice %arg6[%dma_start3A_99, %dma_start3A_100] : memref<2x1024xi32, #tpu.memory_space<vmem>> -> memref<1x1024xi32, #tpu.memory_space<vmem>>
    %dma_start3A_102 = tpu.memref_squeeze %dma_start3A_101 : memref<1x1024xi32, #tpu.memory_space<vmem>> -> memref<1024xi32, #tpu.memory_space<vmem>>
    %dma_start3A_103 = tpu.memref_slice %arg3[%multiple_of3A_87] : memref<65536xi32, #tpu.memory_space<hbm>> -> memref<1024xi32, #tpu.memory_space<hbm>>
    %dma_start3A_104 = arith.constant 0 : i32
    %dma_start3A_105 = tpu.memref_slice %arg6[%dma_start3A_99, %dma_start3A_104] : memref<2x1024xi32, #tpu.memory_space<vmem>> -> memref<1x1024xi32, #tpu.memory_space<vmem>>
    %dma_start3A_106 = tpu.memref_squeeze %dma_start3A_105 : memref<1x1024xi32, #tpu.memory_space<vmem>> -> memref<1024xi32, #tpu.memory_space<vmem>>
    %dma_start3A_107 = tpu.memref_slice %arg3[%multiple_of3A_87] : memref<65536xi32, #tpu.memory_space<hbm>> -> memref<1024xi32, #tpu.memory_space<hbm>>
    tpu.enqueue_dma source(%dma_start3A_107 : memref<1024xi32, #tpu.memory_space<hbm>>) target(%dma_start3A_106 : memref<1024xi32, #tpu.memory_space<vmem>>) target_semaphore(%arg9 : memref<!tpu.dma_semaphore, #tpu.memory_space<semaphore_mem>>)
    %scan3A_108 = arith.constant 0 : i32
    %scan3A_109 = arith.constant 0 : i32
    %scan3A_110 = arith.constant 32 : i32
    %scan3A_111 = arith.addi %scan3A_109, %scan3A_110 : i32
    %scan3A_112 = arith.constant 1 : i32
    %scan3A_113 = scf.for %scan3A_117 = %scan3A_109 to %scan3A_111 step %scan3A_112 iter_args(%scan3A_118 = %scan3A_108) -> (i32)  : i32 {
      %mul3A_119 = arith.constant 2 : i32
      %mul3A_120 = arith.muli %mul3A_119, %scan3A_117 : i32
      %mul3A_121 = arith.constant 1024 : i32
      %mul3A_122 = arith.muli %mul3A_120, %mul3A_121 : i32
      %multiple_of3A_123 = tpu.assume_multiple %mul3A_122, 1024 : i32
      %dma_wait3A = arith.constant 0 : i32
      %dma_wait3A_124 = arith.constant 0 : i32
      %dma_wait3A_125 = arith.constant 0 : i32
      %dma_wait3A_126 = tpu.memref_slice %arg5[%dma_wait3A, %dma_wait3A_124, %dma_wait3A_125] : memref<2x16x1024xf32, #tpu.memory_space<vmem>> -> memref<1x16x1024xf32, #tpu.memory_space<vmem>>
      %dma_wait3A_127 = tpu.memref_squeeze %dma_wait3A_126 : memref<1x16x1024xf32, #tpu.memory_space<vmem>> -> memref<16x1024xf32, #tpu.memory_space<vmem>>
      %dma_wait3A_128 = tpu.memref_slice %arg2[%add3A_60, %multiple_of3A_123] : memref<1024x65536xf32, #tpu.memory_space<hbm>> -> memref<16x1024xf32, #tpu.memory_space<hbm>>
      %dma_wait3A_129 = arith.constant 0 : i32
      %dma_wait3A_130 = arith.constant 0 : i32
      %dma_wait3A_131 = tpu.memref_slice %arg5[%dma_wait3A, %dma_wait3A_129, %dma_wait3A_130] : memref<2x16x1024xf32, #tpu.memory_space<vmem>> -> memref<1x16x1024xf32, #tpu.memory_space<vmem>>
      %dma_wait3A_132 = tpu.memref_squeeze %dma_wait3A_131 : memref<1x16x1024xf32, #tpu.memory_space<vmem>> -> memref<16x1024xf32, #tpu.memory_space<vmem>>
      %dma_wait3A_133 = tpu.memref_slice %arg2[%add3A_60, %multiple_of3A_123] : memref<1024x65536xf32, #tpu.memory_space<hbm>> -> memref<16x1024xf32, #tpu.memory_space<hbm>>
      tpu.wait_dma2 semaphore(%arg8 : memref<!tpu.dma_semaphore, #tpu.memory_space<semaphore_mem>>) src(%dma_wait3A_133 : memref<16x1024xf32, #tpu.memory_space<hbm>>) dst(%dma_wait3A_132 : memref<16x1024xf32, #tpu.memory_space<vmem>>)
      %dma_wait3A_134 = arith.constant 0 : i32
      %dma_wait3A_135 = arith.constant 0 : i32
      %dma_wait3A_136 = tpu.memref_slice %arg6[%dma_wait3A_134, %dma_wait3A_135] : memref<2x1024xi32, #tpu.memory_space<vmem>> -> memref<1x1024xi32, #tpu.memory_space<vmem>>
      %dma_wait3A_137 = tpu.memref_squeeze %dma_wait3A_136 : memref<1x1024xi32, #tpu.memory_space<vmem>> -> memref<1024xi32, #tpu.memory_space<vmem>>
      %dma_wait3A_138 = tpu.memref_slice %arg3[%multiple_of3A_123] : memref<65536xi32, #tpu.memory_space<hbm>> -> memref<1024xi32, #tpu.memory_space<hbm>>
      %dma_wait3A_139 = arith.constant 0 : i32
      %dma_wait3A_140 = tpu.memref_slice %arg6[%dma_wait3A_134, %dma_wait3A_139] : memref<2x1024xi32, #tpu.memory_space<vmem>> -> memref<1x1024xi32, #tpu.memory_space<vmem>>
      %dma_wait3A_141 = tpu.memref_squeeze %dma_wait3A_140 : memref<1x1024xi32, #tpu.memory_space<vmem>> -> memref<1024xi32, #tpu.memory_space<vmem>>
      %dma_wait3A_142 = tpu.memref_slice %arg3[%multiple_of3A_123] : memref<65536xi32, #tpu.memory_space<hbm>> -> memref<1024xi32, #tpu.memory_space<hbm>>
      tpu.wait_dma2 semaphore(%arg8 : memref<!tpu.dma_semaphore, #tpu.memory_space<semaphore_mem>>) src(%dma_wait3A_142 : memref<1024xi32, #tpu.memory_space<hbm>>) dst(%dma_wait3A_141 : memref<1024xi32, #tpu.memory_space<vmem>>)
      %parallel_loop3A_143 = arith.constant 0 : i32
      %parallel_loop3A_144 = arith.constant 64 : i32
      %parallel_loop3A_145 = arith.constant 1 : i32
      scf.for %parallel_loop3A_182 = %parallel_loop3A_143 to %parallel_loop3A_144 step %parallel_loop3A_145  : i32 {
        %parallel_loop3A_183 = arith.constant 16 : i32
        %parallel_loop3A_184 = arith.muli %parallel_loop3A_182, %parallel_loop3A_183 : i32
        %parallel_loop3A_185 = arith.constant 0 : i32
        %parallel_loop3A_186 = arith.index_cast %parallel_loop3A_185 : i32 to index
        %parallel_loop3A_187 = arith.index_cast %parallel_loop3A_184 : i32 to index
        %parallel_loop3A_188 = tpu.vector_load %arg6[%parallel_loop3A_186, %parallel_loop3A_187] {strides = array<i32>} : memref<2x1024xi32, #tpu.memory_space<vmem>>, vector<16xi32>,
        %parallel_loop3A_189 = arith.constant 4095 : i32
        %parallel_loop3A_190 = vector.broadcast %parallel_loop3A_189 : i32 to vector<16xi32>
        %parallel_loop3A_191 = arith.andi %parallel_loop3A_188, %parallel_loop3A_190 : vector<16xi32>
        %parallel_loop3A_192 = arith.constant -2147483648 : i32
        %parallel_loop3A_193 = vector.broadcast %parallel_loop3A_192 : i32 to vector<16xi32>
        %parallel_loop3A_194 = arith.andi %parallel_loop3A_188, %parallel_loop3A_193 : vector<16xi32>
        %parallel_loop3A_195 = arith.constant 0 : i32
        %parallel_loop3A_196 = arith.constant 0 : i32
        %parallel_loop3A_197 = arith.index_cast %parallel_loop3A_195 : i32 to index
        %parallel_loop3A_198 = arith.index_cast %parallel_loop3A_196 : i32 to index
        %parallel_loop3A_199 = arith.index_cast %parallel_loop3A_184 : i32 to index
        %parallel_loop3A_200 = tpu.vector_load %arg5[%parallel_loop3A_197, %parallel_loop3A_198, %parallel_loop3A_199] {strides = array<i32>} : memref<2x16x1024xf32, #tpu.memory_space<vmem>>, vector<16xf32>,
        %parallel_loop3A_201 = vector.bitcast %parallel_loop3A_200 : vector<16xf32> to vector<16xi32>
        %parallel_loop3A_202 = arith.xori %parallel_loop3A_201, %parallel_loop3A_194 : vector<16xi32>
        %parallel_loop3A_203 = vector.bitcast %parallel_loop3A_202 : vector<16xi32> to vector<16xf32>
        %parallel_loop3A_204 = arith.constant 0 : i32
        %parallel_loop3A_205 = vector.broadcast %parallel_loop3A_204 : i32 to vector<16xi32>
        %parallel_loop3A_206 = arith.addi %parallel_loop3A_191, %parallel_loop3A_205 : vector<16xi32>
        tpu.vector_store_idx %arg7[%parallel_loop3A_206], %parallel_loop3A_203 {add = true} : memref<65536xf32, #tpu.memory_space<vmem>>[vector<16xi32>], vector<16xf32>,
        %parallel_loop3A_207 = arith.constant 0 : i32
        %parallel_loop3A_208 = arith.constant 1 : i32
        %parallel_loop3A_209 = arith.index_cast %parallel_loop3A_207 : i32 to index
        %parallel_loop3A_210 = arith.index_cast %parallel_loop3A_208 : i32 to index
        %parallel_loop3A_211 = arith.index_cast %parallel_loop3A_184 : i32 to index
        %parallel_loop3A_212 = tpu.vector_load %arg5[%parallel_loop3A_209, %parallel_loop3A_210, %parallel_loop3A_211] {strides = array<i32>} : memref<2x16x1024xf32, #tpu.memory_space<vmem>>, vector<16xf32>,
        %parallel_loop3A_213 = vector.bitcast %parallel_loop3A_212 : vector<16xf32> to vector<16xi32>
        %parallel_loop3A_214 = arith.xori %parallel_loop3A_213, %parallel_loop3A_194 : vector<16xi32>
        %parallel_loop3A_215 = vector.bitcast %parallel_loop3A_214 : vector<16xi32> to vector<16xf32>
        %parallel_loop3A_216 = arith.constant 4096 : i32
        %parallel_loop3A_217 = vector.broadcast %parallel_loop3A_216 : i32 to vector<16xi32>
        %parallel_loop3A_218 = arith.addi %parallel_loop3A_191, %parallel_loop3A_217 : vector<16xi32>
        tpu.vector_store_idx %arg7[%parallel_loop3A_218], %parallel_loop3A_215 {add = true} : memref<65536xf32, #tpu.memory_space<vmem>>[vector<16xi32>], vector<16xf32>,
        %parallel_loop3A_219 = arith.constant 0 : i32
        %parallel_loop3A_220 = arith.constant 2 : i32
        %parallel_loop3A_221 = arith.index_cast %parallel_loop3A_219 : i32 to index
        %parallel_loop3A_222 = arith.index_cast %parallel_loop3A_220 : i32 to index
        %parallel_loop3A_223 = arith.index_cast %parallel_loop3A_184 : i32 to index
        %parallel_loop3A_224 = tpu.vector_load %arg5[%parallel_loop3A_221, %parallel_loop3A_222, %parallel_loop3A_223] {strides = array<i32>} : memref<2x16x1024xf32, #tpu.memory_space<vmem>>, vector<16xf32>,
        %parallel_loop3A_225 = vector.bitcast %parallel_loop3A_224 : vector<16xf32> to vector<16xi32>
        %parallel_loop3A_226 = arith.xori %parallel_loop3A_225, %parallel_loop3A_194 : vector<16xi32>
        %parallel_loop3A_227 = vector.bitcast %parallel_loop3A_226 : vector<16xi32> to vector<16xf32>
        %parallel_loop3A_228 = arith.constant 8192 : i32
        %parallel_loop3A_229 = vector.broadcast %parallel_loop3A_228 : i32 to vector<16xi32>
        %parallel_loop3A_230 = arith.addi %parallel_loop3A_191, %parallel_loop3A_229 : vector<16xi32>
        tpu.vector_store_idx %arg7[%parallel_loop3A_230], %parallel_loop3A_227 {add = true} : memref<65536xf32, #tpu.memory_space<vmem>>[vector<16xi32>], vector<16xf32>,
        %parallel_loop3A_231 = arith.constant 0 : i32
        %parallel_loop3A_232 = arith.constant 3 : i32
        %parallel_loop3A_233 = arith.index_cast %parallel_loop3A_231 : i32 to index
        %parallel_loop3A_234 = arith.index_cast %parallel_loop3A_232 : i32 to index
        %parallel_loop3A_235 = arith.index_cast %parallel_loop3A_184 : i32 to index
        %parallel_loop3A_236 = tpu.vector_load %arg5[%parallel_loop3A_233, %parallel_loop3A_234, %parallel_loop3A_235] {strides = array<i32>} : memref<2x16x1024xf32, #tpu.memory_space<vmem>>, vector<16xf32>,
        %parallel_loop3A_237 = vector.bitcast %parallel_loop3A_236 : vector<16xf32> to vector<16xi32>
        %parallel_loop3A_238 = arith.xori %parallel_loop3A_237, %parallel_loop3A_194 : vector<16xi32>
        %parallel_loop3A_239 = vector.bitcast %parallel_loop3A_238 : vector<16xi32> to vector<16xf32>
        %parallel_loop3A_240 = arith.constant 12288 : i32
        %parallel_loop3A_241 = vector.broadcast %parallel_loop3A_240 : i32 to vector<16xi32>
        %parallel_loop3A_242 = arith.addi %parallel_loop3A_191, %parallel_loop3A_241 : vector<16xi32>
        tpu.vector_store_idx %arg7[%parallel_loop3A_242], %parallel_loop3A_239 {add = true} : memref<65536xf32, #tpu.memory_space<vmem>>[vector<16xi32>], vector<16xf32>,
        %parallel_loop3A_243 = arith.constant 0 : i32
        %parallel_loop3A_244 = arith.constant 4 : i32
        %parallel_loop3A_245 = arith.index_cast %parallel_loop3A_243 : i32 to index
        %parallel_loop3A_246 = arith.index_cast %parallel_loop3A_244 : i32 to index
        %parallel_loop3A_247 = arith.index_cast %parallel_loop3A_184 : i32 to index
        %parallel_loop3A_248 = tpu.vector_load %arg5[%parallel_loop3A_245, %parallel_loop3A_246, %parallel_loop3A_247] {strides = array<i32>} : memref<2x16x1024xf32, #tpu.memory_space<vmem>>, vector<16xf32>,
        %parallel_loop3A_249 = vector.bitcast %parallel_loop3A_248 : vector<16xf32> to vector<16xi32>
        %parallel_loop3A_250 = arith.xori %parallel_loop3A_249, %parallel_loop3A_194 : vector<16xi32>
        %parallel_loop3A_251 = vector.bitcast %parallel_loop3A_250 : vector<16xi32> to vector<16xf32>
        %parallel_loop3A_252 = arith.constant 16384 : i32
        %parallel_loop3A_253 = vector.broadcast %parallel_loop3A_252 : i32 to vector<16xi32>
        %parallel_loop3A_254 = arith.addi %parallel_loop3A_191, %parallel_loop3A_253 : vector<16xi32>
        tpu.vector_store_idx %arg7[%parallel_loop3A_254], %parallel_loop3A_251 {add = true} : memref<65536xf32, #tpu.memory_space<vmem>>[vector<16xi32>], vector<16xf32>,
        %parallel_loop3A_255 = arith.constant 0 : i32
        %parallel_loop3A_256 = arith.constant 5 : i32
        %parallel_loop3A_257 = arith.index_cast %parallel_loop3A_255 : i32 to index
        %parallel_loop3A_258 = arith.index_cast %parallel_loop3A_256 : i32 to index
        %parallel_loop3A_259 = arith.index_cast %parallel_loop3A_184 : i32 to index
        %parallel_loop3A_260 = tpu.vector_load %arg5[%parallel_loop3A_257, %parallel_loop3A_258, %parallel_loop3A_259] {strides = array<i32>} : memref<2x16x1024xf32, #tpu.memory_space<vmem>>, vector<16xf32>,
        %parallel_loop3A_261 = vector.bitcast %parallel_loop3A_260 : vector<16xf32> to vector<16xi32>
        %parallel_loop3A_262 = arith.xori %parallel_loop3A_261, %parallel_loop3A_194 : vector<16xi32>
        %parallel_loop3A_263 = vector.bitcast %parallel_loop3A_262 : vector<16xi32> to vector<16xf32>
        %parallel_loop3A_264 = arith.constant 20480 : i32
        %parallel_loop3A_265 = vector.broadcast %parallel_loop3A_264 : i32 to vector<16xi32>
        %parallel_loop3A_266 = arith.addi %parallel_loop3A_191, %parallel_loop3A_265 : vector<16xi32>
        tpu.vector_store_idx %arg7[%parallel_loop3A_266], %parallel_loop3A_263 {add = true} : memref<65536xf32, #tpu.memory_space<vmem>>[vector<16xi32>], vector<16xf32>,
        %parallel_loop3A_267 = arith.constant 0 : i32
        %parallel_loop3A_268 = arith.constant 6 : i32
        %parallel_loop3A_269 = arith.index_cast %parallel_loop3A_267 : i32 to index
        %parallel_loop3A_270 = arith.index_cast %parallel_loop3A_268 : i32 to index
        %parallel_loop3A_271 = arith.index_cast %parallel_loop3A_184 : i32 to index
        %parallel_loop3A_272 = tpu.vector_load %arg5[%parallel_loop3A_269, %parallel_loop3A_270, %parallel_loop3A_271] {strides = array<i32>} : memref<2x16x1024xf32, #tpu.memory_space<vmem>>, vector<16xf32>,
        %parallel_loop3A_273 = vector.bitcast %parallel_loop3A_272 : vector<16xf32> to vector<16xi32>
        %parallel_loop3A_274 = arith.xori %parallel_loop3A_273, %parallel_loop3A_194 : vector<16xi32>
        %parallel_loop3A_275 = vector.bitcast %parallel_loop3A_274 : vector<16xi32> to vector<16xf32>
        %parallel_loop3A_276 = arith.constant 24576 : i32
        %parallel_loop3A_277 = vector.broadcast %parallel_loop3A_276 : i32 to vector<16xi32>
        %parallel_loop3A_278 = arith.addi %parallel_loop3A_191, %parallel_loop3A_277 : vector<16xi32>
        tpu.vector_store_idx %arg7[%parallel_loop3A_278], %parallel_loop3A_275 {add = true} : memref<65536xf32, #tpu.memory_space<vmem>>[vector<16xi32>], vector<16xf32>,
        %parallel_loop3A_279 = arith.constant 0 : i32
        %parallel_loop3A_280 = arith.constant 7 : i32
        %parallel_loop3A_281 = arith.index_cast %parallel_loop3A_279 : i32 to index
        %parallel_loop3A_282 = arith.index_cast %parallel_loop3A_280 : i32 to index
        %parallel_loop3A_283 = arith.index_cast %parallel_loop3A_184 : i32 to index
        %parallel_loop3A_284 = tpu.vector_load %arg5[%parallel_loop3A_281, %parallel_loop3A_282, %parallel_loop3A_283] {strides = array<i32>} : memref<2x16x1024xf32, #tpu.memory_space<vmem>>, vector<16xf32>,
        %parallel_loop3A_285 = vector.bitcast %parallel_loop3A_284 : vector<16xf32> to vector<16xi32>
        %parallel_loop3A_286 = arith.xori %parallel_loop3A_285, %parallel_loop3A_194 : vector<16xi32>
        %parallel_loop3A_287 = vector.bitcast %parallel_loop3A_286 : vector<16xi32> to vector<16xf32>
        %parallel_loop3A_288 = arith.constant 28672 : i32
        %parallel_loop3A_289 = vector.broadcast %parallel_loop3A_288 : i32 to vector<16xi32>
        %parallel_loop3A_290 = arith.addi %parallel_loop3A_191, %parallel_loop3A_289 : vector<16xi32>
        tpu.vector_store_idx %arg7[%parallel_loop3A_290], %parallel_loop3A_287 {add = true} : memref<65536xf32, #tpu.memory_space<vmem>>[vector<16xi32>], vector<16xf32>,
        %parallel_loop3A_291 = arith.constant 0 : i32
        %parallel_loop3A_292 = arith.constant 8 : i32
        %parallel_loop3A_293 = arith.index_cast %parallel_loop3A_291 : i32 to index
        %parallel_loop3A_294 = arith.index_cast %parallel_loop3A_292 : i32 to index
        %parallel_loop3A_295 = arith.index_cast %parallel_loop3A_184 : i32 to index
        %parallel_loop3A_296 = tpu.vector_load %arg5[%parallel_loop3A_293, %parallel_loop3A_294, %parallel_loop3A_295] {strides = array<i32>} : memref<2x16x1024xf32, #tpu.memory_space<vmem>>, vector<16xf32>,
        %parallel_loop3A_297 = vector.bitcast %parallel_loop3A_296 : vector<16xf32> to vector<16xi32>
        %parallel_loop3A_298 = arith.xori %parallel_loop3A_297, %parallel_loop3A_194 : vector<16xi32>
        %parallel_loop3A_299 = vector.bitcast %parallel_loop3A_298 : vector<16xi32> to vector<16xf32>
        %parallel_loop3A_300 = arith.constant 32768 : i32
        %parallel_loop3A_301 = vector.broadcast %parallel_loop3A_300 : i32 to vector<16xi32>
        %parallel_loop3A_302 = arith.addi %parallel_loop3A_191, %parallel_loop3A_301 : vector<16xi32>
        tpu.vector_store_idx %arg7[%parallel_loop3A_302], %parallel_loop3A_299 {add = true} : memref<65536xf32, #tpu.memory_space<vmem>>[vector<16xi32>], vector<16xf32>,
        %parallel_loop3A_303 = arith.constant 0 : i32
        %parallel_loop3A_304 = arith.constant 9 : i32
        %parallel_loop3A_305 = arith.index_cast %parallel_loop3A_303 : i32 to index
        %parallel_loop3A_306 = arith.index_cast %parallel_loop3A_304 : i32 to index
        %parallel_loop3A_307 = arith.index_cast %parallel_loop3A_184 : i32 to index
        %parallel_loop3A_308 = tpu.vector_load %arg5[%parallel_loop3A_305, %parallel_loop3A_306, %parallel_loop3A_307] {strides = array<i32>} : memref<2x16x1024xf32, #tpu.memory_space<vmem>>, vector<16xf32>,
        %parallel_loop3A_309 = vector.bitcast %parallel_loop3A_308 : vector<16xf32> to vector<16xi32>
        %parallel_loop3A_310 = arith.xori %parallel_loop3A_309, %parallel_loop3A_194 : vector<16xi32>
        %parallel_loop3A_311 = vector.bitcast %parallel_loop3A_310 : vector<16xi32> to vector<16xf32>
        %parallel_loop3A_312 = arith.constant 36864 : i32
        %parallel_loop3A_313 = vector.broadcast %parallel_loop3A_312 : i32 to vector<16xi32>
        %parallel_loop3A_314 = arith.addi %parallel_loop3A_191, %parallel_loop3A_313 : vector<16xi32>
        tpu.vector_store_idx %arg7[%parallel_loop3A_314], %parallel_loop3A_311 {add = true} : memref<65536xf32, #tpu.memory_space<vmem>>[vector<16xi32>], vector<16xf32>,
        %parallel_loop3A_315 = arith.constant 0 : i32
        %parallel_loop3A_316 = arith.constant 10 : i32
        %parallel_loop3A_317 = arith.index_cast %parallel_loop3A_315 : i32 to index
        %parallel_loop3A_318 = arith.index_cast %parallel_loop3A_316 : i32 to index
        %parallel_loop3A_319 = arith.index_cast %parallel_loop3A_184 : i32 to index
        %parallel_loop3A_320 = tpu.vector_load %arg5[%parallel_loop3A_317, %parallel_loop3A_318, %parallel_loop3A_319] {strides = array<i32>} : memref<2x16x1024xf32, #tpu.memory_space<vmem>>, vector<16xf32>,
        %parallel_loop3A_321 = vector.bitcast %parallel_loop3A_320 : vector<16xf32> to vector<16xi32>
        %parallel_loop3A_322 = arith.xori %parallel_loop3A_321, %parallel_loop3A_194 : vector<16xi32>
        %parallel_loop3A_323 = vector.bitcast %parallel_loop3A_322 : vector<16xi32> to vector<16xf32>
        %parallel_loop3A_324 = arith.constant 40960 : i32
        %parallel_loop3A_325 = vector.broadcast %parallel_loop3A_324 : i32 to vector<16xi32>
        %parallel_loop3A_326 = arith.addi %parallel_loop3A_191, %parallel_loop3A_325 : vector<16xi32>
        tpu.vector_store_idx %arg7[%parallel_loop3A_326], %parallel_loop3A_323 {add = true} : memref<65536xf32, #tpu.memory_space<vmem>>[vector<16xi32>], vector<16xf32>,
        %parallel_loop3A_327 = arith.constant 0 : i32
        %parallel_loop3A_328 = arith.constant 11 : i32
        %parallel_loop3A_329 = arith.index_cast %parallel_loop3A_327 : i32 to index
        %parallel_loop3A_330 = arith.index_cast %parallel_loop3A_328 : i32 to index
        %parallel_loop3A_331 = arith.index_cast %parallel_loop3A_184 : i32 to index
        %parallel_loop3A_332 = tpu.vector_load %arg5[%parallel_loop3A_329, %parallel_loop3A_330, %parallel_loop3A_331] {strides = array<i32>} : memref<2x16x1024xf32, #tpu.memory_space<vmem>>, vector<16xf32>,
        %parallel_loop3A_333 = vector.bitcast %parallel_loop3A_332 : vector<16xf32> to vector<16xi32>
        %parallel_loop3A_334 = arith.xori %parallel_loop3A_333, %parallel_loop3A_194 : vector<16xi32>
        %parallel_loop3A_335 = vector.bitcast %parallel_loop3A_334 : vector<16xi32> to vector<16xf32>
        %parallel_loop3A_336 = arith.constant 45056 : i32
        %parallel_loop3A_337 = vector.broadcast %parallel_loop3A_336 : i32 to vector<16xi32>
        %parallel_loop3A_338 = arith.addi %parallel_loop3A_191, %parallel_loop3A_337 : vector<16xi32>
        tpu.vector_store_idx %arg7[%parallel_loop3A_338], %parallel_loop3A_335 {add = true} : memref<65536xf32, #tpu.memory_space<vmem>>[vector<16xi32>], vector<16xf32>,
        %parallel_loop3A_339 = arith.constant 0 : i32
        %parallel_loop3A_340 = arith.constant 12 : i32
        %parallel_loop3A_341 = arith.index_cast %parallel_loop3A_339 : i32 to index
        %parallel_loop3A_342 = arith.index_cast %parallel_loop3A_340 : i32 to index
        %parallel_loop3A_343 = arith.index_cast %parallel_loop3A_184 : i32 to index
        %parallel_loop3A_344 = tpu.vector_load %arg5[%parallel_loop3A_341, %parallel_loop3A_342, %parallel_loop3A_343] {strides = array<i32>} : memref<2x16x1024xf32, #tpu.memory_space<vmem>>, vector<16xf32>,
        %parallel_loop3A_345 = vector.bitcast %parallel_loop3A_344 : vector<16xf32> to vector<16xi32>
        %parallel_loop3A_346 = arith.xori %parallel_loop3A_345, %parallel_loop3A_194 : vector<16xi32>
        %parallel_loop3A_347 = vector.bitcast %parallel_loop3A_346 : vector<16xi32> to vector<16xf32>
        %parallel_loop3A_348 = arith.constant 49152 : i32
        %parallel_loop3A_349 = vector.broadcast %parallel_loop3A_348 : i32 to vector<16xi32>
        %parallel_loop3A_350 = arith.addi %parallel_loop3A_191, %parallel_loop3A_349 : vector<16xi32>
        tpu.vector_store_idx %arg7[%parallel_loop3A_350], %parallel_loop3A_347 {add = true} : memref<65536xf32, #tpu.memory_space<vmem>>[vector<16xi32>], vector<16xf32>,
        %parallel_loop3A_351 = arith.constant 0 : i32
        %parallel_loop3A_352 = arith.constant 13 : i32
        %parallel_loop3A_353 = arith.index_cast %parallel_loop3A_351 : i32 to index
        %parallel_loop3A_354 = arith.index_cast %parallel_loop3A_352 : i32 to index
        %parallel_loop3A_355 = arith.index_cast %parallel_loop3A_184 : i32 to index
        %parallel_loop3A_356 = tpu.vector_load %arg5[%parallel_loop3A_353, %parallel_loop3A_354, %parallel_loop3A_355] {strides = array<i32>} : memref<2x16x1024xf32, #tpu.memory_space<vmem>>, vector<16xf32>,
        %parallel_loop3A_357 = vector.bitcast %parallel_loop3A_356 : vector<16xf32> to vector<16xi32>
        %parallel_loop3A_358 = arith.xori %parallel_loop3A_357, %parallel_loop3A_194 : vector<16xi32>
        %parallel_loop3A_359 = vector.bitcast %parallel_loop3A_358 : vector<16xi32> to vector<16xf32>
        %parallel_loop3A_360 = arith.constant 53248 : i32
        %parallel_loop3A_361 = vector.broadcast %parallel_loop3A_360 : i32 to vector<16xi32>
        %parallel_loop3A_362 = arith.addi %parallel_loop3A_191, %parallel_loop3A_361 : vector<16xi32>
        tpu.vector_store_idx %arg7[%parallel_loop3A_362], %parallel_loop3A_359 {add = true} : memref<65536xf32, #tpu.memory_space<vmem>>[vector<16xi32>], vector<16xf32>,
        %parallel_loop3A_363 = arith.constant 0 : i32
        %parallel_loop3A_364 = arith.constant 14 : i32
        %parallel_loop3A_365 = arith.index_cast %parallel_loop3A_363 : i32 to index
        %parallel_loop3A_366 = arith.index_cast %parallel_loop3A_364 : i32 to index
        %parallel_loop3A_367 = arith.index_cast %parallel_loop3A_184 : i32 to index
        %parallel_loop3A_368 = tpu.vector_load %arg5[%parallel_loop3A_365, %parallel_loop3A_366, %parallel_loop3A_367] {strides = array<i32>} : memref<2x16x1024xf32, #tpu.memory_space<vmem>>, vector<16xf32>,
        %parallel_loop3A_369 = vector.bitcast %parallel_loop3A_368 : vector<16xf32> to vector<16xi32>
        %parallel_loop3A_370 = arith.xori %parallel_loop3A_369, %parallel_loop3A_194 : vector<16xi32>
        %parallel_loop3A_371 = vector.bitcast %parallel_loop3A_370 : vector<16xi32> to vector<16xf32>
        %parallel_loop3A_372 = arith.constant 57344 : i32
        %parallel_loop3A_373 = vector.broadcast %parallel_loop3A_372 : i32 to vector<16xi32>
        %parallel_loop3A_374 = arith.addi %parallel_loop3A_191, %parallel_loop3A_373 : vector<16xi32>
        tpu.vector_store_idx %arg7[%parallel_loop3A_374], %parallel_loop3A_371 {add = true} : memref<65536xf32, #tpu.memory_space<vmem>>[vector<16xi32>], vector<16xf32>,
        %parallel_loop3A_375 = arith.constant 0 : i32
        %parallel_loop3A_376 = arith.constant 15 : i32
        %parallel_loop3A_377 = arith.index_cast %parallel_loop3A_375 : i32 to index
        %parallel_loop3A_378 = arith.index_cast %parallel_loop3A_376 : i32 to index
        %parallel_loop3A_379 = arith.index_cast %parallel_loop3A_184 : i32 to index
        %parallel_loop3A_380 = tpu.vector_load %arg5[%parallel_loop3A_377, %parallel_loop3A_378, %parallel_loop3A_379] {strides = array<i32>} : memref<2x16x1024xf32, #tpu.memory_space<vmem>>, vector<16xf32>,
        %parallel_loop3A_381 = vector.bitcast %parallel_loop3A_380 : vector<16xf32> to vector<16xi32>
        %parallel_loop3A_382 = arith.xori %parallel_loop3A_381, %parallel_loop3A_194 : vector<16xi32>
        %parallel_loop3A_383 = vector.bitcast %parallel_loop3A_382 : vector<16xi32> to vector<16xf32>
        %parallel_loop3A_384 = arith.constant 61440 : i32
        %parallel_loop3A_385 = vector.broadcast %parallel_loop3A_384 : i32 to vector<16xi32>
        %parallel_loop3A_386 = arith.addi %parallel_loop3A_191, %parallel_loop3A_385 : vector<16xi32>
        tpu.vector_store_idx %arg7[%parallel_loop3A_386], %parallel_loop3A_383 {add = true} : memref<65536xf32, #tpu.memory_space<vmem>>[vector<16xi32>], vector<16xf32>,
      } {sc.loop_unroll_factor = 4 : i64, sc.parallel_access}
      %lt3A = arith.constant 31 : i32
      %lt3A_146 = arith.cmpi slt, %scan3A_117, %lt3A : i32
      %convert_element_type3A = arith.extui %lt3A_146 : i1 to i32
      %cond3A = arith.constant 0 : i32
      %cond3A_147 = arith.cmpi ne, %convert_element_type3A, %cond3A : i32
      scf.if %cond3A_147 {
        %add3A_182 = arith.constant 2 : i32
        %add3A_183 = arith.addi %mul3A_120, %add3A_182 : i32
        %mul3A_184 = arith.constant 1024 : i32
        %mul3A_185 = arith.muli %add3A_183, %mul3A_184 : i32
        %multiple_of3A_186 = tpu.assume_multiple %mul3A_185, 1024 : i32
        %dma_start3A_187 = arith.constant 0 : i32
        %dma_start3A_188 = arith.constant 0 : i32
        %dma_start3A_189 = arith.constant 0 : i32
        %dma_start3A_190 = tpu.memref_slice %arg5[%dma_start3A_187, %dma_start3A_188, %dma_start3A_189] : memref<2x16x1024xf32, #tpu.memory_space<vmem>> -> memref<1x16x1024xf32, #tpu.memory_space<vmem>>
        %dma_start3A_191 = tpu.memref_squeeze %dma_start3A_190 : memref<1x16x1024xf32, #tpu.memory_space<vmem>> -> memref<16x1024xf32, #tpu.memory_space<vmem>>
        %dma_start3A_192 = tpu.memref_slice %arg2[%add3A_60, %multiple_of3A_186] : memref<1024x65536xf32, #tpu.memory_space<hbm>> -> memref<16x1024xf32, #tpu.memory_space<hbm>>
        %dma_start3A_193 = arith.constant 0 : i32
        %dma_start3A_194 = arith.constant 0 : i32
        %dma_start3A_195 = tpu.memref_slice %arg5[%dma_start3A_187, %dma_start3A_193, %dma_start3A_194] : memref<2x16x1024xf32, #tpu.memory_space<vmem>> -> memref<1x16x1024xf32, #tpu.memory_space<vmem>>
        %dma_start3A_196 = tpu.memref_squeeze %dma_start3A_195 : memref<1x16x1024xf32, #tpu.memory_space<vmem>> -> memref<16x1024xf32, #tpu.memory_space<vmem>>
        %dma_start3A_197 = tpu.memref_slice %arg2[%add3A_60, %multiple_of3A_186] : memref<1024x65536xf32, #tpu.memory_space<hbm>> -> memref<16x1024xf32, #tpu.memory_space<hbm>>
        tpu.enqueue_dma source(%dma_start3A_197 : memref<16x1024xf32, #tpu.memory_space<hbm>>) target(%dma_start3A_196 : memref<16x1024xf32, #tpu.memory_space<vmem>>) target_semaphore(%arg8 : memref<!tpu.dma_semaphore, #tpu.memory_space<semaphore_mem>>)
        %dma_start3A_198 = arith.constant 0 : i32
        %dma_start3A_199 = arith.constant 0 : i32
        %dma_start3A_200 = tpu.memref_slice %arg6[%dma_start3A_198, %dma_start3A_199] : memref<2x1024xi32, #tpu.memory_space<vmem>> -> memref<1x1024xi32, #tpu.memory_space<vmem>>
        %dma_start3A_201 = tpu.memref_squeeze %dma_start3A_200 : memref<1x1024xi32, #tpu.memory_space<vmem>> -> memref<1024xi32, #tpu.memory_space<vmem>>
        %dma_start3A_202 = tpu.memref_slice %arg3[%multiple_of3A_186] : memref<65536xi32, #tpu.memory_space<hbm>> -> memref<1024xi32, #tpu.memory_space<hbm>>
        %dma_start3A_203 = arith.constant 0 : i32
        %dma_start3A_204 = tpu.memref_slice %arg6[%dma_start3A_198, %dma_start3A_203] : memref<2x1024xi32, #tpu.memory_space<vmem>> -> memref<1x1024xi32, #tpu.memory_space<vmem>>
        %dma_start3A_205 = tpu.memref_squeeze %dma_start3A_204 : memref<1x1024xi32, #tpu.memory_space<vmem>> -> memref<1024xi32, #tpu.memory_space<vmem>>
        %dma_start3A_206 = tpu.memref_slice %arg3[%multiple_of3A_186] : memref<65536xi32, #tpu.memory_space<hbm>> -> memref<1024xi32, #tpu.memory_space<hbm>>
        tpu.enqueue_dma source(%dma_start3A_206 : memref<1024xi32, #tpu.memory_space<hbm>>) target(%dma_start3A_205 : memref<1024xi32, #tpu.memory_space<vmem>>) target_semaphore(%arg8 : memref<!tpu.dma_semaphore, #tpu.memory_space<semaphore_mem>>)
      } else {
      }
      %add3A_148 = arith.constant 1 : i32
      %add3A_149 = arith.addi %mul3A_120, %add3A_148 : i32
      %mul3A_150 = arith.constant 1024 : i32
      %mul3A_151 = arith.muli %add3A_149, %mul3A_150 : i32
      %multiple_of3A_152 = tpu.assume_multiple %mul3A_151, 1024 : i32
      %dma_wait3A_153 = arith.constant 1 : i32
      %dma_wait3A_154 = arith.constant 0 : i32
      %dma_wait3A_155 = arith.constant 0 : i32
      %dma_wait3A_156 = tpu.memref_slice %arg5[%dma_wait3A_153, %dma_wait3A_154, %dma_wait3A_155] : memref<2x16x1024xf32, #tpu.memory_space<vmem>> -> memref<1x16x1024xf32, #tpu.memory_space<vmem>>
      %dma_wait3A_157 = tpu.memref_squeeze %dma_wait3A_156 : memref<1x16x1024xf32, #tpu.memory_space<vmem>> -> memref<16x1024xf32, #tpu.memory_space<vmem>>
      %dma_wait3A_158 = tpu.memref_slice %arg2[%add3A_60, %multiple_of3A_152] : memref<1024x65536xf32, #tpu.memory_space<hbm>> -> memref<16x1024xf32, #tpu.memory_space<hbm>>
      %dma_wait3A_159 = arith.constant 0 : i32
      %dma_wait3A_160 = arith.constant 0 : i32
      %dma_wait3A_161 = tpu.memref_slice %arg5[%dma_wait3A_153, %dma_wait3A_159, %dma_wait3A_160] : memref<2x16x1024xf32, #tpu.memory_space<vmem>> -> memref<1x16x1024xf32, #tpu.memory_space<vmem>>
      %dma_wait3A_162 = tpu.memref_squeeze %dma_wait3A_161 : memref<1x16x1024xf32, #tpu.memory_space<vmem>> -> memref<16x1024xf32, #tpu.memory_space<vmem>>
      %dma_wait3A_163 = tpu.memref_slice %arg2[%add3A_60, %multiple_of3A_152] : memref<1024x65536xf32, #tpu.memory_space<hbm>> -> memref<16x1024xf32, #tpu.memory_space<hbm>>
      tpu.wait_dma2 semaphore(%arg9 : memref<!tpu.dma_semaphore, #tpu.memory_space<semaphore_mem>>) src(%dma_wait3A_163 : memref<16x1024xf32, #tpu.memory_space<hbm>>) dst(%dma_wait3A_162 : memref<16x1024xf32, #tpu.memory_space<vmem>>)
      %dma_wait3A_164 = arith.constant 1 : i32
      %dma_wait3A_165 = arith.constant 0 : i32
      %dma_wait3A_166 = tpu.memref_slice %arg6[%dma_wait3A_164, %dma_wait3A_165] : memref<2x1024xi32, #tpu.memory_space<vmem>> -> memref<1x1024xi32, #tpu.memory_space<vmem>>
      %dma_wait3A_167 = tpu.memref_squeeze %dma_wait3A_166 : memref<1x1024xi32, #tpu.memory_space<vmem>> -> memref<1024xi32, #tpu.memory_space<vmem>>
      %dma_wait3A_168 = tpu.memref_slice %arg3[%multiple_of3A_152] : memref<65536xi32, #tpu.memory_space<hbm>> -> memref<1024xi32, #tpu.memory_space<hbm>>
      %dma_wait3A_169 = arith.constant 0 : i32
      %dma_wait3A_170 = tpu.memref_slice %arg6[%dma_wait3A_164, %dma_wait3A_169] : memref<2x1024xi32, #tpu.memory_space<vmem>> -> memref<1x1024xi32, #tpu.memory_space<vmem>>
      %dma_wait3A_171 = tpu.memref_squeeze %dma_wait3A_170 : memref<1x1024xi32, #tpu.memory_space<vmem>> -> memref<1024xi32, #tpu.memory_space<vmem>>
      %dma_wait3A_172 = tpu.memref_slice %arg3[%multiple_of3A_152] : memref<65536xi32, #tpu.memory_space<hbm>> -> memref<1024xi32, #tpu.memory_space<hbm>>
      tpu.wait_dma2 semaphore(%arg9 : memref<!tpu.dma_semaphore, #tpu.memory_space<semaphore_mem>>) src(%dma_wait3A_172 : memref<1024xi32, #tpu.memory_space<hbm>>) dst(%dma_wait3A_171 : memref<1024xi32, #tpu.memory_space<vmem>>)
      %parallel_loop3A_173 = arith.constant 0 : i32
      %parallel_loop3A_174 = arith.constant 64 : i32
      %parallel_loop3A_175 = arith.constant 1 : i32
      scf.for %parallel_loop3A_182 = %parallel_loop3A_173 to %parallel_loop3A_174 step %parallel_loop3A_175  : i32 {
        %parallel_loop3A_183 = arith.constant 16 : i32
        %parallel_loop3A_184 = arith.muli %parallel_loop3A_182, %parallel_loop3A_183 : i32
        %parallel_loop3A_185 = arith.constant 1 : i32
        %parallel_loop3A_186 = arith.index_cast %parallel_loop3A_185 : i32 to index
        %parallel_loop3A_187 = arith.index_cast %parallel_loop3A_184 : i32 to index
        %parallel_loop3A_188 = tpu.vector_load %arg6[%parallel_loop3A_186, %parallel_loop3A_187] {strides = array<i32>} : memref<2x1024xi32, #tpu.memory_space<vmem>>, vector<16xi32>,
        %parallel_loop3A_189 = arith.constant 4095 : i32
        %parallel_loop3A_190 = vector.broadcast %parallel_loop3A_189 : i32 to vector<16xi32>
        %parallel_loop3A_191 = arith.andi %parallel_loop3A_188, %parallel_loop3A_190 : vector<16xi32>
        %parallel_loop3A_192 = arith.constant -2147483648 : i32
        %parallel_loop3A_193 = vector.broadcast %parallel_loop3A_192 : i32 to vector<16xi32>
        %parallel_loop3A_194 = arith.andi %parallel_loop3A_188, %parallel_loop3A_193 : vector<16xi32>
        %parallel_loop3A_195 = arith.constant 1 : i32
        %parallel_loop3A_196 = arith.constant 0 : i32
        %parallel_loop3A_197 = arith.index_cast %parallel_loop3A_195 : i32 to index
        %parallel_loop3A_198 = arith.index_cast %parallel_loop3A_196 : i32 to index
        %parallel_loop3A_199 = arith.index_cast %parallel_loop3A_184 : i32 to index
        %parallel_loop3A_200 = tpu.vector_load %arg5[%parallel_loop3A_197, %parallel_loop3A_198, %parallel_loop3A_199] {strides = array<i32>} : memref<2x16x1024xf32, #tpu.memory_space<vmem>>, vector<16xf32>,
        %parallel_loop3A_201 = vector.bitcast %parallel_loop3A_200 : vector<16xf32> to vector<16xi32>
        %parallel_loop3A_202 = arith.xori %parallel_loop3A_201, %parallel_loop3A_194 : vector<16xi32>
        %parallel_loop3A_203 = vector.bitcast %parallel_loop3A_202 : vector<16xi32> to vector<16xf32>
        %parallel_loop3A_204 = arith.constant 0 : i32
        %parallel_loop3A_205 = vector.broadcast %parallel_loop3A_204 : i32 to vector<16xi32>
        %parallel_loop3A_206 = arith.addi %parallel_loop3A_191, %parallel_loop3A_205 : vector<16xi32>
        tpu.vector_store_idx %arg7[%parallel_loop3A_206], %parallel_loop3A_203 {add = true} : memref<65536xf32, #tpu.memory_space<vmem>>[vector<16xi32>], vector<16xf32>,
        %parallel_loop3A_207 = arith.constant 1 : i32
        %parallel_loop3A_208 = arith.constant 1 : i32
        %parallel_loop3A_209 = arith.index_cast %parallel_loop3A_207 : i32 to index
        %parallel_loop3A_210 = arith.index_cast %parallel_loop3A_208 : i32 to index
        %parallel_loop3A_211 = arith.index_cast %parallel_loop3A_184 : i32 to index
        %parallel_loop3A_212 = tpu.vector_load %arg5[%parallel_loop3A_209, %parallel_loop3A_210, %parallel_loop3A_211] {strides = array<i32>} : memref<2x16x1024xf32, #tpu.memory_space<vmem>>, vector<16xf32>,
        %parallel_loop3A_213 = vector.bitcast %parallel_loop3A_212 : vector<16xf32> to vector<16xi32>
        %parallel_loop3A_214 = arith.xori %parallel_loop3A_213, %parallel_loop3A_194 : vector<16xi32>
        %parallel_loop3A_215 = vector.bitcast %parallel_loop3A_214 : vector<16xi32> to vector<16xf32>
        %parallel_loop3A_216 = arith.constant 4096 : i32
        %parallel_loop3A_217 = vector.broadcast %parallel_loop3A_216 : i32 to vector<16xi32>
        %parallel_loop3A_218 = arith.addi %parallel_loop3A_191, %parallel_loop3A_217 : vector<16xi32>
        tpu.vector_store_idx %arg7[%parallel_loop3A_218], %parallel_loop3A_215 {add = true} : memref<65536xf32, #tpu.memory_space<vmem>>[vector<16xi32>], vector<16xf32>,
        %parallel_loop3A_219 = arith.constant 1 : i32
        %parallel_loop3A_220 = arith.constant 2 : i32
        %parallel_loop3A_221 = arith.index_cast %parallel_loop3A_219 : i32 to index
        %parallel_loop3A_222 = arith.index_cast %parallel_loop3A_220 : i32 to index
        %parallel_loop3A_223 = arith.index_cast %parallel_loop3A_184 : i32 to index
        %parallel_loop3A_224 = tpu.vector_load %arg5[%parallel_loop3A_221, %parallel_loop3A_222, %parallel_loop3A_223] {strides = array<i32>} : memref<2x16x1024xf32, #tpu.memory_space<vmem>>, vector<16xf32>,
        %parallel_loop3A_225 = vector.bitcast %parallel_loop3A_224 : vector<16xf32> to vector<16xi32>
        %parallel_loop3A_226 = arith.xori %parallel_loop3A_225, %parallel_loop3A_194 : vector<16xi32>
        %parallel_loop3A_227 = vector.bitcast %parallel_loop3A_226 : vector<16xi32> to vector<16xf32>
        %parallel_loop3A_228 = arith.constant 8192 : i32
        %parallel_loop3A_229 = vector.broadcast %parallel_loop3A_228 : i32 to vector<16xi32>
        %parallel_loop3A_230 = arith.addi %parallel_loop3A_191, %parallel_loop3A_229 : vector<16xi32>
        tpu.vector_store_idx %arg7[%parallel_loop3A_230], %parallel_loop3A_227 {add = true} : memref<65536xf32, #tpu.memory_space<vmem>>[vector<16xi32>], vector<16xf32>,
        %parallel_loop3A_231 = arith.constant 1 : i32
        %parallel_loop3A_232 = arith.constant 3 : i32
        %parallel_loop3A_233 = arith.index_cast %parallel_loop3A_231 : i32 to index
        %parallel_loop3A_234 = arith.index_cast %parallel_loop3A_232 : i32 to index
        %parallel_loop3A_235 = arith.index_cast %parallel_loop3A_184 : i32 to index
        %parallel_loop3A_236 = tpu.vector_load %arg5[%parallel_loop3A_233, %parallel_loop3A_234, %parallel_loop3A_235] {strides = array<i32>} : memref<2x16x1024xf32, #tpu.memory_space<vmem>>, vector<16xf32>,
        %parallel_loop3A_237 = vector.bitcast %parallel_loop3A_236 : vector<16xf32> to vector<16xi32>
        %parallel_loop3A_238 = arith.xori %parallel_loop3A_237, %parallel_loop3A_194 : vector<16xi32>
        %parallel_loop3A_239 = vector.bitcast %parallel_loop3A_238 : vector<16xi32> to vector<16xf32>
        %parallel_loop3A_240 = arith.constant 12288 : i32
        %parallel_loop3A_241 = vector.broadcast %parallel_loop3A_240 : i32 to vector<16xi32>
        %parallel_loop3A_242 = arith.addi %parallel_loop3A_191, %parallel_loop3A_241 : vector<16xi32>
        tpu.vector_store_idx %arg7[%parallel_loop3A_242], %parallel_loop3A_239 {add = true} : memref<65536xf32, #tpu.memory_space<vmem>>[vector<16xi32>], vector<16xf32>,
        %parallel_loop3A_243 = arith.constant 1 : i32
        %parallel_loop3A_244 = arith.constant 4 : i32
        %parallel_loop3A_245 = arith.index_cast %parallel_loop3A_243 : i32 to index
        %parallel_loop3A_246 = arith.index_cast %parallel_loop3A_244 : i32 to index
        %parallel_loop3A_247 = arith.index_cast %parallel_loop3A_184 : i32 to index
        %parallel_loop3A_248 = tpu.vector_load %arg5[%parallel_loop3A_245, %parallel_loop3A_246, %parallel_loop3A_247] {strides = array<i32>} : memref<2x16x1024xf32, #tpu.memory_space<vmem>>, vector<16xf32>,
        %parallel_loop3A_249 = vector.bitcast %parallel_loop3A_248 : vector<16xf32> to vector<16xi32>
        %parallel_loop3A_250 = arith.xori %parallel_loop3A_249, %parallel_loop3A_194 : vector<16xi32>
        %parallel_loop3A_251 = vector.bitcast %parallel_loop3A_250 : vector<16xi32> to vector<16xf32>
        %parallel_loop3A_252 = arith.constant 16384 : i32
        %parallel_loop3A_253 = vector.broadcast %parallel_loop3A_252 : i32 to vector<16xi32>
        %parallel_loop3A_254 = arith.addi %parallel_loop3A_191, %parallel_loop3A_253 : vector<16xi32>
        tpu.vector_store_idx %arg7[%parallel_loop3A_254], %parallel_loop3A_251 {add = true} : memref<65536xf32, #tpu.memory_space<vmem>>[vector<16xi32>], vector<16xf32>,
        %parallel_loop3A_255 = arith.constant 1 : i32
        %parallel_loop3A_256 = arith.constant 5 : i32
        %parallel_loop3A_257 = arith.index_cast %parallel_loop3A_255 : i32 to index
        %parallel_loop3A_258 = arith.index_cast %parallel_loop3A_256 : i32 to index
        %parallel_loop3A_259 = arith.index_cast %parallel_loop3A_184 : i32 to index
        %parallel_loop3A_260 = tpu.vector_load %arg5[%parallel_loop3A_257, %parallel_loop3A_258, %parallel_loop3A_259] {strides = array<i32>} : memref<2x16x1024xf32, #tpu.memory_space<vmem>>, vector<16xf32>,
        %parallel_loop3A_261 = vector.bitcast %parallel_loop3A_260 : vector<16xf32> to vector<16xi32>
        %parallel_loop3A_262 = arith.xori %parallel_loop3A_261, %parallel_loop3A_194 : vector<16xi32>
        %parallel_loop3A_263 = vector.bitcast %parallel_loop3A_262 : vector<16xi32> to vector<16xf32>
        %parallel_loop3A_264 = arith.constant 20480 : i32
        %parallel_loop3A_265 = vector.broadcast %parallel_loop3A_264 : i32 to vector<16xi32>
        %parallel_loop3A_266 = arith.addi %parallel_loop3A_191, %parallel_loop3A_265 : vector<16xi32>
        tpu.vector_store_idx %arg7[%parallel_loop3A_266], %parallel_loop3A_263 {add = true} : memref<65536xf32, #tpu.memory_space<vmem>>[vector<16xi32>], vector<16xf32>,
        %parallel_loop3A_267 = arith.constant 1 : i32
        %parallel_loop3A_268 = arith.constant 6 : i32
        %parallel_loop3A_269 = arith.index_cast %parallel_loop3A_267 : i32 to index
        %parallel_loop3A_270 = arith.index_cast %parallel_loop3A_268 : i32 to index
        %parallel_loop3A_271 = arith.index_cast %parallel_loop3A_184 : i32 to index
        %parallel_loop3A_272 = tpu.vector_load %arg5[%parallel_loop3A_269, %parallel_loop3A_270, %parallel_loop3A_271] {strides = array<i32>} : memref<2x16x1024xf32, #tpu.memory_space<vmem>>, vector<16xf32>,
        %parallel_loop3A_273 = vector.bitcast %parallel_loop3A_272 : vector<16xf32> to vector<16xi32>
        %parallel_loop3A_274 = arith.xori %parallel_loop3A_273, %parallel_loop3A_194 : vector<16xi32>
        %parallel_loop3A_275 = vector.bitcast %parallel_loop3A_274 : vector<16xi32> to vector<16xf32>
        %parallel_loop3A_276 = arith.constant 24576 : i32
        %parallel_loop3A_277 = vector.broadcast %parallel_loop3A_276 : i32 to vector<16xi32>
        %parallel_loop3A_278 = arith.addi %parallel_loop3A_191, %parallel_loop3A_277 : vector<16xi32>
        tpu.vector_store_idx %arg7[%parallel_loop3A_278], %parallel_loop3A_275 {add = true} : memref<65536xf32, #tpu.memory_space<vmem>>[vector<16xi32>], vector<16xf32>,
        %parallel_loop3A_279 = arith.constant 1 : i32
        %parallel_loop3A_280 = arith.constant 7 : i32
        %parallel_loop3A_281 = arith.index_cast %parallel_loop3A_279 : i32 to index
        %parallel_loop3A_282 = arith.index_cast %parallel_loop3A_280 : i32 to index
        %parallel_loop3A_283 = arith.index_cast %parallel_loop3A_184 : i32 to index
        %parallel_loop3A_284 = tpu.vector_load %arg5[%parallel_loop3A_281, %parallel_loop3A_282, %parallel_loop3A_283] {strides = array<i32>} : memref<2x16x1024xf32, #tpu.memory_space<vmem>>, vector<16xf32>,
        %parallel_loop3A_285 = vector.bitcast %parallel_loop3A_284 : vector<16xf32> to vector<16xi32>
        %parallel_loop3A_286 = arith.xori %parallel_loop3A_285, %parallel_loop3A_194 : vector<16xi32>
        %parallel_loop3A_287 = vector.bitcast %parallel_loop3A_286 : vector<16xi32> to vector<16xf32>
        %parallel_loop3A_288 = arith.constant 28672 : i32
        %parallel_loop3A_289 = vector.broadcast %parallel_loop3A_288 : i32 to vector<16xi32>
        %parallel_loop3A_290 = arith.addi %parallel_loop3A_191, %parallel_loop3A_289 : vector<16xi32>
        tpu.vector_store_idx %arg7[%parallel_loop3A_290], %parallel_loop3A_287 {add = true} : memref<65536xf32, #tpu.memory_space<vmem>>[vector<16xi32>], vector<16xf32>,
        %parallel_loop3A_291 = arith.constant 1 : i32
        %parallel_loop3A_292 = arith.constant 8 : i32
        %parallel_loop3A_293 = arith.index_cast %parallel_loop3A_291 : i32 to index
        %parallel_loop3A_294 = arith.index_cast %parallel_loop3A_292 : i32 to index
        %parallel_loop3A_295 = arith.index_cast %parallel_loop3A_184 : i32 to index
        %parallel_loop3A_296 = tpu.vector_load %arg5[%parallel_loop3A_293, %parallel_loop3A_294, %parallel_loop3A_295] {strides = array<i32>} : memref<2x16x1024xf32, #tpu.memory_space<vmem>>, vector<16xf32>,
        %parallel_loop3A_297 = vector.bitcast %parallel_loop3A_296 : vector<16xf32> to vector<16xi32>
        %parallel_loop3A_298 = arith.xori %parallel_loop3A_297, %parallel_loop3A_194 : vector<16xi32>
        %parallel_loop3A_299 = vector.bitcast %parallel_loop3A_298 : vector<16xi32> to vector<16xf32>
        %parallel_loop3A_300 = arith.constant 32768 : i32
        %parallel_loop3A_301 = vector.broadcast %parallel_loop3A_300 : i32 to vector<16xi32>
        %parallel_loop3A_302 = arith.addi %parallel_loop3A_191, %parallel_loop3A_301 : vector<16xi32>
        tpu.vector_store_idx %arg7[%parallel_loop3A_302], %parallel_loop3A_299 {add = true} : memref<65536xf32, #tpu.memory_space<vmem>>[vector<16xi32>], vector<16xf32>,
        %parallel_loop3A_303 = arith.constant 1 : i32
        %parallel_loop3A_304 = arith.constant 9 : i32
        %parallel_loop3A_305 = arith.index_cast %parallel_loop3A_303 : i32 to index
        %parallel_loop3A_306 = arith.index_cast %parallel_loop3A_304 : i32 to index
        %parallel_loop3A_307 = arith.index_cast %parallel_loop3A_184 : i32 to index
        %parallel_loop3A_308 = tpu.vector_load %arg5[%parallel_loop3A_305, %parallel_loop3A_306, %parallel_loop3A_307] {strides = array<i32>} : memref<2x16x1024xf32, #tpu.memory_space<vmem>>, vector<16xf32>,
        %parallel_loop3A_309 = vector.bitcast %parallel_loop3A_308 : vector<16xf32> to vector<16xi32>
        %parallel_loop3A_310 = arith.xori %parallel_loop3A_309, %parallel_loop3A_194 : vector<16xi32>
        %parallel_loop3A_311 = vector.bitcast %parallel_loop3A_310 : vector<16xi32> to vector<16xf32>
        %parallel_loop3A_312 = arith.constant 36864 : i32
        %parallel_loop3A_313 = vector.broadcast %parallel_loop3A_312 : i32 to vector<16xi32>
        %parallel_loop3A_314 = arith.addi %parallel_loop3A_191, %parallel_loop3A_313 : vector<16xi32>
        tpu.vector_store_idx %arg7[%parallel_loop3A_314], %parallel_loop3A_311 {add = true} : memref<65536xf32, #tpu.memory_space<vmem>>[vector<16xi32>], vector<16xf32>,
        %parallel_loop3A_315 = arith.constant 1 : i32
        %parallel_loop3A_316 = arith.constant 10 : i32
        %parallel_loop3A_317 = arith.index_cast %parallel_loop3A_315 : i32 to index
        %parallel_loop3A_318 = arith.index_cast %parallel_loop3A_316 : i32 to index
        %parallel_loop3A_319 = arith.index_cast %parallel_loop3A_184 : i32 to index
        %parallel_loop3A_320 = tpu.vector_load %arg5[%parallel_loop3A_317, %parallel_loop3A_318, %parallel_loop3A_319] {strides = array<i32>} : memref<2x16x1024xf32, #tpu.memory_space<vmem>>, vector<16xf32>,
        %parallel_loop3A_321 = vector.bitcast %parallel_loop3A_320 : vector<16xf32> to vector<16xi32>
        %parallel_loop3A_322 = arith.xori %parallel_loop3A_321, %parallel_loop3A_194 : vector<16xi32>
        %parallel_loop3A_323 = vector.bitcast %parallel_loop3A_322 : vector<16xi32> to vector<16xf32>
        %parallel_loop3A_324 = arith.constant 40960 : i32
        %parallel_loop3A_325 = vector.broadcast %parallel_loop3A_324 : i32 to vector<16xi32>
        %parallel_loop3A_326 = arith.addi %parallel_loop3A_191, %parallel_loop3A_325 : vector<16xi32>
        tpu.vector_store_idx %arg7[%parallel_loop3A_326], %parallel_loop3A_323 {add = true} : memref<65536xf32, #tpu.memory_space<vmem>>[vector<16xi32>], vector<16xf32>,
        %parallel_loop3A_327 = arith.constant 1 : i32
        %parallel_loop3A_328 = arith.constant 11 : i32
        %parallel_loop3A_329 = arith.index_cast %parallel_loop3A_327 : i32 to index
        %parallel_loop3A_330 = arith.index_cast %parallel_loop3A_328 : i32 to index
        %parallel_loop3A_331 = arith.index_cast %parallel_loop3A_184 : i32 to index
        %parallel_loop3A_332 = tpu.vector_load %arg5[%parallel_loop3A_329, %parallel_loop3A_330, %parallel_loop3A_331] {strides = array<i32>} : memref<2x16x1024xf32, #tpu.memory_space<vmem>>, vector<16xf32>,
        %parallel_loop3A_333 = vector.bitcast %parallel_loop3A_332 : vector<16xf32> to vector<16xi32>
        %parallel_loop3A_334 = arith.xori %parallel_loop3A_333, %parallel_loop3A_194 : vector<16xi32>
        %parallel_loop3A_335 = vector.bitcast %parallel_loop3A_334 : vector<16xi32> to vector<16xf32>
        %parallel_loop3A_336 = arith.constant 45056 : i32
        %parallel_loop3A_337 = vector.broadcast %parallel_loop3A_336 : i32 to vector<16xi32>
        %parallel_loop3A_338 = arith.addi %parallel_loop3A_191, %parallel_loop3A_337 : vector<16xi32>
        tpu.vector_store_idx %arg7[%parallel_loop3A_338], %parallel_loop3A_335 {add = true} : memref<65536xf32, #tpu.memory_space<vmem>>[vector<16xi32>], vector<16xf32>,
        %parallel_loop3A_339 = arith.constant 1 : i32
        %parallel_loop3A_340 = arith.constant 12 : i32
        %parallel_loop3A_341 = arith.index_cast %parallel_loop3A_339 : i32 to index
        %parallel_loop3A_342 = arith.index_cast %parallel_loop3A_340 : i32 to index
        %parallel_loop3A_343 = arith.index_cast %parallel_loop3A_184 : i32 to index
        %parallel_loop3A_344 = tpu.vector_load %arg5[%parallel_loop3A_341, %parallel_loop3A_342, %parallel_loop3A_343] {strides = array<i32>} : memref<2x16x1024xf32, #tpu.memory_space<vmem>>, vector<16xf32>,
        %parallel_loop3A_345 = vector.bitcast %parallel_loop3A_344 : vector<16xf32> to vector<16xi32>
        %parallel_loop3A_346 = arith.xori %parallel_loop3A_345, %parallel_loop3A_194 : vector<16xi32>
        %parallel_loop3A_347 = vector.bitcast %parallel_loop3A_346 : vector<16xi32> to vector<16xf32>
        %parallel_loop3A_348 = arith.constant 49152 : i32
        %parallel_loop3A_349 = vector.broadcast %parallel_loop3A_348 : i32 to vector<16xi32>
        %parallel_loop3A_350 = arith.addi %parallel_loop3A_191, %parallel_loop3A_349 : vector<16xi32>
        tpu.vector_store_idx %arg7[%parallel_loop3A_350], %parallel_loop3A_347 {add = true} : memref<65536xf32, #tpu.memory_space<vmem>>[vector<16xi32>], vector<16xf32>,
        %parallel_loop3A_351 = arith.constant 1 : i32
        %parallel_loop3A_352 = arith.constant 13 : i32
        %parallel_loop3A_353 = arith.index_cast %parallel_loop3A_351 : i32 to index
        %parallel_loop3A_354 = arith.index_cast %parallel_loop3A_352 : i32 to index
        %parallel_loop3A_355 = arith.index_cast %parallel_loop3A_184 : i32 to index
        %parallel_loop3A_356 = tpu.vector_load %arg5[%parallel_loop3A_353, %parallel_loop3A_354, %parallel_loop3A_355] {strides = array<i32>} : memref<2x16x1024xf32, #tpu.memory_space<vmem>>, vector<16xf32>,
        %parallel_loop3A_357 = vector.bitcast %parallel_loop3A_356 : vector<16xf32> to vector<16xi32>
        %parallel_loop3A_358 = arith.xori %parallel_loop3A_357, %parallel_loop3A_194 : vector<16xi32>
        %parallel_loop3A_359 = vector.bitcast %parallel_loop3A_358 : vector<16xi32> to vector<16xf32>
        %parallel_loop3A_360 = arith.constant 53248 : i32
        %parallel_loop3A_361 = vector.broadcast %parallel_loop3A_360 : i32 to vector<16xi32>
        %parallel_loop3A_362 = arith.addi %parallel_loop3A_191, %parallel_loop3A_361 : vector<16xi32>
        tpu.vector_store_idx %arg7[%parallel_loop3A_362], %parallel_loop3A_359 {add = true} : memref<65536xf32, #tpu.memory_space<vmem>>[vector<16xi32>], vector<16xf32>,
        %parallel_loop3A_363 = arith.constant 1 : i32
        %parallel_loop3A_364 = arith.constant 14 : i32
        %parallel_loop3A_365 = arith.index_cast %parallel_loop3A_363 : i32 to index
        %parallel_loop3A_366 = arith.index_cast %parallel_loop3A_364 : i32 to index
        %parallel_loop3A_367 = arith.index_cast %parallel_loop3A_184 : i32 to index
        %parallel_loop3A_368 = tpu.vector_load %arg5[%parallel_loop3A_365, %parallel_loop3A_366, %parallel_loop3A_367] {strides = array<i32>} : memref<2x16x1024xf32, #tpu.memory_space<vmem>>, vector<16xf32>,
        %parallel_loop3A_369 = vector.bitcast %parallel_loop3A_368 : vector<16xf32> to vector<16xi32>
        %parallel_loop3A_370 = arith.xori %parallel_loop3A_369, %parallel_loop3A_194 : vector<16xi32>
        %parallel_loop3A_371 = vector.bitcast %parallel_loop3A_370 : vector<16xi32> to vector<16xf32>
        %parallel_loop3A_372 = arith.constant 57344 : i32
        %parallel_loop3A_373 = vector.broadcast %parallel_loop3A_372 : i32 to vector<16xi32>
        %parallel_loop3A_374 = arith.addi %parallel_loop3A_191, %parallel_loop3A_373 : vector<16xi32>
        tpu.vector_store_idx %arg7[%parallel_loop3A_374], %parallel_loop3A_371 {add = true} : memref<65536xf32, #tpu.memory_space<vmem>>[vector<16xi32>], vector<16xf32>,
        %parallel_loop3A_375 = arith.constant 1 : i32
        %parallel_loop3A_376 = arith.constant 15 : i32
        %parallel_loop3A_377 = arith.index_cast %parallel_loop3A_375 : i32 to index
        %parallel_loop3A_378 = arith.index_cast %parallel_loop3A_376 : i32 to index
        %parallel_loop3A_379 = arith.index_cast %parallel_loop3A_184 : i32 to index
        %parallel_loop3A_380 = tpu.vector_load %arg5[%parallel_loop3A_377, %parallel_loop3A_378, %parallel_loop3A_379] {strides = array<i32>} : memref<2x16x1024xf32, #tpu.memory_space<vmem>>, vector<16xf32>,
        %parallel_loop3A_381 = vector.bitcast %parallel_loop3A_380 : vector<16xf32> to vector<16xi32>
        %parallel_loop3A_382 = arith.xori %parallel_loop3A_381, %parallel_loop3A_194 : vector<16xi32>
        %parallel_loop3A_383 = vector.bitcast %parallel_loop3A_382 : vector<16xi32> to vector<16xf32>
        %parallel_loop3A_384 = arith.constant 61440 : i32
        %parallel_loop3A_385 = vector.broadcast %parallel_loop3A_384 : i32 to vector<16xi32>
        %parallel_loop3A_386 = arith.addi %parallel_loop3A_191, %parallel_loop3A_385 : vector<16xi32>
        tpu.vector_store_idx %arg7[%parallel_loop3A_386], %parallel_loop3A_383 {add = true} : memref<65536xf32, #tpu.memory_space<vmem>>[vector<16xi32>], vector<16xf32>,
      } {sc.loop_unroll_factor = 4 : i64, sc.parallel_access}
      %lt3A_176 = arith.constant 31 : i32
      %lt3A_177 = arith.cmpi slt, %scan3A_117, %lt3A_176 : i32
      %convert_element_type3A_178 = arith.extui %lt3A_177 : i1 to i32
      %cond3A_179 = arith.constant 0 : i32
      %cond3A_180 = arith.cmpi ne, %convert_element_type3A_178, %cond3A_179 : i32
      scf.if %cond3A_180 {
        %add3A_182 = arith.constant 3 : i32
        %add3A_183 = arith.addi %mul3A_120, %add3A_182 : i32
        %mul3A_184 = arith.constant 1024 : i32
        %mul3A_185 = arith.muli %add3A_183, %mul3A_184 : i32
        %multiple_of3A_186 = tpu.assume_multiple %mul3A_185, 1024 : i32
        %dma_start3A_187 = arith.constant 1 : i32
        %dma_start3A_188 = arith.constant 0 : i32
        %dma_start3A_189 = arith.constant 0 : i32
        %dma_start3A_190 = tpu.memref_slice %arg5[%dma_start3A_187, %dma_start3A_188, %dma_start3A_189] : memref<2x16x1024xf32, #tpu.memory_space<vmem>> -> memref<1x16x1024xf32, #tpu.memory_space<vmem>>
        %dma_start3A_191 = tpu.memref_squeeze %dma_start3A_190 : memref<1x16x1024xf32, #tpu.memory_space<vmem>> -> memref<16x1024xf32, #tpu.memory_space<vmem>>
        %dma_start3A_192 = tpu.memref_slice %arg2[%add3A_60, %multiple_of3A_186] : memref<1024x65536xf32, #tpu.memory_space<hbm>> -> memref<16x1024xf32, #tpu.memory_space<hbm>>
        %dma_start3A_193 = arith.constant 0 : i32
        %dma_start3A_194 = arith.constant 0 : i32
        %dma_start3A_195 = tpu.memref_slice %arg5[%dma_start3A_187, %dma_start3A_193, %dma_start3A_194] : memref<2x16x1024xf32, #tpu.memory_space<vmem>> -> memref<1x16x1024xf32, #tpu.memory_space<vmem>>
        %dma_start3A_196 = tpu.memref_squeeze %dma_start3A_195 : memref<1x16x1024xf32, #tpu.memory_space<vmem>> -> memref<16x1024xf32, #tpu.memory_space<vmem>>
        %dma_start3A_197 = tpu.memref_slice %arg2[%add3A_60, %multiple_of3A_186] : memref<1024x65536xf32, #tpu.memory_space<hbm>> -> memref<16x1024xf32, #tpu.memory_space<hbm>>
        tpu.enqueue_dma source(%dma_start3A_197 : memref<16x1024xf32, #tpu.memory_space<hbm>>) target(%dma_start3A_196 : memref<16x1024xf32, #tpu.memory_space<vmem>>) target_semaphore(%arg9 : memref<!tpu.dma_semaphore, #tpu.memory_space<semaphore_mem>>)
        %dma_start3A_198 = arith.constant 1 : i32
        %dma_start3A_199 = arith.constant 0 : i32
        %dma_start3A_200 = tpu.memref_slice %arg6[%dma_start3A_198, %dma_start3A_199] : memref<2x1024xi32, #tpu.memory_space<vmem>> -> memref<1x1024xi32, #tpu.memory_space<vmem>>
        %dma_start3A_201 = tpu.memref_squeeze %dma_start3A_200 : memref<1x1024xi32, #tpu.memory_space<vmem>> -> memref<1024xi32, #tpu.memory_space<vmem>>
        %dma_start3A_202 = tpu.memref_slice %arg3[%multiple_of3A_186] : memref<65536xi32, #tpu.memory_space<hbm>> -> memref<1024xi32, #tpu.memory_space<hbm>>
        %dma_start3A_203 = arith.constant 0 : i32
        %dma_start3A_204 = tpu.memref_slice %arg6[%dma_start3A_198, %dma_start3A_203] : memref<2x1024xi32, #tpu.memory_space<vmem>> -> memref<1x1024xi32, #tpu.memory_space<vmem>>
        %dma_start3A_205 = tpu.memref_squeeze %dma_start3A_204 : memref<1x1024xi32, #tpu.memory_space<vmem>> -> memref<1024xi32, #tpu.memory_space<vmem>>
        %dma_start3A_206 = tpu.memref_slice %arg3[%multiple_of3A_186] : memref<65536xi32, #tpu.memory_space<hbm>> -> memref<1024xi32, #tpu.memory_space<hbm>>
        tpu.enqueue_dma source(%dma_start3A_206 : memref<1024xi32, #tpu.memory_space<hbm>>) target(%dma_start3A_205 : memref<1024xi32, #tpu.memory_space<vmem>>) target_semaphore(%arg9 : memref<!tpu.dma_semaphore, #tpu.memory_space<semaphore_mem>>)
      } else {
      }
      %scan3A_181 = arith.constant 0 : i32
      scf.yield %scan3A_181 : i32
    }
    %scan3A_114 = arith.constant 32 : i32
    %mul3A_115 = arith.constant 4096 : i32
    %mul3A_116 = arith.muli %add3A_60, %mul3A_115 : i32
    "tpu.region"() ({
      %run_scoped3A = tpu.sem_alloc : memref<!tpu.dma_semaphore, #tpu.memory_space<semaphore_mem>>
      %dma_start3A_117 = tpu.memref_slice %arg4[%mul3A_116] : memref<4194304xf32, #tpu.memory_space<hbm>> -> memref<65536xf32, #tpu.memory_space<hbm>>
      %dma_start3A_118 = tpu.memref_slice %arg4[%mul3A_116] : memref<4194304xf32, #tpu.memory_space<hbm>> -> memref<65536xf32, #tpu.memory_space<hbm>>
      tpu.enqueue_dma source(%arg7 : memref<65536xf32, #tpu.memory_space<vmem>>) target(%dma_start3A_118 : memref<65536xf32, #tpu.memory_space<hbm>>) target_semaphore(%run_scoped3A : memref<!tpu.dma_semaphore, #tpu.memory_space<semaphore_mem>>)
      %dma_wait3A = tpu.memref_slice %arg4[%mul3A_116] : memref<4194304xf32, #tpu.memory_space<hbm>> -> memref<65536xf32, #tpu.memory_space<hbm>>
      %dma_wait3A_119 = tpu.memref_slice %arg4[%mul3A_116] : memref<4194304xf32, #tpu.memory_space<hbm>> -> memref<65536xf32, #tpu.memory_space<hbm>>
      tpu.wait_dma2 semaphore(%run_scoped3A : memref<!tpu.dma_semaphore, #tpu.memory_space<semaphore_mem>>) src(%arg7 : memref<65536xf32, #tpu.memory_space<vmem>>) dst(%dma_wait3A_119 : memref<65536xf32, #tpu.memory_space<hbm>>)
      tpu.yield
    }) : () -> ()
    return
  }
}

</mosaic_0001>

<sc_bundles>
// kernel: _sjlt.3.cloned.1.call-start
scs
__scs_entry_jumppad:
0x0: {  	(pc) =	sbr.rel $0x88, $3  }
0x1: {  	(tag) =	ssettag $0x0;
	lr =	simm.s32 $0x1  }
0x2: {  	[smem:$0x3F9F] =	sst lr;
	_ =	strace $0xD0000000  }
0x3: {  	_ = 	snop  }
0x4: {  	_ = 	snop  }
0x5: {  	_ = 	snop  }
0x6: {  	_ = 	snop  }
0x7: {  	_ = 	snop  }
__scs_overlays_trampoline_lowered:
0x8: {  	[smem:$0x3FAE] =	sst s0  }
0x9: {  	[smem:$0x3FAF] =	sst s1  }
0xa: {  	[smem:$0x3FB0] =	sst s2  }
0xb: {  	[smem:$0x3FB1] =	sst s3  }
0xc: {  	[smem:$0x3FB2] =	sst s4  }
0xd: {  	[smem:$0x3FB3] =	sst s5  }
0xe: {  	[smem:$0x3FB4] =	sst s6  }
0xf: {  	[smem:$0x3FB5] =	sst s7  }
0x10: {  	[smem:$0x3FB6] =	sst s8  }
0x11: {  	[smem:$0x3FB7] =	sst s9;
	s0 =	simm.s32 @!p0 $0x0  }
0x12: {  	s1 =	sld [smem:$0x3F9D];
	s0 =	simm.s32 @p0 $0x1  }
0x13: {  	[smem:$0x3FB8] =	sst s0;
	s0 =	simm.s32 @!p1 $0x0  }
0x14: {  	s2 =	sld [smem:$0x3F9C];
	s0 =	simm.s32 @p1 $0x1  }
0x15: {  	[smem:$0x3FB9] =	sst s0;
	s0 =	simm.s32 @!p2 $0x0  }
0x16: {  	s3 =	sld [smem:$0x3FDB];
	s0 =	simm.s32 @p2 $0x1  }
0x17: {  	s4 =	simm.s32 $0x1BF5;
	[smem:$0x3FBB] =	sst s0  }
0x18: {  	s0 =	sld [smem:$0x3F9E];
	_ =	swait.ge [sflag:s4], $0x0  }
0x19: {  	s7 =	sld [smem:$0x3F9F]  }
0x1a: {  	s8 =	sadd.s32 $0xFFFFE003, lr  }
0x1b: {  	s9 =	sadd.s32 $0xFFFFFEF7, lr;
	s5 =	simm.s32 $0xFFFFFFFF;
	p2 =	slt.u32 s8, $0xFFFFF086  }
0x1c: {  	p1 =	slt.u32 s9, $0xF7A;
	s5 =	simm.s32 @!p2 $0x0  }
0x1d: {  	s5 =	simm.s32 @p1 $0x1;
	p0 =	seq.s32 s7, s2  }
0x1e: {  	s7 =	smul.u32 @!p0 $0xF7A, s2;
	p2 =	seq.s32 @!p0 s5, $0x0  }
0x1f: {  	s9 =	smul.u32 $0xF7A, s1;
	s8 =	simm.s32 @!p0 $0x1BF5;
	p2 =	por !p2, p0  }
0x20: {  	[sflag:s8] =	ssyncset.s32 @!p0 $0xFFFFF086;
	s6 =	sadd.s32 @!p0 s3, s7;
	s7 =	simm.s32 @!p0 $0x108  }
0x21: {  	s3 =	sadd.s32 s3, s9;
	s6 =	sadd.s32 @!p0 $0x88, s6;
	s7 =	simm.s32 @p2 $0x1082  }
0x22: {  	[simem:s7], [sflag:s8] =	dma.local @!p0 [hbm:s6], $0xF7A  }
0x23: {  	s9 =	sor.u32 $0xD0000000, s2;
	s6 =	simm.s32 $0x108;
	_ =	swait.ge @!p0 [sflag:s8], $0x0  }
0x24: {  	s3 =	sadd.s32 $0x88, s3;
	s6 =	simm.s32 @!p1 $0x1082;
	[sflag:s4] =	ssyncset.s32 $0xFFFFF086  }
0x25: {  	[simem:s6], [sflag:s4] =	dma.local [hbm:s3], $0xF7A  }
0x26: {  	[smem:$0x3F9F] =	sst s1;
	(tag) =	ssettag s2;
	_ =	strace s9  }
0x27: {  	s1 =	sld [smem:$0x3FAF]  }
0x28: {  	s2 =	sld [smem:$0x3FB0]  }
0x29: {  	s4 =	sld [smem:$0x3FB2]  }
0x2a: {  	p0 =	seq.s32 s5, $0x0;
	s5 =	sld [smem:$0x3FB3]  }
0x2b: {  	s6 =	sld [smem:$0x3FB4]  }
0x2c: {  	s7 =	sld [smem:$0x3FB5]  }
0x2d: {  	s3 =	simm.s32 $0x108;
	s8 =	sld [smem:$0x3FB6]  }
0x2e: {  	s3 =	simm.s32 @!p0 $0x1082;
	s9 =	sld [smem:$0x3FB7]  }
0x2f: {  	lr =	sadd.s32 s0, s3;
	s0 =	sld [smem:$0x3FAE]  }
0x30: {  	s3 =	sld [smem:$0x3FB1]  }
0x31: {  	[smem:$0x3FBA] =	sst s10  }
0x32: {  	s10 =	sld [smem:$0x3FB8];
	_ =	sdelay $0x3  }
0x33: {  	p0 =	seq.s32 s10, $0x1;
	s10 =	sld [smem:$0x3FBA];
	_ =	sdelay $0x3  }
0x34: {  	[smem:$0x3FBA] =	sst s10  }
0x35: {  	s10 =	sld [smem:$0x3FB9];
	_ =	sdelay $0x3  }
0x36: {  	p1 =	seq.s32 s10, $0x1;
	s10 =	sld [smem:$0x3FBA];
	_ =	sdelay $0x3  }
0x37: {  	[smem:$0x3FBA] =	sst s10  }
0x38: {  	s10 =	sld [smem:$0x3FBB]  }
0x39: {  	_ = 	snop;
	(pc) =	sbr.ind lr, $3  }
0x3a: {  	_ = 	snop  }
0x3b: {  	_ = 	snop  }
0x3c: {  	p2 =	seq.s32 s10, $0x1;
	s10 =	sld [smem:$0x3FBA]  }
0x3d: {  	_ =	shalt  }
0x3e: {  	_ =	shalt  }
0x3f: {  	_ =	shalt  }
0x40: {  	_ =	shalt  }
0x41: {  	_ =	shalt  }
0x42: {  	_ =	shalt  }
0x43: {  	_ =	shalt  }
0x44: {  	_ =	shalt  }
0x45: {  	_ =	shalt  }
0x46: {  	_ =	shalt  }
0x47: {  	_ =	shalt  }
0x48: {  	_ =	shalt  }
0x49: {  	_ =	shalt  }
0x4a: {  	_ =	shalt  }
0x4b: {  	_ =	shalt  }
0x4c: {  	_ =	shalt  }
0x4d: {  	_ =	shalt  }
0x4e: {  	_ =	shalt  }
0x4f: {  	_ =	shalt  }
0x50: {  	_ =	shalt  }
0x51: {  	_ =	shalt  }
0x52: {  	_ =	shalt  }
0x53: {  	_ =	shalt  }
0x54: {  	_ =	shalt  }
0x55: {  	_ =	shalt  }
0x56: {  	_ =	shalt  }
0x57: {  	_ =	shalt  }
0x58: {  	_ =	shalt  }
0x59: {  	_ =	shalt  }
0x5a: {  	_ =	shalt  }
0x5b: {  	_ =	shalt  }
0x5c: {  	_ =	shalt  }
0x5d: {  	_ =	shalt  }
0x5e: {  	_ =	shalt  }
0x5f: {  	_ =	shalt  }
0x60: {  	_ =	shalt  }
0x61: {  	_ =	shalt  }
0x62: {  	_ =	shalt  }
0x63: {  	_ =	shalt  }
0x64: {  	_ =	shalt  }
0x65: {  	_ =	shalt  }
0x66: {  	_ =	shalt  }
0x67: {  	_ =	shalt  }
0x68: {  	_ =	shalt  }
0x69: {  	_ =	shalt  }
0x6a: {  	_ =	shalt  }
0x6b: {  	_ =	shalt  }
0x6c: {  	_ =	shalt  }
0x6d: {  	_ =	shalt  }
0x6e: {  	_ =	shalt  }
0x6f: {  	_ =	shalt  }
0x70: {  	_ =	shalt  }
0x71: {  	_ =	shalt  }
0x72: {  	_ =	shalt  }
0x73: {  	_ =	shalt  }
0x74: {  	_ =	shalt  }
0x75: {  	_ =	shalt  }
0x76: {  	_ =	shalt  }
0x77: {  	_ =	shalt  }
0x78: {  	_ =	shalt  }
0x79: {  	_ =	shalt  }
0x7a: {  	_ =	shalt  }
0x7b: {  	_ =	shalt  }
0x7c: {  	_ =	shalt  }
0x7d: {  	_ =	shalt  }
0x7e: {  	_ =	shalt  }
0x7f: {  	_ =	shalt  }
0x80: {  	_ =	shalt  }
0x81: {  	_ =	shalt  }
0x82: {  	_ =	shalt  }
0x83: {  	_ =	shalt  }
0x84: {  	_ =	shalt  }
0x85: {  	_ =	shalt  }
0x86: {  	_ =	shalt  }
0x87: {  	_ =	shalt  }
.Lfunc_end0:
.L_simem_size_0:
called_computation_lowered:
.L_overlay_start_0:
0x88: {  	s2 =	sld [smem:$0x3FD9]  }
0x89: {  	s3 =	sld [smem:$0x3FFE];
	_ =	sdelay $0x1  }
0x8a: {  	s1 =	srdreg.scid  }
0x8b: {  	s0 =	sand.u32 $0x1, s1  }
0x8c: {  	s18 =	sshll.u32 s0, $0xA;
	s2 =	sadd.s32 s3, s2  }
0x8d: {  	s2 =	sadd.s32 s2, s18  }
0x8e: {  	[smem:$0x3FC6] =	sst s2  }
0x8f: {  	_ = 	snop  }
0x90: {  	s2 =	sld [smem:$0x3FC9]  }
0x91: {  	s19 =	sld [smem:$0x3FC8]  }
0x92: {  	s4 =	sld [smem:$0x3FD0];
	(tm) =	ssettm $0x1  }
0x93: {  	s5 =	sld [smem:$0x3FFB];
	_ =	sdelay $0x3  }
0x94: {  	_ =	strace s5  }
0x95: {  	s5 =	sld [smem:$0x3FFC];
	_ =	sdelay $0x3  }
0x96: {  	_ =	strace s5  }
0x97: {  	s5 =	sld [smem:$0x3FFD];
	_ =	sdelay $0x3  }
0x98: {  	_ =	strace s5  }
0x99: {  	_ =	strace $0x8FFFFFFF  }
0x9a: {  	s20 =	sld [smem:$0x3FDB];
	_ =	sdelay $0x1  }
0x9b: {  	s6 =	simm.s32 $_scs_section_size  }
0x9c: {  	s7 =	simm.s32 $_size__tile_overlayer_lowered;
	s8 =	simm.s32 $_tile_overlayer_lowered  }
0x9d: {  	s23 =	simm.s32 $0x1BFF;
	s22 =	sshll.u32 s8, $0x1;
	s5 =	sadd.s32 s6, s20  }
0x9e: {  	s9 =	simm.s32 $0x0;
	s21 =	sshll.u32 s7, $0x1;
	s7 =	sadd.s32 s22, s5  }
0x9f: {  	[timem:s9], [sflag:s23] =	dma.local [hbm:s7], s21  }
0xa0: {  	_ =	swait.ge [sflag:s23], s21  }
0xa1: {  	s6 =	ssub.s32 $0x0, s21;
	[sflag:s23] =	ssyncset.done $0x0  }
0xa2: {  	[sflag:s23] =	ssyncadd.s32 s6;
	_ =	sdelay $0x1  }
0xa3: {  	s24 =	simm.s32 $0x1B8B  }
0xa4: {  	_ =	swait.ge [sflag:s24], $0x1  }
0xa5: {  	[sflag:s24] =	ssyncset.done $0x0  }
0xa6: {  	s25 =	simm.s32 $0x1B8E;
	[sflag:s24] =	ssyncadd.s32 $0xFFFFFFFF  }
0xa7: {  	s26 =	simm.s32 $execute0_lowered;
	[smem:$0x3FD2] =	sst s25  }
0xa8: {  	s6 =	sshll.u32 s26, $0x1;
	_ =	strace $0x80000046;
	[dreg:$0x1] =	wrdreg $0xFFFFFFFF  }
0xa9: {  	s28 =	simm.s32 $_size_execute0_lowered;
	s5 =	sadd.s32 s5, s6;
	[dreg:$0x0] =	wrdreg $0x0  }
0xaa: {  	s6 =	sshll.u32 s28, $0x1;
	[dreg:$0x2] =	wrdreg s5  }
0xab: {  	[dreg:$0x3] =	wrdreg s6  }
0xac: {  	[dreg:$0x4] =	wrdreg $0xC0  }
0xad: {  	_ =	task [dreg:s9], $0x5FFFF  }
0xae: {  	[dreg:$0x1] =	wrdreg $0xFFFFFFFF  }
0xaf: {  	[dreg:$0x0] =	wrdreg $0x60  }
0xb0: {  	[dreg:$0x2] =	wrdreg s2  }
0xb1: {  	[dreg:$0x3] =	wrdreg s19  }
0xb2: {  	[dreg:$0x4] =	wrdreg s4  }
0xb3: {  	[dreg:$0x5] =	wrdreg $0x9  }
0xb4: {  	_ =	task.clear_ibuf [dreg:s9], $0x6FFFF;
	_ =	strace $0x90000046  }
0xb5: {  	s29 =	simm.s32 $0x9;
	_ =	strace $0x80000048  }
0xb6: {  	_ =	swait.ge [sflag:s29], $0x1  }
0xb7: {  	[sflag:s29] =	ssyncadd.s32 $0xFFFFFFFF  }
0xb8: {  	_ =	strace $0x90000048  }
0xb9: {  	_ =	sfence  }
0xba: {  	s30 =	sld [smem:$0x0];
	_ =	sdelay $0x2  }
0xbb: {  	s31 =	sshll.u32 s1, $0xD;
	s1 =	sshrl.u32 s1, $0x2  }
0xbc: {  	s3 =	sand.u32 $0x4000, s31;
	s1 =	sadd.s32 s1, s30  }
0xbd: {  	s0 =	sor.u32 s3, s0;
	s1 =	sshll.u32 s1, $0x11  }
0xbe: {  	s0 =	sor.u32 s1, s0  }
0xbf: {  	s0 =	sadd.s32 $0x8F2B, s0  }
0xc0: {  	[sflag:s0] =	ssyncadd.remote.s32 $0x1  }
0xc1: {  	_ =	sfence.sel $0xFFFF  }
0xc2: {  	[dreg:$0x0] =	wrdreg $0xFFFFFFFF;
	(pc) =	sbr.abs _section_cstart, $3  }
0xc3: {  	[dreg:$0x1] =	wrdreg $0xFFFFFFFF  }
0xc4: {  	_ =	task.clear_ibuf [dreg:s9], $0x2FFFF;
	_ =	strace $0x9FFFFFFF  }
0xc5: {  	(tm) =	ssettm $0x7FFFFFFF  }
tec
execute0_lowered:
.L_overlay_start_1:
0x0: {  	(tag) =	ssettag $0x1  }
0x1: {  	s0 =	rddreg [dreg:$0x0]  }
0x2: {  	s1 =	rddreg [dreg:$0x1]  }
0x3: {  	s2 =	rddreg [dreg:$0x2];
	s3 =	simm.s32 $0x0  }
0x4: {  	[smem:$0x7FF] =	sst s3;
	s11 =	sadd.s32 $0x80, s1  }
0x5: {  	s17 =	sadd.s32 $0x10, s1;
	_ =	strace $0x80000047;
	[dreg:$0x5] =	wrdreg s11  }
0x6: {  	s18 =	sadd.s32 $0x20, s1;
	[dreg:$0xa] =	wrdreg s17  }
0x7: {  	s19 =	sadd.s32 $0x30, s1;
	[dreg:$0xb] =	wrdreg s18  }
0x8: {  	s20 =	sadd.s32 $0x40, s1;
	[dreg:$0xc] =	wrdreg s19  }
0x9: {  	s21 =	sadd.s32 $0x50, s1;
	[dreg:$0xd] =	wrdreg s20  }
0xa: {  	s22 =	sadd.s32 $0x60, s1;
	[dreg:$0xe] =	wrdreg s21  }
0xb: {  	s23 =	sadd.s32 $0x70, s1;
	[dreg:$0xf] =	wrdreg s22  }
0xc: {  	s24 =	sadd.s32 $0x90, s1;
	[dreg:$0x10] =	wrdreg s23  }
0xd: {  	s4 =	srdreg.scid;
	s25 =	sadd.s32 $0xA0, s1;
	[dreg:$0x11] =	wrdreg s24  }
0xe: {  	s6 =	stileid.u32;
	s26 =	sadd.s32 $0xB0, s1;
	[dreg:$0x12] =	wrdreg s25  }
0xf: {  	s4 =	sand.u32 $0x1, s4;
	s28 =	sadd.s32 $0xC0, s1;
	[dreg:$0x13] =	wrdreg s26  }
0x10: {  	s6 =	sshll.u32 s6, $0x1;
	s29 =	sadd.s32 $0xD0, s1;
	[dreg:$0x14] =	wrdreg s28  }
0x11: {  	s9 =	sadd.s32 $0x400, s0;
	s30 =	sadd.s32 $0xE0, s1;
	[dreg:$0x15] =	wrdreg s29  }
0x12: {  	s31 =	sadd.s32 $0xF0, s1;
	s5 =	ssub.s32 $0x2, s4;
	[dreg:$0x16] =	wrdreg s30  }
0x13: {  	s6 =	sor.u32 s4, s6;
	[dreg:$0x17] =	wrdreg s31;
	s11 =	simm.s32 $0x1  }
0x14: {  	s7 =	sshrl.u32 s5, $0x1;
	s10 =	sshll.u32 s6, $0x12;
	s8 =	sshll.u32 s6, $0x5  }
0x15: {  	s6 =	sshll.u32 s6, $0xE;
	s5 =	ssub.s32 s5, s7;
	s7 =	sadd.s32 s10, s9  }
0x16: {  	s4 =	sadd.s32 s0, s10;
	s6 =	sadd.s32 s2, s6;
	[dreg:$0x4] =	wrdreg s7  }
.Ltmp0:
0x17: {  	s12 =	sor.u32 $0x10, s8;
	[dreg:$0x6] =	wrdreg s6;
	(pc) =	sbr.rel .LBB2_1-.Ltmp0, $4  }
0x18: {  	s13 =	sshll.u32 s12, $0xD;
	s7 =	sshll.u32 s12, $0x9;
	s16 =	smax.u32 s5, $0x1  }
0x19: {  	s6 =	simm.s32 $0x8800;
	s14 =	sadd.s32 s13, s9;
	[dreg:$0x9] =	wrdreg s16  }
0x1a: {  	s12 =	simm.s32 $0x2;
	s15 =	sadd.s32 s2, s7;
	[dreg:$0x7] =	wrdreg s14  }
0x1b: {  	v0 =	vimm.f32 $0.0e+00;
	s5 =	simm.s32 $0x0;
	s8 =	sadd.s32 s0, s13;
	[dreg:$0x8] =	wrdreg s15  }
.LBB2_19:
0x1c: {  	s0 =	rddreg [dreg:$0x8];
	s2 =	simm.s32 $0x3  }
0x1d: {  	[hbm4b:s0+s3] =	stream.linear.scatter [tilespmem:s6], [sflag:$0x3], $0x10000, $0x38;
	[tilespmem:$0x18800] =	vst v63  }
0x1e: {  	_ =	swait.ge [sflag:s2], $0x10000  }
0x1f: {  	s5 =	rddreg [dreg:$0x18]  }
0x20: {  	s31 =	rddreg [dreg:$0x9];
	s5 =	sadd.s32 $0x1, s5  }
0x21: {  	p0 =	sne.s32 s5, s31  }
.Ltmp1:
0x22: {  	_ = 	snop;
	(pc) =	sbr.rel @!p0 .LBB2_20-.Ltmp1, $3  }
0x23: {  	_ =	sdelay $0x1  }
0x24: {  	[sflag:s2] =	ssyncset.done $0x0  }
0x25: {  	[sflag:s2] =	ssyncadd.s32 $0xFFFF0000  }
.LBB2_1:
0x26: {  	[dreg:$0x18] =	wrdreg s5;
	s0 =	simm.s32 $0x8820  }
0x27: {  	[tilespmem:s0+$0xFFFFFFE0] =	vst v0  }
0x28: {  	[tilespmem:s0+$0x10] =	vst v0  }
0x29: {  	s2 =	simm.s32 $0x0;
	[tilespmem:s0+$0x0] =	vst v0  }
.LBB2_2:
0x2a: {  	s2 =	sadd.s32 $0x4, s2  }
0x2b: {  	[tilespmem:s0+$0xFFFFFFF0] =	vst v0;
	s0 =	sadd.s32 $0x40, s0;
	p0 =	slt.u32 s2, $0xFFC  }
.Ltmp2:
0x2c: {  	[tilespmem:s0+$0xFFFFFFE0] =	vst v0;
	(pc) =	sbr.rel @p0 .LBB2_2-.Ltmp2, $3  }
0x2d: {  	_ =	sdelay $0x1  }
0x2e: {  	[tilespmem:s0+$0x10] =	vst v0  }
0x2f: {  	[tilespmem:s0+$0x0] =	vst v0  }
0x30: {  	[tilespmem:s0+$0xFFFFFFF0] =	vst v0;
	s15 =	simm.s32 $0x0;
	s2 =	simm.s32 $0x2000;
	s5 =	simm.s32 $0x80000  }
0x31: {  	[tilespmem:s15], [sflag:$0x1] =	stream.strided.gather [hbm4b:s4+s2], $0x4000, s5, s2, $0x38;
	[tilespmem:$0x18800] =	vst v63  }
0x32: {  	s19 =	simm.s32 $0x8000  }
0x33: {  	[tilespmem:s19], [sflag:$0x1] =	stream.linear.gather [hbm4b:s1+s15], $0x80, $0x38;
	[tilespmem:$0x18800] =	vst v63  }
0x34: {  	s7 =	simm.s32 $0x8100;
	s20 =	rddreg [dreg:$0xa]  }
0x35: {  	[tilespmem:s7], [sflag:$0x1] =	stream.linear.gather [hbm4b:s20+s15], $0x80, $0x38;
	[tilespmem:$0x18800] =	vst v63  }
0x36: {  	s22 =	simm.s32 $0x8200;
	s21 =	rddreg [dreg:$0xb]  }
0x37: {  	[tilespmem:s22], [sflag:$0x1] =	stream.linear.gather [hbm4b:s21+s15], $0x80, $0x38;
	[tilespmem:$0x18800] =	vst v63  }
0x38: {  	s24 =	simm.s32 $0x8300;
	s23 =	rddreg [dreg:$0xc]  }
0x39: {  	[tilespmem:s24], [sflag:$0x1] =	stream.linear.gather [hbm4b:s23+s15], $0x80, $0x38;
	[tilespmem:$0x18800] =	vst v63  }
0x3a: {  	s26 =	simm.s32 $0x8400;
	s25 =	rddreg [dreg:$0xd]  }
0x3b: {  	[tilespmem:s26], [sflag:$0x1] =	stream.linear.gather [hbm4b:s25+s15], $0x80, $0x38;
	[tilespmem:$0x18800] =	vst v63  }
0x3c: {  	s29 =	simm.s32 $0x8500;
	s28 =	rddreg [dreg:$0xe]  }
0x3d: {  	[tilespmem:s29], [sflag:$0x1] =	stream.linear.gather [hbm4b:s28+s15], $0x80, $0x38;
	[tilespmem:$0x18800] =	vst v63  }
0x3e: {  	s31 =	simm.s32 $0x8600;
	s30 =	rddreg [dreg:$0xf]  }
0x3f: {  	[tilespmem:s31], [sflag:$0x1] =	stream.linear.gather [hbm4b:s30+s15], $0x80, $0x38;
	[tilespmem:$0x18800] =	vst v63  }
0x40: {  	s9 =	simm.s32 $0x8700;
	s7 =	rddreg [dreg:$0x10]  }
0x41: {  	[tilespmem:s9], [sflag:$0x1] =	stream.linear.gather [hbm4b:s7+s15], $0x80, $0x38;
	[tilespmem:$0x18800] =	vst v63  }
0x42: {  	s13 =	simm.s32 $0x4000;
	s10 =	rddreg [dreg:$0x4]  }
0x43: {  	[tilespmem:s13], [sflag:$0x2] =	stream.strided.gather [hbm4b:s10+s2], $0x4000, s5, s2, $0x38;
	[tilespmem:$0x18800] =	vst v63  }
0x44: {  	s16 =	simm.s32 $0x8080;
	s14 =	rddreg [dreg:$0x5]  }
0x45: {  	[tilespmem:s16], [sflag:$0x2] =	stream.linear.gather [hbm4b:s14+s15], $0x80, $0x38;
	[tilespmem:$0x18800] =	vst v63  }
0x46: {  	s18 =	simm.s32 $0x8180;
	s17 =	rddreg [dreg:$0x11]  }
0x47: {  	[tilespmem:s18], [sflag:$0x2] =	stream.linear.gather [hbm4b:s17+s15], $0x80, $0x38;
	[tilespmem:$0x18800] =	vst v63  }
0x48: {  	s19 =	rddreg [dreg:$0x12];
	s20 =	simm.s32 $0x8280  }
0x49: {  	[tilespmem:s20], [sflag:$0x2] =	stream.linear.gather [hbm4b:s19+s15], $0x80, $0x38;
	[tilespmem:$0x18800] =	vst v63  }
0x4a: {  	s21 =	rddreg [dreg:$0x13];
	s22 =	simm.s32 $0x8380  }
0x4b: {  	[tilespmem:s22], [sflag:$0x2] =	stream.linear.gather [hbm4b:s21+s15], $0x80, $0x38;
	[tilespmem:$0x18800] =	vst v63  }
0x4c: {  	s23 =	rddreg [dreg:$0x14];
	s24 =	simm.s32 $0x8480  }
0x4d: {  	[tilespmem:s24], [sflag:$0x2] =	stream.linear.gather [hbm4b:s23+s15], $0x80, $0x38;
	[tilespmem:$0x18800] =	vst v63  }
0x4e: {  	s25 =	rddreg [dreg:$0x15];
	s26 =	simm.s32 $0x8580  }
0x4f: {  	[tilespmem:s26], [sflag:$0x2] =	stream.linear.gather [hbm4b:s25+s15], $0x80, $0x38;
	[tilespmem:$0x18800] =	vst v63  }
0x50: {  	s28 =	rddreg [dreg:$0x16];
	s29 =	simm.s32 $0x8680  }
0x51: {  	[tilespmem:s29], [sflag:$0x2] =	stream.linear.gather [hbm4b:s28+s15], $0x80, $0x38;
	[tilespmem:$0x18800] =	vst v63  }
0x52: {  	s30 =	rddreg [dreg:$0x17];
	s31 =	simm.s32 $0x8780;
	s16 =	simm.s32 $0x0  }
0x53: {  	[tilespmem:s31], [sflag:$0x2] =	stream.linear.gather [hbm4b:s30+s15], $0x80, $0x38;
	[tilespmem:$0x18800] =	vst v63  }
.LBB2_4:
0x54: {  	_ =	swait.ge [sflag:s11], $0x4000  }
0x55: {  	[sflag:s11] =	ssyncset.done $0x0  }
0x56: {  	s17 =	sand.u32 $0x1C00, s15;
	[sflag:s11] =	ssyncadd.s32 $0xFFFFC000  }
0x57: {  	s21 =	sand.u32 $0x40, s15;
	s0 =	sshrl.u32 s17, $0x2;
	_ =	swait.ge [sflag:s11], $0x400  }
0x58: {  	s20 =	sor.u32 $0x30, s21;
	s2 =	sor.u32 $0x8000, s0;
	[sflag:s11] =	ssyncset.done $0x0  }
0x59: {  	s0 =	sor.u32 s20, s2;
	[sflag:s11] =	ssyncadd.s32 $0xFFFFFC00  }
0x5a: {  	v2 =	vld [tilespmem:s0+$0x0]  }
0x5b: {  	s13 =	sor.u32 $0x10, s21;
	s31 =	sor.u32 s21, s2  }
0x5c: {  	s5 =	sor.u32 s13, s2;
	v3 =	vld [tilespmem:s31+$0x0]  }
0x5d: {  	s19 =	sor.u32 s20, s17;
	v4 =	vld [tilespmem:s5+$0x0]  }
0x5e: {  	v5 =	vld [tilespmem:s19+$0x0]  }
0x5f: {  	v1 =	vand.u32 $0xFFF, v2  }
0x60: {  	s14 =	sor.u32 s21, s17  }
0x61: {  	s18 =	sor.u32 $0x20, s21;
	s5 =	sor.u32 s13, s17;
	v10 =	vld [tilespmem:s14+$0x0]  }
0x62: {  	s2 =	sor.u32 s18, s2;
	v8 =	vld [tilespmem:s5+$0x0];
	v2 =	vand.u32 $0x80000000, v2;
	v9 =	vand.u32 $0xFFF, v3  }
0x63: {  	v11 =	vld [tilespmem:s2+$0x0];
	v7 =	vand.u32 $0xFFF, v4;
	v5 =	vxor.u32 v2, v5  }
0x64: {  	[tilespmem:v1+s6+$0x0] =	vst.idx.add.f32.msk $0xffff, v5  }
0x65: {  	s10 =	sor.u32 s18, s17;
	v6 =	vand.u32 $0x80000000, v3;
	v5 =	vand.u32 $0x80000000, v4;
	v4 =	vld [tilespmem:s19+$0x80]  }
0x66: {  	v3 =	vld [tilespmem:s10+$0x0];
	v12 =	vor.u32 $0x1000, v1;
	v10 =	vxor.u32 v6, v10  }
0x67: {  	[tilespmem:v9+s6+$0x0] =	vst.idx.add.f32.msk $0xffff, v10;
	v8 =	vxor.u32 v5, v8  }
0x68: {  	[tilespmem:v7+s6+$0x0] =	vst.idx.add.f32.msk $0xffff, v8;
	v8 =	vand.u32 $0xFFF, v11  }
0x69: {  	v10 =	vld [tilespmem:s14+$0x80]  }
0x6a: {  	v13 =	vor.u32 $0x1000, v9;
	v14 =	vld [tilespmem:s5+$0x80];
	v15 =	vxor.u32 v2, v4  }
0x6b: {  	v4 =	vand.u32 $0x80000000, v11;
	v11 =	vor.u32 $0x1000, v7;
	[tilespmem:v12+s6+$0x0] =	vst.idx.add.f32.msk $0xffff, v15  }
0x6c: {  	v3 =	vxor.u32 v4, v3;
	v12 =	vld [tilespmem:s19+$0x100]  }
0x6d: {  	[tilespmem:v8+s6+$0x0] =	vst.idx.add.f32.msk $0xffff, v3;
	v3 =	vor.u32 $0x2000, v1  }
0x6e: {  	v10 =	vxor.u32 v6, v10;
	v15 =	vld [tilespmem:s10+$0x80]  }
0x6f: {  	v16 =	vor.u32 $0x1000, v8;
	[tilespmem:v13+s6+$0x0] =	vst.idx.add.f32.msk $0xffff, v10;
	v10 =	vxor.u32 v5, v14  }
0x70: {  	[tilespmem:v11+s6+$0x0] =	vst.idx.add.f32.msk $0xffff, v10  }
0x71: {  	v10 =	vld [tilespmem:s14+$0x100];
	v11 =	vxor.u32 v2, v12  }
0x72: {  	v12 =	vor.u32 $0x2000, v9;
	[tilespmem:v3+s6+$0x0] =	vst.idx.add.f32.msk $0xffff, v11  }
0x73: {  	v3 =	vxor.u32 v4, v15;
	v11 =	vld [tilespmem:s19+$0x180]  }
0x74: {  	[tilespmem:v16+s6+$0x0] =	vst.idx.add.f32.msk $0xffff, v3;
	v3 =	vor.u32 $0x3000, v1  }
0x75: {  	v13 =	vld [tilespmem:s5+$0x100]  }
0x76: {  	v14 =	vor.u32 $0x2000, v7;
	v10 =	vxor.u32 v6, v10;
	v15 =	vld [tilespmem:s10+$0x100]  }
0x77: {  	v54 =	vor.u32 $0x2000, v8;
	[tilespmem:v12+s6+$0x0] =	vst.idx.add.f32.msk $0xffff, v10  }
0x78: {  	v10 =	vld [tilespmem:s14+$0x180];
	v11 =	vxor.u32 v2, v11  }
0x79: {  	[tilespmem:v3+s6+$0x0] =	vst.idx.add.f32.msk $0xffff, v11  }
0x7a: {  	v3 =	vor.u32 $0x3000, v9;
	v11 =	vxor.u32 v5, v13;
	v12 =	vld [tilespmem:s19+$0x200]  }
0x7b: {  	[tilespmem:v14+s6+$0x0] =	vst.idx.add.f32.msk $0xffff, v11;
	v11 =	vxor.u32 v4, v15  }
0x7c: {  	v13 =	vor.u32 $0x4000, v1;
	[tilespmem:v54+s6+$0x0] =	vst.idx.add.f32.msk $0xffff, v11  }
0x7d: {  	v11 =	vld [tilespmem:s5+$0x180]  }
0x7e: {  	v14 =	vor.u32 $0x3000, v7;
	v10 =	vxor.u32 v6, v10;
	v15 =	vld [tilespmem:s10+$0x180]  }
0x7f: {  	v55 =	vor.u32 $0x3000, v8;
	[tilespmem:v3+s6+$0x0] =	vst.idx.add.f32.msk $0xffff, v10  }
0x80: {  	v3 =	vxor.u32 v2, v12;
	v10 =	vld [tilespmem:s14+$0x200]  }
0x81: {  	[tilespmem:v13+s6+$0x0] =	vst.idx.add.f32.msk $0xffff, v3  }
0x82: {  	v11 =	vxor.u32 v5, v11;
	v3 =	vld [tilespmem:s19+$0x280]  }
0x83: {  	v12 =	vor.u32 $0x5000, v1;
	[tilespmem:v14+s6+$0x0] =	vst.idx.add.f32.msk $0xffff, v11;
	v11 =	vxor.u32 v4, v15  }
0x84: {  	[tilespmem:v55+s6+$0x0] =	vst.idx.add.f32.msk $0xffff, v11  }
0x85: {  	v13 =	vor.u32 $0x4000, v9;
	v11 =	vld [tilespmem:s5+$0x200]  }
0x86: {  	v14 =	vor.u32 $0x4000, v7  }
0x87: {  	v15 =	vld [tilespmem:s10+$0x200];
	v3 =	vxor.u32 v2, v3  }
0x88: {  	v56 =	vor.u32 $0x4000, v8;
	[tilespmem:v12+s6+$0x0] =	vst.idx.add.f32.msk $0xffff, v3  }
0x89: {  	v3 =	vxor.u32 v6, v10;
	v10 =	vld [tilespmem:s19+$0x300]  }
0x8a: {  	v11 =	vxor.u32 v5, v11;
	[tilespmem:v13+s6+$0x0] =	vst.idx.add.f32.msk $0xffff, v3  }
0x8b: {  	v3 =	vor.u32 $0x6000, v1;
	[tilespmem:v14+s6+$0x0] =	vst.idx.add.f32.msk $0xffff, v11  }
0x8c: {  	v11 =	vxor.u32 v4, v15;
	v12 =	vld [tilespmem:s14+$0x280]  }
0x8d: {  	[tilespmem:v56+s6+$0x0] =	vst.idx.add.f32.msk $0xffff, v11  }
0x8e: {  	v13 =	vor.u32 $0x5000, v9;
	v11 =	vld [tilespmem:s5+$0x280]  }
0x8f: {  	v14 =	vor.u32 $0x5000, v7;
	v10 =	vxor.u32 v2, v10  }
0x90: {  	[tilespmem:v3+s6+$0x0] =	vst.idx.add.f32.msk $0xffff, v10  }
0x91: {  	v3 =	vld [tilespmem:s19+$0x380]  }
0x92: {  	v15 =	vor.u32 $0x7000, v1;
	v10 =	vxor.u32 v6, v12;
	v12 =	vld [tilespmem:s10+$0x280]  }
0x93: {  	v11 =	vxor.u32 v5, v11;
	[tilespmem:v13+s6+$0x0] =	vst.idx.add.f32.msk $0xffff, v10  }
0x94: {  	v10 =	vor.u32 $0x5000, v8;
	[tilespmem:v14+s6+$0x0] =	vst.idx.add.f32.msk $0xffff, v11  }
0x95: {  	v13 =	vld [tilespmem:s14+$0x300]  }
0x96: {  	s22 =	sor.u32 $0x2000, s17;
	v11 =	vor.u32 $0x6000, v9;
	v14 =	vld [tilespmem:s5+$0x300];
	v3 =	vxor.u32 v2, v3  }
0x97: {  	s7 =	sor.u32 s20, s22;
	v57 =	vor.u32 $0x6000, v7;
	[tilespmem:v15+s6+$0x0] =	vst.idx.add.f32.msk $0xffff, v3  }
0x98: {  	v3 =	vxor.u32 v4, v12;
	v12 =	vld [tilespmem:s7+$0x0]  }
0x99: {  	[tilespmem:v10+s6+$0x0] =	vst.idx.add.f32.msk $0xffff, v3;
	v3 =	vor.u32 $0x8000, v1  }
0x9a: {  	v10 =	vxor.u32 v6, v13;
	v13 =	vld [tilespmem:s10+$0x300]  }
0x9b: {  	v15 =	vor.u32 $0x6000, v8;
	[tilespmem:v11+s6+$0x0] =	vst.idx.add.f32.msk $0xffff, v10;
	v10 =	vxor.u32 v5, v14  }
0x9c: {  	[tilespmem:v57+s6+$0x0] =	vst.idx.add.f32.msk $0xffff, v10  }
0x9d: {  	s23 =	sor.u32 $0x2080, s17;
	v10 =	vld [tilespmem:s14+$0x380];
	v11 =	vxor.u32 v2, v12  }
0x9e: {  	s9 =	sor.u32 s20, s23;
	v12 =	vor.u32 $0x7000, v9;
	[tilespmem:v3+s6+$0x0] =	vst.idx.add.f32.msk $0xffff, v11  }
0x9f: {  	v3 =	vxor.u32 v4, v13;
	v11 =	vld [tilespmem:s9+$0x0]  }
0xa0: {  	[tilespmem:v15+s6+$0x0] =	vst.idx.add.f32.msk $0xffff, v3;
	v3 =	vor.u32 $0x9000, v1  }
0xa1: {  	v13 =	vld [tilespmem:s5+$0x380]  }
0xa2: {  	v14 =	vor.u32 $0x7000, v7;
	v10 =	vxor.u32 v6, v10;
	v15 =	vld [tilespmem:s10+$0x380]  }
0xa3: {  	s24 =	sor.u32 s21, s22;
	v58 =	vor.u32 $0x7000, v8;
	[tilespmem:v12+s6+$0x0] =	vst.idx.add.f32.msk $0xffff, v10  }
0xa4: {  	s25 =	sor.u32 $0x2100, s17;
	v10 =	vld [tilespmem:s24+$0x0];
	v11 =	vxor.u32 v2, v11  }
0xa5: {  	s26 =	sor.u32 s20, s25;
	[tilespmem:v3+s6+$0x0] =	vst.idx.add.f32.msk $0xffff, v11  }
0xa6: {  	v3 =	vor.u32 $0x8000, v9;
	v11 =	vxor.u32 v5, v13;
	v12 =	vld [tilespmem:s26+$0x0]  }
0xa7: {  	[tilespmem:v14+s6+$0x0] =	vst.idx.add.f32.msk $0xffff, v11;
	v11 =	vxor.u32 v4, v15  }
0xa8: {  	s28 =	sor.u32 s13, s22;
	v13 =	vor.u32 $0xA000, v1;
	[tilespmem:v58+s6+$0x0] =	vst.idx.add.f32.msk $0xffff, v11  }
0xa9: {  	s5 =	sor.u32 s18, s22;
	v11 =	vld [tilespmem:s28+$0x0]  }
0xaa: {  	v14 =	vor.u32 $0x8000, v7;
	v10 =	vxor.u32 v6, v10;
	v15 =	vld [tilespmem:s5+$0x0]  }
0xab: {  	s31 =	sor.u32 s21, s23;
	v59 =	vor.u32 $0x8000, v8;
	[tilespmem:v3+s6+$0x0] =	vst.idx.add.f32.msk $0xffff, v10  }
0xac: {  	s29 =	sor.u32 $0x2180, s17;
	v3 =	vxor.u32 v2, v12;
	v10 =	vld [tilespmem:s31+$0x0]  }
0xad: {  	s30 =	sor.u32 s20, s29;
	[tilespmem:v13+s6+$0x0] =	vst.idx.add.f32.msk $0xffff, v3  }
0xae: {  	v11 =	vxor.u32 v5, v11;
	v3 =	vld [tilespmem:s30+$0x0]  }
0xaf: {  	v12 =	vor.u32 $0xB000, v1;
	[tilespmem:v14+s6+$0x0] =	vst.idx.add.f32.msk $0xffff, v11;
	v11 =	vxor.u32 v4, v15  }
0xb0: {  	s9 =	sor.u32 s13, s23;
	[tilespmem:v59+s6+$0x0] =	vst.idx.add.f32.msk $0xffff, v11  }
0xb1: {  	v13 =	vor.u32 $0x9000, v9;
	v11 =	vld [tilespmem:s9+$0x0]  }
0xb2: {  	s7 =	sor.u32 s18, s23;
	v14 =	vor.u32 $0x9000, v7  }
0xb3: {  	s5 =	sor.u32 $0x2200, s17;
	v15 =	vld [tilespmem:s7+$0x0];
	v3 =	vxor.u32 v2, v3  }
0xb4: {  	v60 =	vor.u32 $0x9000, v8;
	s10 =	sor.u32 s20, s5;
	[tilespmem:v12+s6+$0x0] =	vst.idx.add.f32.msk $0xffff, v3  }
0xb5: {  	v3 =	vxor.u32 v6, v10;
	v10 =	vld [tilespmem:s10+$0x0]  }
0xb6: {  	v11 =	vxor.u32 v5, v11;
	[tilespmem:v13+s6+$0x0] =	vst.idx.add.f32.msk $0xffff, v3  }
0xb7: {  	s14 =	sor.u32 s21, s25;
	v3 =	vor.u32 $0xC000, v1;
	[tilespmem:v14+s6+$0x0] =	vst.idx.add.f32.msk $0xffff, v11  }
0xb8: {  	v11 =	vxor.u32 v4, v15;
	v12 =	vld [tilespmem:s14+$0x0]  }
0xb9: {  	s19 =	sor.u32 s13, s25;
	[tilespmem:v60+s6+$0x0] =	vst.idx.add.f32.msk $0xffff, v11  }
0xba: {  	v13 =	vor.u32 $0xA000, v9;
	v11 =	vld [tilespmem:s19+$0x0]  }
0xbb: {  	v14 =	vor.u32 $0xA000, v7;
	v10 =	vxor.u32 v2, v10  }
0xbc: {  	s0 =	sor.u32 s18, s25;
	s22 =	sor.u32 $0x2280, s17;
	[tilespmem:v3+s6+$0x0] =	vst.idx.add.f32.msk $0xffff, v10  }
0xbd: {  	s23 =	sor.u32 s20, s22;
	v3 =	vld [tilespmem:s0+$0x0]  }
0xbe: {  	v10 =	vor.u32 $0xA000, v8;
	v12 =	vxor.u32 v6, v12;
	v15 =	vld [tilespmem:s23+$0x0]  }
0xbf: {  	v11 =	vxor.u32 v5, v11;
	[tilespmem:v13+s6+$0x0] =	vst.idx.add.f32.msk $0xffff, v12  }
0xc0: {  	s24 =	sor.u32 s21, s29;
	v12 =	vor.u32 $0xD000, v1;
	[tilespmem:v14+s6+$0x0] =	vst.idx.add.f32.msk $0xffff, v11  }
0xc1: {  	s25 =	sor.u32 s13, s29;
	v13 =	vld [tilespmem:s24+$0x0]  }
0xc2: {  	v11 =	vor.u32 $0xB000, v9;
	v14 =	vld [tilespmem:s25+$0x0];
	v3 =	vxor.u32 v4, v3  }
0xc3: {  	v61 =	vor.u32 $0xB000, v7;
	s26 =	sor.u32 s18, s29;
	[tilespmem:v10+s6+$0x0] =	vst.idx.add.f32.msk $0xffff, v3  }
0xc4: {  	s28 =	sor.u32 $0x2300, s17;
	v3 =	vxor.u32 v2, v15;
	v10 =	vld [tilespmem:s26+$0x0]  }
0xc5: {  	s29 =	sor.u32 s20, s28;
	[tilespmem:v12+s6+$0x0] =	vst.idx.add.f32.msk $0xffff, v3  }
0xc6: {  	v15 =	vor.u32 $0xB000, v8;
	v12 =	vxor.u32 v6, v13;
	v3 =	vld [tilespmem:s29+$0x0]  }
0xc7: {  	[tilespmem:v11+s6+$0x0] =	vst.idx.add.f32.msk $0xffff, v12;
	v11 =	vxor.u32 v5, v14  }
0xc8: {  	s30 =	sor.u32 s21, s5;
	[tilespmem:v61+s6+$0x0] =	vst.idx.add.f32.msk $0xffff, v11  }
0xc9: {  	v12 =	vor.u32 $0xE000, v1;
	v11 =	vld [tilespmem:s30+$0x0]  }
0xca: {  	v13 =	vor.u32 $0xC000, v9;
	v10 =	vxor.u32 v4, v10  }
0xcb: {  	s31 =	sor.u32 s13, s5;
	[tilespmem:v15+s6+$0x0] =	vst.idx.add.f32.msk $0xffff, v10  }
0xcc: {  	s5 =	sor.u32 s18, s5;
	v10 =	vld [tilespmem:s31+$0x0]  }
0xcd: {  	v14 =	vor.u32 $0xC000, v7;
	v3 =	vxor.u32 v2, v3;
	v15 =	vld [tilespmem:s5+$0x0]  }
0xce: {  	v62 =	vor.u32 $0xC000, v8;
	[tilespmem:v12+s6+$0x0] =	vst.idx.add.f32.msk $0xffff, v3;
	v11 =	vxor.u32 v6, v11  }
0xcf: {  	s10 =	sor.u32 s21, s22;
	s19 =	sor.u32 $0x2380, s17;
	[tilespmem:v13+s6+$0x0] =	vst.idx.add.f32.msk $0xffff, v11  }
0xd0: {  	s9 =	sor.u32 s20, s19;
	v11 =	vld [tilespmem:s10+$0x0]  }
0xd1: {  	v12 =	vor.u32 $0xD000, v9;
	v3 =	vld [tilespmem:s9+$0x0];
	v10 =	vxor.u32 v5, v10  }
0xd2: {  	[tilespmem:v14+s6+$0x0] =	vst.idx.add.f32.msk $0xffff, v10;
	v10 =	vxor.u32 v4, v15  }
0xd3: {  	s14 =	sor.u32 s13, s22;
	v1 =	vor.u32 $0xF000, v1;
	[tilespmem:v62+s6+$0x0] =	vst.idx.add.f32.msk $0xffff, v10  }
0xd4: {  	s17 =	sor.u32 s18, s22;
	s23 =	simm.s32 $0x200;
	v10 =	vld [tilespmem:s14+$0x0]  }
0xd5: {  	s23 =	sand.u32 $0x1C00, s23;
	v14 =	vld [tilespmem:s17+$0x0];
	v11 =	vxor.u32 v6, v11  }
0xd6: {  	s20 =	sor.u32 s21, s28;
	s24 =	sshrl.u32 s23, $0x2;
	v13 =	vor.u32 $0xD000, v7;
	s17 =	simm.s32 $0x40;
	[tilespmem:v12+s6+$0x0] =	vst.idx.add.f32.msk $0xffff, v11  }
0xd7: {  	s0 =	sor.u32 $0x8000, s24;
	v2 =	vxor.u32 v2, v3;
	v3 =	vld [tilespmem:s20+$0x0];
	s20 =	sand.u32 $0x40, s17  }
0xd8: {  	s2 =	sor.u32 s18, s28;
	s22 =	sor.u32 s13, s28;
	[tilespmem:v1+s6+$0x0] =	vst.idx.add.f32.msk $0xffff, v2;
	s28 =	sor.u32 s20, s0  }
0xd9: {  	v15 =	vor.u32 $0xD000, v8;
	s9 =	sor.u32 s20, s23;
	v63 =	vld [tilespmem:s28+$0x0]  }
0xda: {  	s25 =	sor.u32 s21, s19;
	s21 =	sor.u32 $0x10, s20;
	v1 =	vxor.u32 v5, v10;
	v23 =	vld [tilespmem:s9+$0x0]  }
0xdb: {  	v11 =	vor.u32 $0xE000, v9;
	s29 =	sor.u32 s21, s0;
	[tilespmem:v13+s6+$0x0] =	vst.idx.add.f32.msk $0xffff, v1  }
0xdc: {  	s30 =	sor.u32 s21, s23;
	v17 =	vld [tilespmem:s29+$0x0]  }
0xdd: {  	v1 =	vxor.u32 v4, v14;
	v21 =	vld [tilespmem:s30+$0x0]  }
0xde: {  	[tilespmem:v15+s6+$0x0] =	vst.idx.add.f32.msk $0xffff, v1  }
0xdf: {  	s24 =	sor.u32 $0x30, s20;
	v1 =	vld [tilespmem:s22+$0x0];
	v2 =	vxor.u32 v6, v3  }
0xe0: {  	s26 =	sor.u32 s24, s0;
	[tilespmem:v11+s6+$0x0] =	vst.idx.add.f32.msk $0xffff, v2  }
0xe1: {  	s22 =	sor.u32 $0x20, s20;
	v2 =	vld [tilespmem:s26+$0x0]  }
0xe2: {  	v12 =	vor.u32 $0xE000, v7;
	v3 =	vld [tilespmem:s2+$0x0];
	s0 =	sor.u32 s22, s0  }
0xe3: {  	v19 =	vor.u32 $0xE000, v8;
	v18 =	vld [tilespmem:s0+$0x0]  }
0xe4: {  	v10 =	vld [tilespmem:s25+$0x0];
	s25 =	sor.u32 s24, s23  }
0xe5: {  	s31 =	sor.u32 s22, s23;
	v20 =	vld [tilespmem:s25+$0x0];
	v11 =	vand.u32 $0xFFF, v17  }
0xe6: {  	v22 =	vld [tilespmem:s31+$0x0];
	v1 =	vxor.u32 v5, v1;
	v15 =	vand.u32 $0xFFF, v2  }
0xe7: {  	v3 =	vxor.u32 v4, v3;
	[tilespmem:v12+s6+$0x0] =	vst.idx.add.f32.msk $0xffff, v1  }
0xe8: {  	s10 =	sor.u32 s13, s19;
	v13 =	vand.u32 $0xFFF, v63;
	v1 =	vand.u32 $0x80000000, v17;
	[tilespmem:v19+s6+$0x0] =	vst.idx.add.f32.msk $0xffff, v3  }
0xe9: {  	v14 =	vand.u32 $0x80000000, v2;
	v21 =	vxor.u32 v1, v21;
	v16 =	vld [tilespmem:s10+$0x0]  }
0xea: {  	v2 =	vxor.u32 v14, v20;
	[tilespmem:v11+s6+$0x0] =	vst.idx.add.f32.msk $0xffff, v21  }
0xeb: {  	v12 =	vand.u32 $0xFFF, v18;
	v3 =	vand.u32 $0x80000000, v63;
	[tilespmem:v15+s6+$0x0] =	vst.idx.add.f32.msk $0xffff, v2  }
0xec: {  	v25 =	vxor.u32 v3, v23;
	v24 =	vld [tilespmem:s25+$0x80]  }
0xed: {  	v26 =	vor.u32 $0x1000, v15;
	[tilespmem:v13+s6+$0x0] =	vst.idx.add.f32.msk $0xffff, v25  }
0xee: {  	v29 =	vld [tilespmem:s30+$0x80];
	v2 =	vand.u32 $0x80000000, v18  }
0xef: {  	v30 =	vor.u32 $0x1000, v11;
	v18 =	vld [tilespmem:s9+$0x80];
	v27 =	vxor.u32 v2, v22  }
0xf0: {  	[tilespmem:v12+s6+$0x0] =	vst.idx.add.f32.msk $0xffff, v27  }
0xf1: {  	v28 =	vor.u32 $0x1000, v13;
	v31 =	vld [tilespmem:s31+$0x80];
	v17 =	vxor.u32 v14, v24  }
0xf2: {  	[tilespmem:v26+s6+$0x0] =	vst.idx.add.f32.msk $0xffff, v17  }
0xf3: {  	v33 =	vxor.u32 v1, v29;
	v24 =	vor.u32 $0x1000, v12;
	v17 =	vld [tilespmem:s25+$0x100]  }
0xf4: {  	v32 =	vor.u32 $0x2000, v15;
	[tilespmem:v30+s6+$0x0] =	vst.idx.add.f32.msk $0xffff, v33  }
0xf5: {  	v18 =	vxor.u32 v3, v18;
	v21 =	vld [tilespmem:s30+$0x100]  }
0xf6: {  	v39 =	vor.u32 $0x2000, v11;
	[tilespmem:v28+s6+$0x0] =	vst.idx.add.f32.msk $0xffff, v18  }
0xf7: {  	v34 =	vld [tilespmem:s9+$0x100];
	v36 =	vxor.u32 v2, v31  }
0xf8: {  	[tilespmem:v24+s6+$0x0] =	vst.idx.add.f32.msk $0xffff, v36;
	v17 =	vxor.u32 v14, v17  }
0xf9: {  	v35 =	vor.u32 $0x2000, v13;
	[tilespmem:v32+s6+$0x0] =	vst.idx.add.f32.msk $0xffff, v17  }
0xfa: {  	v44 =	vxor.u32 v1, v21;
	v37 =	vld [tilespmem:s25+$0x180]  }
0xfb: {  	v38 =	vor.u32 $0x3000, v15;
	[tilespmem:v39+s6+$0x0] =	vst.idx.add.f32.msk $0xffff, v44  }
0xfc: {  	v40 =	vld [tilespmem:s31+$0x100]  }
0xfd: {  	v41 =	vor.u32 $0x2000, v12;
	v18 =	vxor.u32 v3, v34;
	v48 =	vld [tilespmem:s30+$0x180]  }
0xfe: {  	v49 =	vor.u32 $0x3000, v11;
	[tilespmem:v35+s6+$0x0] =	vst.idx.add.f32.msk $0xffff, v18  }
0xff: {  	v18 =	vld [tilespmem:s9+$0x180];
	v42 =	vxor.u32 v14, v37  }
0x100: {  	[tilespmem:v38+s6+$0x0] =	vst.idx.add.f32.msk $0xffff, v42  }
0x101: {  	v43 =	vor.u32 $0x3000, v13;
	v46 =	vxor.u32 v2, v40;
	v45 =	vld [tilespmem:s25+$0x200]  }
0x102: {  	v47 =	vor.u32 $0x4000, v15;
	v19 =	vxor.u32 v1, v48;
	[tilespmem:v41+s6+$0x0] =	vst.idx.add.f32.msk $0xffff, v46  }
0x103: {  	[tilespmem:v49+s6+$0x0] =	vst.idx.add.f32.msk $0xffff, v19  }
0x104: {  	v50 =	vld [tilespmem:s31+$0x180]  }
0x105: {  	v51 =	vor.u32 $0x3000, v12;
	v18 =	vxor.u32 v3, v18;
	v56 =	vld [tilespmem:s30+$0x200]  }
0x106: {  	v57 =	vor.u32 $0x4000, v11;
	[tilespmem:v43+s6+$0x0] =	vst.idx.add.f32.msk $0xffff, v18;
	v52 =	vxor.u32 v14, v45  }
0x107: {  	[tilespmem:v47+s6+$0x0] =	vst.idx.add.f32.msk $0xffff, v52  }
0x108: {  	v17 =	vld [tilespmem:s25+$0x280]  }
0x109: {  	v53 =	vor.u32 $0x5000, v15;
	v18 =	vld [tilespmem:s9+$0x200];
	v54 =	vxor.u32 v2, v50  }
0x10a: {  	v19 =	vxor.u32 v1, v56;
	[tilespmem:v51+s6+$0x0] =	vst.idx.add.f32.msk $0xffff, v54  }
0x10b: {  	v55 =	vor.u32 $0x4000, v13;
	[tilespmem:v57+s6+$0x0] =	vst.idx.add.f32.msk $0xffff, v19  }
0x10c: {  	v58 =	vld [tilespmem:s31+$0x200]  }
0x10d: {  	v59 =	vor.u32 $0x4000, v12;
	v27 =	vld [tilespmem:s30+$0x280];
	v17 =	vxor.u32 v14, v17  }
0x10e: {  	v28 =	vor.u32 $0x5000, v11;
	[tilespmem:v53+s6+$0x0] =	vst.idx.add.f32.msk $0xffff, v17  }
0x10f: {  	v60 =	vxor.u32 v3, v18;
	v61 =	vld [tilespmem:s25+$0x300]  }
0x110: {  	v62 =	vor.u32 $0x6000, v15;
	[tilespmem:v55+s6+$0x0] =	vst.idx.add.f32.msk $0xffff, v60  }
0x111: {  	v63 =	vld [tilespmem:s9+$0x280];
	v25 =	vxor.u32 v2, v58  }
0x112: {  	v19 =	vxor.u32 v1, v27;
	[tilespmem:v59+s6+$0x0] =	vst.idx.add.f32.msk $0xffff, v25  }
0x113: {  	v26 =	vor.u32 $0x5000, v13;
	[tilespmem:v28+s6+$0x0] =	vst.idx.add.f32.msk $0xffff, v19  }
0x114: {  	v30 =	vld [tilespmem:s31+$0x280];
	v18 =	vxor.u32 v14, v61  }
0x115: {  	v32 =	vor.u32 $0x5000, v12;
	[tilespmem:v62+s6+$0x0] =	vst.idx.add.f32.msk $0xffff, v18  }
0x116: {  	v17 =	vld [tilespmem:s25+$0x380]  }
0x117: {  	v31 =	vor.u32 $0x7000, v15;
	v29 =	vxor.u32 v3, v63;
	v22 =	vld [tilespmem:s30+$0x300]  }
0x118: {  	[tilespmem:v26+s6+$0x0] =	vst.idx.add.f32.msk $0xffff, v29  }
0x119: {  	v34 =	vor.u32 $0x6000, v11;
	v21 =	vld [tilespmem:s9+$0x300];
	v35 =	vxor.u32 v2, v30  }
0x11a: {  	v33 =	vor.u32 $0x6000, v13;
	[tilespmem:v32+s6+$0x0] =	vst.idx.add.f32.msk $0xffff, v35  }
0x11b: {  	s13 =	sor.u32 $0x2000, s23;
	v39 =	vld [tilespmem:s31+$0x300];
	v17 =	vxor.u32 v14, v17  }
0x11c: {  	v40 =	vor.u32 $0x6000, v12;
	s25 =	sor.u32 s24, s13;
	[tilespmem:v31+s6+$0x0] =	vst.idx.add.f32.msk $0xffff, v17  }
0x11d: {  	v41 =	vxor.u32 v1, v22;
	v36 =	vld [tilespmem:s25+$0x0]  }
0x11e: {  	v37 =	vor.u32 $0x8000, v15;
	[tilespmem:v34+s6+$0x0] =	vst.idx.add.f32.msk $0xffff, v41;
	v38 =	vxor.u32 v3, v21  }
0x11f: {  	[tilespmem:v33+s6+$0x0] =	vst.idx.add.f32.msk $0xffff, v38  }
0x120: {  	v42 =	vld [tilespmem:s9+$0x380];
	v45 =	vxor.u32 v2, v39  }
0x121: {  	v44 =	vor.u32 $0x7000, v13;
	[tilespmem:v40+s6+$0x0] =	vst.idx.add.f32.msk $0xffff, v45  }
0x122: {  	s26 =	sor.u32 $0x2080, s23;
	v23 =	vld [tilespmem:s31+$0x380];
	v43 =	vxor.u32 v14, v36  }
0x123: {  	s28 =	sor.u32 s24, s26;
	v49 =	vor.u32 $0x7000, v12;
	[tilespmem:v37+s6+$0x0] =	vst.idx.add.f32.msk $0xffff, v43  }
0x124: {  	v19 =	vld [tilespmem:s28+$0x0]  }
0x125: {  	v46 =	vor.u32 $0x9000, v15;
	v47 =	vld [tilespmem:s30+$0x380];
	v18 =	vxor.u32 v3, v42  }
0x126: {  	s29 =	sor.u32 s20, s13;
	[tilespmem:v44+s6+$0x0] =	vst.idx.add.f32.msk $0xffff, v18  }
0x127: {  	v48 =	vor.u32 $0x7000, v11;
	v18 =	vld [tilespmem:s29+$0x0];
	v53 =	vxor.u32 v2, v23  }
0x128: {  	s5 =	sor.u32 s22, s13;
	v50 =	vor.u32 $0x8000, v13;
	[tilespmem:v49+s6+$0x0] =	vst.idx.add.f32.msk $0xffff, v53  }
0x129: {  	s30 =	sor.u32 $0x2100, s23;
	v57 =	vld [tilespmem:s5+$0x0];
	v19 =	vxor.u32 v14, v19  }
0x12a: {  	s31 =	sor.u32 s24, s30;
	[tilespmem:v46+s6+$0x0] =	vst.idx.add.f32.msk $0xffff, v19  }
0x12b: {  	v58 =	vor.u32 $0x8000, v12;
	v51 =	vxor.u32 v1, v47;
	v52 =	vld [tilespmem:s31+$0x0]  }
0x12c: {  	v54 =	vor.u32 $0xA000, v15;
	[tilespmem:v48+s6+$0x0] =	vst.idx.add.f32.msk $0xffff, v51;
	v18 =	vxor.u32 v3, v18  }
0x12d: {  	s9 =	sor.u32 s21, s13;
	s13 =	sor.u32 s20, s26;
	[tilespmem:v50+s6+$0x0] =	vst.idx.add.f32.msk $0xffff, v18  }
0x12e: {  	v18 =	vld [tilespmem:s13+$0x0]  }
0x12f: {  	v62 =	vor.u32 $0x9000, v13;
	v55 =	vld [tilespmem:s9+$0x0];
	v61 =	vxor.u32 v2, v57  }
0x130: {  	s9 =	sor.u32 $0x2180, s23;
	[tilespmem:v58+s6+$0x0] =	vst.idx.add.f32.msk $0xffff, v61;
	v59 =	vxor.u32 v14, v52  }
0x131: {  	v56 =	vor.u32 $0x8000, v11;
	s10 =	sor.u32 s24, s9;
	[tilespmem:v54+s6+$0x0] =	vst.idx.add.f32.msk $0xffff, v59  }
0x132: {  	s7 =	sor.u32 s22, s26;
	v17 =	vld [tilespmem:s10+$0x0]  }
0x133: {  	v60 =	vor.u32 $0xB000, v15;
	v29 =	vld [tilespmem:s7+$0x0];
	v31 =	vxor.u32 v3, v18  }
0x134: {  	s14 =	sor.u32 s21, s26;
	s26 =	sor.u32 s20, s30;
	[tilespmem:v62+s6+$0x0] =	vst.idx.add.f32.msk $0xffff, v31  }
0x135: {  	v30 =	vor.u32 $0x9000, v12;
	v19 =	vxor.u32 v1, v55;
	v34 =	vld [tilespmem:s26+$0x0]  }
0x136: {  	[tilespmem:v56+s6+$0x0] =	vst.idx.add.f32.msk $0xffff, v19  }
0x137: {  	s5 =	sor.u32 $0x2200, s23;
	v36 =	vor.u32 $0xA000, v13;
	v63 =	vld [tilespmem:s14+$0x0];
	v17 =	vxor.u32 v14, v17  }
0x138: {  	v28 =	vor.u32 $0x9000, v11;
	s25 =	sor.u32 s24, s5;
	[tilespmem:v60+s6+$0x0] =	vst.idx.add.f32.msk $0xffff, v17  }
0x139: {  	v35 =	vxor.u32 v2, v29;
	v32 =	vld [tilespmem:s25+$0x0]  }
0x13a: {  	v33 =	vor.u32 $0xC000, v15;
	s0 =	sor.u32 s22, s30;
	[tilespmem:v30+s6+$0x0] =	vst.idx.add.f32.msk $0xffff, v35  }
0x13b: {  	v39 =	vxor.u32 v3, v34;
	v40 =	vld [tilespmem:s0+$0x0]  }
0x13c: {  	[tilespmem:v36+s6+$0x0] =	vst.idx.add.f32.msk $0xffff, v39;
	v19 =	vxor.u32 v1, v63  }
0x13d: {  	v42 =	vor.u32 $0xA000, v12;
	s28 =	sor.u32 s21, s30;
	[tilespmem:v28+s6+$0x0] =	vst.idx.add.f32.msk $0xffff, v19  }
0x13e: {  	s2 =	sor.u32 $0x2280, s23;
	v37 =	vld [tilespmem:s28+$0x0];
	v18 =	vxor.u32 v14, v32  }
0x13f: {  	v38 =	vor.u32 $0xA000, v11;
	s29 =	sor.u32 s24, s2;
	[tilespmem:v33+s6+$0x0] =	vst.idx.add.f32.msk $0xffff, v18  }
0x140: {  	s30 =	sor.u32 s20, s9;
	v17 =	vld [tilespmem:s29+$0x0]  }
0x141: {  	v41 =	vor.u32 $0xD000, v15;
	v21 =	vld [tilespmem:s30+$0x0];
	v45 =	vxor.u32 v2, v40  }
0x142: {  	s13 =	sor.u32 s22, s9;
	[tilespmem:v42+s6+$0x0] =	vst.idx.add.f32.msk $0xffff, v45  }
0x143: {  	v49 =	vld [tilespmem:s13+$0x0];
	v19 =	vxor.u32 v1, v37  }
0x144: {  	v43 =	vor.u32 $0xB000, v13;
	s31 =	sor.u32 s21, s9;
	[tilespmem:v38+s6+$0x0] =	vst.idx.add.f32.msk $0xffff, v19  }
0x145: {  	s0 =	sor.u32 $0x2300, s23;
	v22 =	vld [tilespmem:s31+$0x0];
	v17 =	vxor.u32 v14, v17  }
0x146: {  	v50 =	vor.u32 $0xB000, v12;
	s10 =	sor.u32 s24, s0;
	[tilespmem:v41+s6+$0x0] =	vst.idx.add.f32.msk $0xffff, v17  }
0x147: {  	v44 =	vor.u32 $0xB000, v11;
	v46 =	vld [tilespmem:s10+$0x0]  }
0x148: {  	v47 =	vor.u32 $0xE000, v15;
	v48 =	vxor.u32 v3, v21  }
0x149: {  	s14 =	sor.u32 s20, s5;
	[tilespmem:v43+s6+$0x0] =	vst.idx.add.f32.msk $0xffff, v48  }
0x14a: {  	v52 =	vld [tilespmem:s14+$0x0];
	v55 =	vxor.u32 v2, v49  }
0x14b: {  	[tilespmem:v50+s6+$0x0] =	vst.idx.add.f32.msk $0xffff, v55;
	v51 =	vxor.u32 v1, v22  }
0x14c: {  	s23 =	sor.u32 $0x2380, s23;
	[tilespmem:v44+s6+$0x0] =	vst.idx.add.f32.msk $0xffff, v51;
	v53 =	vxor.u32 v14, v46  }
0x14d: {  	v54 =	vor.u32 $0xC000, v13;
	s24 =	sor.u32 s24, s23;
	[tilespmem:v47+s6+$0x0] =	vst.idx.add.f32.msk $0xffff, v53  }
0x14e: {  	s25 =	sor.u32 s21, s5;
	v19 =	vld [tilespmem:s24+$0x0]  }
0x14f: {  	v15 =	vor.u32 $0xF000, v15;
	s5 =	sor.u32 s22, s5;
	v56 =	vld [tilespmem:s25+$0x0]  }
0x150: {  	v57 =	vor.u32 $0xC000, v11;
	s28 =	sor.u32 s18, s19;
	v58 =	vld [tilespmem:s5+$0x0]  }
0x151: {  	v59 =	vor.u32 $0xC000, v12;
	v60 =	vld [tilespmem:s28+$0x0];
	v18 =	vxor.u32 v3, v52  }
0x152: {  	s26 =	sor.u32 s20, s2;
	[tilespmem:v54+s6+$0x0] =	vst.idx.add.f32.msk $0xffff, v18  }
0x153: {  	v18 =	vld [tilespmem:s26+$0x0];
	v14 =	vxor.u32 v14, v19  }
0x154: {  	[tilespmem:v15+s6+$0x0] =	vst.idx.add.f32.msk $0xffff, v14;
	v14 =	vor.u32 $0xD000, v13;
	v15 =	vxor.u32 v1, v56  }
0x155: {  	[tilespmem:v57+s6+$0x0] =	vst.idx.add.f32.msk $0xffff, v15;
	v15 =	vxor.u32 v2, v58  }
0x156: {  	v9 =	vor.u32 $0xF000, v9;
	s29 =	sor.u32 s21, s2;
	[tilespmem:v59+s6+$0x0] =	vst.idx.add.f32.msk $0xffff, v15  }
0x157: {  	v7 =	vor.u32 $0xF000, v7;
	s2 =	sor.u32 s22, s2;
	v15 =	vld [tilespmem:s29+$0x0]  }
0x158: {  	v61 =	vor.u32 $0xD000, v11;
	v18 =	vxor.u32 v3, v18;
	v62 =	vld [tilespmem:s2+$0x0]  }
0x159: {  	v63 =	vor.u32 $0xD000, v12;
	s30 =	sor.u32 s20, s0;
	[tilespmem:v14+s6+$0x0] =	vst.idx.add.f32.msk $0xffff, v18  }
0x15a: {  	v6 =	vxor.u32 v6, v10;
	v10 =	vld [tilespmem:s30+$0x0]  }
0x15b: {  	[tilespmem:v9+s6+$0x0] =	vst.idx.add.f32.msk $0xffff, v6;
	v14 =	vxor.u32 v5, v16  }
0x15c: {  	[tilespmem:v7+s6+$0x0] =	vst.idx.add.f32.msk $0xffff, v14;
	v14 =	vor.u32 $0xE000, v13;
	v6 =	vxor.u32 v1, v15  }
0x15d: {  	v9 =	vor.u32 $0xE000, v12;
	s18 =	simm.s32 $0x4;
	v5 =	vor.u32 $0xF000, v8;
	[tilespmem:v61+s6+$0x0] =	vst.idx.add.f32.msk $0xffff, v6;
	v15 =	vxor.u32 v2, v62  }
0x15e: {  	s19 =	sor.u32 s22, s23;
	s14 =	sor.u32 s20, s23;
	s31 =	sor.u32 s21, s0;
	v8 =	vor.u32 $0xE000, v11;
	v7 =	vor.u32 $0xF000, v13;
	v13 =	vor.u32 $0xF000, v12;
	[tilespmem:v63+s6+$0x0] =	vst.idx.add.f32.msk $0xffff, v15  }
0x15f: {  	s20 =	simm.s32 $0x400;
	s0 =	sor.u32 s22, s0;
	s2 =	sor.u32 s21, s23;
	v6 =	vor.u32 $0xF000, v11;
	v11 =	vxor.u32 v4, v60;
	v4 =	vld [tilespmem:s31+$0x0];
	v10 =	vxor.u32 v3, v10  }
.LBB2_5:
0x160: {  	s13 =	sand.u32 $0x1C00, s20;
	s18 =	sadd.s32 $0x4, s18;
	v12 =	vld [tilespmem:s0+$0x0];
	s17 =	sadd.s32 $0x40, s17  }
0x161: {  	s21 =	sand.u32 $0x40, s17;
	s0 =	sshrl.u32 s13, $0x2;
	p0 =	slt.u32 s18, $0x3C;
	[tilespmem:v14+s6+$0x0] =	vst.idx.add.f32.msk $0xffff, v10  }
0x162: {  	s0 =	sor.u32 $0x8000, s0;
	s23 =	sor.u32 $0x10, s21;
	s22 =	sor.u32 $0x30, s21;
	v10 =	vld [tilespmem:s14+$0x0]  }
0x163: {  	s24 =	sor.u32 $0x20, s21;
	s5 =	sor.u32 s21, s0;
	s7 =	sor.u32 s22, s0;
	[tilespmem:v5+s6+$0x0] =	vst.idx.add.f32.msk $0xffff, v11;
	v5 =	vmov v13  }
0x164: {  	s9 =	sor.u32 s23, s0;
	s25 =	sor.u32 s23, s13;
	s10 =	sor.u32 s24, s0;
	v13 =	vld [tilespmem:s7+$0x0];
	v14 =	vxor.u32 v1, v4  }
0x165: {  	s0 =	sor.u32 s21, s13;
	s14 =	sor.u32 s24, s13;
	v15 =	vld [tilespmem:s5+$0x0];
	v16 =	vxor.u32 v2, v12  }
0x166: {  	v12 =	vld [tilespmem:s9+$0x0]  }
0x167: {  	s29 =	sor.u32 s22, s13;
	v17 =	vld [tilespmem:s10+$0x0];
	v4 =	vxor.u32 v3, v10  }
0x168: {  	v18 =	vld [tilespmem:s29+$0x0]  }
0x169: {  	v19 =	vld [tilespmem:s25+$0x0];
	v11 =	vand.u32 $0xFFF, v13  }
0x16a: {  	v3 =	vand.u32 $0x80000000, v15;
	v21 =	vand.u32 $0xFFF, v15;
	v15 =	vld [tilespmem:s14+$0x0]  }
0x16b: {  	v20 =	vld [tilespmem:s0+$0x0];
	v22 =	vor.u32 $0x1000, v21;
	v46 =	vand.u32 $0x80000000, v12;
	v47 =	vand.u32 $0xFFF, v12  }
0x16c: {  	v12 =	vand.u32 $0x80000000, v13;
	v10 =	vand.u32 $0x80000000, v17;
	v48 =	vand.u32 $0xFFF, v17;
	[tilespmem:v8+s6+$0x0] =	vst.idx.add.f32.msk $0xffff, v14  }
0x16d: {  	v8 =	vor.u32 $0x1000, v47;
	v13 =	vor.u32 $0x1000, v48;
	v14 =	vxor.u32 v12, v18;
	[tilespmem:v9+s6+$0x0] =	vst.idx.add.f32.msk $0xffff, v16  }
0x16e: {  	v49 =	vor.u32 $0x2000, v21;
	v50 =	vor.u32 $0x2000, v47;
	v9 =	vxor.u32 v46, v19;
	[tilespmem:v11+s6+$0x0] =	vst.idx.add.f32.msk $0xffff, v14  }
0x16f: {  	v51 =	vor.u32 $0x3000, v21;
	v52 =	vor.u32 $0x2000, v48;
	v14 =	vxor.u32 v10, v15;
	v15 =	vld [tilespmem:s29+$0x80]  }
0x170: {  	v53 =	vor.u32 $0x3000, v47;
	v16 =	vxor.u32 v3, v20;
	[tilespmem:v47+s6+$0x0] =	vst.idx.add.f32.msk $0xffff, v9;
	v9 =	vor.u32 $0x1000, v11  }
0x171: {  	v54 =	vor.u32 $0x4000, v21;
	v45 =	vor.u32 $0x4000, v47;
	v55 =	vor.u32 $0x3000, v48;
	[tilespmem:v21+s6+$0x0] =	vst.idx.add.f32.msk $0xffff, v16  }
0x172: {  	v44 =	vor.u32 $0x5000, v21;
	v43 =	vor.u32 $0x5000, v47;
	v56 =	vor.u32 $0x4000, v48;
	[tilespmem:v48+s6+$0x0] =	vst.idx.add.f32.msk $0xffff, v14  }
0x173: {  	v41 =	vor.u32 $0x6000, v21;
	v40 =	vor.u32 $0x6000, v47;
	v42 =	vor.u32 $0x5000, v48;
	v14 =	vld [tilespmem:s0+$0x80]  }
0x174: {  	v38 =	vor.u32 $0x7000, v21;
	v39 =	vor.u32 $0x6000, v48;
	v16 =	vld [tilespmem:s25+$0x80];
	v15 =	vxor.u32 v12, v15  }
0x175: {  	v35 =	vor.u32 $0x8000, v21;
	v37 =	vor.u32 $0x7000, v47;
	v36 =	vor.u32 $0x7000, v48;
	[tilespmem:v9+s6+$0x0] =	vst.idx.add.f32.msk $0xffff, v15  }
0x176: {  	v32 =	vor.u32 $0x9000, v21;
	v34 =	vor.u32 $0x8000, v47;
	v33 =	vor.u32 $0x8000, v48;
	v9 =	vld [tilespmem:s29+$0x100]  }
0x177: {  	v57 =	vor.u32 $0x2000, v11;
	v31 =	vor.u32 $0x9000, v47;
	v30 =	vor.u32 $0x9000, v48;
	v18 =	vld [tilespmem:s14+$0x80]  }
0x178: {  	v29 =	vor.u32 $0xA000, v21;
	v28 =	vor.u32 $0xA000, v47;
	v14 =	vxor.u32 v3, v14;
	v58 =	vld [tilespmem:s2+$0x0]  }
0x179: {  	v25 =	vor.u32 $0xB000, v21;
	v27 =	vor.u32 $0xA000, v48;
	[tilespmem:v22+s6+$0x0] =	vst.idx.add.f32.msk $0xffff, v14;
	v14 =	vxor.u32 v46, v16  }
0x17a: {  	v23 =	vor.u32 $0xC000, v21;
	v26 =	vor.u32 $0xB000, v47;
	v24 =	vor.u32 $0xB000, v48;
	[tilespmem:v8+s6+$0x0] =	vst.idx.add.f32.msk $0xffff, v14  }
0x17b: {  	v19 =	vor.u32 $0xC000, v48;
	v20 =	vor.u32 $0xC000, v47;
	v59 =	vld [tilespmem:s0+$0x100];
	v8 =	vxor.u32 v12, v9  }
0x17c: {  	v17 =	vor.u32 $0xD000, v21;
	v15 =	vor.u32 $0xD000, v47;
	v9 =	vxor.u32 v10, v18;
	[tilespmem:v57+s6+$0x0] =	vst.idx.add.f32.msk $0xffff, v8  }
0x17d: {  	v16 =	vor.u32 $0xD000, v48;
	v14 =	vor.u32 $0xE000, v21;
	v8 =	vor.u32 $0xE000, v47;
	v57 =	vld [tilespmem:s29+$0x180]  }
0x17e: {  	v60 =	vor.u32 $0x3000, v11;
	v18 =	vxor.u32 v1, v58;
	v1 =	vmovc v46;
	[tilespmem:v13+s6+$0x0] =	vst.idx.add.f32.msk $0xffff, v9;
	v9 =	vor.u32 $0xE000, v48  }
0x17f: {  	v22 =	vor.u32 $0xF000, v21;
	v21 =	vor.u32 $0xF000, v47;
	v13 =	vor.u32 $0xF000, v48;
	v46 =	vld [tilespmem:s25+$0x100]  }
0x180: {  	v47 =	vxor.u32 v3, v59;
	v48 =	vld [tilespmem:s14+$0x100]  }
0x181: {  	[tilespmem:v49+s6+$0x0] =	vst.idx.add.f32.msk $0xffff, v47  }
0x182: {  	v47 =	vld [tilespmem:s0+$0x180];
	v49 =	vxor.u32 v12, v57  }
0x183: {  	[tilespmem:v60+s6+$0x0] =	vst.idx.add.f32.msk $0xffff, v49  }
0x184: {  	v46 =	vxor.u32 v1, v46;
	v49 =	vld [tilespmem:s29+$0x200]  }
0x185: {  	[tilespmem:v50+s6+$0x0] =	vst.idx.add.f32.msk $0xffff, v46;
	v46 =	vxor.u32 v10, v48;
	v48 =	vor.u32 $0x4000, v11  }
0x186: {  	[tilespmem:v52+s6+$0x0] =	vst.idx.add.f32.msk $0xffff, v46  }
0x187: {  	v46 =	vxor.u32 v3, v47;
	v47 =	vld [tilespmem:s25+$0x180]  }
0x188: {  	v50 =	vld [tilespmem:s14+$0x180]  }
0x189: {  	[tilespmem:v51+s6+$0x0] =	vst.idx.add.f32.msk $0xffff, v46;
	v46 =	vxor.u32 v12, v49  }
0x18a: {  	[tilespmem:v48+s6+$0x0] =	vst.idx.add.f32.msk $0xffff, v46  }
0x18b: {  	v46 =	vld [tilespmem:s29+$0x280]  }
0x18c: {  	v49 =	vor.u32 $0x5000, v11;
	v48 =	vld [tilespmem:s0+$0x200];
	v47 =	vxor.u32 v1, v47  }
0x18d: {  	[tilespmem:v53+s6+$0x0] =	vst.idx.add.f32.msk $0xffff, v47;
	v47 =	vxor.u32 v10, v50  }
0x18e: {  	[tilespmem:v55+s6+$0x0] =	vst.idx.add.f32.msk $0xffff, v47  }
0x18f: {  	v47 =	vld [tilespmem:s25+$0x200]  }
0x190: {  	v50 =	vld [tilespmem:s14+$0x200];
	v46 =	vxor.u32 v12, v46  }
0x191: {  	v48 =	vxor.u32 v3, v48;
	[tilespmem:v49+s6+$0x0] =	vst.idx.add.f32.msk $0xffff, v46  }
0x192: {  	v46 =	vld [tilespmem:s29+$0x300]  }
0x193: {  	[tilespmem:v54+s6+$0x0] =	vst.idx.add.f32.msk $0xffff, v48;
	v48 =	vor.u32 $0x6000, v11  }
0x194: {  	v49 =	vld [tilespmem:s0+$0x280];
	v47 =	vxor.u32 v1, v47  }
0x195: {  	[tilespmem:v45+s6+$0x0] =	vst.idx.add.f32.msk $0xffff, v47;
	v45 =	vxor.u32 v10, v50  }
0x196: {  	[tilespmem:v56+s6+$0x0] =	vst.idx.add.f32.msk $0xffff, v45  }
0x197: {  	v45 =	vld [tilespmem:s25+$0x280];
	v46 =	vxor.u32 v12, v46  }
0x198: {  	[tilespmem:v48+s6+$0x0] =	vst.idx.add.f32.msk $0xffff, v46  }
0x199: {  	v46 =	vxor.u32 v3, v49;
	v47 =	vld [tilespmem:s29+$0x380]  }
0x19a: {  	v49 =	vor.u32 $0x7000, v11;
	v48 =	vld [tilespmem:s14+$0x280]  }
0x19b: {  	[tilespmem:v44+s6+$0x0] =	vst.idx.add.f32.msk $0xffff, v46  }
0x19c: {  	v44 =	vld [tilespmem:s0+$0x300];
	v45 =	vxor.u32 v1, v45  }
0x19d: {  	[tilespmem:v43+s6+$0x0] =	vst.idx.add.f32.msk $0xffff, v45  }
0x19e: {  	s2 =	sor.u32 $0x2000, s13;
	v43 =	vld [tilespmem:s25+$0x300];
	v45 =	vxor.u32 v12, v47  }
0x19f: {  	s5 =	sor.u32 s21, s2;
	s9 =	sor.u32 s23, s2;
	s7 =	sor.u32 s22, s2;
	v46 =	vxor.u32 v10, v48;
	[tilespmem:v49+s6+$0x0] =	vst.idx.add.f32.msk $0xffff, v45  }
0x1a0: {  	s2 =	sor.u32 s24, s2;
	v45 =	vld [tilespmem:s7+$0x0]  }
0x1a1: {  	v44 =	vxor.u32 v3, v44;
	[tilespmem:v42+s6+$0x0] =	vst.idx.add.f32.msk $0xffff, v46;
	v42 =	vor.u32 $0x8000, v11  }
0x1a2: {  	v46 =	vld [tilespmem:s14+$0x300]  }
0x1a3: {  	[tilespmem:v41+s6+$0x0] =	vst.idx.add.f32.msk $0xffff, v44;
	v41 =	vxor.u32 v1, v43  }
0x1a4: {  	[tilespmem:v40+s6+$0x0] =	vst.idx.add.f32.msk $0xffff, v41  }
0x1a5: {  	v40 =	vld [tilespmem:s0+$0x380];
	s0 =	sor.u32 $0x2080, s13;
	v41 =	vxor.u32 v12, v45  }
0x1a6: {  	s26 =	sor.u32 s21, s0;
	s7 =	sor.u32 s23, s0;
	[tilespmem:v42+s6+$0x0] =	vst.idx.add.f32.msk $0xffff, v41;
	s10 =	sor.u32 s22, s0  }
0x1a7: {  	s29 =	sor.u32 s24, s0;
	v41 =	vxor.u32 v10, v46;
	v42 =	vld [tilespmem:s10+$0x0]  }
0x1a8: {  	[tilespmem:v39+s6+$0x0] =	vst.idx.add.f32.msk $0xffff, v41;
	v39 =	vor.u32 $0x9000, v11  }
0x1a9: {  	v41 =	vld [tilespmem:s25+$0x380]  }
0x1aa: {  	v40 =	vxor.u32 v3, v40;
	v43 =	vld [tilespmem:s14+$0x380]  }
0x1ab: {  	[tilespmem:v38+s6+$0x0] =	vst.idx.add.f32.msk $0xffff, v40  }
0x1ac: {  	s0 =	sor.u32 $0x2100, s13;
	v38 =	vld [tilespmem:s5+$0x0];
	v40 =	vxor.u32 v12, v42  }
0x1ad: {  	s10 =	sor.u32 s22, s0;
	s14 =	sor.u32 s21, s0;
	s5 =	sor.u32 s23, s0;
	[tilespmem:v39+s6+$0x0] =	vst.idx.add.f32.msk $0xffff, v40  }
0x1ae: {  	s0 =	sor.u32 s24, s0;
	v39 =	vxor.u32 v1, v41;
	v40 =	vld [tilespmem:s10+$0x0]  }
0x1af: {  	[tilespmem:v37+s6+$0x0] =	vst.idx.add.f32.msk $0xffff, v39;
	v37 =	vxor.u32 v10, v43;
	v39 =	vor.u32 $0xA000, v11  }
0x1b0: {  	[tilespmem:v36+s6+$0x0] =	vst.idx.add.f32.msk $0xffff, v37  }
0x1b1: {  	v36 =	vxor.u32 v3, v38;
	v37 =	vld [tilespmem:s9+$0x0]  }
0x1b2: {  	v38 =	vld [tilespmem:s2+$0x0]  }
0x1b3: {  	s2 =	sor.u32 $0x2180, s13;
	[tilespmem:v35+s6+$0x0] =	vst.idx.add.f32.msk $0xffff, v36;
	v35 =	vxor.u32 v12, v40  }
0x1b4: {  	s30 =	sor.u32 s21, s2;
	s10 =	sor.u32 s23, s2;
	s9 =	sor.u32 s22, s2;
	[tilespmem:v39+s6+$0x0] =	vst.idx.add.f32.msk $0xffff, v35  }
0x1b5: {  	s2 =	sor.u32 s24, s2;
	v35 =	vld [tilespmem:s9+$0x0]  }
0x1b6: {  	v39 =	vor.u32 $0xB000, v11;
	v36 =	vld [tilespmem:s26+$0x0];
	v37 =	vxor.u32 v1, v37  }
0x1b7: {  	[tilespmem:v34+s6+$0x0] =	vst.idx.add.f32.msk $0xffff, v37;
	v34 =	vxor.u32 v10, v38  }
0x1b8: {  	[tilespmem:v33+s6+$0x0] =	vst.idx.add.f32.msk $0xffff, v34  }
0x1b9: {  	v33 =	vld [tilespmem:s7+$0x0]  }
0x1ba: {  	s9 =	sor.u32 $0x2200, s13;
	v34 =	vld [tilespmem:s29+$0x0];
	v35 =	vxor.u32 v12, v35  }
0x1bb: {  	s25 =	sor.u32 s23, s9;
	s26 =	sor.u32 s22, s9;
	s7 =	sor.u32 s21, s9;
	v36 =	vxor.u32 v3, v36;
	[tilespmem:v39+s6+$0x0] =	vst.idx.add.f32.msk $0xffff, v35  }
0x1bc: {  	s31 =	sor.u32 s24, s9;
	v35 =	vld [tilespmem:s26+$0x0]  }
0x1bd: {  	[tilespmem:v32+s6+$0x0] =	vst.idx.add.f32.msk $0xffff, v36;
	v32 =	vor.u32 $0xC000, v11  }
0x1be: {  	v36 =	vld [tilespmem:s14+$0x0];
	v33 =	vxor.u32 v1, v33  }
0x1bf: {  	[tilespmem:v31+s6+$0x0] =	vst.idx.add.f32.msk $0xffff, v33;
	v31 =	vxor.u32 v10, v34  }
0x1c0: {  	[tilespmem:v30+s6+$0x0] =	vst.idx.add.f32.msk $0xffff, v31  }
0x1c1: {  	s14 =	sor.u32 $0x2280, s13;
	v30 =	vld [tilespmem:s5+$0x0];
	v31 =	vxor.u32 v12, v35  }
0x1c2: {  	s9 =	sor.u32 s21, s14;
	s29 =	sor.u32 s23, s14;
	s26 =	sor.u32 s22, s14;
	[tilespmem:v32+s6+$0x0] =	vst.idx.add.f32.msk $0xffff, v31  }
0x1c3: {  	s5 =	sor.u32 s24, s14;
	v31 =	vxor.u32 v3, v36;
	v32 =	vld [tilespmem:s26+$0x0]  }
0x1c4: {  	v34 =	vor.u32 $0xD000, v11;
	v33 =	vld [tilespmem:s0+$0x0]  }
0x1c5: {  	[tilespmem:v29+s6+$0x0] =	vst.idx.add.f32.msk $0xffff, v31  }
0x1c6: {  	v29 =	vld [tilespmem:s30+$0x0];
	v30 =	vxor.u32 v1, v30  }
0x1c7: {  	[tilespmem:v28+s6+$0x0] =	vst.idx.add.f32.msk $0xffff, v30  }
0x1c8: {  	s0 =	sor.u32 $0x2300, s13;
	v28 =	vld [tilespmem:s10+$0x0];
	v30 =	vxor.u32 v12, v32  }
0x1c9: {  	s14 =	sor.u32 s22, s0;
	s30 =	sor.u32 s23, s0;
	s10 =	sor.u32 s21, s0;
	v31 =	vxor.u32 v10, v33;
	[tilespmem:v34+s6+$0x0] =	vst.idx.add.f32.msk $0xffff, v30  }
0x1ca: {  	s0 =	sor.u32 s24, s0;
	v30 =	vld [tilespmem:s14+$0x0]  }
0x1cb: {  	v29 =	vxor.u32 v3, v29;
	[tilespmem:v27+s6+$0x0] =	vst.idx.add.f32.msk $0xffff, v31;
	v27 =	vor.u32 $0xE000, v11  }
0x1cc: {  	v31 =	vld [tilespmem:s2+$0x0]  }
0x1cd: {  	[tilespmem:v25+s6+$0x0] =	vst.idx.add.f32.msk $0xffff, v29;
	v25 =	vxor.u32 v1, v28  }
0x1ce: {  	[tilespmem:v26+s6+$0x0] =	vst.idx.add.f32.msk $0xffff, v25  }
0x1cf: {  	v25 =	vld [tilespmem:s7+$0x0];
	s7 =	sor.u32 $0x2380, s13;
	v26 =	vxor.u32 v12, v30  }
0x1d0: {  	s14 =	sor.u32 s21, s7;
	s2 =	sor.u32 s23, s7;
	[tilespmem:v27+s6+$0x0] =	vst.idx.add.f32.msk $0xffff, v26;
	s13 =	sor.u32 s22, s7  }
0x1d1: {  	s7 =	sor.u32 s24, s7;
	v26 =	vxor.u32 v10, v31;
	v27 =	vld [tilespmem:s13+$0x0]  }
0x1d2: {  	v11 =	vor.u32 $0xF000, v11;
	[tilespmem:v24+s6+$0x0] =	vst.idx.add.f32.msk $0xffff, v26  }
0x1d3: {  	v24 =	vld [tilespmem:s25+$0x0]  }
0x1d4: {  	v25 =	vxor.u32 v3, v25;
	v26 =	vld [tilespmem:s31+$0x0]  }
0x1d5: {  	[tilespmem:v23+s6+$0x0] =	vst.idx.add.f32.msk $0xffff, v25  }
0x1d6: {  	v23 =	vld [tilespmem:s9+$0x0];
	v12 =	vxor.u32 v12, v27  }
0x1d7: {  	[tilespmem:v11+s6+$0x0] =	vst.idx.add.f32.msk $0xffff, v12  }
0x1d8: {  	v11 =	vxor.u32 v1, v24;
	v12 =	vld [tilespmem:s19+$0x0];
	s19 =	smov.u32 s7  }
0x1d9: {  	[tilespmem:v20+s6+$0x0] =	vst.idx.add.f32.msk $0xffff, v11;
	v11 =	vxor.u32 v10, v26  }
0x1da: {  	[tilespmem:v19+s6+$0x0] =	vst.idx.add.f32.msk $0xffff, v11  }
0x1db: {  	v11 =	vxor.u32 v3, v23;
	v19 =	vld [tilespmem:s29+$0x0]  }
0x1dc: {  	v20 =	vld [tilespmem:s5+$0x0]  }
0x1dd: {  	[tilespmem:v17+s6+$0x0] =	vst.idx.add.f32.msk $0xffff, v11;
	v11 =	vxor.u32 v2, v12;
	v2 =	vmov v10  }
0x1de: {  	v10 =	vld [tilespmem:s10+$0x0]  }
.Ltmp3:
0x1df: {  	[tilespmem:v7+s6+$0x0] =	vst.idx.add.f32.msk $0xffff, v4;
	v7 =	vmov v22;
	(pc) =	sbr.rel @p0 .LBB2_5-.Ltmp3, $4  }
0x1e0: {  	v4 =	vxor.u32 v1, v19;
	[tilespmem:v6+s6+$0x0] =	vst.idx.add.f32.msk $0xffff, v18;
	v6 =	vmov v21  }
0x1e1: {  	[tilespmem:v15+s6+$0x0] =	vst.idx.add.f32.msk $0xffff, v4;
	v4 =	vxor.u32 v2, v20  }
0x1e2: {  	[tilespmem:v16+s6+$0x0] =	vst.idx.add.f32.msk $0xffff, v4  }
0x1e3: {  	s20 =	sadd.s32 $0x200, s20;
	v10 =	vxor.u32 v3, v10;
	v4 =	vld [tilespmem:s30+$0x0]  }
0x1e4: {  	_ = 	snop  }
0x1e5: {  	v12 =	vld [tilespmem:s0+$0x0];
	_ =	sdelay $0x2  }
0x1e6: {  	[tilespmem:v14+s6+$0x0] =	vst.idx.add.f32.msk $0xffff, v10  }
0x1e7: {  	v10 =	vld [tilespmem:s14+$0x0];
	v4 =	vxor.u32 v1, v4  }
0x1e8: {  	v12 =	vxor.u32 v2, v12;
	[tilespmem:v8+s6+$0x0] =	vst.idx.add.f32.msk $0xffff, v4  }
0x1e9: {  	[tilespmem:v9+s6+$0x0] =	vst.idx.add.f32.msk $0xffff, v12  }
0x1ea: {  	v4 =	vld [tilespmem:s2+$0x0]  }
0x1eb: {  	v8 =	vld [tilespmem:s19+$0x0];
	_ =	sdelay $0x2  }
0x1ec: {  	[tilespmem:v5+s6+$0x0] =	vst.idx.add.f32.msk $0xffff, v11;
	v3 =	vxor.u32 v3, v10  }
0x1ed: {  	s17 =	sshll.u32 s16, $0xB;
	p0 =	seq.s32 s16, $0x1F;
	[tilespmem:v7+s6+$0x0] =	vst.idx.add.f32.msk $0xffff, v3;
	v1 =	vxor.u32 v1, v4  }
0x1ee: {  	s0 =	sadd.s32 @!p0 $0x800, s17;
	s5 =	simm.s32 @!p0 $0x2000;
	s7 =	simm.s32 @!p0 $0x80000;
	v2 =	vxor.u32 v2, v8;
	[tilespmem:v6+s6+$0x0] =	vst.idx.add.f32.msk $0xffff, v1  }
0x1ef: {  	s9 =	simm.s32 @!p0 $0x0;
	s2 =	sadd.s32 @!p0 s0, s4;
	s0 =	sshrl.u32 @!p0 s0, $0x3;
	[tilespmem:v13+s6+$0x0] =	vst.idx.add.f32.msk $0xffff, v2  }
0x1f0: {  	[tilespmem:s9], [sflag:$0x1] =	stream.strided.gather @!p0 [hbm4b:s2+s5], $0x4000, s7, s5, $0x38;
	[tilespmem:$0x18800] =	vst v63  }
0x1f1: {  	s0 =	sadd.s32 @!p0 s1, s0;
	s2 =	simm.s32 @!p0 $0x8000  }
0x1f2: {  	[tilespmem:s2], [sflag:$0x1] =	stream.linear.gather @!p0 [hbm4b:s0+s9], $0x80, $0x38;
	[tilespmem:$0x18800] =	vst v63  }
0x1f3: {  	s5 =	simm.s32 @!p0 $0x8100;
	s2 =	sadd.s32 @!p0 $0x10, s0  }
0x1f4: {  	[tilespmem:s5], [sflag:$0x1] =	stream.linear.gather @!p0 [hbm4b:s2+s9], $0x80, $0x38;
	[tilespmem:$0x18800] =	vst v63  }
0x1f5: {  	s2 =	sadd.s32 @!p0 $0x20, s0;
	s5 =	simm.s32 @!p0 $0x8200  }
0x1f6: {  	[tilespmem:s5], [sflag:$0x1] =	stream.linear.gather @!p0 [hbm4b:s2+s9], $0x80, $0x38;
	[tilespmem:$0x18800] =	vst v63  }
0x1f7: {  	s2 =	sadd.s32 @!p0 $0x30, s0;
	s5 =	simm.s32 @!p0 $0x8300  }
0x1f8: {  	[tilespmem:s5], [sflag:$0x1] =	stream.linear.gather @!p0 [hbm4b:s2+s9], $0x80, $0x38;
	[tilespmem:$0x18800] =	vst v63  }
0x1f9: {  	s2 =	sadd.s32 @!p0 $0x40, s0;
	s5 =	simm.s32 @!p0 $0x8400  }
0x1fa: {  	[tilespmem:s5], [sflag:$0x1] =	stream.linear.gather @!p0 [hbm4b:s2+s9], $0x80, $0x38;
	[tilespmem:$0x18800] =	vst v63  }
0x1fb: {  	s2 =	sadd.s32 @!p0 $0x50, s0;
	s5 =	simm.s32 @!p0 $0x8500  }
0x1fc: {  	[tilespmem:s5], [sflag:$0x1] =	stream.linear.gather @!p0 [hbm4b:s2+s9], $0x80, $0x38;
	[tilespmem:$0x18800] =	vst v63  }
0x1fd: {  	s2 =	sadd.s32 @!p0 $0x60, s0;
	s5 =	simm.s32 @!p0 $0x8600  }
0x1fe: {  	[tilespmem:s5], [sflag:$0x1] =	stream.linear.gather @!p0 [hbm4b:s2+s9], $0x80, $0x38;
	[tilespmem:$0x18800] =	vst v63  }
0x1ff: {  	s0 =	sadd.s32 @!p0 $0x70, s0;
	s2 =	simm.s32 @!p0 $0x8700  }
0x200: {  	[tilespmem:s2], [sflag:$0x1] =	stream.linear.gather @!p0 [hbm4b:s0+s9], $0x80, $0x38;
	[tilespmem:$0x18800] =	vst v63  }
0x201: {  	_ =	swait.ge [sflag:s12], $0x4000  }
0x202: {  	s22 =	simm.s32 $0x0;
	[sflag:s12] =	ssyncset.done $0x0  }
0x203: {  	s18 =	sand.u32 $0x1C00, s22;
	[sflag:s12] =	ssyncadd.s32 $0xFFFFC000  }
0x204: {  	s22 =	sand.u32 $0x40, s22;
	s23 =	sshrl.u32 s18, $0x2;
	_ =	swait.ge [sflag:s12], $0x400  }
0x205: {  	s21 =	sor.u32 $0x30, s22;
	s0 =	sor.u32 $0x8000, s23;
	[sflag:s12] =	ssyncset.done $0x0  }
0x206: {  	s24 =	sor.u32 s21, s0;
	[sflag:s12] =	ssyncadd.s32 $0xFFFFFC00  }
0x207: {  	v2 =	vld [tilespmem:s24+$0x80]  }
0x208: {  	s13 =	sor.u32 $0x10, s22;
	s25 =	sor.u32 s22, s0  }
0x209: {  	s28 =	sor.u32 $0x4000, s18;
	s26 =	sor.u32 s13, s0;
	v3 =	vld [tilespmem:s25+$0x80]  }
0x20a: {  	s29 =	sor.u32 s21, s28;
	v4 =	vld [tilespmem:s26+$0x80]  }
0x20b: {  	v5 =	vld [tilespmem:s29+$0x0]  }
0x20c: {  	v1 =	vand.u32 $0xFFF, v2  }
0x20d: {  	s31 =	sor.u32 s13, s28  }
0x20e: {  	s30 =	sor.u32 s22, s28;
	s19 =	sor.u32 $0x20, s22;
	v10 =	vld [tilespmem:s31+$0x0]  }
0x20f: {  	s0 =	sor.u32 s19, s0;
	v9 =	vld [tilespmem:s30+$0x0];
	v2 =	vand.u32 $0x80000000, v2;
	v8 =	vand.u32 $0xFFF, v4  }
0x210: {  	s9 =	sor.u32 $0x4080, s18;
	v11 =	vld [tilespmem:s0+$0x80];
	v7 =	vand.u32 $0xFFF, v3;
	v5 =	vxor.u32 v2, v5  }
0x211: {  	s10 =	sor.u32 s21, s9;
	[tilespmem:v1+s6+$0x0] =	vst.idx.add.f32.msk $0xffff, v5  }
0x212: {  	s2 =	sor.u32 s19, s28;
	v6 =	vand.u32 $0x80000000, v4;
	v5 =	vand.u32 $0x80000000, v3;
	v3 =	vld [tilespmem:s10+$0x0]  }
0x213: {  	v12 =	vld [tilespmem:s2+$0x0];
	v13 =	vor.u32 $0x1000, v1;
	v10 =	vxor.u32 v6, v10  }
0x214: {  	[tilespmem:v8+s6+$0x0] =	vst.idx.add.f32.msk $0xffff, v10;
	v4 =	vxor.u32 v5, v9  }
0x215: {  	s14 =	sor.u32 s22, s9;
	v9 =	vand.u32 $0xFFF, v11;
	[tilespmem:v7+s6+$0x0] =	vst.idx.add.f32.msk $0xffff, v4  }
0x216: {  	s20 =	sor.u32 s13, s9;
	v10 =	vld [tilespmem:s14+$0x0]  }
0x217: {  	s23 =	sor.u32 $0x4100, s18;
	v14 =	vor.u32 $0x1000, v7;
	v15 =	vld [tilespmem:s20+$0x0];
	v3 =	vxor.u32 v2, v3  }
0x218: {  	s24 =	sor.u32 s21, s23;
	v4 =	vand.u32 $0x80000000, v11;
	v11 =	vor.u32 $0x1000, v8;
	[tilespmem:v13+s6+$0x0] =	vst.idx.add.f32.msk $0xffff, v3  }
0x219: {  	v3 =	vxor.u32 v4, v12;
	v12 =	vld [tilespmem:s24+$0x0]  }
0x21a: {  	s0 =	sor.u32 s19, s9;
	[tilespmem:v9+s6+$0x0] =	vst.idx.add.f32.msk $0xffff, v3;
	v3 =	vor.u32 $0x2000, v1  }
0x21b: {  	v10 =	vxor.u32 v5, v10;
	v13 =	vld [tilespmem:s0+$0x0]  }
0x21c: {  	v16 =	vor.u32 $0x1000, v9;
	[tilespmem:v14+s6+$0x0] =	vst.idx.add.f32.msk $0xffff, v10;
	v10 =	vxor.u32 v6, v15  }
0x21d: {  	s25 =	sor.u32 s22, s23;
	[tilespmem:v11+s6+$0x0] =	vst.idx.add.f32.msk $0xffff, v10  }
0x21e: {  	s26 =	sor.u32 $0x4180, s18;
	v10 =	vld [tilespmem:s25+$0x0];
	v11 =	vxor.u32 v2, v12  }
0x21f: {  	s28 =	sor.u32 s21, s26;
	v12 =	vor.u32 $0x2000, v7;
	[tilespmem:v3+s6+$0x0] =	vst.idx.add.f32.msk $0xffff, v11  }
0x220: {  	v3 =	vxor.u32 v4, v13;
	v11 =	vld [tilespmem:s28+$0x0]  }
0x221: {  	s29 =	sor.u32 s13, s23;
	[tilespmem:v16+s6+$0x0] =	vst.idx.add.f32.msk $0xffff, v3;
	v3 =	vor.u32 $0x3000, v1  }
0x222: {  	s2 =	sor.u32 s19, s23;
	v13 =	vld [tilespmem:s29+$0x0]  }
0x223: {  	v14 =	vor.u32 $0x2000, v8;
	v10 =	vxor.u32 v5, v10;
	v15 =	vld [tilespmem:s2+$0x0]  }
0x224: {  	s30 =	sor.u32 s22, s26;
	v53 =	vor.u32 $0x2000, v9;
	[tilespmem:v12+s6+$0x0] =	vst.idx.add.f32.msk $0xffff, v10  }
0x225: {  	s31 =	sor.u32 $0x4200, s18;
	v10 =	vld [tilespmem:s30+$0x0];
	v11 =	vxor.u32 v2, v11  }
0x226: {  	s9 =	sor.u32 s21, s31;
	[tilespmem:v3+s6+$0x0] =	vst.idx.add.f32.msk $0xffff, v11  }
0x227: {  	v3 =	vor.u32 $0x3000, v7;
	v11 =	vxor.u32 v6, v13;
	v12 =	vld [tilespmem:s9+$0x0]  }
0x228: {  	[tilespmem:v14+s6+$0x0] =	vst.idx.add.f32.msk $0xffff, v11;
	v11 =	vxor.u32 v4, v15  }
0x229: {  	s10 =	sor.u32 s13, s26;
	v13 =	vor.u32 $0x4000, v1;
	[tilespmem:v53+s6+$0x0] =	vst.idx.add.f32.msk $0xffff, v11  }
0x22a: {  	s0 =	sor.u32 s19, s26;
	v11 =	vld [tilespmem:s10+$0x0]  }
0x22b: {  	v14 =	vor.u32 $0x3000, v8;
	v10 =	vxor.u32 v5, v10;
	v15 =	vld [tilespmem:s0+$0x0]  }
0x22c: {  	s23 =	sor.u32 s22, s31;
	v54 =	vor.u32 $0x3000, v9;
	[tilespmem:v3+s6+$0x0] =	vst.idx.add.f32.msk $0xffff, v10  }
0x22d: {  	s14 =	sor.u32 $0x4280, s18;
	v3 =	vxor.u32 v2, v12;
	v10 =	vld [tilespmem:s23+$0x0]  }
0x22e: {  	s20 =	sor.u32 s21, s14;
	[tilespmem:v13+s6+$0x0] =	vst.idx.add.f32.msk $0xffff, v3  }
0x22f: {  	v11 =	vxor.u32 v6, v11;
	v3 =	vld [tilespmem:s20+$0x0]  }
0x230: {  	v12 =	vor.u32 $0x5000, v1;
	[tilespmem:v14+s6+$0x0] =	vst.idx.add.f32.msk $0xffff, v11;
	v11 =	vxor.u32 v4, v15  }
0x231: {  	s24 =	sor.u32 s13, s31;
	[tilespmem:v54+s6+$0x0] =	vst.idx.add.f32.msk $0xffff, v11  }
0x232: {  	v13 =	vor.u32 $0x4000, v7;
	v11 =	vld [tilespmem:s24+$0x0]  }
0x233: {  	s2 =	sor.u32 s19, s31;
	v14 =	vor.u32 $0x4000, v8  }
0x234: {  	s25 =	sor.u32 $0x4300, s18;
	v15 =	vld [tilespmem:s2+$0x0];
	v3 =	vxor.u32 v2, v3  }
0x235: {  	v55 =	vor.u32 $0x4000, v9;
	s26 =	sor.u32 s21, s25;
	[tilespmem:v12+s6+$0x0] =	vst.idx.add.f32.msk $0xffff, v3  }
0x236: {  	v3 =	vxor.u32 v5, v10;
	v10 =	vld [tilespmem:s26+$0x0]  }
0x237: {  	v11 =	vxor.u32 v6, v11;
	[tilespmem:v13+s6+$0x0] =	vst.idx.add.f32.msk $0xffff, v3  }
0x238: {  	s28 =	sor.u32 s22, s14;
	v3 =	vor.u32 $0x6000, v1;
	[tilespmem:v14+s6+$0x0] =	vst.idx.add.f32.msk $0xffff, v11  }
0x239: {  	v11 =	vxor.u32 v4, v15;
	v12 =	vld [tilespmem:s28+$0x0]  }
0x23a: {  	s29 =	sor.u32 s13, s14;
	[tilespmem:v55+s6+$0x0] =	vst.idx.add.f32.msk $0xffff, v11  }
0x23b: {  	v13 =	vor.u32 $0x5000, v7;
	v11 =	vld [tilespmem:s29+$0x0]  }
0x23c: {  	s30 =	sor.u32 $0x4380, s18;
	v14 =	vor.u32 $0x5000, v8;
	v10 =	vxor.u32 v2, v10  }
0x23d: {  	s31 =	sor.u32 s21, s30;
	[tilespmem:v3+s6+$0x0] =	vst.idx.add.f32.msk $0xffff, v10  }
0x23e: {  	s0 =	sor.u32 s19, s14;
	v3 =	vld [tilespmem:s31+$0x0]  }
0x23f: {  	v15 =	vor.u32 $0x7000, v1;
	v10 =	vxor.u32 v5, v12;
	v12 =	vld [tilespmem:s0+$0x0]  }
0x240: {  	v11 =	vxor.u32 v6, v11;
	[tilespmem:v13+s6+$0x0] =	vst.idx.add.f32.msk $0xffff, v10  }
0x241: {  	s9 =	sor.u32 s22, s25;
	v10 =	vor.u32 $0x5000, v9;
	[tilespmem:v14+s6+$0x0] =	vst.idx.add.f32.msk $0xffff, v11  }
0x242: {  	s10 =	sor.u32 s13, s25;
	v13 =	vld [tilespmem:s9+$0x0]  }
0x243: {  	s14 =	sor.u32 $0x6000, s18;
	v11 =	vor.u32 $0x6000, v7;
	v14 =	vld [tilespmem:s10+$0x0];
	v3 =	vxor.u32 v2, v3  }
0x244: {  	v56 =	vor.u32 $0x6000, v8;
	s20 =	sor.u32 s21, s14;
	[tilespmem:v15+s6+$0x0] =	vst.idx.add.f32.msk $0xffff, v3  }
0x245: {  	v3 =	vxor.u32 v4, v12;
	v12 =	vld [tilespmem:s20+$0x0]  }
0x246: {  	s23 =	sor.u32 s19, s25;
	[tilespmem:v10+s6+$0x0] =	vst.idx.add.f32.msk $0xffff, v3;
	v3 =	vor.u32 $0x8000, v1  }
0x247: {  	v10 =	vxor.u32 v5, v13;
	v13 =	vld [tilespmem:s23+$0x0]  }
0x248: {  	v15 =	vor.u32 $0x6000, v9;
	[tilespmem:v11+s6+$0x0] =	vst.idx.add.f32.msk $0xffff, v10;
	v10 =	vxor.u32 v6, v14  }
0x249: {  	s24 =	sor.u32 s22, s30;
	[tilespmem:v56+s6+$0x0] =	vst.idx.add.f32.msk $0xffff, v10  }
0x24a: {  	s25 =	sor.u32 $0x6080, s18;
	v10 =	vld [tilespmem:s24+$0x0];
	v11 =	vxor.u32 v2, v12  }
0x24b: {  	s26 =	sor.u32 s21, s25;
	v12 =	vor.u32 $0x7000, v7;
	[tilespmem:v3+s6+$0x0] =	vst.idx.add.f32.msk $0xffff, v11  }
0x24c: {  	v3 =	vxor.u32 v4, v13;
	v11 =	vld [tilespmem:s26+$0x0]  }
0x24d: {  	s28 =	sor.u32 s13, s30;
	[tilespmem:v15+s6+$0x0] =	vst.idx.add.f32.msk $0xffff, v3;
	v3 =	vor.u32 $0x9000, v1  }
0x24e: {  	s7 =	sor.u32 s19, s30;
	v13 =	vld [tilespmem:s28+$0x0]  }
0x24f: {  	v14 =	vor.u32 $0x7000, v8;
	v10 =	vxor.u32 v5, v10;
	v15 =	vld [tilespmem:s7+$0x0]  }
0x250: {  	v57 =	vor.u32 $0x7000, v9;
	s29 =	sor.u32 s22, s14;
	[tilespmem:v12+s6+$0x0] =	vst.idx.add.f32.msk $0xffff, v10  }
0x251: {  	s30 =	sor.u32 $0x6100, s18;
	v10 =	vld [tilespmem:s29+$0x0];
	v11 =	vxor.u32 v2, v11  }
0x252: {  	s31 =	sor.u32 s21, s30;
	[tilespmem:v3+s6+$0x0] =	vst.idx.add.f32.msk $0xffff, v11  }
0x253: {  	v3 =	vor.u32 $0x8000, v7;
	v11 =	vxor.u32 v6, v13;
	v12 =	vld [tilespmem:s31+$0x0]  }
0x254: {  	[tilespmem:v14+s6+$0x0] =	vst.idx.add.f32.msk $0xffff, v11;
	v11 =	vxor.u32 v4, v15  }
0x255: {  	s9 =	sor.u32 s13, s14;
	v13 =	vor.u32 $0xA000, v1;
	[tilespmem:v57+s6+$0x0] =	vst.idx.add.f32.msk $0xffff, v11  }
0x256: {  	s2 =	sor.u32 s19, s14;
	v11 =	vld [tilespmem:s9+$0x0]  }
0x257: {  	v14 =	vor.u32 $0x8000, v8;
	v10 =	vxor.u32 v5, v10;
	v15 =	vld [tilespmem:s2+$0x0]  }
0x258: {  	v58 =	vor.u32 $0x8000, v9;
	s20 =	sor.u32 s22, s25;
	[tilespmem:v3+s6+$0x0] =	vst.idx.add.f32.msk $0xffff, v10  }
0x259: {  	s10 =	sor.u32 $0x6180, s18;
	v3 =	vxor.u32 v2, v12;
	v10 =	vld [tilespmem:s20+$0x0]  }
0x25a: {  	s14 =	sor.u32 s21, s10;
	[tilespmem:v13+s6+$0x0] =	vst.idx.add.f32.msk $0xffff, v3  }
0x25b: {  	v11 =	vxor.u32 v6, v11;
	v3 =	vld [tilespmem:s14+$0x0]  }
0x25c: {  	v12 =	vor.u32 $0xB000, v1;
	[tilespmem:v14+s6+$0x0] =	vst.idx.add.f32.msk $0xffff, v11;
	v11 =	vxor.u32 v4, v15  }
0x25d: {  	s23 =	sor.u32 s13, s25;
	[tilespmem:v58+s6+$0x0] =	vst.idx.add.f32.msk $0xffff, v11  }
0x25e: {  	v13 =	vor.u32 $0x9000, v7;
	v11 =	vld [tilespmem:s23+$0x0]  }
0x25f: {  	s0 =	sor.u32 s19, s25;
	v14 =	vor.u32 $0x9000, v8  }
0x260: {  	s7 =	sor.u32 $0x6200, s18;
	v15 =	vld [tilespmem:s0+$0x0];
	v3 =	vxor.u32 v2, v3  }
0x261: {  	v59 =	vor.u32 $0x9000, v9;
	s24 =	sor.u32 s21, s7;
	[tilespmem:v12+s6+$0x0] =	vst.idx.add.f32.msk $0xffff, v3  }
0x262: {  	v3 =	vxor.u32 v5, v10;
	v10 =	vld [tilespmem:s24+$0x0]  }
0x263: {  	v11 =	vxor.u32 v6, v11;
	[tilespmem:v13+s6+$0x0] =	vst.idx.add.f32.msk $0xffff, v3  }
0x264: {  	s25 =	sor.u32 s22, s30;
	v3 =	vor.u32 $0xC000, v1;
	[tilespmem:v14+s6+$0x0] =	vst.idx.add.f32.msk $0xffff, v11  }
0x265: {  	v11 =	vxor.u32 v4, v15;
	v12 =	vld [tilespmem:s25+$0x0]  }
0x266: {  	s26 =	sor.u32 s13, s30;
	[tilespmem:v59+s6+$0x0] =	vst.idx.add.f32.msk $0xffff, v11  }
0x267: {  	v13 =	vor.u32 $0xA000, v7;
	v11 =	vld [tilespmem:s26+$0x0]  }
0x268: {  	v14 =	vor.u32 $0xA000, v8;
	v10 =	vxor.u32 v2, v10  }
0x269: {  	s28 =	sor.u32 s19, s30;
	s29 =	sor.u32 $0x6280, s18;
	[tilespmem:v3+s6+$0x0] =	vst.idx.add.f32.msk $0xffff, v10  }
0x26a: {  	s30 =	sor.u32 s21, s29;
	v3 =	vld [tilespmem:s28+$0x0]  }
0x26b: {  	v10 =	vor.u32 $0xA000, v9;
	v12 =	vxor.u32 v5, v12;
	v15 =	vld [tilespmem:s30+$0x0]  }
0x26c: {  	v11 =	vxor.u32 v6, v11;
	[tilespmem:v13+s6+$0x0] =	vst.idx.add.f32.msk $0xffff, v12  }
0x26d: {  	s31 =	sor.u32 s22, s10;
	v12 =	vor.u32 $0xD000, v1;
	[tilespmem:v14+s6+$0x0] =	vst.idx.add.f32.msk $0xffff, v11  }
0x26e: {  	s9 =	sor.u32 s13, s10;
	v13 =	vld [tilespmem:s31+$0x0]  }
0x26f: {  	v11 =	vor.u32 $0xB000, v7;
	v14 =	vld [tilespmem:s9+$0x0];
	v3 =	vxor.u32 v4, v3  }
0x270: {  	v60 =	vor.u32 $0xB000, v8;
	s10 =	sor.u32 s19, s10;
	[tilespmem:v10+s6+$0x0] =	vst.idx.add.f32.msk $0xffff, v3  }
0x271: {  	s14 =	sor.u32 $0x6300, s18;
	v3 =	vxor.u32 v2, v15;
	v10 =	vld [tilespmem:s10+$0x0]  }
0x272: {  	s20 =	sor.u32 s21, s14;
	[tilespmem:v12+s6+$0x0] =	vst.idx.add.f32.msk $0xffff, v3  }
0x273: {  	v15 =	vor.u32 $0xB000, v9;
	v12 =	vxor.u32 v5, v13;
	v3 =	vld [tilespmem:s20+$0x0]  }
0x274: {  	[tilespmem:v11+s6+$0x0] =	vst.idx.add.f32.msk $0xffff, v12;
	v11 =	vxor.u32 v6, v14  }
0x275: {  	s23 =	sor.u32 s22, s7;
	[tilespmem:v60+s6+$0x0] =	vst.idx.add.f32.msk $0xffff, v11  }
0x276: {  	v12 =	vor.u32 $0xE000, v1;
	v11 =	vld [tilespmem:s23+$0x0]  }
0x277: {  	v13 =	vor.u32 $0xC000, v7;
	v10 =	vxor.u32 v4, v10  }
0x278: {  	s24 =	sor.u32 s13, s7;
	[tilespmem:v15+s6+$0x0] =	vst.idx.add.f32.msk $0xffff, v10  }
0x279: {  	s7 =	sor.u32 s19, s7;
	v10 =	vld [tilespmem:s24+$0x0]  }
0x27a: {  	v14 =	vor.u32 $0xC000, v8;
	v3 =	vxor.u32 v2, v3;
	v15 =	vld [tilespmem:s7+$0x0]  }
0x27b: {  	v61 =	vor.u32 $0xC000, v9;
	[tilespmem:v12+s6+$0x0] =	vst.idx.add.f32.msk $0xffff, v3;
	v11 =	vxor.u32 v5, v11  }
0x27c: {  	s26 =	sor.u32 s22, s29;
	s20 =	sor.u32 $0x6380, s18;
	[tilespmem:v13+s6+$0x0] =	vst.idx.add.f32.msk $0xffff, v11  }
0x27d: {  	s25 =	sor.u32 s21, s20;
	v11 =	vld [tilespmem:s26+$0x0]  }
0x27e: {  	v12 =	vor.u32 $0xD000, v7;
	v3 =	vld [tilespmem:s25+$0x0];
	v10 =	vxor.u32 v6, v10  }
0x27f: {  	[tilespmem:v14+s6+$0x0] =	vst.idx.add.f32.msk $0xffff, v10;
	v10 =	vxor.u32 v4, v15  }
0x280: {  	s5 =	sor.u32 s19, s29;
	s28 =	sor.u32 s13, s29;
	[tilespmem:v61+s6+$0x0] =	vst.idx.add.f32.msk $0xffff, v10  }
0x281: {  	s2 =	sor.u32 s19, s14;
	s31 =	simm.s32 $0x200;
	v1 =	vor.u32 $0xF000, v1;
	s18 =	simm.s32 $0x40;
	v10 =	vld [tilespmem:s28+$0x0]  }
0x282: {  	s29 =	sor.u32 s22, s14;
	s21 =	sand.u32 $0x40, s18;
	s24 =	sand.u32 $0x1C00, s31;
	v13 =	vor.u32 $0xD000, v8;
	v14 =	vld [tilespmem:s5+$0x0];
	v11 =	vxor.u32 v5, v11  }
0x283: {  	s30 =	sor.u32 s13, s14;
	s14 =	sor.u32 $0x4000, s24;
	s25 =	sor.u32 $0x30, s21;
	v15 =	vor.u32 $0xD000, v9;
	[tilespmem:v12+s6+$0x0] =	vst.idx.add.f32.msk $0xffff, v11  }
0x284: {  	s26 =	sor.u32 s25, s14;
	v2 =	vxor.u32 v2, v3;
	v3 =	vld [tilespmem:s29+$0x0]  }
0x285: {  	v20 =	vld [tilespmem:s26+$0x0]  }
0x286: {  	[tilespmem:v1+s6+$0x0] =	vst.idx.add.f32.msk $0xffff, v2;
	v11 =	vor.u32 $0xE000, v7;
	v1 =	vxor.u32 v6, v10  }
0x287: {  	[tilespmem:v13+s6+$0x0] =	vst.idx.add.f32.msk $0xffff, v1;
	v1 =	vxor.u32 v4, v14  }
0x288: {  	[tilespmem:v15+s6+$0x0] =	vst.idx.add.f32.msk $0xffff, v1  }
0x289: {  	v2 =	vxor.u32 v5, v3;
	v3 =	vld [tilespmem:s2+$0x0];
	s2 =	sshrl.u32 s24, $0x2  }
0x28a: {  	v1 =	vld [tilespmem:s30+$0x0];
	s0 =	sor.u32 $0x8000, s2  }
0x28b: {  	s23 =	sor.u32 $0x20, s21;
	[tilespmem:v11+s6+$0x0] =	vst.idx.add.f32.msk $0xffff, v2;
	s7 =	sor.u32 s25, s0  }
0x28c: {  	s5 =	sor.u32 s22, s20;
	s22 =	sor.u32 $0x10, s21;
	s9 =	sor.u32 s21, s0;
	v2 =	vld [tilespmem:s7+$0x80]  }
0x28d: {  	s10 =	sor.u32 s22, s0;
	s0 =	sor.u32 s23, s0;
	v62 =	vld [tilespmem:s9+$0x80]  }
0x28e: {  	s28 =	sor.u32 s21, s14;
	v12 =	vor.u32 $0xE000, v8;
	v18 =	vld [tilespmem:s0+$0x80]  }
0x28f: {  	v21 =	vld [tilespmem:s28+$0x0];
	s29 =	sor.u32 s22, s14  }
0x290: {  	v19 =	vor.u32 $0xE000, v9;
	v22 =	vld [tilespmem:s29+$0x0];
	s30 =	sor.u32 s23, s14  }
0x291: {  	v23 =	vld [tilespmem:s30+$0x0];
	v15 =	vand.u32 $0xFFF, v2  }
0x292: {  	v17 =	vld [tilespmem:s10+$0x80];
	v1 =	vxor.u32 v6, v1;
	v11 =	vand.u32 $0xFFF, v62  }
0x293: {  	[tilespmem:v12+s6+$0x0] =	vst.idx.add.f32.msk $0xffff, v1;
	v12 =	vand.u32 $0xFFF, v18  }
0x294: {  	v10 =	vld [tilespmem:s5+$0x0];
	v3 =	vxor.u32 v4, v3;
	v13 =	vand.u32 $0x80000000, v2  }
0x295: {  	[tilespmem:v19+s6+$0x0] =	vst.idx.add.f32.msk $0xffff, v3;
	v3 =	vand.u32 $0x80000000, v62;
	v1 =	vxor.u32 v13, v20  }
0x296: {  	v2 =	vand.u32 $0x80000000, v18;
	v16 =	vxor.u32 v3, v21;
	[tilespmem:v15+s6+$0x0] =	vst.idx.add.f32.msk $0xffff, v1  }
0x297: {  	s31 =	sor.u32 $0x4080, s24;
	v26 =	vxor.u32 v2, v23;
	[tilespmem:v11+s6+$0x0] =	vst.idx.add.f32.msk $0xffff, v16  }
0x298: {  	s7 =	sor.u32 s25, s31;
	v14 =	vand.u32 $0xFFF, v17;
	[tilespmem:v12+s6+$0x0] =	vst.idx.add.f32.msk $0xffff, v26  }
0x299: {  	s28 =	sor.u32 s13, s20;
	v63 =	vld [tilespmem:s7+$0x0]  }
0x29a: {  	s9 =	sor.u32 s21, s31;
	v25 =	vor.u32 $0x1000, v15;
	v16 =	vld [tilespmem:s28+$0x0]  }
0x29b: {  	s0 =	sor.u32 s23, s31;
	v1 =	vand.u32 $0x80000000, v17;
	v27 =	vld [tilespmem:s9+$0x0]  }
0x29c: {  	v28 =	vor.u32 $0x1000, v11;
	v24 =	vxor.u32 v1, v22;
	v31 =	vld [tilespmem:s0+$0x0]  }
0x29d: {  	s10 =	sor.u32 s22, s31;
	[tilespmem:v14+s6+$0x0] =	vst.idx.add.f32.msk $0xffff, v24;
	v24 =	vor.u32 $0x1000, v12  }
0x29e: {  	s14 =	sor.u32 $0x4100, s24;
	v29 =	vld [tilespmem:s10+$0x0];
	v17 =	vxor.u32 v13, v63  }
0x29f: {  	s26 =	sor.u32 s25, s14;
	[tilespmem:v25+s6+$0x0] =	vst.idx.add.f32.msk $0xffff, v17  }
0x2a0: {  	v30 =	vor.u32 $0x1000, v14;
	v18 =	vxor.u32 v3, v27;
	v17 =	vld [tilespmem:s26+$0x0]  }
0x2a1: {  	v32 =	vor.u32 $0x2000, v15;
	v36 =	vxor.u32 v2, v31;
	[tilespmem:v28+s6+$0x0] =	vst.idx.add.f32.msk $0xffff, v18  }
0x2a2: {  	s29 =	sor.u32 s21, s14;
	[tilespmem:v24+s6+$0x0] =	vst.idx.add.f32.msk $0xffff, v36  }
0x2a3: {  	s2 =	sor.u32 s23, s14;
	v34 =	vld [tilespmem:s29+$0x0]  }
0x2a4: {  	v35 =	vor.u32 $0x2000, v11;
	v33 =	vxor.u32 v1, v29;
	v40 =	vld [tilespmem:s2+$0x0]  }
0x2a5: {  	s30 =	sor.u32 $0x4180, s24;
	v41 =	vor.u32 $0x2000, v12;
	[tilespmem:v30+s6+$0x0] =	vst.idx.add.f32.msk $0xffff, v33;
	v17 =	vxor.u32 v13, v17  }
0x2a6: {  	s31 =	sor.u32 s25, s30;
	[tilespmem:v32+s6+$0x0] =	vst.idx.add.f32.msk $0xffff, v17  }
0x2a7: {  	s7 =	sor.u32 s22, s14;
	v37 =	vld [tilespmem:s31+$0x0]  }
0x2a8: {  	v38 =	vor.u32 $0x3000, v15;
	v21 =	vld [tilespmem:s7+$0x0];
	v18 =	vxor.u32 v3, v34  }
0x2a9: {  	v46 =	vxor.u32 v2, v40;
	[tilespmem:v35+s6+$0x0] =	vst.idx.add.f32.msk $0xffff, v18  }
0x2aa: {  	v39 =	vor.u32 $0x2000, v14;
	s9 =	sor.u32 s21, s30;
	[tilespmem:v41+s6+$0x0] =	vst.idx.add.f32.msk $0xffff, v46  }
0x2ab: {  	s0 =	sor.u32 s23, s30;
	v18 =	vld [tilespmem:s9+$0x0]  }
0x2ac: {  	v43 =	vor.u32 $0x3000, v11;
	s10 =	sor.u32 $0x4200, s24;
	v50 =	vld [tilespmem:s0+$0x0];
	v42 =	vxor.u32 v13, v37  }
0x2ad: {  	v51 =	vor.u32 $0x3000, v12;
	s13 =	sor.u32 s25, s10;
	[tilespmem:v38+s6+$0x0] =	vst.idx.add.f32.msk $0xffff, v42  }
0x2ae: {  	v44 =	vxor.u32 v1, v21;
	v45 =	vld [tilespmem:s13+$0x0]  }
0x2af: {  	v47 =	vor.u32 $0x4000, v15;
	s14 =	sor.u32 s22, s30;
	[tilespmem:v39+s6+$0x0] =	vst.idx.add.f32.msk $0xffff, v44  }
0x2b0: {  	v48 =	vld [tilespmem:s14+$0x0];
	v18 =	vxor.u32 v3, v18  }
0x2b1: {  	v54 =	vxor.u32 v2, v50;
	[tilespmem:v43+s6+$0x0] =	vst.idx.add.f32.msk $0xffff, v18  }
0x2b2: {  	v49 =	vor.u32 $0x3000, v14;
	s29 =	sor.u32 s21, s10;
	[tilespmem:v51+s6+$0x0] =	vst.idx.add.f32.msk $0xffff, v54  }
0x2b3: {  	s26 =	sor.u32 $0x4280, s24;
	v18 =	vld [tilespmem:s29+$0x0];
	v52 =	vxor.u32 v13, v45  }
0x2b4: {  	v55 =	vor.u32 $0x4000, v11;
	s28 =	sor.u32 s25, s26;
	[tilespmem:v47+s6+$0x0] =	vst.idx.add.f32.msk $0xffff, v52  }
0x2b5: {  	s2 =	sor.u32 s23, s10;
	v17 =	vld [tilespmem:s28+$0x0]  }
0x2b6: {  	v53 =	vor.u32 $0x5000, v15;
	v19 =	vxor.u32 v1, v48;
	v58 =	vld [tilespmem:s2+$0x0]  }
0x2b7: {  	s30 =	sor.u32 s22, s10;
	[tilespmem:v49+s6+$0x0] =	vst.idx.add.f32.msk $0xffff, v19  }
0x2b8: {  	v59 =	vor.u32 $0x4000, v12;
	v56 =	vld [tilespmem:s30+$0x0];
	v60 =	vxor.u32 v3, v18  }
0x2b9: {  	s9 =	sor.u32 s21, s26;
	[tilespmem:v55+s6+$0x0] =	vst.idx.add.f32.msk $0xffff, v60  }
0x2ba: {  	v57 =	vor.u32 $0x4000, v14;
	s31 =	sor.u32 $0x4300, s24;
	v63 =	vld [tilespmem:s9+$0x0];
	v17 =	vxor.u32 v13, v17  }
0x2bb: {  	s7 =	sor.u32 s25, s31;
	[tilespmem:v53+s6+$0x0] =	vst.idx.add.f32.msk $0xffff, v17  }
0x2bc: {  	v26 =	vor.u32 $0x5000, v11;
	v25 =	vxor.u32 v2, v58;
	v61 =	vld [tilespmem:s7+$0x0]  }
0x2bd: {  	v62 =	vor.u32 $0x6000, v15;
	s0 =	sor.u32 s23, s26;
	[tilespmem:v59+s6+$0x0] =	vst.idx.add.f32.msk $0xffff, v25  }
0x2be: {  	v19 =	vxor.u32 v1, v56;
	v30 =	vld [tilespmem:s0+$0x0]  }
0x2bf: {  	s10 =	sor.u32 s22, s26;
	v32 =	vor.u32 $0x5000, v12;
	[tilespmem:v57+s6+$0x0] =	vst.idx.add.f32.msk $0xffff, v19  }
0x2c0: {  	v27 =	vld [tilespmem:s10+$0x0];
	v29 =	vxor.u32 v3, v63  }
0x2c1: {  	s13 =	sor.u32 $0x4380, s24;
	[tilespmem:v26+s6+$0x0] =	vst.idx.add.f32.msk $0xffff, v29;
	v18 =	vxor.u32 v13, v61  }
0x2c2: {  	v28 =	vor.u32 $0x5000, v14;
	s14 =	sor.u32 s25, s13;
	[tilespmem:v62+s6+$0x0] =	vst.idx.add.f32.msk $0xffff, v18  }
0x2c3: {  	v35 =	vxor.u32 v2, v30;
	v17 =	vld [tilespmem:s14+$0x0]  }
0x2c4: {  	v31 =	vor.u32 $0x7000, v15;
	s26 =	sor.u32 s21, s31;
	[tilespmem:v32+s6+$0x0] =	vst.idx.add.f32.msk $0xffff, v35  }
0x2c5: {  	s28 =	sor.u32 s22, s31;
	s31 =	sor.u32 s23, s31;
	v21 =	vld [tilespmem:s26+$0x0]  }
0x2c6: {  	v33 =	vor.u32 $0x6000, v11;
	v19 =	vxor.u32 v1, v27;
	v39 =	vld [tilespmem:s31+$0x0]  }
0x2c7: {  	v40 =	vor.u32 $0x6000, v12;
	[tilespmem:v28+s6+$0x0] =	vst.idx.add.f32.msk $0xffff, v19  }
0x2c8: {  	s29 =	sor.u32 $0x6000, s24;
	v22 =	vld [tilespmem:s28+$0x0];
	v17 =	vxor.u32 v13, v17  }
0x2c9: {  	s30 =	sor.u32 s25, s29;
	[tilespmem:v31+s6+$0x0] =	vst.idx.add.f32.msk $0xffff, v17  }
0x2ca: {  	v34 =	vor.u32 $0x6000, v14;
	v38 =	vxor.u32 v3, v21;
	v36 =	vld [tilespmem:s30+$0x0]  }
0x2cb: {  	v37 =	vor.u32 $0x8000, v15;
	v45 =	vxor.u32 v2, v39;
	[tilespmem:v33+s6+$0x0] =	vst.idx.add.f32.msk $0xffff, v38  }
0x2cc: {  	s5 =	sor.u32 s21, s13;
	[tilespmem:v40+s6+$0x0] =	vst.idx.add.f32.msk $0xffff, v45  }
0x2cd: {  	s7 =	sor.u32 s23, s13;
	v42 =	vld [tilespmem:s5+$0x0]  }
0x2ce: {  	v44 =	vor.u32 $0x7000, v11;
	v41 =	vxor.u32 v1, v22;
	v23 =	vld [tilespmem:s7+$0x0]  }
0x2cf: {  	s0 =	sor.u32 $0x6080, s24;
	[tilespmem:v34+s6+$0x0] =	vst.idx.add.f32.msk $0xffff, v41;
	v43 =	vxor.u32 v13, v36  }
0x2d0: {  	v49 =	vor.u32 $0x7000, v12;
	s9 =	sor.u32 s25, s0;
	[tilespmem:v37+s6+$0x0] =	vst.idx.add.f32.msk $0xffff, v43  }
0x2d1: {  	s10 =	sor.u32 s22, s13;
	v19 =	vld [tilespmem:s9+$0x0]  }
0x2d2: {  	v46 =	vor.u32 $0x9000, v15;
	v47 =	vld [tilespmem:s10+$0x0];
	v18 =	vxor.u32 v3, v42  }
0x2d3: {  	s13 =	sor.u32 s21, s29;
	[tilespmem:v44+s6+$0x0] =	vst.idx.add.f32.msk $0xffff, v18  }
0x2d4: {  	v48 =	vor.u32 $0x7000, v14;
	v53 =	vxor.u32 v2, v23;
	v18 =	vld [tilespmem:s13+$0x0]  }
0x2d5: {  	v50 =	vor.u32 $0x8000, v11;
	s2 =	sor.u32 s23, s29;
	[tilespmem:v49+s6+$0x0] =	vst.idx.add.f32.msk $0xffff, v53  }
0x2d6: {  	s14 =	sor.u32 $0x6100, s24;
	v57 =	vld [tilespmem:s2+$0x0];
	v19 =	vxor.u32 v13, v19  }
0x2d7: {  	s26 =	sor.u32 s25, s14;
	[tilespmem:v46+s6+$0x0] =	vst.idx.add.f32.msk $0xffff, v19  }
0x2d8: {  	v58 =	vor.u32 $0x8000, v12;
	v51 =	vxor.u32 v1, v47;
	v52 =	vld [tilespmem:s26+$0x0]  }
0x2d9: {  	v54 =	vor.u32 $0xA000, v15;
	[tilespmem:v48+s6+$0x0] =	vst.idx.add.f32.msk $0xffff, v51;
	v18 =	vxor.u32 v3, v18  }
0x2da: {  	s30 =	sor.u32 s21, s0;
	[tilespmem:v50+s6+$0x0] =	vst.idx.add.f32.msk $0xffff, v18  }
0x2db: {  	s28 =	sor.u32 s22, s29;
	v18 =	vld [tilespmem:s30+$0x0]  }
0x2dc: {  	v62 =	vor.u32 $0x9000, v11;
	v55 =	vld [tilespmem:s28+$0x0];
	v61 =	vxor.u32 v2, v57  }
0x2dd: {  	v56 =	vor.u32 $0x8000, v14;
	[tilespmem:v58+s6+$0x0] =	vst.idx.add.f32.msk $0xffff, v61;
	s9 =	sor.u32 $0x6180, s24;
	v59 =	vxor.u32 v13, v52  }
0x2de: {  	s29 =	sor.u32 s25, s9;
	[tilespmem:v54+s6+$0x0] =	vst.idx.add.f32.msk $0xffff, v59  }
0x2df: {  	s31 =	sor.u32 s22, s0;
	s0 =	sor.u32 s23, s0;
	v17 =	vld [tilespmem:s29+$0x0]  }
0x2e0: {  	v60 =	vor.u32 $0xB000, v15;
	v29 =	vld [tilespmem:s0+$0x0];
	v31 =	vxor.u32 v3, v18  }
0x2e1: {  	v19 =	vxor.u32 v1, v55;
	[tilespmem:v62+s6+$0x0] =	vst.idx.add.f32.msk $0xffff, v31  }
0x2e2: {  	v30 =	vor.u32 $0x9000, v12;
	s28 =	sor.u32 s21, s14;
	[tilespmem:v56+s6+$0x0] =	vst.idx.add.f32.msk $0xffff, v19  }
0x2e3: {  	v34 =	vld [tilespmem:s28+$0x0]  }
0x2e4: {  	s2 =	sor.u32 $0x6200, s24;
	v36 =	vor.u32 $0xA000, v11;
	v63 =	vld [tilespmem:s31+$0x0];
	v17 =	vxor.u32 v13, v17  }
0x2e5: {  	v28 =	vor.u32 $0x9000, v14;
	s26 =	sor.u32 s25, s2;
	[tilespmem:v60+s6+$0x0] =	vst.idx.add.f32.msk $0xffff, v17  }
0x2e6: {  	v35 =	vxor.u32 v2, v29;
	v32 =	vld [tilespmem:s26+$0x0]  }
0x2e7: {  	v33 =	vor.u32 $0xC000, v15;
	s7 =	sor.u32 s23, s14;
	[tilespmem:v30+s6+$0x0] =	vst.idx.add.f32.msk $0xffff, v35  }
0x2e8: {  	v40 =	vld [tilespmem:s7+$0x0];
	v39 =	vxor.u32 v3, v34  }
0x2e9: {  	v42 =	vor.u32 $0xA000, v12;
	v19 =	vxor.u32 v1, v63;
	[tilespmem:v36+s6+$0x0] =	vst.idx.add.f32.msk $0xffff, v39  }
0x2ea: {  	[tilespmem:v28+s6+$0x0] =	vst.idx.add.f32.msk $0xffff, v19;
	s29 =	sor.u32 s22, s14  }
0x2eb: {  	s30 =	sor.u32 $0x6280, s24;
	v37 =	vld [tilespmem:s29+$0x0];
	v18 =	vxor.u32 v13, v32  }
0x2ec: {  	v38 =	vor.u32 $0xA000, v14;
	s31 =	sor.u32 s25, s30;
	[tilespmem:v33+s6+$0x0] =	vst.idx.add.f32.msk $0xffff, v18  }
0x2ed: {  	v45 =	vxor.u32 v2, v40;
	v17 =	vld [tilespmem:s31+$0x0]  }
0x2ee: {  	v41 =	vor.u32 $0xD000, v15;
	s10 =	sor.u32 s21, s9;
	[tilespmem:v42+s6+$0x0] =	vst.idx.add.f32.msk $0xffff, v45  }
0x2ef: {  	s13 =	sor.u32 s22, s9;
	s9 =	sor.u32 s23, s9;
	v21 =	vld [tilespmem:s10+$0x0]  }
0x2f0: {  	v49 =	vld [tilespmem:s9+$0x0];
	v19 =	vxor.u32 v1, v37  }
0x2f1: {  	v43 =	vor.u32 $0xB000, v11;
	[tilespmem:v38+s6+$0x0] =	vst.idx.add.f32.msk $0xffff, v19  }
0x2f2: {  	v50 =	vor.u32 $0xB000, v12;
	s14 =	sor.u32 $0x6300, s24;
	v22 =	vld [tilespmem:s13+$0x0];
	v17 =	vxor.u32 v13, v17  }
0x2f3: {  	s31 =	sor.u32 s25, s14;
	[tilespmem:v41+s6+$0x0] =	vst.idx.add.f32.msk $0xffff, v17  }
0x2f4: {  	v44 =	vor.u32 $0xB000, v14;
	v46 =	vld [tilespmem:s31+$0x0]  }
0x2f5: {  	v47 =	vor.u32 $0xE000, v15;
	v48 =	vxor.u32 v3, v21  }
0x2f6: {  	v55 =	vxor.u32 v2, v49;
	[tilespmem:v43+s6+$0x0] =	vst.idx.add.f32.msk $0xffff, v48  }
0x2f7: {  	s10 =	sor.u32 s21, s2;
	[tilespmem:v50+s6+$0x0] =	vst.idx.add.f32.msk $0xffff, v55  }
0x2f8: {  	v52 =	vld [tilespmem:s10+$0x0];
	v51 =	vxor.u32 v1, v22  }
0x2f9: {  	s13 =	sor.u32 $0x6380, s24;
	[tilespmem:v44+s6+$0x0] =	vst.idx.add.f32.msk $0xffff, v51;
	v53 =	vxor.u32 v13, v46  }
0x2fa: {  	v54 =	vor.u32 $0xC000, v11;
	s24 =	sor.u32 s25, s13;
	[tilespmem:v47+s6+$0x0] =	vst.idx.add.f32.msk $0xffff, v53  }
0x2fb: {  	s25 =	sor.u32 s22, s2;
	v19 =	vld [tilespmem:s24+$0x0]  }
0x2fc: {  	v15 =	vor.u32 $0xF000, v15;
	s5 =	sor.u32 s23, s2;
	v56 =	vld [tilespmem:s25+$0x0]  }
0x2fd: {  	v57 =	vor.u32 $0xC000, v14;
	s28 =	sor.u32 s19, s20;
	v58 =	vld [tilespmem:s5+$0x0]  }
0x2fe: {  	v59 =	vor.u32 $0xC000, v12;
	v60 =	vld [tilespmem:s28+$0x0];
	v18 =	vxor.u32 v3, v52  }
0x2ff: {  	s26 =	sor.u32 s21, s30;
	[tilespmem:v54+s6+$0x0] =	vst.idx.add.f32.msk $0xffff, v18  }
0x300: {  	v18 =	vld [tilespmem:s26+$0x0];
	v13 =	vxor.u32 v13, v19  }
0x301: {  	[tilespmem:v15+s6+$0x0] =	vst.idx.add.f32.msk $0xffff, v13;
	v13 =	vor.u32 $0xD000, v11;
	v15 =	vxor.u32 v1, v56  }
0x302: {  	[tilespmem:v57+s6+$0x0] =	vst.idx.add.f32.msk $0xffff, v15;
	v15 =	vxor.u32 v2, v58  }
0x303: {  	v7 =	vor.u32 $0xF000, v7;
	s29 =	sor.u32 s22, s30;
	[tilespmem:v59+s6+$0x0] =	vst.idx.add.f32.msk $0xffff, v15  }
0x304: {  	v8 =	vor.u32 $0xF000, v8;
	s2 =	sor.u32 s23, s30;
	v15 =	vld [tilespmem:s29+$0x0]  }
0x305: {  	v61 =	vor.u32 $0xD000, v14;
	v18 =	vxor.u32 v3, v18;
	v62 =	vld [tilespmem:s2+$0x0]  }
0x306: {  	v63 =	vor.u32 $0xD000, v12;
	s30 =	sor.u32 s21, s14;
	[tilespmem:v13+s6+$0x0] =	vst.idx.add.f32.msk $0xffff, v18  }
0x307: {  	v5 =	vxor.u32 v5, v10;
	v18 =	vld [tilespmem:s30+$0x0]  }
0x308: {  	[tilespmem:v7+s6+$0x0] =	vst.idx.add.f32.msk $0xffff, v5;
	v6 =	vxor.u32 v6, v16  }
0x309: {  	[tilespmem:v8+s6+$0x0] =	vst.idx.add.f32.msk $0xffff, v6;
	v13 =	vor.u32 $0xE000, v11;
	v7 =	vxor.u32 v1, v15  }
0x30a: {  	v5 =	vor.u32 $0xF000, v9;
	v10 =	vor.u32 $0xE000, v12;
	s19 =	simm.s32 $0x4;
	[tilespmem:v61+s6+$0x0] =	vst.idx.add.f32.msk $0xffff, v7;
	v9 =	vxor.u32 v2, v62  }
0x30b: {  	v8 =	vor.u32 $0xE000, v14;
	v6 =	vor.u32 $0xF000, v14;
	v14 =	vor.u32 $0xF000, v12;
	s0 =	sor.u32 s22, s13;
	s20 =	sor.u32 s23, s13;
	s31 =	sor.u32 s22, s14;
	[tilespmem:v63+s6+$0x0] =	vst.idx.add.f32.msk $0xffff, v9  }
0x30c: {  	s2 =	sor.u32 s23, s14;
	s14 =	sor.u32 s21, s13;
	s21 =	simm.s32 $0x400;
	v7 =	vor.u32 $0xF000, v11;
	v11 =	vxor.u32 v4, v60;
	v4 =	vld [tilespmem:s31+$0x0];
	v9 =	vxor.u32 v3, v18  }
.LBB2_7:
0x30d: {  	s22 =	sand.u32 $0x1C00, s21;
	s19 =	sadd.s32 $0x4, s19;
	v12 =	vld [tilespmem:s2+$0x0];
	s18 =	sadd.s32 $0x40, s18  }
0x30e: {  	s23 =	sand.u32 $0x40, s18;
	s2 =	sshrl.u32 s22, $0x2;
	p1 =	slt.u32 s19, $0x3C;
	[tilespmem:v13+s6+$0x0] =	vst.idx.add.f32.msk $0xffff, v9  }
0x30f: {  	s2 =	sor.u32 $0x8000, s2;
	s25 =	sor.u32 $0x10, s23;
	s24 =	sor.u32 $0x30, s23;
	v9 =	vld [tilespmem:s14+$0x0]  }
0x310: {  	s13 =	sor.u32 $0x20, s23;
	s5 =	sor.u32 s23, s2;
	s7 =	sor.u32 s24, s2;
	[tilespmem:v5+s6+$0x0] =	vst.idx.add.f32.msk $0xffff, v11;
	v5 =	vmov v14  }
0x311: {  	s9 =	sor.u32 s25, s2;
	s2 =	sor.u32 s13, s2;
	v13 =	vld [tilespmem:s7+$0x80];
	v14 =	vxor.u32 v1, v4  }
0x312: {  	v15 =	vld [tilespmem:s5+$0x80];
	v16 =	vxor.u32 v2, v12  }
0x313: {  	s5 =	sor.u32 $0x4000, s22;
	v12 =	vld [tilespmem:s9+$0x80]  }
0x314: {  	s7 =	sor.u32 s23, s5;
	s9 =	sor.u32 s25, s5;
	v17 =	vld [tilespmem:s2+$0x80];
	s2 =	sor.u32 s24, s5;
	v4 =	vxor.u32 v3, v9  }
0x315: {  	s5 =	sor.u32 s13, s5;
	v18 =	vld [tilespmem:s2+$0x0]  }
0x316: {  	v19 =	vld [tilespmem:s7+$0x0];
	v11 =	vand.u32 $0xFFF, v13  }
0x317: {  	v3 =	vand.u32 $0x80000000, v15;
	v22 =	vand.u32 $0xFFF, v15;
	v15 =	vld [tilespmem:s9+$0x0]  }
0x318: {  	v20 =	vor.u32 $0x1000, v22;
	v23 =	vand.u32 $0x80000000, v12;
	v50 =	vand.u32 $0xFFF, v12;
	v21 =	vld [tilespmem:s5+$0x0]  }
0x319: {  	v12 =	vand.u32 $0x80000000, v13;
	v9 =	vand.u32 $0x80000000, v17;
	v51 =	vand.u32 $0xFFF, v17;
	[tilespmem:v8+s6+$0x0] =	vst.idx.add.f32.msk $0xffff, v14  }
0x31a: {  	s2 =	sor.u32 $0x4080, s22;
	v8 =	vor.u32 $0x1000, v50;
	v14 =	vor.u32 $0x1000, v51;
	v13 =	vxor.u32 v12, v18;
	[tilespmem:v10+s6+$0x0] =	vst.idx.add.f32.msk $0xffff, v16  }
0x31b: {  	s7 =	sor.u32 s25, s2;
	s9 =	sor.u32 s24, s2;
	s5 =	sor.u32 s23, s2;
	v52 =	vor.u32 $0x2000, v22;
	v53 =	vor.u32 $0x2000, v50;
	v10 =	vxor.u32 v3, v19;
	[tilespmem:v11+s6+$0x0] =	vst.idx.add.f32.msk $0xffff, v13  }
0x31c: {  	v54 =	vor.u32 $0x3000, v22;
	s2 =	sor.u32 s13, s2;
	v55 =	vor.u32 $0x2000, v51;
	v13 =	vxor.u32 v23, v15;
	v15 =	vld [tilespmem:s9+$0x0]  }
0x31d: {  	v48 =	vor.u32 $0x3000, v50;
	v16 =	vor.u32 $0x1000, v11;
	[tilespmem:v22+s6+$0x0] =	vst.idx.add.f32.msk $0xffff, v10;
	v10 =	vxor.u32 v9, v21  }
0x31e: {  	v47 =	vor.u32 $0x4000, v22;
	v45 =	vor.u32 $0x4000, v50;
	v49 =	vor.u32 $0x3000, v51;
	[tilespmem:v50+s6+$0x0] =	vst.idx.add.f32.msk $0xffff, v13  }
0x31f: {  	v44 =	vor.u32 $0x5000, v22;
	v43 =	vor.u32 $0x5000, v50;
	v46 =	vor.u32 $0x4000, v51;
	[tilespmem:v51+s6+$0x0] =	vst.idx.add.f32.msk $0xffff, v10  }
0x320: {  	v41 =	vor.u32 $0x6000, v22;
	v40 =	vor.u32 $0x6000, v50;
	v42 =	vor.u32 $0x5000, v51;
	v10 =	vld [tilespmem:s5+$0x0]  }
0x321: {  	v38 =	vor.u32 $0x7000, v22;
	v39 =	vor.u32 $0x6000, v51;
	s5 =	sor.u32 $0x4100, s22;
	v13 =	vld [tilespmem:s7+$0x0];
	v15 =	vxor.u32 v12, v15  }
0x322: {  	v35 =	vor.u32 $0x8000, v22;
	v37 =	vor.u32 $0x7000, v50;
	v36 =	vor.u32 $0x7000, v51;
	s7 =	sor.u32 s23, s5;
	s9 =	sor.u32 s25, s5;
	s10 =	sor.u32 s24, s5;
	[tilespmem:v16+s6+$0x0] =	vst.idx.add.f32.msk $0xffff, v15  }
0x323: {  	v31 =	vor.u32 $0x9000, v22;
	v34 =	vor.u32 $0x8000, v50;
	v33 =	vor.u32 $0x8000, v51;
	s5 =	sor.u32 s13, s5;
	v15 =	vld [tilespmem:s10+$0x0]  }
0x324: {  	v56 =	vor.u32 $0x2000, v11;
	v32 =	vor.u32 $0x9000, v50;
	v30 =	vor.u32 $0x9000, v51;
	v16 =	vld [tilespmem:s2+$0x0]  }
0x325: {  	v29 =	vor.u32 $0xA000, v22;
	v28 =	vor.u32 $0xA000, v50;
	v10 =	vxor.u32 v3, v10;
	v57 =	vld [tilespmem:s0+$0x0]  }
0x326: {  	v25 =	vor.u32 $0xB000, v22;
	v27 =	vor.u32 $0xA000, v51;
	[tilespmem:v20+s6+$0x0] =	vst.idx.add.f32.msk $0xffff, v10;
	v10 =	vxor.u32 v23, v13  }
0x327: {  	v26 =	vor.u32 $0xB000, v50;
	v24 =	vor.u32 $0xB000, v51;
	v21 =	vor.u32 $0xC000, v22;
	[tilespmem:v8+s6+$0x0] =	vst.idx.add.f32.msk $0xffff, v10  }
0x328: {  	v18 =	vor.u32 $0xC000, v51;
	v19 =	vor.u32 $0xC000, v50;
	s0 =	sor.u32 $0x4180, s22;
	v58 =	vld [tilespmem:s7+$0x0];
	v8 =	vxor.u32 v12, v15  }
0x329: {  	v17 =	vor.u32 $0xD000, v22;
	s2 =	sor.u32 s23, s0;
	s10 =	sor.u32 s24, s0;
	s7 =	sor.u32 s25, s0;
	v15 =	vor.u32 $0xD000, v50;
	v10 =	vxor.u32 v9, v16;
	[tilespmem:v56+s6+$0x0] =	vst.idx.add.f32.msk $0xffff, v8  }
0x32a: {  	v13 =	vor.u32 $0xE000, v22;
	s0 =	sor.u32 s13, s0;
	v8 =	vor.u32 $0xE000, v50;
	v16 =	vor.u32 $0xD000, v51;
	v56 =	vld [tilespmem:s10+$0x0]  }
0x32b: {  	v59 =	vor.u32 $0x3000, v11;
	v20 =	vxor.u32 v1, v57;
	v1 =	vmovc v23;
	[tilespmem:v14+s6+$0x0] =	vst.idx.add.f32.msk $0xffff, v10;
	v10 =	vor.u32 $0xE000, v51  }
0x32c: {  	v23 =	vor.u32 $0xF000, v22;
	v22 =	vor.u32 $0xF000, v50;
	v14 =	vor.u32 $0xF000, v51;
	v57 =	vld [tilespmem:s9+$0x0]  }
0x32d: {  	v50 =	vxor.u32 v3, v58;
	v51 =	vld [tilespmem:s5+$0x0]  }
0x32e: {  	[tilespmem:v52+s6+$0x0] =	vst.idx.add.f32.msk $0xffff, v50  }
0x32f: {  	v50 =	vld [tilespmem:s2+$0x0];
	s2 =	sor.u32 $0x4200, s22;
	v52 =	vxor.u32 v12, v56  }
0x330: {  	s5 =	sor.u32 s23, s2;
	s9 =	sor.u32 s25, s2;
	[tilespmem:v59+s6+$0x0] =	vst.idx.add.f32.msk $0xffff, v52;
	s10 =	sor.u32 s24, s2  }
0x331: {  	s2 =	sor.u32 s13, s2;
	v52 =	vxor.u32 v1, v57;
	v56 =	vld [tilespmem:s10+$0x0]  }
0x332: {  	[tilespmem:v53+s6+$0x0] =	vst.idx.add.f32.msk $0xffff, v52;
	v51 =	vxor.u32 v9, v51;
	v52 =	vor.u32 $0x4000, v11  }
0x333: {  	[tilespmem:v55+s6+$0x0] =	vst.idx.add.f32.msk $0xffff, v51  }
0x334: {  	v50 =	vxor.u32 v3, v50;
	v51 =	vld [tilespmem:s7+$0x0]  }
0x335: {  	v53 =	vld [tilespmem:s0+$0x0]  }
0x336: {  	s0 =	sor.u32 $0x4280, s22;
	[tilespmem:v54+s6+$0x0] =	vst.idx.add.f32.msk $0xffff, v50;
	v50 =	vxor.u32 v12, v56  }
0x337: {  	s7 =	sor.u32 s23, s0;
	s10 =	sor.u32 s25, s0;
	s14 =	sor.u32 s24, s0;
	[tilespmem:v52+s6+$0x0] =	vst.idx.add.f32.msk $0xffff, v50  }
0x338: {  	s0 =	sor.u32 s13, s0;
	v50 =	vld [tilespmem:s14+$0x0]  }
0x339: {  	v54 =	vor.u32 $0x5000, v11;
	v52 =	vld [tilespmem:s5+$0x0];
	v51 =	vxor.u32 v1, v51  }
0x33a: {  	[tilespmem:v48+s6+$0x0] =	vst.idx.add.f32.msk $0xffff, v51;
	v48 =	vxor.u32 v9, v53  }
0x33b: {  	[tilespmem:v49+s6+$0x0] =	vst.idx.add.f32.msk $0xffff, v48  }
0x33c: {  	v48 =	vld [tilespmem:s9+$0x0]  }
0x33d: {  	s5 =	sor.u32 $0x4300, s22;
	v49 =	vld [tilespmem:s2+$0x0];
	v50 =	vxor.u32 v12, v50  }
0x33e: {  	s14 =	sor.u32 s24, s5;
	s9 =	sor.u32 s25, s5;
	s2 =	sor.u32 s23, s5;
	v51 =	vxor.u32 v3, v52;
	[tilespmem:v54+s6+$0x0] =	vst.idx.add.f32.msk $0xffff, v50  }
0x33f: {  	s5 =	sor.u32 s13, s5;
	v50 =	vld [tilespmem:s14+$0x0]  }
0x340: {  	[tilespmem:v47+s6+$0x0] =	vst.idx.add.f32.msk $0xffff, v51;
	v47 =	vor.u32 $0x6000, v11  }
0x341: {  	v51 =	vld [tilespmem:s7+$0x0];
	v48 =	vxor.u32 v1, v48  }
0x342: {  	[tilespmem:v45+s6+$0x0] =	vst.idx.add.f32.msk $0xffff, v48;
	v45 =	vxor.u32 v9, v49  }
0x343: {  	[tilespmem:v46+s6+$0x0] =	vst.idx.add.f32.msk $0xffff, v45  }
0x344: {  	s7 =	sor.u32 $0x4380, s22;
	v45 =	vld [tilespmem:s10+$0x0];
	v46 =	vxor.u32 v12, v50  }
0x345: {  	s14 =	sor.u32 s25, s7;
	s26 =	sor.u32 s24, s7;
	s10 =	sor.u32 s23, s7;
	[tilespmem:v47+s6+$0x0] =	vst.idx.add.f32.msk $0xffff, v46  }
0x346: {  	s7 =	sor.u32 s13, s7;
	v46 =	vxor.u32 v3, v51;
	v47 =	vld [tilespmem:s26+$0x0]  }
0x347: {  	v49 =	vor.u32 $0x7000, v11;
	v48 =	vld [tilespmem:s0+$0x0]  }
0x348: {  	[tilespmem:v44+s6+$0x0] =	vst.idx.add.f32.msk $0xffff, v46  }
0x349: {  	v44 =	vld [tilespmem:s2+$0x0];
	v45 =	vxor.u32 v1, v45  }
0x34a: {  	[tilespmem:v43+s6+$0x0] =	vst.idx.add.f32.msk $0xffff, v45  }
0x34b: {  	s0 =	sor.u32 $0x6000, s22;
	v43 =	vld [tilespmem:s9+$0x0];
	v45 =	vxor.u32 v12, v47  }
0x34c: {  	s26 =	sor.u32 s24, s0;
	s2 =	sor.u32 s23, s0;
	s9 =	sor.u32 s25, s0;
	v46 =	vxor.u32 v9, v48;
	[tilespmem:v49+s6+$0x0] =	vst.idx.add.f32.msk $0xffff, v45  }
0x34d: {  	s0 =	sor.u32 s13, s0;
	v45 =	vld [tilespmem:s26+$0x0]  }
0x34e: {  	v44 =	vxor.u32 v3, v44;
	[tilespmem:v42+s6+$0x0] =	vst.idx.add.f32.msk $0xffff, v46;
	v42 =	vor.u32 $0x8000, v11  }
0x34f: {  	v46 =	vld [tilespmem:s5+$0x0]  }
0x350: {  	[tilespmem:v41+s6+$0x0] =	vst.idx.add.f32.msk $0xffff, v44;
	v41 =	vxor.u32 v1, v43  }
0x351: {  	[tilespmem:v40+s6+$0x0] =	vst.idx.add.f32.msk $0xffff, v41  }
0x352: {  	v40 =	vld [tilespmem:s10+$0x0];
	s10 =	sor.u32 $0x6080, s22;
	v41 =	vxor.u32 v12, v45  }
0x353: {  	s26 =	sor.u32 s23, s10;
	s5 =	sor.u32 s25, s10;
	[tilespmem:v42+s6+$0x0] =	vst.idx.add.f32.msk $0xffff, v41;
	s29 =	sor.u32 s24, s10  }
0x354: {  	s10 =	sor.u32 s13, s10;
	v41 =	vxor.u32 v9, v46;
	v42 =	vld [tilespmem:s29+$0x0]  }
0x355: {  	[tilespmem:v39+s6+$0x0] =	vst.idx.add.f32.msk $0xffff, v41;
	v39 =	vor.u32 $0x9000, v11  }
0x356: {  	v41 =	vld [tilespmem:s14+$0x0]  }
0x357: {  	v40 =	vxor.u32 v3, v40;
	v43 =	vld [tilespmem:s7+$0x0]  }
0x358: {  	[tilespmem:v38+s6+$0x0] =	vst.idx.add.f32.msk $0xffff, v40  }
0x359: {  	v38 =	vld [tilespmem:s2+$0x0];
	s2 =	sor.u32 $0x6100, s22;
	v40 =	vxor.u32 v12, v42  }
0x35a: {  	s30 =	sor.u32 s23, s2;
	s7 =	sor.u32 s25, s2;
	[tilespmem:v39+s6+$0x0] =	vst.idx.add.f32.msk $0xffff, v40;
	s14 =	sor.u32 s24, s2  }
0x35b: {  	s2 =	sor.u32 s13, s2;
	v39 =	vxor.u32 v1, v41;
	v40 =	vld [tilespmem:s14+$0x0]  }
0x35c: {  	[tilespmem:v37+s6+$0x0] =	vst.idx.add.f32.msk $0xffff, v39;
	v37 =	vxor.u32 v9, v43;
	v39 =	vor.u32 $0xA000, v11  }
0x35d: {  	[tilespmem:v36+s6+$0x0] =	vst.idx.add.f32.msk $0xffff, v37  }
0x35e: {  	v36 =	vxor.u32 v3, v38;
	v37 =	vld [tilespmem:s9+$0x0]  }
0x35f: {  	v38 =	vld [tilespmem:s0+$0x0]  }
0x360: {  	s0 =	sor.u32 $0x6180, s22;
	[tilespmem:v35+s6+$0x0] =	vst.idx.add.f32.msk $0xffff, v36;
	v35 =	vxor.u32 v12, v40  }
0x361: {  	s31 =	sor.u32 s23, s0;
	s14 =	sor.u32 s25, s0;
	s9 =	sor.u32 s24, s0;
	[tilespmem:v39+s6+$0x0] =	vst.idx.add.f32.msk $0xffff, v35  }
0x362: {  	s0 =	sor.u32 s13, s0;
	v35 =	vld [tilespmem:s9+$0x0]  }
0x363: {  	v39 =	vor.u32 $0xB000, v11;
	v36 =	vld [tilespmem:s26+$0x0];
	v37 =	vxor.u32 v1, v37  }
0x364: {  	[tilespmem:v34+s6+$0x0] =	vst.idx.add.f32.msk $0xffff, v37;
	v34 =	vxor.u32 v9, v38  }
0x365: {  	[tilespmem:v33+s6+$0x0] =	vst.idx.add.f32.msk $0xffff, v34  }
0x366: {  	v33 =	vld [tilespmem:s5+$0x0]  }
0x367: {  	s5 =	sor.u32 $0x6200, s22;
	v34 =	vld [tilespmem:s10+$0x0];
	v35 =	vxor.u32 v12, v35  }
0x368: {  	s9 =	sor.u32 s23, s5;
	s29 =	sor.u32 s25, s5;
	s10 =	sor.u32 s24, s5;
	v36 =	vxor.u32 v3, v36;
	[tilespmem:v39+s6+$0x0] =	vst.idx.add.f32.msk $0xffff, v35  }
0x369: {  	s5 =	sor.u32 s13, s5;
	v35 =	vld [tilespmem:s10+$0x0]  }
0x36a: {  	[tilespmem:v31+s6+$0x0] =	vst.idx.add.f32.msk $0xffff, v36;
	v31 =	vor.u32 $0xC000, v11  }
0x36b: {  	v36 =	vld [tilespmem:s30+$0x0];
	v33 =	vxor.u32 v1, v33  }
0x36c: {  	[tilespmem:v32+s6+$0x0] =	vst.idx.add.f32.msk $0xffff, v33;
	v32 =	vxor.u32 v9, v34  }
0x36d: {  	[tilespmem:v30+s6+$0x0] =	vst.idx.add.f32.msk $0xffff, v32  }
0x36e: {  	s26 =	sor.u32 $0x6280, s22;
	v30 =	vld [tilespmem:s7+$0x0];
	v32 =	vxor.u32 v12, v35  }
0x36f: {  	s28 =	sor.u32 s24, s26;
	s10 =	sor.u32 s23, s26;
	s30 =	sor.u32 s25, s26;
	[tilespmem:v31+s6+$0x0] =	vst.idx.add.f32.msk $0xffff, v32  }
0x370: {  	s7 =	sor.u32 s13, s26;
	v31 =	vxor.u32 v3, v36;
	v32 =	vld [tilespmem:s28+$0x0]  }
0x371: {  	v34 =	vor.u32 $0xD000, v11;
	v33 =	vld [tilespmem:s2+$0x0]  }
0x372: {  	[tilespmem:v29+s6+$0x0] =	vst.idx.add.f32.msk $0xffff, v31  }
0x373: {  	v29 =	vld [tilespmem:s31+$0x0];
	v30 =	vxor.u32 v1, v30  }
0x374: {  	[tilespmem:v28+s6+$0x0] =	vst.idx.add.f32.msk $0xffff, v30  }
0x375: {  	s2 =	sor.u32 $0x6300, s22;
	v28 =	vld [tilespmem:s14+$0x0];
	v30 =	vxor.u32 v12, v32  }
0x376: {  	s26 =	sor.u32 s23, s2;
	s31 =	sor.u32 s25, s2;
	s14 =	sor.u32 s24, s2;
	v31 =	vxor.u32 v9, v33;
	[tilespmem:v34+s6+$0x0] =	vst.idx.add.f32.msk $0xffff, v30  }
0x377: {  	s2 =	sor.u32 s13, s2;
	v30 =	vld [tilespmem:s14+$0x0]  }
0x378: {  	v29 =	vxor.u32 v3, v29;
	[tilespmem:v27+s6+$0x0] =	vst.idx.add.f32.msk $0xffff, v31;
	v27 =	vor.u32 $0xE000, v11  }
0x379: {  	v31 =	vld [tilespmem:s0+$0x0]  }
0x37a: {  	[tilespmem:v25+s6+$0x0] =	vst.idx.add.f32.msk $0xffff, v29;
	v25 =	vxor.u32 v1, v28  }
0x37b: {  	[tilespmem:v26+s6+$0x0] =	vst.idx.add.f32.msk $0xffff, v25  }
0x37c: {  	v25 =	vld [tilespmem:s9+$0x0];
	s9 =	sor.u32 $0x6380, s22;
	v26 =	vxor.u32 v12, v30  }
0x37d: {  	s14 =	sor.u32 s23, s9;
	s0 =	sor.u32 s25, s9;
	[tilespmem:v27+s6+$0x0] =	vst.idx.add.f32.msk $0xffff, v26;
	s22 =	sor.u32 s24, s9  }
0x37e: {  	s9 =	sor.u32 s13, s9;
	v26 =	vxor.u32 v9, v31;
	v27 =	vld [tilespmem:s22+$0x0]  }
0x37f: {  	v11 =	vor.u32 $0xF000, v11;
	[tilespmem:v24+s6+$0x0] =	vst.idx.add.f32.msk $0xffff, v26  }
0x380: {  	v24 =	vld [tilespmem:s29+$0x0]  }
0x381: {  	v25 =	vxor.u32 v3, v25;
	v26 =	vld [tilespmem:s5+$0x0]  }
0x382: {  	[tilespmem:v21+s6+$0x0] =	vst.idx.add.f32.msk $0xffff, v25  }
0x383: {  	v21 =	vld [tilespmem:s10+$0x0];
	v12 =	vxor.u32 v12, v27  }
0x384: {  	[tilespmem:v11+s6+$0x0] =	vst.idx.add.f32.msk $0xffff, v12  }
0x385: {  	v11 =	vxor.u32 v1, v24;
	v12 =	vld [tilespmem:s20+$0x0];
	s20 =	smov.u32 s9  }
0x386: {  	[tilespmem:v19+s6+$0x0] =	vst.idx.add.f32.msk $0xffff, v11;
	v11 =	vxor.u32 v9, v26  }
0x387: {  	[tilespmem:v18+s6+$0x0] =	vst.idx.add.f32.msk $0xffff, v11  }
0x388: {  	v11 =	vxor.u32 v3, v21;
	v18 =	vld [tilespmem:s30+$0x0]  }
0x389: {  	v19 =	vld [tilespmem:s7+$0x0]  }
0x38a: {  	[tilespmem:v17+s6+$0x0] =	vst.idx.add.f32.msk $0xffff, v11;
	v11 =	vxor.u32 v2, v12;
	v2 =	vmov v9  }
0x38b: {  	v9 =	vld [tilespmem:s26+$0x0]  }
.Ltmp4:
0x38c: {  	[tilespmem:v7+s6+$0x0] =	vst.idx.add.f32.msk $0xffff, v4;
	v7 =	vmov v23;
	(pc) =	sbr.rel @p1 .LBB2_7-.Ltmp4, $4  }
0x38d: {  	v4 =	vxor.u32 v1, v18;
	[tilespmem:v6+s6+$0x0] =	vst.idx.add.f32.msk $0xffff, v20;
	v6 =	vmov v22  }
0x38e: {  	[tilespmem:v15+s6+$0x0] =	vst.idx.add.f32.msk $0xffff, v4;
	v4 =	vxor.u32 v2, v19  }
0x38f: {  	[tilespmem:v16+s6+$0x0] =	vst.idx.add.f32.msk $0xffff, v4  }
0x390: {  	s21 =	sadd.s32 $0x200, s21;
	v9 =	vxor.u32 v3, v9;
	v4 =	vld [tilespmem:s31+$0x0]  }
0x391: {  	_ = 	snop  }
0x392: {  	v12 =	vld [tilespmem:s2+$0x0];
	_ =	sdelay $0x2  }
0x393: {  	[tilespmem:v13+s6+$0x0] =	vst.idx.add.f32.msk $0xffff, v9  }
0x394: {  	v9 =	vld [tilespmem:s14+$0x0];
	v4 =	vxor.u32 v1, v4  }
0x395: {  	v12 =	vxor.u32 v2, v12;
	[tilespmem:v8+s6+$0x0] =	vst.idx.add.f32.msk $0xffff, v4  }
0x396: {  	[tilespmem:v10+s6+$0x0] =	vst.idx.add.f32.msk $0xffff, v12  }
0x397: {  	v4 =	vld [tilespmem:s0+$0x0]  }
0x398: {  	v63 =	vld [tilespmem:s20+$0x0];
	_ =	sdelay $0x1  }
.Ltmp5:
0x399: {  	_ = 	snop;
	(pc) =	sbr.rel @p0 .LBB2_10-.Ltmp5, $4  }
0x39a: {  	[tilespmem:v5+s6+$0x0] =	vst.idx.add.f32.msk $0xffff, v11;
	v3 =	vxor.u32 v3, v9  }
0x39b: {  	[tilespmem:v7+s6+$0x0] =	vst.idx.add.f32.msk $0xffff, v3;
	v1 =	vxor.u32 v1, v4  }
0x39c: {  	v2 =	vxor.u32 v2, v63;
	[tilespmem:v6+s6+$0x0] =	vst.idx.add.f32.msk $0xffff, v1  }
0x39d: {  	[tilespmem:v14+s6+$0x0] =	vst.idx.add.f32.msk $0xffff, v2  }
0x39e: {  	s0 =	sadd.s32 $0xC00, s17;
	s5 =	simm.s32 $0x2000;
	s7 =	simm.s32 $0x80000  }
0x39f: {  	s9 =	simm.s32 $0x4000;
	s2 =	sadd.s32 s0, s4;
	s0 =	sshrl.u32 s0, $0x3  }
0x3a0: {  	[tilespmem:s9], [sflag:$0x2] =	stream.strided.gather [hbm4b:s2+s5], $0x4000, s7, s5, $0x38;
	[tilespmem:$0x18800] =	vst v63  }
0x3a1: {  	s17 =	simm.s32 $0x8080;
	s0 =	sadd.s32 s1, s0  }
0x3a2: {  	[tilespmem:s17], [sflag:$0x2] =	stream.linear.gather [hbm4b:s0+s3], $0x80, $0x38;
	[tilespmem:$0x18800] =	vst v63  }
0x3a3: {  	s19 =	simm.s32 $0x8180;
	s18 =	sadd.s32 $0x10, s0  }
0x3a4: {  	[tilespmem:s19], [sflag:$0x2] =	stream.linear.gather [hbm4b:s18+s3], $0x80, $0x38;
	[tilespmem:$0x18800] =	vst v63  }
0x3a5: {  	s21 =	simm.s32 $0x8280;
	s20 =	sadd.s32 $0x20, s0  }
0x3a6: {  	[tilespmem:s21], [sflag:$0x2] =	stream.linear.gather [hbm4b:s20+s3], $0x80, $0x38;
	[tilespmem:$0x18800] =	vst v63  }
0x3a7: {  	s23 =	simm.s32 $0x8380;
	s22 =	sadd.s32 $0x30, s0  }
0x3a8: {  	[tilespmem:s23], [sflag:$0x2] =	stream.linear.gather [hbm4b:s22+s3], $0x80, $0x38;
	[tilespmem:$0x18800] =	vst v63  }
0x3a9: {  	s25 =	simm.s32 $0x8480;
	s24 =	sadd.s32 $0x40, s0  }
0x3aa: {  	[tilespmem:s25], [sflag:$0x2] =	stream.linear.gather [hbm4b:s24+s3], $0x80, $0x38;
	[tilespmem:$0x18800] =	vst v63  }
0x3ab: {  	s28 =	simm.s32 $0x8580;
	s26 =	sadd.s32 $0x50, s0  }
0x3ac: {  	[tilespmem:s28], [sflag:$0x2] =	stream.linear.gather [hbm4b:s26+s3], $0x80, $0x38;
	[tilespmem:$0x18800] =	vst v63  }
.Ltmp6:
0x3ad: {  	_ = 	snop;
	(pc) =	sbr.rel .LBB2_4-.Ltmp6, $4  }
0x3ae: {  	s30 =	simm.s32 $0x8680;
	s29 =	sadd.s32 $0x60, s0  }
0x3af: {  	[tilespmem:s30], [sflag:$0x2] =	stream.linear.gather [hbm4b:s29+s3], $0x80, $0x38;
	[tilespmem:$0x18800] =	vst v63  }
0x3b0: {  	s31 =	simm.s32 $0x8780;
	s16 =	sadd.s32 $0x1, s16;
	s0 =	sadd.s32 $0x70, s0  }
0x3b1: {  	[tilespmem:s31], [sflag:$0x2] =	stream.linear.gather [hbm4b:s0+s3], $0x80, $0x38;
	[tilespmem:$0x18800] =	vst v63  }
.LBB2_10:
0x3b2: {  	s0 =	rddreg [dreg:$0x6];
	s31 =	simm.s32 $0x3  }
0x3b3: {  	[hbm4b:s0+s3] =	stream.linear.scatter [tilespmem:s6], [sflag:$0x3], $0x10000, $0x38;
	[tilespmem:$0x18800] =	vst v63  }
0x3b4: {  	_ =	swait.ge [sflag:s31], $0x10000  }
0x3b5: {  	[sflag:s31] =	ssyncset.done $0x0  }
0x3b6: {  	s0 =	simm.s32 $0x8820;
	[sflag:s31] =	ssyncadd.s32 $0xFFFF0000  }
0x3b7: {  	[tilespmem:s0+$0xFFFFFFE0] =	vst v0  }
0x3b8: {  	[tilespmem:s0+$0x10] =	vst v0  }
0x3b9: {  	s2 =	simm.s32 $0x0;
	[tilespmem:s0+$0x0] =	vst v0  }
.LBB2_11:
0x3ba: {  	s2 =	sadd.s32 $0x4, s2  }
0x3bb: {  	[tilespmem:s0+$0xFFFFFFF0] =	vst v0;
	s0 =	sadd.s32 $0x40, s0;
	p0 =	slt.u32 s2, $0xFFC  }
.Ltmp7:
0x3bc: {  	[tilespmem:s0+$0xFFFFFFE0] =	vst v0;
	(pc) =	sbr.rel @p0 .LBB2_11-.Ltmp7, $3  }
0x3bd: {  	_ =	sdelay $0x1  }
0x3be: {  	[tilespmem:s0+$0x10] =	vst v0  }
0x3bf: {  	[tilespmem:s0+$0x0] =	vst v0  }
0x3c0: {  	[tilespmem:s0+$0xFFFFFFF0] =	vst v0;
	s15 =	simm.s32 $0x0;
	s2 =	simm.s32 $0x2000;
	s5 =	simm.s32 $0x80000  }
0x3c1: {  	[tilespmem:s15], [sflag:$0x1] =	stream.strided.gather [hbm4b:s8+s2], $0x4000, s5, s2, $0x38;
	[tilespmem:$0x18800] =	vst v63  }
0x3c2: {  	s19 =	simm.s32 $0x8000  }
0x3c3: {  	[tilespmem:s19], [sflag:$0x1] =	stream.linear.gather [hbm4b:s1+s15], $0x80, $0x38;
	[tilespmem:$0x18800] =	vst v63  }
0x3c4: {  	s7 =	simm.s32 $0x8100;
	s20 =	rddreg [dreg:$0xa]  }
0x3c5: {  	[tilespmem:s7], [sflag:$0x1] =	stream.linear.gather [hbm4b:s20+s15], $0x80, $0x38;
	[tilespmem:$0x18800] =	vst v63  }
0x3c6: {  	s22 =	simm.s32 $0x8200;
	s21 =	rddreg [dreg:$0xb]  }
0x3c7: {  	[tilespmem:s22], [sflag:$0x1] =	stream.linear.gather [hbm4b:s21+s15], $0x80, $0x38;
	[tilespmem:$0x18800] =	vst v63  }
0x3c8: {  	s24 =	simm.s32 $0x8300;
	s23 =	rddreg [dreg:$0xc]  }
0x3c9: {  	[tilespmem:s24], [sflag:$0x1] =	stream.linear.gather [hbm4b:s23+s15], $0x80, $0x38;
	[tilespmem:$0x18800] =	vst v63  }
0x3ca: {  	s26 =	simm.s32 $0x8400;
	s25 =	rddreg [dreg:$0xd]  }
0x3cb: {  	[tilespmem:s26], [sflag:$0x1] =	stream.linear.gather [hbm4b:s25+s15], $0x80, $0x38;
	[tilespmem:$0x18800] =	vst v63  }
0x3cc: {  	s29 =	simm.s32 $0x8500;
	s28 =	rddreg [dreg:$0xe]  }
0x3cd: {  	[tilespmem:s29], [sflag:$0x1] =	stream.linear.gather [hbm4b:s28+s15], $0x80, $0x38;
	[tilespmem:$0x18800] =	vst v63  }
0x3ce: {  	s31 =	simm.s32 $0x8600;
	s30 =	rddreg [dreg:$0xf]  }
0x3cf: {  	[tilespmem:s31], [sflag:$0x1] =	stream.linear.gather [hbm4b:s30+s15], $0x80, $0x38;
	[tilespmem:$0x18800] =	vst v63  }
0x3d0: {  	s9 =	simm.s32 $0x8700;
	s7 =	rddreg [dreg:$0x10]  }
0x3d1: {  	[tilespmem:s9], [sflag:$0x1] =	stream.linear.gather [hbm4b:s7+s15], $0x80, $0x38;
	[tilespmem:$0x18800] =	vst v63  }
0x3d2: {  	s13 =	simm.s32 $0x4000;
	s10 =	rddreg [dreg:$0x7]  }
0x3d3: {  	[tilespmem:s13], [sflag:$0x2] =	stream.strided.gather [hbm4b:s10+s2], $0x4000, s5, s2, $0x38;
	[tilespmem:$0x18800] =	vst v63  }
0x3d4: {  	s16 =	simm.s32 $0x8080;
	s14 =	rddreg [dreg:$0x5]  }
0x3d5: {  	[tilespmem:s16], [sflag:$0x2] =	stream.linear.gather [hbm4b:s14+s15], $0x80, $0x38;
	[tilespmem:$0x18800] =	vst v63  }
0x3d6: {  	s18 =	simm.s32 $0x8180;
	s17 =	rddreg [dreg:$0x11]  }
0x3d7: {  	[tilespmem:s18], [sflag:$0x2] =	stream.linear.gather [hbm4b:s17+s15], $0x80, $0x38;
	[tilespmem:$0x18800] =	vst v63  }
0x3d8: {  	s19 =	rddreg [dreg:$0x12];
	s20 =	simm.s32 $0x8280  }
0x3d9: {  	[tilespmem:s20], [sflag:$0x2] =	stream.linear.gather [hbm4b:s19+s15], $0x80, $0x38;
	[tilespmem:$0x18800] =	vst v63  }
0x3da: {  	s21 =	rddreg [dreg:$0x13];
	s22 =	simm.s32 $0x8380  }
0x3db: {  	[tilespmem:s22], [sflag:$0x2] =	stream.linear.gather [hbm4b:s21+s15], $0x80, $0x38;
	[tilespmem:$0x18800] =	vst v63  }
0x3dc: {  	s23 =	rddreg [dreg:$0x14];
	s24 =	simm.s32 $0x8480  }
0x3dd: {  	[tilespmem:s24], [sflag:$0x2] =	stream.linear.gather [hbm4b:s23+s15], $0x80, $0x38;
	[tilespmem:$0x18800] =	vst v63  }
0x3de: {  	s25 =	rddreg [dreg:$0x15];
	s26 =	simm.s32 $0x8580  }
0x3df: {  	[tilespmem:s26], [sflag:$0x2] =	stream.linear.gather [hbm4b:s25+s15], $0x80, $0x38;
	[tilespmem:$0x18800] =	vst v63  }
0x3e0: {  	s28 =	rddreg [dreg:$0x16];
	s29 =	simm.s32 $0x8680  }
0x3e1: {  	[tilespmem:s29], [sflag:$0x2] =	stream.linear.gather [hbm4b:s28+s15], $0x80, $0x38;
	[tilespmem:$0x18800] =	vst v63  }
0x3e2: {  	s30 =	rddreg [dreg:$0x17];
	s31 =	simm.s32 $0x8780;
	s16 =	simm.s32 $0x0  }
0x3e3: {  	[tilespmem:s31], [sflag:$0x2] =	stream.linear.gather [hbm4b:s30+s15], $0x80, $0x38;
	[tilespmem:$0x18800] =	vst v63  }
.LBB2_13:
0x3e4: {  	_ =	swait.ge [sflag:s11], $0x4000  }
0x3e5: {  	[sflag:s11] =	ssyncset.done $0x0  }
0x3e6: {  	s17 =	sand.u32 $0x1C00, s15;
	[sflag:s11] =	ssyncadd.s32 $0xFFFFC000  }
0x3e7: {  	s21 =	sand.u32 $0x40, s15;
	s0 =	sshrl.u32 s17, $0x2;
	_ =	swait.ge [sflag:s11], $0x400  }
0x3e8: {  	s20 =	sor.u32 $0x30, s21;
	s2 =	sor.u32 $0x8000, s0;
	[sflag:s11] =	ssyncset.done $0x0  }
0x3e9: {  	s0 =	sor.u32 s20, s2;
	[sflag:s11] =	ssyncadd.s32 $0xFFFFFC00  }
0x3ea: {  	v2 =	vld [tilespmem:s0+$0x0]  }
0x3eb: {  	s13 =	sor.u32 $0x10, s21;
	s31 =	sor.u32 s21, s2  }
0x3ec: {  	s5 =	sor.u32 s13, s2;
	v3 =	vld [tilespmem:s31+$0x0]  }
0x3ed: {  	s19 =	sor.u32 s20, s17;
	v4 =	vld [tilespmem:s5+$0x0]  }
0x3ee: {  	v5 =	vld [tilespmem:s19+$0x0]  }
0x3ef: {  	v1 =	vand.u32 $0xFFF, v2  }
0x3f0: {  	s14 =	sor.u32 s21, s17  }
0x3f1: {  	s18 =	sor.u32 $0x20, s21;
	s5 =	sor.u32 s13, s17;
	v10 =	vld [tilespmem:s14+$0x0]  }
0x3f2: {  	s2 =	sor.u32 s18, s2;
	v8 =	vld [tilespmem:s5+$0x0];
	v2 =	vand.u32 $0x80000000, v2;
	v9 =	vand.u32 $0xFFF, v3  }
0x3f3: {  	v11 =	vld [tilespmem:s2+$0x0];
	v7 =	vand.u32 $0xFFF, v4;
	v5 =	vxor.u32 v2, v5  }
0x3f4: {  	[tilespmem:v1+s6+$0x0] =	vst.idx.add.f32.msk $0xffff, v5  }
0x3f5: {  	s10 =	sor.u32 s18, s17;
	v6 =	vand.u32 $0x80000000, v3;
	v5 =	vand.u32 $0x80000000, v4;
	v4 =	vld [tilespmem:s19+$0x80]  }
0x3f6: {  	v3 =	vld [tilespmem:s10+$0x0];
	v12 =	vor.u32 $0x1000, v1;
	v10 =	vxor.u32 v6, v10  }
0x3f7: {  	[tilespmem:v9+s6+$0x0] =	vst.idx.add.f32.msk $0xffff, v10;
	v8 =	vxor.u32 v5, v8  }
0x3f8: {  	[tilespmem:v7+s6+$0x0] =	vst.idx.add.f32.msk $0xffff, v8;
	v8 =	vand.u32 $0xFFF, v11  }
0x3f9: {  	v10 =	vld [tilespmem:s14+$0x80]  }
0x3fa: {  	v13 =	vor.u32 $0x1000, v9;
	v14 =	vld [tilespmem:s5+$0x80];
	v15 =	vxor.u32 v2, v4  }
0x3fb: {  	v4 =	vand.u32 $0x80000000, v11;
	v11 =	vor.u32 $0x1000, v7;
	[tilespmem:v12+s6+$0x0] =	vst.idx.add.f32.msk $0xffff, v15  }
0x3fc: {  	v3 =	vxor.u32 v4, v3;
	v12 =	vld [tilespmem:s19+$0x100]  }
0x3fd: {  	[tilespmem:v8+s6+$0x0] =	vst.idx.add.f32.msk $0xffff, v3;
	v3 =	vor.u32 $0x2000, v1  }
0x3fe: {  	v10 =	vxor.u32 v6, v10;
	v15 =	vld [tilespmem:s10+$0x80]  }
0x3ff: {  	v16 =	vor.u32 $0x1000, v8;
	[tilespmem:v13+s6+$0x0] =	vst.idx.add.f32.msk $0xffff, v10;
	v10 =	vxor.u32 v5, v14  }
0x400: {  	[tilespmem:v11+s6+$0x0] =	vst.idx.add.f32.msk $0xffff, v10  }
0x401: {  	v10 =	vld [tilespmem:s14+$0x100];
	v11 =	vxor.u32 v2, v12  }
0x402: {  	v12 =	vor.u32 $0x2000, v9;
	[tilespmem:v3+s6+$0x0] =	vst.idx.add.f32.msk $0xffff, v11  }
0x403: {  	v3 =	vxor.u32 v4, v15;
	v11 =	vld [tilespmem:s19+$0x180]  }
0x404: {  	[tilespmem:v16+s6+$0x0] =	vst.idx.add.f32.msk $0xffff, v3;
	v3 =	vor.u32 $0x3000, v1  }
0x405: {  	v13 =	vld [tilespmem:s5+$0x100]  }
0x406: {  	v14 =	vor.u32 $0x2000, v7;
	v10 =	vxor.u32 v6, v10;
	v15 =	vld [tilespmem:s10+$0x100]  }
0x407: {  	v54 =	vor.u32 $0x2000, v8;
	[tilespmem:v12+s6+$0x0] =	vst.idx.add.f32.msk $0xffff, v10  }
0x408: {  	v10 =	vld [tilespmem:s14+$0x180];
	v11 =	vxor.u32 v2, v11  }
0x409: {  	[tilespmem:v3+s6+$0x0] =	vst.idx.add.f32.msk $0xffff, v11  }
0x40a: {  	v3 =	vor.u32 $0x3000, v9;
	v11 =	vxor.u32 v5, v13;
	v12 =	vld [tilespmem:s19+$0x200]  }
0x40b: {  	[tilespmem:v14+s6+$0x0] =	vst.idx.add.f32.msk $0xffff, v11;
	v11 =	vxor.u32 v4, v15  }
0x40c: {  	v13 =	vor.u32 $0x4000, v1;
	[tilespmem:v54+s6+$0x0] =	vst.idx.add.f32.msk $0xffff, v11  }
0x40d: {  	v11 =	vld [tilespmem:s5+$0x180]  }
0x40e: {  	v14 =	vor.u32 $0x3000, v7;
	v10 =	vxor.u32 v6, v10;
	v15 =	vld [tilespmem:s10+$0x180]  }
0x40f: {  	v55 =	vor.u32 $0x3000, v8;
	[tilespmem:v3+s6+$0x0] =	vst.idx.add.f32.msk $0xffff, v10  }
0x410: {  	v3 =	vxor.u32 v2, v12;
	v10 =	vld [tilespmem:s14+$0x200]  }
0x411: {  	[tilespmem:v13+s6+$0x0] =	vst.idx.add.f32.msk $0xffff, v3  }
0x412: {  	v11 =	vxor.u32 v5, v11;
	v3 =	vld [tilespmem:s19+$0x280]  }
0x413: {  	v12 =	vor.u32 $0x5000, v1;
	[tilespmem:v14+s6+$0x0] =	vst.idx.add.f32.msk $0xffff, v11;
	v11 =	vxor.u32 v4, v15  }
0x414: {  	[tilespmem:v55+s6+$0x0] =	vst.idx.add.f32.msk $0xffff, v11  }
0x415: {  	v13 =	vor.u32 $0x4000, v9;
	v11 =	vld [tilespmem:s5+$0x200]  }
0x416: {  	v14 =	vor.u32 $0x4000, v7  }
0x417: {  	v15 =	vld [tilespmem:s10+$0x200];
	v3 =	vxor.u32 v2, v3  }
0x418: {  	v56 =	vor.u32 $0x4000, v8;
	[tilespmem:v12+s6+$0x0] =	vst.idx.add.f32.msk $0xffff, v3  }
0x419: {  	v3 =	vxor.u32 v6, v10;
	v10 =	vld [tilespmem:s19+$0x300]  }
0x41a: {  	v11 =	vxor.u32 v5, v11;
	[tilespmem:v13+s6+$0x0] =	vst.idx.add.f32.msk $0xffff, v3  }
0x41b: {  	v3 =	vor.u32 $0x6000, v1;
	[tilespmem:v14+s6+$0x0] =	vst.idx.add.f32.msk $0xffff, v11  }
0x41c: {  	v11 =	vxor.u32 v4, v15;
	v12 =	vld [tilespmem:s14+$0x280]  }
0x41d: {  	[tilespmem:v56+s6+$0x0] =	vst.idx.add.f32.msk $0xffff, v11  }
0x41e: {  	v13 =	vor.u32 $0x5000, v9;
	v11 =	vld [tilespmem:s5+$0x280]  }
0x41f: {  	v14 =	vor.u32 $0x5000, v7;
	v10 =	vxor.u32 v2, v10  }
0x420: {  	[tilespmem:v3+s6+$0x0] =	vst.idx.add.f32.msk $0xffff, v10  }
0x421: {  	v3 =	vld [tilespmem:s19+$0x380]  }
0x422: {  	v15 =	vor.u32 $0x7000, v1;
	v10 =	vxor.u32 v6, v12;
	v12 =	vld [tilespmem:s10+$0x280]  }
0x423: {  	v11 =	vxor.u32 v5, v11;
	[tilespmem:v13+s6+$0x0] =	vst.idx.add.f32.msk $0xffff, v10  }
0x424: {  	v10 =	vor.u32 $0x5000, v8;
	[tilespmem:v14+s6+$0x0] =	vst.idx.add.f32.msk $0xffff, v11  }
0x425: {  	v13 =	vld [tilespmem:s14+$0x300]  }
0x426: {  	s22 =	sor.u32 $0x2000, s17;
	v11 =	vor.u32 $0x6000, v9;
	v14 =	vld [tilespmem:s5+$0x300];
	v3 =	vxor.u32 v2, v3  }
0x427: {  	s7 =	sor.u32 s20, s22;
	v57 =	vor.u32 $0x6000, v7;
	[tilespmem:v15+s6+$0x0] =	vst.idx.add.f32.msk $0xffff, v3  }
0x428: {  	v3 =	vxor.u32 v4, v12;
	v12 =	vld [tilespmem:s7+$0x0]  }
0x429: {  	[tilespmem:v10+s6+$0x0] =	vst.idx.add.f32.msk $0xffff, v3;
	v3 =	vor.u32 $0x8000, v1  }
0x42a: {  	v10 =	vxor.u32 v6, v13;
	v13 =	vld [tilespmem:s10+$0x300]  }
0x42b: {  	v15 =	vor.u32 $0x6000, v8;
	[tilespmem:v11+s6+$0x0] =	vst.idx.add.f32.msk $0xffff, v10;
	v10 =	vxor.u32 v5, v14  }
0x42c: {  	[tilespmem:v57+s6+$0x0] =	vst.idx.add.f32.msk $0xffff, v10  }
0x42d: {  	s23 =	sor.u32 $0x2080, s17;
	v10 =	vld [tilespmem:s14+$0x380];
	v11 =	vxor.u32 v2, v12  }
0x42e: {  	s9 =	sor.u32 s20, s23;
	v12 =	vor.u32 $0x7000, v9;
	[tilespmem:v3+s6+$0x0] =	vst.idx.add.f32.msk $0xffff, v11  }
0x42f: {  	v3 =	vxor.u32 v4, v13;
	v11 =	vld [tilespmem:s9+$0x0]  }
0x430: {  	[tilespmem:v15+s6+$0x0] =	vst.idx.add.f32.msk $0xffff, v3;
	v3 =	vor.u32 $0x9000, v1  }
0x431: {  	v13 =	vld [tilespmem:s5+$0x380]  }
0x432: {  	v14 =	vor.u32 $0x7000, v7;
	v10 =	vxor.u32 v6, v10;
	v15 =	vld [tilespmem:s10+$0x380]  }
0x433: {  	s24 =	sor.u32 s21, s22;
	v58 =	vor.u32 $0x7000, v8;
	[tilespmem:v12+s6+$0x0] =	vst.idx.add.f32.msk $0xffff, v10  }
0x434: {  	s25 =	sor.u32 $0x2100, s17;
	v10 =	vld [tilespmem:s24+$0x0];
	v11 =	vxor.u32 v2, v11  }
0x435: {  	s26 =	sor.u32 s20, s25;
	[tilespmem:v3+s6+$0x0] =	vst.idx.add.f32.msk $0xffff, v11  }
0x436: {  	v3 =	vor.u32 $0x8000, v9;
	v11 =	vxor.u32 v5, v13;
	v12 =	vld [tilespmem:s26+$0x0]  }
0x437: {  	[tilespmem:v14+s6+$0x0] =	vst.idx.add.f32.msk $0xffff, v11;
	v11 =	vxor.u32 v4, v15  }
0x438: {  	s28 =	sor.u32 s13, s22;
	v13 =	vor.u32 $0xA000, v1;
	[tilespmem:v58+s6+$0x0] =	vst.idx.add.f32.msk $0xffff, v11  }
0x439: {  	s5 =	sor.u32 s18, s22;
	v11 =	vld [tilespmem:s28+$0x0]  }
0x43a: {  	v14 =	vor.u32 $0x8000, v7;
	v10 =	vxor.u32 v6, v10;
	v15 =	vld [tilespmem:s5+$0x0]  }
0x43b: {  	s31 =	sor.u32 s21, s23;
	v59 =	vor.u32 $0x8000, v8;
	[tilespmem:v3+s6+$0x0] =	vst.idx.add.f32.msk $0xffff, v10  }
0x43c: {  	s29 =	sor.u32 $0x2180, s17;
	v3 =	vxor.u32 v2, v12;
	v10 =	vld [tilespmem:s31+$0x0]  }
0x43d: {  	s30 =	sor.u32 s20, s29;
	[tilespmem:v13+s6+$0x0] =	vst.idx.add.f32.msk $0xffff, v3  }
0x43e: {  	v11 =	vxor.u32 v5, v11;
	v3 =	vld [tilespmem:s30+$0x0]  }
0x43f: {  	v12 =	vor.u32 $0xB000, v1;
	[tilespmem:v14+s6+$0x0] =	vst.idx.add.f32.msk $0xffff, v11;
	v11 =	vxor.u32 v4, v15  }
0x440: {  	s9 =	sor.u32 s13, s23;
	[tilespmem:v59+s6+$0x0] =	vst.idx.add.f32.msk $0xffff, v11  }
0x441: {  	v13 =	vor.u32 $0x9000, v9;
	v11 =	vld [tilespmem:s9+$0x0]  }
0x442: {  	s7 =	sor.u32 s18, s23;
	v14 =	vor.u32 $0x9000, v7  }
0x443: {  	s5 =	sor.u32 $0x2200, s17;
	v15 =	vld [tilespmem:s7+$0x0];
	v3 =	vxor.u32 v2, v3  }
0x444: {  	v60 =	vor.u32 $0x9000, v8;
	s10 =	sor.u32 s20, s5;
	[tilespmem:v12+s6+$0x0] =	vst.idx.add.f32.msk $0xffff, v3  }
0x445: {  	v3 =	vxor.u32 v6, v10;
	v10 =	vld [tilespmem:s10+$0x0]  }
0x446: {  	v11 =	vxor.u32 v5, v11;
	[tilespmem:v13+s6+$0x0] =	vst.idx.add.f32.msk $0xffff, v3  }
0x447: {  	s14 =	sor.u32 s21, s25;
	v3 =	vor.u32 $0xC000, v1;
	[tilespmem:v14+s6+$0x0] =	vst.idx.add.f32.msk $0xffff, v11  }
0x448: {  	v11 =	vxor.u32 v4, v15;
	v12 =	vld [tilespmem:s14+$0x0]  }
0x449: {  	s19 =	sor.u32 s13, s25;
	[tilespmem:v60+s6+$0x0] =	vst.idx.add.f32.msk $0xffff, v11  }
0x44a: {  	v13 =	vor.u32 $0xA000, v9;
	v11 =	vld [tilespmem:s19+$0x0]  }
0x44b: {  	v14 =	vor.u32 $0xA000, v7;
	v10 =	vxor.u32 v2, v10  }
0x44c: {  	s0 =	sor.u32 s18, s25;
	s22 =	sor.u32 $0x2280, s17;
	[tilespmem:v3+s6+$0x0] =	vst.idx.add.f32.msk $0xffff, v10  }
0x44d: {  	s23 =	sor.u32 s20, s22;
	v3 =	vld [tilespmem:s0+$0x0]  }
0x44e: {  	v10 =	vor.u32 $0xA000, v8;
	v12 =	vxor.u32 v6, v12;
	v15 =	vld [tilespmem:s23+$0x0]  }
0x44f: {  	v11 =	vxor.u32 v5, v11;
	[tilespmem:v13+s6+$0x0] =	vst.idx.add.f32.msk $0xffff, v12  }
0x450: {  	s24 =	sor.u32 s21, s29;
	v12 =	vor.u32 $0xD000, v1;
	[tilespmem:v14+s6+$0x0] =	vst.idx.add.f32.msk $0xffff, v11  }
0x451: {  	s25 =	sor.u32 s13, s29;
	v13 =	vld [tilespmem:s24+$0x0]  }
0x452: {  	v11 =	vor.u32 $0xB000, v9;
	v14 =	vld [tilespmem:s25+$0x0];
	v3 =	vxor.u32 v4, v3  }
0x453: {  	v61 =	vor.u32 $0xB000, v7;
	s26 =	sor.u32 s18, s29;
	[tilespmem:v10+s6+$0x0] =	vst.idx.add.f32.msk $0xffff, v3  }
0x454: {  	s28 =	sor.u32 $0x2300, s17;
	v3 =	vxor.u32 v2, v15;
	v10 =	vld [tilespmem:s26+$0x0]  }
0x455: {  	s29 =	sor.u32 s20, s28;
	[tilespmem:v12+s6+$0x0] =	vst.idx.add.f32.msk $0xffff, v3  }
0x456: {  	v15 =	vor.u32 $0xB000, v8;
	v12 =	vxor.u32 v6, v13;
	v3 =	vld [tilespmem:s29+$0x0]  }
0x457: {  	[tilespmem:v11+s6+$0x0] =	vst.idx.add.f32.msk $0xffff, v12;
	v11 =	vxor.u32 v5, v14  }
0x458: {  	s30 =	sor.u32 s21, s5;
	[tilespmem:v61+s6+$0x0] =	vst.idx.add.f32.msk $0xffff, v11  }
0x459: {  	v12 =	vor.u32 $0xE000, v1;
	v11 =	vld [tilespmem:s30+$0x0]  }
0x45a: {  	v13 =	vor.u32 $0xC000, v9;
	v10 =	vxor.u32 v4, v10  }
0x45b: {  	s31 =	sor.u32 s13, s5;
	[tilespmem:v15+s6+$0x0] =	vst.idx.add.f32.msk $0xffff, v10  }
0x45c: {  	s5 =	sor.u32 s18, s5;
	v10 =	vld [tilespmem:s31+$0x0]  }
0x45d: {  	v14 =	vor.u32 $0xC000, v7;
	v3 =	vxor.u32 v2, v3;
	v15 =	vld [tilespmem:s5+$0x0]  }
0x45e: {  	v62 =	vor.u32 $0xC000, v8;
	[tilespmem:v12+s6+$0x0] =	vst.idx.add.f32.msk $0xffff, v3;
	v11 =	vxor.u32 v6, v11  }
0x45f: {  	s10 =	sor.u32 s21, s22;
	s19 =	sor.u32 $0x2380, s17;
	[tilespmem:v13+s6+$0x0] =	vst.idx.add.f32.msk $0xffff, v11  }
0x460: {  	s9 =	sor.u32 s20, s19;
	v11 =	vld [tilespmem:s10+$0x0]  }
0x461: {  	v12 =	vor.u32 $0xD000, v9;
	v3 =	vld [tilespmem:s9+$0x0];
	v10 =	vxor.u32 v5, v10  }
0x462: {  	[tilespmem:v14+s6+$0x0] =	vst.idx.add.f32.msk $0xffff, v10;
	v10 =	vxor.u32 v4, v15  }
0x463: {  	s14 =	sor.u32 s13, s22;
	v1 =	vor.u32 $0xF000, v1;
	[tilespmem:v62+s6+$0x0] =	vst.idx.add.f32.msk $0xffff, v10  }
0x464: {  	s17 =	sor.u32 s18, s22;
	s23 =	simm.s32 $0x200;
	v10 =	vld [tilespmem:s14+$0x0]  }
0x465: {  	s23 =	sand.u32 $0x1C00, s23;
	v14 =	vld [tilespmem:s17+$0x0];
	v11 =	vxor.u32 v6, v11  }
0x466: {  	s20 =	sor.u32 s21, s28;
	s24 =	sshrl.u32 s23, $0x2;
	v13 =	vor.u32 $0xD000, v7;
	s17 =	simm.s32 $0x40;
	[tilespmem:v12+s6+$0x0] =	vst.idx.add.f32.msk $0xffff, v11  }
0x467: {  	s0 =	sor.u32 $0x8000, s24;
	v2 =	vxor.u32 v2, v3;
	v3 =	vld [tilespmem:s20+$0x0];
	s20 =	sand.u32 $0x40, s17  }
0x468: {  	s2 =	sor.u32 s18, s28;
	s22 =	sor.u32 s13, s28;
	[tilespmem:v1+s6+$0x0] =	vst.idx.add.f32.msk $0xffff, v2;
	s28 =	sor.u32 s20, s0  }
0x469: {  	v15 =	vor.u32 $0xD000, v8;
	s9 =	sor.u32 s20, s23;
	v63 =	vld [tilespmem:s28+$0x0]  }
0x46a: {  	s25 =	sor.u32 s21, s19;
	s21 =	sor.u32 $0x10, s20;
	v1 =	vxor.u32 v5, v10;
	v23 =	vld [tilespmem:s9+$0x0]  }
0x46b: {  	v11 =	vor.u32 $0xE000, v9;
	s29 =	sor.u32 s21, s0;
	[tilespmem:v13+s6+$0x0] =	vst.idx.add.f32.msk $0xffff, v1  }
0x46c: {  	s30 =	sor.u32 s21, s23;
	v17 =	vld [tilespmem:s29+$0x0]  }
0x46d: {  	v1 =	vxor.u32 v4, v14;
	v21 =	vld [tilespmem:s30+$0x0]  }
0x46e: {  	[tilespmem:v15+s6+$0x0] =	vst.idx.add.f32.msk $0xffff, v1  }
0x46f: {  	s24 =	sor.u32 $0x30, s20;
	v1 =	vld [tilespmem:s22+$0x0];
	v2 =	vxor.u32 v6, v3  }
0x470: {  	s26 =	sor.u32 s24, s0;
	[tilespmem:v11+s6+$0x0] =	vst.idx.add.f32.msk $0xffff, v2  }
0x471: {  	s22 =	sor.u32 $0x20, s20;
	v2 =	vld [tilespmem:s26+$0x0]  }
0x472: {  	v12 =	vor.u32 $0xE000, v7;
	v3 =	vld [tilespmem:s2+$0x0];
	s0 =	sor.u32 s22, s0  }
0x473: {  	v19 =	vor.u32 $0xE000, v8;
	v18 =	vld [tilespmem:s0+$0x0]  }
0x474: {  	v10 =	vld [tilespmem:s25+$0x0];
	s25 =	sor.u32 s24, s23  }
0x475: {  	s31 =	sor.u32 s22, s23;
	v20 =	vld [tilespmem:s25+$0x0];
	v11 =	vand.u32 $0xFFF, v17  }
0x476: {  	v22 =	vld [tilespmem:s31+$0x0];
	v1 =	vxor.u32 v5, v1;
	v15 =	vand.u32 $0xFFF, v2  }
0x477: {  	v3 =	vxor.u32 v4, v3;
	[tilespmem:v12+s6+$0x0] =	vst.idx.add.f32.msk $0xffff, v1  }
0x478: {  	s10 =	sor.u32 s13, s19;
	v13 =	vand.u32 $0xFFF, v63;
	v1 =	vand.u32 $0x80000000, v17;
	[tilespmem:v19+s6+$0x0] =	vst.idx.add.f32.msk $0xffff, v3  }
0x479: {  	v14 =	vand.u32 $0x80000000, v2;
	v21 =	vxor.u32 v1, v21;
	v16 =	vld [tilespmem:s10+$0x0]  }
0x47a: {  	v2 =	vxor.u32 v14, v20;
	[tilespmem:v11+s6+$0x0] =	vst.idx.add.f32.msk $0xffff, v21  }
0x47b: {  	v12 =	vand.u32 $0xFFF, v18;
	v3 =	vand.u32 $0x80000000, v63;
	[tilespmem:v15+s6+$0x0] =	vst.idx.add.f32.msk $0xffff, v2  }
0x47c: {  	v25 =	vxor.u32 v3, v23;
	v24 =	vld [tilespmem:s25+$0x80]  }
0x47d: {  	v26 =	vor.u32 $0x1000, v15;
	[tilespmem:v13+s6+$0x0] =	vst.idx.add.f32.msk $0xffff, v25  }
0x47e: {  	v29 =	vld [tilespmem:s30+$0x80];
	v2 =	vand.u32 $0x80000000, v18  }
0x47f: {  	v30 =	vor.u32 $0x1000, v11;
	v18 =	vld [tilespmem:s9+$0x80];
	v27 =	vxor.u32 v2, v22  }
0x480: {  	[tilespmem:v12+s6+$0x0] =	vst.idx.add.f32.msk $0xffff, v27  }
0x481: {  	v28 =	vor.u32 $0x1000, v13;
	v31 =	vld [tilespmem:s31+$0x80];
	v17 =	vxor.u32 v14, v24  }
0x482: {  	[tilespmem:v26+s6+$0x0] =	vst.idx.add.f32.msk $0xffff, v17  }
0x483: {  	v33 =	vxor.u32 v1, v29;
	v24 =	vor.u32 $0x1000, v12;
	v17 =	vld [tilespmem:s25+$0x100]  }
0x484: {  	v32 =	vor.u32 $0x2000, v15;
	[tilespmem:v30+s6+$0x0] =	vst.idx.add.f32.msk $0xffff, v33  }
0x485: {  	v18 =	vxor.u32 v3, v18;
	v21 =	vld [tilespmem:s30+$0x100]  }
0x486: {  	v39 =	vor.u32 $0x2000, v11;
	[tilespmem:v28+s6+$0x0] =	vst.idx.add.f32.msk $0xffff, v18  }
0x487: {  	v34 =	vld [tilespmem:s9+$0x100];
	v36 =	vxor.u32 v2, v31  }
0x488: {  	[tilespmem:v24+s6+$0x0] =	vst.idx.add.f32.msk $0xffff, v36;
	v17 =	vxor.u32 v14, v17  }
0x489: {  	v35 =	vor.u32 $0x2000, v13;
	[tilespmem:v32+s6+$0x0] =	vst.idx.add.f32.msk $0xffff, v17  }
0x48a: {  	v44 =	vxor.u32 v1, v21;
	v37 =	vld [tilespmem:s25+$0x180]  }
0x48b: {  	v38 =	vor.u32 $0x3000, v15;
	[tilespmem:v39+s6+$0x0] =	vst.idx.add.f32.msk $0xffff, v44  }
0x48c: {  	v40 =	vld [tilespmem:s31+$0x100]  }
0x48d: {  	v41 =	vor.u32 $0x2000, v12;
	v18 =	vxor.u32 v3, v34;
	v48 =	vld [tilespmem:s30+$0x180]  }
0x48e: {  	v49 =	vor.u32 $0x3000, v11;
	[tilespmem:v35+s6+$0x0] =	vst.idx.add.f32.msk $0xffff, v18  }
0x48f: {  	v18 =	vld [tilespmem:s9+$0x180];
	v42 =	vxor.u32 v14, v37  }
0x490: {  	[tilespmem:v38+s6+$0x0] =	vst.idx.add.f32.msk $0xffff, v42  }
0x491: {  	v43 =	vor.u32 $0x3000, v13;
	v46 =	vxor.u32 v2, v40;
	v45 =	vld [tilespmem:s25+$0x200]  }
0x492: {  	v47 =	vor.u32 $0x4000, v15;
	v19 =	vxor.u32 v1, v48;
	[tilespmem:v41+s6+$0x0] =	vst.idx.add.f32.msk $0xffff, v46  }
0x493: {  	[tilespmem:v49+s6+$0x0] =	vst.idx.add.f32.msk $0xffff, v19  }
0x494: {  	v50 =	vld [tilespmem:s31+$0x180]  }
0x495: {  	v51 =	vor.u32 $0x3000, v12;
	v18 =	vxor.u32 v3, v18;
	v56 =	vld [tilespmem:s30+$0x200]  }
0x496: {  	v57 =	vor.u32 $0x4000, v11;
	[tilespmem:v43+s6+$0x0] =	vst.idx.add.f32.msk $0xffff, v18;
	v52 =	vxor.u32 v14, v45  }
0x497: {  	[tilespmem:v47+s6+$0x0] =	vst.idx.add.f32.msk $0xffff, v52  }
0x498: {  	v17 =	vld [tilespmem:s25+$0x280]  }
0x499: {  	v53 =	vor.u32 $0x5000, v15;
	v18 =	vld [tilespmem:s9+$0x200];
	v54 =	vxor.u32 v2, v50  }
0x49a: {  	v19 =	vxor.u32 v1, v56;
	[tilespmem:v51+s6+$0x0] =	vst.idx.add.f32.msk $0xffff, v54  }
0x49b: {  	v55 =	vor.u32 $0x4000, v13;
	[tilespmem:v57+s6+$0x0] =	vst.idx.add.f32.msk $0xffff, v19  }
0x49c: {  	v58 =	vld [tilespmem:s31+$0x200]  }
0x49d: {  	v59 =	vor.u32 $0x4000, v12;
	v27 =	vld [tilespmem:s30+$0x280];
	v17 =	vxor.u32 v14, v17  }
0x49e: {  	v28 =	vor.u32 $0x5000, v11;
	[tilespmem:v53+s6+$0x0] =	vst.idx.add.f32.msk $0xffff, v17  }
0x49f: {  	v60 =	vxor.u32 v3, v18;
	v61 =	vld [tilespmem:s25+$0x300]  }
0x4a0: {  	v62 =	vor.u32 $0x6000, v15;
	[tilespmem:v55+s6+$0x0] =	vst.idx.add.f32.msk $0xffff, v60  }
0x4a1: {  	v63 =	vld [tilespmem:s9+$0x280];
	v25 =	vxor.u32 v2, v58  }
0x4a2: {  	v19 =	vxor.u32 v1, v27;
	[tilespmem:v59+s6+$0x0] =	vst.idx.add.f32.msk $0xffff, v25  }
0x4a3: {  	v26 =	vor.u32 $0x5000, v13;
	[tilespmem:v28+s6+$0x0] =	vst.idx.add.f32.msk $0xffff, v19  }
0x4a4: {  	v30 =	vld [tilespmem:s31+$0x280];
	v18 =	vxor.u32 v14, v61  }
0x4a5: {  	v32 =	vor.u32 $0x5000, v12;
	[tilespmem:v62+s6+$0x0] =	vst.idx.add.f32.msk $0xffff, v18  }
0x4a6: {  	v17 =	vld [tilespmem:s25+$0x380]  }
0x4a7: {  	v31 =	vor.u32 $0x7000, v15;
	v29 =	vxor.u32 v3, v63;
	v22 =	vld [tilespmem:s30+$0x300]  }
0x4a8: {  	[tilespmem:v26+s6+$0x0] =	vst.idx.add.f32.msk $0xffff, v29  }
0x4a9: {  	v34 =	vor.u32 $0x6000, v11;
	v21 =	vld [tilespmem:s9+$0x300];
	v35 =	vxor.u32 v2, v30  }
0x4aa: {  	v33 =	vor.u32 $0x6000, v13;
	[tilespmem:v32+s6+$0x0] =	vst.idx.add.f32.msk $0xffff, v35  }
0x4ab: {  	s13 =	sor.u32 $0x2000, s23;
	v39 =	vld [tilespmem:s31+$0x300];
	v17 =	vxor.u32 v14, v17  }
0x4ac: {  	v40 =	vor.u32 $0x6000, v12;
	s25 =	sor.u32 s24, s13;
	[tilespmem:v31+s6+$0x0] =	vst.idx.add.f32.msk $0xffff, v17  }
0x4ad: {  	v41 =	vxor.u32 v1, v22;
	v36 =	vld [tilespmem:s25+$0x0]  }
0x4ae: {  	v37 =	vor.u32 $0x8000, v15;
	[tilespmem:v34+s6+$0x0] =	vst.idx.add.f32.msk $0xffff, v41;
	v38 =	vxor.u32 v3, v21  }
0x4af: {  	[tilespmem:v33+s6+$0x0] =	vst.idx.add.f32.msk $0xffff, v38  }
0x4b0: {  	v42 =	vld [tilespmem:s9+$0x380];
	v45 =	vxor.u32 v2, v39  }
0x4b1: {  	v44 =	vor.u32 $0x7000, v13;
	[tilespmem:v40+s6+$0x0] =	vst.idx.add.f32.msk $0xffff, v45  }
0x4b2: {  	s26 =	sor.u32 $0x2080, s23;
	v23 =	vld [tilespmem:s31+$0x380];
	v43 =	vxor.u32 v14, v36  }
0x4b3: {  	s28 =	sor.u32 s24, s26;
	v49 =	vor.u32 $0x7000, v12;
	[tilespmem:v37+s6+$0x0] =	vst.idx.add.f32.msk $0xffff, v43  }
0x4b4: {  	v19 =	vld [tilespmem:s28+$0x0]  }
0x4b5: {  	v46 =	vor.u32 $0x9000, v15;
	v47 =	vld [tilespmem:s30+$0x380];
	v18 =	vxor.u32 v3, v42  }
0x4b6: {  	s29 =	sor.u32 s20, s13;
	[tilespmem:v44+s6+$0x0] =	vst.idx.add.f32.msk $0xffff, v18  }
0x4b7: {  	v48 =	vor.u32 $0x7000, v11;
	v18 =	vld [tilespmem:s29+$0x0];
	v53 =	vxor.u32 v2, v23  }
0x4b8: {  	s5 =	sor.u32 s22, s13;
	v50 =	vor.u32 $0x8000, v13;
	[tilespmem:v49+s6+$0x0] =	vst.idx.add.f32.msk $0xffff, v53  }
0x4b9: {  	s30 =	sor.u32 $0x2100, s23;
	v57 =	vld [tilespmem:s5+$0x0];
	v19 =	vxor.u32 v14, v19  }
0x4ba: {  	s31 =	sor.u32 s24, s30;
	[tilespmem:v46+s6+$0x0] =	vst.idx.add.f32.msk $0xffff, v19  }
0x4bb: {  	v58 =	vor.u32 $0x8000, v12;
	v51 =	vxor.u32 v1, v47;
	v52 =	vld [tilespmem:s31+$0x0]  }
0x4bc: {  	v54 =	vor.u32 $0xA000, v15;
	[tilespmem:v48+s6+$0x0] =	vst.idx.add.f32.msk $0xffff, v51;
	v18 =	vxor.u32 v3, v18  }
0x4bd: {  	s9 =	sor.u32 s21, s13;
	s13 =	sor.u32 s20, s26;
	[tilespmem:v50+s6+$0x0] =	vst.idx.add.f32.msk $0xffff, v18  }
0x4be: {  	v18 =	vld [tilespmem:s13+$0x0]  }
0x4bf: {  	v62 =	vor.u32 $0x9000, v13;
	v55 =	vld [tilespmem:s9+$0x0];
	v61 =	vxor.u32 v2, v57  }
0x4c0: {  	s9 =	sor.u32 $0x2180, s23;
	[tilespmem:v58+s6+$0x0] =	vst.idx.add.f32.msk $0xffff, v61;
	v59 =	vxor.u32 v14, v52  }
0x4c1: {  	v56 =	vor.u32 $0x8000, v11;
	s10 =	sor.u32 s24, s9;
	[tilespmem:v54+s6+$0x0] =	vst.idx.add.f32.msk $0xffff, v59  }
0x4c2: {  	s7 =	sor.u32 s22, s26;
	v17 =	vld [tilespmem:s10+$0x0]  }
0x4c3: {  	v60 =	vor.u32 $0xB000, v15;
	v29 =	vld [tilespmem:s7+$0x0];
	v31 =	vxor.u32 v3, v18  }
0x4c4: {  	s14 =	sor.u32 s21, s26;
	s26 =	sor.u32 s20, s30;
	[tilespmem:v62+s6+$0x0] =	vst.idx.add.f32.msk $0xffff, v31  }
0x4c5: {  	v30 =	vor.u32 $0x9000, v12;
	v19 =	vxor.u32 v1, v55;
	v34 =	vld [tilespmem:s26+$0x0]  }
0x4c6: {  	[tilespmem:v56+s6+$0x0] =	vst.idx.add.f32.msk $0xffff, v19  }
0x4c7: {  	s5 =	sor.u32 $0x2200, s23;
	v36 =	vor.u32 $0xA000, v13;
	v63 =	vld [tilespmem:s14+$0x0];
	v17 =	vxor.u32 v14, v17  }
0x4c8: {  	v28 =	vor.u32 $0x9000, v11;
	s25 =	sor.u32 s24, s5;
	[tilespmem:v60+s6+$0x0] =	vst.idx.add.f32.msk $0xffff, v17  }
0x4c9: {  	v35 =	vxor.u32 v2, v29;
	v32 =	vld [tilespmem:s25+$0x0]  }
0x4ca: {  	v33 =	vor.u32 $0xC000, v15;
	s0 =	sor.u32 s22, s30;
	[tilespmem:v30+s6+$0x0] =	vst.idx.add.f32.msk $0xffff, v35  }
0x4cb: {  	v39 =	vxor.u32 v3, v34;
	v40 =	vld [tilespmem:s0+$0x0]  }
0x4cc: {  	[tilespmem:v36+s6+$0x0] =	vst.idx.add.f32.msk $0xffff, v39;
	v19 =	vxor.u32 v1, v63  }
0x4cd: {  	v42 =	vor.u32 $0xA000, v12;
	s28 =	sor.u32 s21, s30;
	[tilespmem:v28+s6+$0x0] =	vst.idx.add.f32.msk $0xffff, v19  }
0x4ce: {  	s2 =	sor.u32 $0x2280, s23;
	v37 =	vld [tilespmem:s28+$0x0];
	v18 =	vxor.u32 v14, v32  }
0x4cf: {  	v38 =	vor.u32 $0xA000, v11;
	s29 =	sor.u32 s24, s2;
	[tilespmem:v33+s6+$0x0] =	vst.idx.add.f32.msk $0xffff, v18  }
0x4d0: {  	s30 =	sor.u32 s20, s9;
	v17 =	vld [tilespmem:s29+$0x0]  }
0x4d1: {  	v41 =	vor.u32 $0xD000, v15;
	v21 =	vld [tilespmem:s30+$0x0];
	v45 =	vxor.u32 v2, v40  }
0x4d2: {  	s13 =	sor.u32 s22, s9;
	[tilespmem:v42+s6+$0x0] =	vst.idx.add.f32.msk $0xffff, v45  }
0x4d3: {  	v49 =	vld [tilespmem:s13+$0x0];
	v19 =	vxor.u32 v1, v37  }
0x4d4: {  	v43 =	vor.u32 $0xB000, v13;
	s31 =	sor.u32 s21, s9;
	[tilespmem:v38+s6+$0x0] =	vst.idx.add.f32.msk $0xffff, v19  }
0x4d5: {  	s0 =	sor.u32 $0x2300, s23;
	v22 =	vld [tilespmem:s31+$0x0];
	v17 =	vxor.u32 v14, v17  }
0x4d6: {  	v50 =	vor.u32 $0xB000, v12;
	s10 =	sor.u32 s24, s0;
	[tilespmem:v41+s6+$0x0] =	vst.idx.add.f32.msk $0xffff, v17  }
0x4d7: {  	v44 =	vor.u32 $0xB000, v11;
	v46 =	vld [tilespmem:s10+$0x0]  }
0x4d8: {  	v47 =	vor.u32 $0xE000, v15;
	v48 =	vxor.u32 v3, v21  }
0x4d9: {  	s14 =	sor.u32 s20, s5;
	[tilespmem:v43+s6+$0x0] =	vst.idx.add.f32.msk $0xffff, v48  }
0x4da: {  	v52 =	vld [tilespmem:s14+$0x0];
	v55 =	vxor.u32 v2, v49  }
0x4db: {  	[tilespmem:v50+s6+$0x0] =	vst.idx.add.f32.msk $0xffff, v55;
	v51 =	vxor.u32 v1, v22  }
0x4dc: {  	s23 =	sor.u32 $0x2380, s23;
	[tilespmem:v44+s6+$0x0] =	vst.idx.add.f32.msk $0xffff, v51;
	v53 =	vxor.u32 v14, v46  }
0x4dd: {  	v54 =	vor.u32 $0xC000, v13;
	s24 =	sor.u32 s24, s23;
	[tilespmem:v47+s6+$0x0] =	vst.idx.add.f32.msk $0xffff, v53  }
0x4de: {  	s25 =	sor.u32 s21, s5;
	v19 =	vld [tilespmem:s24+$0x0]  }
0x4df: {  	v15 =	vor.u32 $0xF000, v15;
	s5 =	sor.u32 s22, s5;
	v56 =	vld [tilespmem:s25+$0x0]  }
0x4e0: {  	v57 =	vor.u32 $0xC000, v11;
	s28 =	sor.u32 s18, s19;
	v58 =	vld [tilespmem:s5+$0x0]  }
0x4e1: {  	v59 =	vor.u32 $0xC000, v12;
	v60 =	vld [tilespmem:s28+$0x0];
	v18 =	vxor.u32 v3, v52  }
0x4e2: {  	s26 =	sor.u32 s20, s2;
	[tilespmem:v54+s6+$0x0] =	vst.idx.add.f32.msk $0xffff, v18  }
0x4e3: {  	v18 =	vld [tilespmem:s26+$0x0];
	v14 =	vxor.u32 v14, v19  }
0x4e4: {  	[tilespmem:v15+s6+$0x0] =	vst.idx.add.f32.msk $0xffff, v14;
	v14 =	vor.u32 $0xD000, v13;
	v15 =	vxor.u32 v1, v56  }
0x4e5: {  	[tilespmem:v57+s6+$0x0] =	vst.idx.add.f32.msk $0xffff, v15;
	v15 =	vxor.u32 v2, v58  }
0x4e6: {  	v9 =	vor.u32 $0xF000, v9;
	s29 =	sor.u32 s21, s2;
	[tilespmem:v59+s6+$0x0] =	vst.idx.add.f32.msk $0xffff, v15  }
0x4e7: {  	v7 =	vor.u32 $0xF000, v7;
	s2 =	sor.u32 s22, s2;
	v15 =	vld [tilespmem:s29+$0x0]  }
0x4e8: {  	v61 =	vor.u32 $0xD000, v11;
	v18 =	vxor.u32 v3, v18;
	v62 =	vld [tilespmem:s2+$0x0]  }
0x4e9: {  	v63 =	vor.u32 $0xD000, v12;
	s30 =	sor.u32 s20, s0;
	[tilespmem:v14+s6+$0x0] =	vst.idx.add.f32.msk $0xffff, v18  }
0x4ea: {  	v6 =	vxor.u32 v6, v10;
	v10 =	vld [tilespmem:s30+$0x0]  }
0x4eb: {  	[tilespmem:v9+s6+$0x0] =	vst.idx.add.f32.msk $0xffff, v6;
	v14 =	vxor.u32 v5, v16  }
0x4ec: {  	[tilespmem:v7+s6+$0x0] =	vst.idx.add.f32.msk $0xffff, v14;
	v14 =	vor.u32 $0xE000, v13;
	v6 =	vxor.u32 v1, v15  }
0x4ed: {  	v9 =	vor.u32 $0xE000, v12;
	s18 =	simm.s32 $0x4;
	v5 =	vor.u32 $0xF000, v8;
	[tilespmem:v61+s6+$0x0] =	vst.idx.add.f32.msk $0xffff, v6;
	v15 =	vxor.u32 v2, v62  }
0x4ee: {  	s19 =	sor.u32 s22, s23;
	s14 =	sor.u32 s20, s23;
	s31 =	sor.u32 s21, s0;
	v8 =	vor.u32 $0xE000, v11;
	v7 =	vor.u32 $0xF000, v13;
	v13 =	vor.u32 $0xF000, v12;
	[tilespmem:v63+s6+$0x0] =	vst.idx.add.f32.msk $0xffff, v15  }
0x4ef: {  	s20 =	simm.s32 $0x400;
	s0 =	sor.u32 s22, s0;
	s2 =	sor.u32 s21, s23;
	v6 =	vor.u32 $0xF000, v11;
	v11 =	vxor.u32 v4, v60;
	v4 =	vld [tilespmem:s31+$0x0];
	v10 =	vxor.u32 v3, v10  }
.LBB2_14:
0x4f0: {  	s13 =	sand.u32 $0x1C00, s20;
	s18 =	sadd.s32 $0x4, s18;
	v12 =	vld [tilespmem:s0+$0x0];
	s17 =	sadd.s32 $0x40, s17  }
0x4f1: {  	s21 =	sand.u32 $0x40, s17;
	s0 =	sshrl.u32 s13, $0x2;
	p0 =	slt.u32 s18, $0x3C;
	[tilespmem:v14+s6+$0x0] =	vst.idx.add.f32.msk $0xffff, v10  }
0x4f2: {  	s0 =	sor.u32 $0x8000, s0;
	s23 =	sor.u32 $0x10, s21;
	s22 =	sor.u32 $0x30, s21;
	v10 =	vld [tilespmem:s14+$0x0]  }
0x4f3: {  	s24 =	sor.u32 $0x20, s21;
	s5 =	sor.u32 s21, s0;
	s7 =	sor.u32 s22, s0;
	[tilespmem:v5+s6+$0x0] =	vst.idx.add.f32.msk $0xffff, v11;
	v5 =	vmov v13  }
0x4f4: {  	s9 =	sor.u32 s23, s0;
	s25 =	sor.u32 s23, s13;
	s10 =	sor.u32 s24, s0;
	v13 =	vld [tilespmem:s7+$0x0];
	v14 =	vxor.u32 v1, v4  }
0x4f5: {  	s0 =	sor.u32 s21, s13;
	s14 =	sor.u32 s24, s13;
	v15 =	vld [tilespmem:s5+$0x0];
	v16 =	vxor.u32 v2, v12  }
0x4f6: {  	v12 =	vld [tilespmem:s9+$0x0]  }
0x4f7: {  	s29 =	sor.u32 s22, s13;
	v17 =	vld [tilespmem:s10+$0x0];
	v4 =	vxor.u32 v3, v10  }
0x4f8: {  	v18 =	vld [tilespmem:s29+$0x0]  }
0x4f9: {  	v19 =	vld [tilespmem:s25+$0x0];
	v11 =	vand.u32 $0xFFF, v13  }
0x4fa: {  	v3 =	vand.u32 $0x80000000, v15;
	v21 =	vand.u32 $0xFFF, v15;
	v15 =	vld [tilespmem:s14+$0x0]  }
0x4fb: {  	v20 =	vld [tilespmem:s0+$0x0];
	v22 =	vor.u32 $0x1000, v21;
	v46 =	vand.u32 $0x80000000, v12;
	v47 =	vand.u32 $0xFFF, v12  }
0x4fc: {  	v12 =	vand.u32 $0x80000000, v13;
	v10 =	vand.u32 $0x80000000, v17;
	v48 =	vand.u32 $0xFFF, v17;
	[tilespmem:v8+s6+$0x0] =	vst.idx.add.f32.msk $0xffff, v14  }
0x4fd: {  	v8 =	vor.u32 $0x1000, v47;
	v13 =	vor.u32 $0x1000, v48;
	v14 =	vxor.u32 v12, v18;
	[tilespmem:v9+s6+$0x0] =	vst.idx.add.f32.msk $0xffff, v16  }
0x4fe: {  	v49 =	vor.u32 $0x2000, v21;
	v50 =	vor.u32 $0x2000, v47;
	v9 =	vxor.u32 v46, v19;
	[tilespmem:v11+s6+$0x0] =	vst.idx.add.f32.msk $0xffff, v14  }
0x4ff: {  	v51 =	vor.u32 $0x3000, v21;
	v52 =	vor.u32 $0x2000, v48;
	v14 =	vxor.u32 v10, v15;
	v15 =	vld [tilespmem:s29+$0x80]  }
0x500: {  	v53 =	vor.u32 $0x3000, v47;
	v16 =	vxor.u32 v3, v20;
	[tilespmem:v47+s6+$0x0] =	vst.idx.add.f32.msk $0xffff, v9;
	v9 =	vor.u32 $0x1000, v11  }
0x501: {  	v54 =	vor.u32 $0x4000, v21;
	v45 =	vor.u32 $0x4000, v47;
	v55 =	vor.u32 $0x3000, v48;
	[tilespmem:v21+s6+$0x0] =	vst.idx.add.f32.msk $0xffff, v16  }
0x502: {  	v44 =	vor.u32 $0x5000, v21;
	v43 =	vor.u32 $0x5000, v47;
	v56 =	vor.u32 $0x4000, v48;
	[tilespmem:v48+s6+$0x0] =	vst.idx.add.f32.msk $0xffff, v14  }
0x503: {  	v41 =	vor.u32 $0x6000, v21;
	v40 =	vor.u32 $0x6000, v47;
	v42 =	vor.u32 $0x5000, v48;
	v14 =	vld [tilespmem:s0+$0x80]  }
0x504: {  	v38 =	vor.u32 $0x7000, v21;
	v39 =	vor.u32 $0x6000, v48;
	v16 =	vld [tilespmem:s25+$0x80];
	v15 =	vxor.u32 v12, v15  }
0x505: {  	v35 =	vor.u32 $0x8000, v21;
	v37 =	vor.u32 $0x7000, v47;
	v36 =	vor.u32 $0x7000, v48;
	[tilespmem:v9+s6+$0x0] =	vst.idx.add.f32.msk $0xffff, v15  }
0x506: {  	v32 =	vor.u32 $0x9000, v21;
	v34 =	vor.u32 $0x8000, v47;
	v33 =	vor.u32 $0x8000, v48;
	v9 =	vld [tilespmem:s29+$0x100]  }
0x507: {  	v57 =	vor.u32 $0x2000, v11;
	v31 =	vor.u32 $0x9000, v47;
	v30 =	vor.u32 $0x9000, v48;
	v18 =	vld [tilespmem:s14+$0x80]  }
0x508: {  	v29 =	vor.u32 $0xA000, v21;
	v28 =	vor.u32 $0xA000, v47;
	v14 =	vxor.u32 v3, v14;
	v58 =	vld [tilespmem:s2+$0x0]  }
0x509: {  	v25 =	vor.u32 $0xB000, v21;
	v27 =	vor.u32 $0xA000, v48;
	[tilespmem:v22+s6+$0x0] =	vst.idx.add.f32.msk $0xffff, v14;
	v14 =	vxor.u32 v46, v16  }
0x50a: {  	v23 =	vor.u32 $0xC000, v21;
	v26 =	vor.u32 $0xB000, v47;
	v24 =	vor.u32 $0xB000, v48;
	[tilespmem:v8+s6+$0x0] =	vst.idx.add.f32.msk $0xffff, v14  }
0x50b: {  	v19 =	vor.u32 $0xC000, v48;
	v20 =	vor.u32 $0xC000, v47;
	v59 =	vld [tilespmem:s0+$0x100];
	v8 =	vxor.u32 v12, v9  }
0x50c: {  	v17 =	vor.u32 $0xD000, v21;
	v15 =	vor.u32 $0xD000, v47;
	v9 =	vxor.u32 v10, v18;
	[tilespmem:v57+s6+$0x0] =	vst.idx.add.f32.msk $0xffff, v8  }
0x50d: {  	v16 =	vor.u32 $0xD000, v48;
	v14 =	vor.u32 $0xE000, v21;
	v8 =	vor.u32 $0xE000, v47;
	v57 =	vld [tilespmem:s29+$0x180]  }
0x50e: {  	v60 =	vor.u32 $0x3000, v11;
	v18 =	vxor.u32 v1, v58;
	v1 =	vmovc v46;
	[tilespmem:v13+s6+$0x0] =	vst.idx.add.f32.msk $0xffff, v9;
	v9 =	vor.u32 $0xE000, v48  }
0x50f: {  	v22 =	vor.u32 $0xF000, v21;
	v21 =	vor.u32 $0xF000, v47;
	v13 =	vor.u32 $0xF000, v48;
	v46 =	vld [tilespmem:s25+$0x100]  }
0x510: {  	v47 =	vxor.u32 v3, v59;
	v48 =	vld [tilespmem:s14+$0x100]  }
0x511: {  	[tilespmem:v49+s6+$0x0] =	vst.idx.add.f32.msk $0xffff, v47  }
0x512: {  	v47 =	vld [tilespmem:s0+$0x180];
	v49 =	vxor.u32 v12, v57  }
0x513: {  	[tilespmem:v60+s6+$0x0] =	vst.idx.add.f32.msk $0xffff, v49  }
0x514: {  	v46 =	vxor.u32 v1, v46;
	v49 =	vld [tilespmem:s29+$0x200]  }
0x515: {  	[tilespmem:v50+s6+$0x0] =	vst.idx.add.f32.msk $0xffff, v46;
	v46 =	vxor.u32 v10, v48;
	v48 =	vor.u32 $0x4000, v11  }
0x516: {  	[tilespmem:v52+s6+$0x0] =	vst.idx.add.f32.msk $0xffff, v46  }
0x517: {  	v46 =	vxor.u32 v3, v47;
	v47 =	vld [tilespmem:s25+$0x180]  }
0x518: {  	v50 =	vld [tilespmem:s14+$0x180]  }
0x519: {  	[tilespmem:v51+s6+$0x0] =	vst.idx.add.f32.msk $0xffff, v46;
	v46 =	vxor.u32 v12, v49  }
0x51a: {  	[tilespmem:v48+s6+$0x0] =	vst.idx.add.f32.msk $0xffff, v46  }
0x51b: {  	v46 =	vld [tilespmem:s29+$0x280]  }
0x51c: {  	v49 =	vor.u32 $0x5000, v11;
	v48 =	vld [tilespmem:s0+$0x200];
	v47 =	vxor.u32 v1, v47  }
0x51d: {  	[tilespmem:v53+s6+$0x0] =	vst.idx.add.f32.msk $0xffff, v47;
	v47 =	vxor.u32 v10, v50  }
0x51e: {  	[tilespmem:v55+s6+$0x0] =	vst.idx.add.f32.msk $0xffff, v47  }
0x51f: {  	v47 =	vld [tilespmem:s25+$0x200]  }
0x520: {  	v50 =	vld [tilespmem:s14+$0x200];
	v46 =	vxor.u32 v12, v46  }
0x521: {  	v48 =	vxor.u32 v3, v48;
	[tilespmem:v49+s6+$0x0] =	vst.idx.add.f32.msk $0xffff, v46  }
0x522: {  	v46 =	vld [tilespmem:s29+$0x300]  }
0x523: {  	[tilespmem:v54+s6+$0x0] =	vst.idx.add.f32.msk $0xffff, v48;
	v48 =	vor.u32 $0x6000, v11  }
0x524: {  	v49 =	vld [tilespmem:s0+$0x280];
	v47 =	vxor.u32 v1, v47  }
0x525: {  	[tilespmem:v45+s6+$0x0] =	vst.idx.add.f32.msk $0xffff, v47;
	v45 =	vxor.u32 v10, v50  }
0x526: {  	[tilespmem:v56+s6+$0x0] =	vst.idx.add.f32.msk $0xffff, v45  }
0x527: {  	v45 =	vld [tilespmem:s25+$0x280];
	v46 =	vxor.u32 v12, v46  }
0x528: {  	[tilespmem:v48+s6+$0x0] =	vst.idx.add.f32.msk $0xffff, v46  }
0x529: {  	v46 =	vxor.u32 v3, v49;
	v47 =	vld [tilespmem:s29+$0x380]  }
0x52a: {  	v49 =	vor.u32 $0x7000, v11;
	v48 =	vld [tilespmem:s14+$0x280]  }
0x52b: {  	[tilespmem:v44+s6+$0x0] =	vst.idx.add.f32.msk $0xffff, v46  }
0x52c: {  	v44 =	vld [tilespmem:s0+$0x300];
	v45 =	vxor.u32 v1, v45  }
0x52d: {  	[tilespmem:v43+s6+$0x0] =	vst.idx.add.f32.msk $0xffff, v45  }
0x52e: {  	s2 =	sor.u32 $0x2000, s13;
	v43 =	vld [tilespmem:s25+$0x300];
	v45 =	vxor.u32 v12, v47  }
0x52f: {  	s5 =	sor.u32 s21, s2;
	s9 =	sor.u32 s23, s2;
	s7 =	sor.u32 s22, s2;
	v46 =	vxor.u32 v10, v48;
	[tilespmem:v49+s6+$0x0] =	vst.idx.add.f32.msk $0xffff, v45  }
0x530: {  	s2 =	sor.u32 s24, s2;
	v45 =	vld [tilespmem:s7+$0x0]  }
0x531: {  	v44 =	vxor.u32 v3, v44;
	[tilespmem:v42+s6+$0x0] =	vst.idx.add.f32.msk $0xffff, v46;
	v42 =	vor.u32 $0x8000, v11  }
0x532: {  	v46 =	vld [tilespmem:s14+$0x300]  }
0x533: {  	[tilespmem:v41+s6+$0x0] =	vst.idx.add.f32.msk $0xffff, v44;
	v41 =	vxor.u32 v1, v43  }
0x534: {  	[tilespmem:v40+s6+$0x0] =	vst.idx.add.f32.msk $0xffff, v41  }
0x535: {  	v40 =	vld [tilespmem:s0+$0x380];
	s0 =	sor.u32 $0x2080, s13;
	v41 =	vxor.u32 v12, v45  }
0x536: {  	s10 =	sor.u32 s21, s0;
	s7 =	sor.u32 s23, s0;
	[tilespmem:v42+s6+$0x0] =	vst.idx.add.f32.msk $0xffff, v41;
	s26 =	sor.u32 s22, s0  }
0x537: {  	s28 =	sor.u32 s24, s0;
	v41 =	vxor.u32 v10, v46;
	v42 =	vld [tilespmem:s26+$0x0]  }
0x538: {  	[tilespmem:v39+s6+$0x0] =	vst.idx.add.f32.msk $0xffff, v41;
	v39 =	vor.u32 $0x9000, v11  }
0x539: {  	v41 =	vld [tilespmem:s25+$0x380]  }
0x53a: {  	v40 =	vxor.u32 v3, v40;
	v43 =	vld [tilespmem:s14+$0x380]  }
0x53b: {  	[tilespmem:v38+s6+$0x0] =	vst.idx.add.f32.msk $0xffff, v40  }
0x53c: {  	s0 =	sor.u32 $0x2100, s13;
	v38 =	vld [tilespmem:s5+$0x0];
	v40 =	vxor.u32 v12, v42  }
0x53d: {  	s26 =	sor.u32 s21, s0;
	s14 =	sor.u32 s22, s0;
	s5 =	sor.u32 s23, s0;
	[tilespmem:v39+s6+$0x0] =	vst.idx.add.f32.msk $0xffff, v40  }
0x53e: {  	s0 =	sor.u32 s24, s0;
	v39 =	vxor.u32 v1, v41;
	v40 =	vld [tilespmem:s14+$0x0]  }
0x53f: {  	[tilespmem:v37+s6+$0x0] =	vst.idx.add.f32.msk $0xffff, v39;
	v37 =	vxor.u32 v10, v43;
	v39 =	vor.u32 $0xA000, v11  }
0x540: {  	[tilespmem:v36+s6+$0x0] =	vst.idx.add.f32.msk $0xffff, v37  }
0x541: {  	v36 =	vxor.u32 v3, v38;
	v37 =	vld [tilespmem:s9+$0x0]  }
0x542: {  	v38 =	vld [tilespmem:s2+$0x0]  }
0x543: {  	s2 =	sor.u32 $0x2180, s13;
	[tilespmem:v35+s6+$0x0] =	vst.idx.add.f32.msk $0xffff, v36;
	v35 =	vxor.u32 v12, v40  }
0x544: {  	s29 =	sor.u32 s21, s2;
	s14 =	sor.u32 s23, s2;
	s9 =	sor.u32 s22, s2;
	[tilespmem:v39+s6+$0x0] =	vst.idx.add.f32.msk $0xffff, v35  }
0x545: {  	s2 =	sor.u32 s24, s2;
	v35 =	vld [tilespmem:s9+$0x0]  }
0x546: {  	v39 =	vor.u32 $0xB000, v11;
	v36 =	vld [tilespmem:s10+$0x0];
	v37 =	vxor.u32 v1, v37  }
0x547: {  	[tilespmem:v34+s6+$0x0] =	vst.idx.add.f32.msk $0xffff, v37;
	v34 =	vxor.u32 v10, v38  }
0x548: {  	[tilespmem:v33+s6+$0x0] =	vst.idx.add.f32.msk $0xffff, v34  }
0x549: {  	v33 =	vld [tilespmem:s7+$0x0]  }
0x54a: {  	s7 =	sor.u32 $0x2200, s13;
	v34 =	vld [tilespmem:s28+$0x0];
	v35 =	vxor.u32 v12, v35  }
0x54b: {  	s9 =	sor.u32 s21, s7;
	s25 =	sor.u32 s23, s7;
	s10 =	sor.u32 s22, s7;
	v36 =	vxor.u32 v3, v36;
	[tilespmem:v39+s6+$0x0] =	vst.idx.add.f32.msk $0xffff, v35  }
0x54c: {  	s30 =	sor.u32 s24, s7;
	v35 =	vld [tilespmem:s10+$0x0]  }
0x54d: {  	[tilespmem:v32+s6+$0x0] =	vst.idx.add.f32.msk $0xffff, v36;
	v32 =	vor.u32 $0xC000, v11  }
0x54e: {  	v36 =	vld [tilespmem:s26+$0x0];
	v33 =	vxor.u32 v1, v33  }
0x54f: {  	[tilespmem:v31+s6+$0x0] =	vst.idx.add.f32.msk $0xffff, v33;
	v31 =	vxor.u32 v10, v34  }
0x550: {  	[tilespmem:v30+s6+$0x0] =	vst.idx.add.f32.msk $0xffff, v31  }
0x551: {  	s7 =	sor.u32 $0x2280, s13;
	v30 =	vld [tilespmem:s5+$0x0];
	v31 =	vxor.u32 v12, v35  }
0x552: {  	s10 =	sor.u32 s21, s7;
	s26 =	sor.u32 s22, s7;
	s5 =	sor.u32 s23, s7;
	[tilespmem:v32+s6+$0x0] =	vst.idx.add.f32.msk $0xffff, v31  }
0x553: {  	s7 =	sor.u32 s24, s7;
	v31 =	vxor.u32 v3, v36;
	v32 =	vld [tilespmem:s26+$0x0]  }
0x554: {  	v34 =	vor.u32 $0xD000, v11;
	v33 =	vld [tilespmem:s0+$0x0]  }
0x555: {  	[tilespmem:v29+s6+$0x0] =	vst.idx.add.f32.msk $0xffff, v31  }
0x556: {  	v29 =	vld [tilespmem:s29+$0x0];
	v30 =	vxor.u32 v1, v30  }
0x557: {  	[tilespmem:v28+s6+$0x0] =	vst.idx.add.f32.msk $0xffff, v30  }
0x558: {  	s0 =	sor.u32 $0x2300, s13;
	v28 =	vld [tilespmem:s14+$0x0];
	v30 =	vxor.u32 v12, v32  }
0x559: {  	s26 =	sor.u32 s21, s0;
	s29 =	sor.u32 s23, s0;
	s14 =	sor.u32 s22, s0;
	v31 =	vxor.u32 v10, v33;
	[tilespmem:v34+s6+$0x0] =	vst.idx.add.f32.msk $0xffff, v30  }
0x55a: {  	s0 =	sor.u32 s24, s0;
	v30 =	vld [tilespmem:s14+$0x0]  }
0x55b: {  	v29 =	vxor.u32 v3, v29;
	[tilespmem:v27+s6+$0x0] =	vst.idx.add.f32.msk $0xffff, v31;
	v27 =	vor.u32 $0xE000, v11  }
0x55c: {  	v31 =	vld [tilespmem:s2+$0x0]  }
0x55d: {  	[tilespmem:v25+s6+$0x0] =	vst.idx.add.f32.msk $0xffff, v29;
	v25 =	vxor.u32 v1, v28  }
0x55e: {  	[tilespmem:v26+s6+$0x0] =	vst.idx.add.f32.msk $0xffff, v25  }
0x55f: {  	v25 =	vld [tilespmem:s9+$0x0];
	s9 =	sor.u32 $0x2380, s13;
	v26 =	vxor.u32 v12, v30  }
0x560: {  	s14 =	sor.u32 s21, s9;
	s2 =	sor.u32 s23, s9;
	[tilespmem:v27+s6+$0x0] =	vst.idx.add.f32.msk $0xffff, v26;
	s13 =	sor.u32 s22, s9  }
0x561: {  	s9 =	sor.u32 s24, s9;
	v26 =	vxor.u32 v10, v31;
	v27 =	vld [tilespmem:s13+$0x0]  }
0x562: {  	v11 =	vor.u32 $0xF000, v11;
	[tilespmem:v24+s6+$0x0] =	vst.idx.add.f32.msk $0xffff, v26  }
0x563: {  	v24 =	vld [tilespmem:s25+$0x0]  }
0x564: {  	v25 =	vxor.u32 v3, v25;
	v26 =	vld [tilespmem:s30+$0x0]  }
0x565: {  	[tilespmem:v23+s6+$0x0] =	vst.idx.add.f32.msk $0xffff, v25  }
0x566: {  	v23 =	vld [tilespmem:s10+$0x0];
	v12 =	vxor.u32 v12, v27  }
0x567: {  	[tilespmem:v11+s6+$0x0] =	vst.idx.add.f32.msk $0xffff, v12  }
0x568: {  	v11 =	vxor.u32 v1, v24;
	v12 =	vld [tilespmem:s19+$0x0];
	s19 =	smov.u32 s9  }
0x569: {  	[tilespmem:v20+s6+$0x0] =	vst.idx.add.f32.msk $0xffff, v11;
	v11 =	vxor.u32 v10, v26  }
0x56a: {  	[tilespmem:v19+s6+$0x0] =	vst.idx.add.f32.msk $0xffff, v11  }
0x56b: {  	v11 =	vxor.u32 v3, v23;
	v19 =	vld [tilespmem:s5+$0x0]  }
0x56c: {  	v20 =	vld [tilespmem:s7+$0x0]  }
0x56d: {  	[tilespmem:v17+s6+$0x0] =	vst.idx.add.f32.msk $0xffff, v11;
	v11 =	vxor.u32 v2, v12;
	v2 =	vmov v10  }
0x56e: {  	v10 =	vld [tilespmem:s26+$0x0]  }
.Ltmp8:
0x56f: {  	[tilespmem:v7+s6+$0x0] =	vst.idx.add.f32.msk $0xffff, v4;
	v7 =	vmov v22;
	(pc) =	sbr.rel @p0 .LBB2_14-.Ltmp8, $4  }
0x570: {  	v4 =	vxor.u32 v1, v19;
	[tilespmem:v6+s6+$0x0] =	vst.idx.add.f32.msk $0xffff, v18;
	v6 =	vmov v21  }
0x571: {  	[tilespmem:v15+s6+$0x0] =	vst.idx.add.f32.msk $0xffff, v4;
	v4 =	vxor.u32 v2, v20  }
0x572: {  	[tilespmem:v16+s6+$0x0] =	vst.idx.add.f32.msk $0xffff, v4  }
0x573: {  	s20 =	sadd.s32 $0x200, s20;
	v10 =	vxor.u32 v3, v10;
	v4 =	vld [tilespmem:s29+$0x0]  }
0x574: {  	_ = 	snop  }
0x575: {  	v12 =	vld [tilespmem:s0+$0x0];
	_ =	sdelay $0x2  }
0x576: {  	[tilespmem:v14+s6+$0x0] =	vst.idx.add.f32.msk $0xffff, v10  }
0x577: {  	v10 =	vld [tilespmem:s14+$0x0];
	v4 =	vxor.u32 v1, v4  }
0x578: {  	v12 =	vxor.u32 v2, v12;
	[tilespmem:v8+s6+$0x0] =	vst.idx.add.f32.msk $0xffff, v4  }
0x579: {  	[tilespmem:v9+s6+$0x0] =	vst.idx.add.f32.msk $0xffff, v12  }
0x57a: {  	v4 =	vld [tilespmem:s2+$0x0]  }
0x57b: {  	v8 =	vld [tilespmem:s19+$0x0];
	_ =	sdelay $0x2  }
0x57c: {  	[tilespmem:v5+s6+$0x0] =	vst.idx.add.f32.msk $0xffff, v11;
	v3 =	vxor.u32 v3, v10  }
0x57d: {  	s17 =	sshll.u32 s16, $0xB;
	p0 =	seq.s32 s16, $0x1F;
	[tilespmem:v7+s6+$0x0] =	vst.idx.add.f32.msk $0xffff, v3;
	v1 =	vxor.u32 v1, v4  }
0x57e: {  	s0 =	sadd.s32 @!p0 $0x800, s17;
	s5 =	simm.s32 @!p0 $0x2000;
	s7 =	simm.s32 @!p0 $0x80000;
	v2 =	vxor.u32 v2, v8;
	[tilespmem:v6+s6+$0x0] =	vst.idx.add.f32.msk $0xffff, v1  }
0x57f: {  	s9 =	simm.s32 @!p0 $0x0;
	s2 =	sadd.s32 @!p0 s0, s8;
	s0 =	sshrl.u32 @!p0 s0, $0x3;
	[tilespmem:v13+s6+$0x0] =	vst.idx.add.f32.msk $0xffff, v2  }
0x580: {  	[tilespmem:s9], [sflag:$0x1] =	stream.strided.gather @!p0 [hbm4b:s2+s5], $0x4000, s7, s5, $0x38;
	[tilespmem:$0x18800] =	vst v63  }
0x581: {  	s0 =	sadd.s32 @!p0 s1, s0;
	s2 =	simm.s32 @!p0 $0x8000  }
0x582: {  	[tilespmem:s2], [sflag:$0x1] =	stream.linear.gather @!p0 [hbm4b:s0+s9], $0x80, $0x38;
	[tilespmem:$0x18800] =	vst v63  }
0x583: {  	s5 =	simm.s32 @!p0 $0x8100;
	s2 =	sadd.s32 @!p0 $0x10, s0  }
0x584: {  	[tilespmem:s5], [sflag:$0x1] =	stream.linear.gather @!p0 [hbm4b:s2+s9], $0x80, $0x38;
	[tilespmem:$0x18800] =	vst v63  }
0x585: {  	s2 =	sadd.s32 @!p0 $0x20, s0;
	s5 =	simm.s32 @!p0 $0x8200  }
0x586: {  	[tilespmem:s5], [sflag:$0x1] =	stream.linear.gather @!p0 [hbm4b:s2+s9], $0x80, $0x38;
	[tilespmem:$0x18800] =	vst v63  }
0x587: {  	s2 =	sadd.s32 @!p0 $0x30, s0;
	s5 =	simm.s32 @!p0 $0x8300  }
0x588: {  	[tilespmem:s5], [sflag:$0x1] =	stream.linear.gather @!p0 [hbm4b:s2+s9], $0x80, $0x38;
	[tilespmem:$0x18800] =	vst v63  }
0x589: {  	s2 =	sadd.s32 @!p0 $0x40, s0;
	s5 =	simm.s32 @!p0 $0x8400  }
0x58a: {  	[tilespmem:s5], [sflag:$0x1] =	stream.linear.gather @!p0 [hbm4b:s2+s9], $0x80, $0x38;
	[tilespmem:$0x18800] =	vst v63  }
0x58b: {  	s2 =	sadd.s32 @!p0 $0x50, s0;
	s5 =	simm.s32 @!p0 $0x8500  }
0x58c: {  	[tilespmem:s5], [sflag:$0x1] =	stream.linear.gather @!p0 [hbm4b:s2+s9], $0x80, $0x38;
	[tilespmem:$0x18800] =	vst v63  }
0x58d: {  	s2 =	sadd.s32 @!p0 $0x60, s0;
	s5 =	simm.s32 @!p0 $0x8600  }
0x58e: {  	[tilespmem:s5], [sflag:$0x1] =	stream.linear.gather @!p0 [hbm4b:s2+s9], $0x80, $0x38;
	[tilespmem:$0x18800] =	vst v63  }
0x58f: {  	s0 =	sadd.s32 @!p0 $0x70, s0;
	s2 =	simm.s32 @!p0 $0x8700  }
0x590: {  	[tilespmem:s2], [sflag:$0x1] =	stream.linear.gather @!p0 [hbm4b:s0+s9], $0x80, $0x38;
	[tilespmem:$0x18800] =	vst v63  }
0x591: {  	_ =	swait.ge [sflag:s12], $0x4000  }
0x592: {  	s22 =	simm.s32 $0x0;
	[sflag:s12] =	ssyncset.done $0x0  }
0x593: {  	s18 =	sand.u32 $0x1C00, s22;
	[sflag:s12] =	ssyncadd.s32 $0xFFFFC000  }
0x594: {  	s22 =	sand.u32 $0x40, s22;
	s23 =	sshrl.u32 s18, $0x2;
	_ =	swait.ge [sflag:s12], $0x400  }
0x595: {  	s21 =	sor.u32 $0x30, s22;
	s0 =	sor.u32 $0x8000, s23;
	[sflag:s12] =	ssyncset.done $0x0  }
0x596: {  	s24 =	sor.u32 s21, s0;
	[sflag:s12] =	ssyncadd.s32 $0xFFFFFC00  }
0x597: {  	v2 =	vld [tilespmem:s24+$0x80]  }
0x598: {  	s13 =	sor.u32 $0x10, s22;
	s25 =	sor.u32 s22, s0  }
0x599: {  	s28 =	sor.u32 $0x4000, s18;
	s26 =	sor.u32 s13, s0;
	v3 =	vld [tilespmem:s25+$0x80]  }
0x59a: {  	s29 =	sor.u32 s21, s28;
	v4 =	vld [tilespmem:s26+$0x80]  }
0x59b: {  	v5 =	vld [tilespmem:s29+$0x0]  }
0x59c: {  	v1 =	vand.u32 $0xFFF, v2  }
0x59d: {  	s31 =	sor.u32 s13, s28  }
0x59e: {  	s30 =	sor.u32 s22, s28;
	s19 =	sor.u32 $0x20, s22;
	v10 =	vld [tilespmem:s31+$0x0]  }
0x59f: {  	s0 =	sor.u32 s19, s0;
	v9 =	vld [tilespmem:s30+$0x0];
	v2 =	vand.u32 $0x80000000, v2;
	v8 =	vand.u32 $0xFFF, v4  }
0x5a0: {  	s9 =	sor.u32 $0x4080, s18;
	v11 =	vld [tilespmem:s0+$0x80];
	v7 =	vand.u32 $0xFFF, v3;
	v5 =	vxor.u32 v2, v5  }
0x5a1: {  	s10 =	sor.u32 s21, s9;
	[tilespmem:v1+s6+$0x0] =	vst.idx.add.f32.msk $0xffff, v5  }
0x5a2: {  	s2 =	sor.u32 s19, s28;
	v6 =	vand.u32 $0x80000000, v4;
	v5 =	vand.u32 $0x80000000, v3;
	v3 =	vld [tilespmem:s10+$0x0]  }
0x5a3: {  	v12 =	vld [tilespmem:s2+$0x0];
	v13 =	vor.u32 $0x1000, v1;
	v10 =	vxor.u32 v6, v10  }
0x5a4: {  	[tilespmem:v8+s6+$0x0] =	vst.idx.add.f32.msk $0xffff, v10;
	v4 =	vxor.u32 v5, v9  }
0x5a5: {  	s14 =	sor.u32 s22, s9;
	v9 =	vand.u32 $0xFFF, v11;
	[tilespmem:v7+s6+$0x0] =	vst.idx.add.f32.msk $0xffff, v4  }
0x5a6: {  	s20 =	sor.u32 s13, s9;
	v10 =	vld [tilespmem:s14+$0x0]  }
0x5a7: {  	s23 =	sor.u32 $0x4100, s18;
	v14 =	vor.u32 $0x1000, v7;
	v15 =	vld [tilespmem:s20+$0x0];
	v3 =	vxor.u32 v2, v3  }
0x5a8: {  	s24 =	sor.u32 s21, s23;
	v4 =	vand.u32 $0x80000000, v11;
	v11 =	vor.u32 $0x1000, v8;
	[tilespmem:v13+s6+$0x0] =	vst.idx.add.f32.msk $0xffff, v3  }
0x5a9: {  	v3 =	vxor.u32 v4, v12;
	v12 =	vld [tilespmem:s24+$0x0]  }
0x5aa: {  	s0 =	sor.u32 s19, s9;
	[tilespmem:v9+s6+$0x0] =	vst.idx.add.f32.msk $0xffff, v3;
	v3 =	vor.u32 $0x2000, v1  }
0x5ab: {  	v10 =	vxor.u32 v5, v10;
	v13 =	vld [tilespmem:s0+$0x0]  }
0x5ac: {  	v16 =	vor.u32 $0x1000, v9;
	[tilespmem:v14+s6+$0x0] =	vst.idx.add.f32.msk $0xffff, v10;
	v10 =	vxor.u32 v6, v15  }
0x5ad: {  	s25 =	sor.u32 s22, s23;
	[tilespmem:v11+s6+$0x0] =	vst.idx.add.f32.msk $0xffff, v10  }
0x5ae: {  	s26 =	sor.u32 $0x4180, s18;
	v10 =	vld [tilespmem:s25+$0x0];
	v11 =	vxor.u32 v2, v12  }
0x5af: {  	s28 =	sor.u32 s21, s26;
	v12 =	vor.u32 $0x2000, v7;
	[tilespmem:v3+s6+$0x0] =	vst.idx.add.f32.msk $0xffff, v11  }
0x5b0: {  	v3 =	vxor.u32 v4, v13;
	v11 =	vld [tilespmem:s28+$0x0]  }
0x5b1: {  	s29 =	sor.u32 s13, s23;
	[tilespmem:v16+s6+$0x0] =	vst.idx.add.f32.msk $0xffff, v3;
	v3 =	vor.u32 $0x3000, v1  }
0x5b2: {  	s2 =	sor.u32 s19, s23;
	v13 =	vld [tilespmem:s29+$0x0]  }
0x5b3: {  	v14 =	vor.u32 $0x2000, v8;
	v10 =	vxor.u32 v5, v10;
	v15 =	vld [tilespmem:s2+$0x0]  }
0x5b4: {  	s30 =	sor.u32 s22, s26;
	v53 =	vor.u32 $0x2000, v9;
	[tilespmem:v12+s6+$0x0] =	vst.idx.add.f32.msk $0xffff, v10  }
0x5b5: {  	s31 =	sor.u32 $0x4200, s18;
	v10 =	vld [tilespmem:s30+$0x0];
	v11 =	vxor.u32 v2, v11  }
0x5b6: {  	s9 =	sor.u32 s21, s31;
	[tilespmem:v3+s6+$0x0] =	vst.idx.add.f32.msk $0xffff, v11  }
0x5b7: {  	v3 =	vor.u32 $0x3000, v7;
	v11 =	vxor.u32 v6, v13;
	v12 =	vld [tilespmem:s9+$0x0]  }
0x5b8: {  	[tilespmem:v14+s6+$0x0] =	vst.idx.add.f32.msk $0xffff, v11;
	v11 =	vxor.u32 v4, v15  }
0x5b9: {  	s10 =	sor.u32 s13, s26;
	v13 =	vor.u32 $0x4000, v1;
	[tilespmem:v53+s6+$0x0] =	vst.idx.add.f32.msk $0xffff, v11  }
0x5ba: {  	s0 =	sor.u32 s19, s26;
	v11 =	vld [tilespmem:s10+$0x0]  }
0x5bb: {  	v14 =	vor.u32 $0x3000, v8;
	v10 =	vxor.u32 v5, v10;
	v15 =	vld [tilespmem:s0+$0x0]  }
0x5bc: {  	s23 =	sor.u32 s22, s31;
	v54 =	vor.u32 $0x3000, v9;
	[tilespmem:v3+s6+$0x0] =	vst.idx.add.f32.msk $0xffff, v10  }
0x5bd: {  	s14 =	sor.u32 $0x4280, s18;
	v3 =	vxor.u32 v2, v12;
	v10 =	vld [tilespmem:s23+$0x0]  }
0x5be: {  	s20 =	sor.u32 s21, s14;
	[tilespmem:v13+s6+$0x0] =	vst.idx.add.f32.msk $0xffff, v3  }
0x5bf: {  	v11 =	vxor.u32 v6, v11;
	v3 =	vld [tilespmem:s20+$0x0]  }
0x5c0: {  	v12 =	vor.u32 $0x5000, v1;
	[tilespmem:v14+s6+$0x0] =	vst.idx.add.f32.msk $0xffff, v11;
	v11 =	vxor.u32 v4, v15  }
0x5c1: {  	s24 =	sor.u32 s13, s31;
	[tilespmem:v54+s6+$0x0] =	vst.idx.add.f32.msk $0xffff, v11  }
0x5c2: {  	v13 =	vor.u32 $0x4000, v7;
	v11 =	vld [tilespmem:s24+$0x0]  }
0x5c3: {  	s2 =	sor.u32 s19, s31;
	v14 =	vor.u32 $0x4000, v8  }
0x5c4: {  	s25 =	sor.u32 $0x4300, s18;
	v15 =	vld [tilespmem:s2+$0x0];
	v3 =	vxor.u32 v2, v3  }
0x5c5: {  	v55 =	vor.u32 $0x4000, v9;
	s26 =	sor.u32 s21, s25;
	[tilespmem:v12+s6+$0x0] =	vst.idx.add.f32.msk $0xffff, v3  }
0x5c6: {  	v3 =	vxor.u32 v5, v10;
	v10 =	vld [tilespmem:s26+$0x0]  }
0x5c7: {  	v11 =	vxor.u32 v6, v11;
	[tilespmem:v13+s6+$0x0] =	vst.idx.add.f32.msk $0xffff, v3  }
0x5c8: {  	s28 =	sor.u32 s22, s14;
	v3 =	vor.u32 $0x6000, v1;
	[tilespmem:v14+s6+$0x0] =	vst.idx.add.f32.msk $0xffff, v11  }
0x5c9: {  	v11 =	vxor.u32 v4, v15;
	v12 =	vld [tilespmem:s28+$0x0]  }
0x5ca: {  	s29 =	sor.u32 s13, s14;
	[tilespmem:v55+s6+$0x0] =	vst.idx.add.f32.msk $0xffff, v11  }
0x5cb: {  	v13 =	vor.u32 $0x5000, v7;
	v11 =	vld [tilespmem:s29+$0x0]  }
0x5cc: {  	s30 =	sor.u32 $0x4380, s18;
	v14 =	vor.u32 $0x5000, v8;
	v10 =	vxor.u32 v2, v10  }
0x5cd: {  	s31 =	sor.u32 s21, s30;
	[tilespmem:v3+s6+$0x0] =	vst.idx.add.f32.msk $0xffff, v10  }
0x5ce: {  	s0 =	sor.u32 s19, s14;
	v3 =	vld [tilespmem:s31+$0x0]  }
0x5cf: {  	v15 =	vor.u32 $0x7000, v1;
	v10 =	vxor.u32 v5, v12;
	v12 =	vld [tilespmem:s0+$0x0]  }
0x5d0: {  	v11 =	vxor.u32 v6, v11;
	[tilespmem:v13+s6+$0x0] =	vst.idx.add.f32.msk $0xffff, v10  }
0x5d1: {  	s9 =	sor.u32 s22, s25;
	v10 =	vor.u32 $0x5000, v9;
	[tilespmem:v14+s6+$0x0] =	vst.idx.add.f32.msk $0xffff, v11  }
0x5d2: {  	s10 =	sor.u32 s13, s25;
	v13 =	vld [tilespmem:s9+$0x0]  }
0x5d3: {  	s14 =	sor.u32 $0x6000, s18;
	v11 =	vor.u32 $0x6000, v7;
	v14 =	vld [tilespmem:s10+$0x0];
	v3 =	vxor.u32 v2, v3  }
0x5d4: {  	v56 =	vor.u32 $0x6000, v8;
	s20 =	sor.u32 s21, s14;
	[tilespmem:v15+s6+$0x0] =	vst.idx.add.f32.msk $0xffff, v3  }
0x5d5: {  	v3 =	vxor.u32 v4, v12;
	v12 =	vld [tilespmem:s20+$0x0]  }
0x5d6: {  	s23 =	sor.u32 s19, s25;
	[tilespmem:v10+s6+$0x0] =	vst.idx.add.f32.msk $0xffff, v3;
	v3 =	vor.u32 $0x8000, v1  }
0x5d7: {  	v10 =	vxor.u32 v5, v13;
	v13 =	vld [tilespmem:s23+$0x0]  }
0x5d8: {  	v15 =	vor.u32 $0x6000, v9;
	[tilespmem:v11+s6+$0x0] =	vst.idx.add.f32.msk $0xffff, v10;
	v10 =	vxor.u32 v6, v14  }
0x5d9: {  	s24 =	sor.u32 s22, s30;
	[tilespmem:v56+s6+$0x0] =	vst.idx.add.f32.msk $0xffff, v10  }
0x5da: {  	s25 =	sor.u32 $0x6080, s18;
	v10 =	vld [tilespmem:s24+$0x0];
	v11 =	vxor.u32 v2, v12  }
0x5db: {  	s26 =	sor.u32 s21, s25;
	v12 =	vor.u32 $0x7000, v7;
	[tilespmem:v3+s6+$0x0] =	vst.idx.add.f32.msk $0xffff, v11  }
0x5dc: {  	v3 =	vxor.u32 v4, v13;
	v11 =	vld [tilespmem:s26+$0x0]  }
0x5dd: {  	s28 =	sor.u32 s13, s30;
	[tilespmem:v15+s6+$0x0] =	vst.idx.add.f32.msk $0xffff, v3;
	v3 =	vor.u32 $0x9000, v1  }
0x5de: {  	s7 =	sor.u32 s19, s30;
	v13 =	vld [tilespmem:s28+$0x0]  }
0x5df: {  	v14 =	vor.u32 $0x7000, v8;
	v10 =	vxor.u32 v5, v10;
	v15 =	vld [tilespmem:s7+$0x0]  }
0x5e0: {  	v57 =	vor.u32 $0x7000, v9;
	s29 =	sor.u32 s22, s14;
	[tilespmem:v12+s6+$0x0] =	vst.idx.add.f32.msk $0xffff, v10  }
0x5e1: {  	s30 =	sor.u32 $0x6100, s18;
	v10 =	vld [tilespmem:s29+$0x0];
	v11 =	vxor.u32 v2, v11  }
0x5e2: {  	s31 =	sor.u32 s21, s30;
	[tilespmem:v3+s6+$0x0] =	vst.idx.add.f32.msk $0xffff, v11  }
0x5e3: {  	v3 =	vor.u32 $0x8000, v7;
	v11 =	vxor.u32 v6, v13;
	v12 =	vld [tilespmem:s31+$0x0]  }
0x5e4: {  	[tilespmem:v14+s6+$0x0] =	vst.idx.add.f32.msk $0xffff, v11;
	v11 =	vxor.u32 v4, v15  }
0x5e5: {  	s9 =	sor.u32 s13, s14;
	v13 =	vor.u32 $0xA000, v1;
	[tilespmem:v57+s6+$0x0] =	vst.idx.add.f32.msk $0xffff, v11  }
0x5e6: {  	s2 =	sor.u32 s19, s14;
	v11 =	vld [tilespmem:s9+$0x0]  }
0x5e7: {  	v14 =	vor.u32 $0x8000, v8;
	v10 =	vxor.u32 v5, v10;
	v15 =	vld [tilespmem:s2+$0x0]  }
0x5e8: {  	v58 =	vor.u32 $0x8000, v9;
	s20 =	sor.u32 s22, s25;
	[tilespmem:v3+s6+$0x0] =	vst.idx.add.f32.msk $0xffff, v10  }
0x5e9: {  	s10 =	sor.u32 $0x6180, s18;
	v3 =	vxor.u32 v2, v12;
	v10 =	vld [tilespmem:s20+$0x0]  }
0x5ea: {  	s14 =	sor.u32 s21, s10;
	[tilespmem:v13+s6+$0x0] =	vst.idx.add.f32.msk $0xffff, v3  }
0x5eb: {  	v11 =	vxor.u32 v6, v11;
	v3 =	vld [tilespmem:s14+$0x0]  }
0x5ec: {  	v12 =	vor.u32 $0xB000, v1;
	[tilespmem:v14+s6+$0x0] =	vst.idx.add.f32.msk $0xffff, v11;
	v11 =	vxor.u32 v4, v15  }
0x5ed: {  	s23 =	sor.u32 s13, s25;
	[tilespmem:v58+s6+$0x0] =	vst.idx.add.f32.msk $0xffff, v11  }
0x5ee: {  	v13 =	vor.u32 $0x9000, v7;
	v11 =	vld [tilespmem:s23+$0x0]  }
0x5ef: {  	s0 =	sor.u32 s19, s25;
	v14 =	vor.u32 $0x9000, v8  }
0x5f0: {  	s7 =	sor.u32 $0x6200, s18;
	v15 =	vld [tilespmem:s0+$0x0];
	v3 =	vxor.u32 v2, v3  }
0x5f1: {  	v59 =	vor.u32 $0x9000, v9;
	s24 =	sor.u32 s21, s7;
	[tilespmem:v12+s6+$0x0] =	vst.idx.add.f32.msk $0xffff, v3  }
0x5f2: {  	v3 =	vxor.u32 v5, v10;
	v10 =	vld [tilespmem:s24+$0x0]  }
0x5f3: {  	v11 =	vxor.u32 v6, v11;
	[tilespmem:v13+s6+$0x0] =	vst.idx.add.f32.msk $0xffff, v3  }
0x5f4: {  	s25 =	sor.u32 s22, s30;
	v3 =	vor.u32 $0xC000, v1;
	[tilespmem:v14+s6+$0x0] =	vst.idx.add.f32.msk $0xffff, v11  }
0x5f5: {  	v11 =	vxor.u32 v4, v15;
	v12 =	vld [tilespmem:s25+$0x0]  }
0x5f6: {  	s26 =	sor.u32 s13, s30;
	[tilespmem:v59+s6+$0x0] =	vst.idx.add.f32.msk $0xffff, v11  }
0x5f7: {  	v13 =	vor.u32 $0xA000, v7;
	v11 =	vld [tilespmem:s26+$0x0]  }
0x5f8: {  	v14 =	vor.u32 $0xA000, v8;
	v10 =	vxor.u32 v2, v10  }
0x5f9: {  	s28 =	sor.u32 s19, s30;
	s29 =	sor.u32 $0x6280, s18;
	[tilespmem:v3+s6+$0x0] =	vst.idx.add.f32.msk $0xffff, v10  }
0x5fa: {  	s30 =	sor.u32 s21, s29;
	v3 =	vld [tilespmem:s28+$0x0]  }
0x5fb: {  	v10 =	vor.u32 $0xA000, v9;
	v12 =	vxor.u32 v5, v12;
	v15 =	vld [tilespmem:s30+$0x0]  }
0x5fc: {  	v11 =	vxor.u32 v6, v11;
	[tilespmem:v13+s6+$0x0] =	vst.idx.add.f32.msk $0xffff, v12  }
0x5fd: {  	s31 =	sor.u32 s22, s10;
	v12 =	vor.u32 $0xD000, v1;
	[tilespmem:v14+s6+$0x0] =	vst.idx.add.f32.msk $0xffff, v11  }
0x5fe: {  	s9 =	sor.u32 s13, s10;
	v13 =	vld [tilespmem:s31+$0x0]  }
0x5ff: {  	v11 =	vor.u32 $0xB000, v7;
	v14 =	vld [tilespmem:s9+$0x0];
	v3 =	vxor.u32 v4, v3  }
0x600: {  	v60 =	vor.u32 $0xB000, v8;
	s10 =	sor.u32 s19, s10;
	[tilespmem:v10+s6+$0x0] =	vst.idx.add.f32.msk $0xffff, v3  }
0x601: {  	s14 =	sor.u32 $0x6300, s18;
	v3 =	vxor.u32 v2, v15;
	v10 =	vld [tilespmem:s10+$0x0]  }
0x602: {  	s20 =	sor.u32 s21, s14;
	[tilespmem:v12+s6+$0x0] =	vst.idx.add.f32.msk $0xffff, v3  }
0x603: {  	v15 =	vor.u32 $0xB000, v9;
	v12 =	vxor.u32 v5, v13;
	v3 =	vld [tilespmem:s20+$0x0]  }
0x604: {  	[tilespmem:v11+s6+$0x0] =	vst.idx.add.f32.msk $0xffff, v12;
	v11 =	vxor.u32 v6, v14  }
0x605: {  	s23 =	sor.u32 s22, s7;
	[tilespmem:v60+s6+$0x0] =	vst.idx.add.f32.msk $0xffff, v11  }
0x606: {  	v12 =	vor.u32 $0xE000, v1;
	v11 =	vld [tilespmem:s23+$0x0]  }
0x607: {  	v13 =	vor.u32 $0xC000, v7;
	v10 =	vxor.u32 v4, v10  }
0x608: {  	s24 =	sor.u32 s13, s7;
	[tilespmem:v15+s6+$0x0] =	vst.idx.add.f32.msk $0xffff, v10  }
0x609: {  	s7 =	sor.u32 s19, s7;
	v10 =	vld [tilespmem:s24+$0x0]  }
0x60a: {  	v14 =	vor.u32 $0xC000, v8;
	v3 =	vxor.u32 v2, v3;
	v15 =	vld [tilespmem:s7+$0x0]  }
0x60b: {  	v61 =	vor.u32 $0xC000, v9;
	[tilespmem:v12+s6+$0x0] =	vst.idx.add.f32.msk $0xffff, v3;
	v11 =	vxor.u32 v5, v11  }
0x60c: {  	s26 =	sor.u32 s22, s29;
	s20 =	sor.u32 $0x6380, s18;
	[tilespmem:v13+s6+$0x0] =	vst.idx.add.f32.msk $0xffff, v11  }
0x60d: {  	s25 =	sor.u32 s21, s20;
	v11 =	vld [tilespmem:s26+$0x0]  }
0x60e: {  	v12 =	vor.u32 $0xD000, v7;
	v3 =	vld [tilespmem:s25+$0x0];
	v10 =	vxor.u32 v6, v10  }
0x60f: {  	[tilespmem:v14+s6+$0x0] =	vst.idx.add.f32.msk $0xffff, v10;
	v10 =	vxor.u32 v4, v15  }
0x610: {  	s5 =	sor.u32 s19, s29;
	s28 =	sor.u32 s13, s29;
	[tilespmem:v61+s6+$0x0] =	vst.idx.add.f32.msk $0xffff, v10  }
0x611: {  	s2 =	sor.u32 s19, s14;
	s31 =	simm.s32 $0x200;
	v1 =	vor.u32 $0xF000, v1;
	s18 =	simm.s32 $0x40;
	v10 =	vld [tilespmem:s28+$0x0]  }
0x612: {  	s29 =	sor.u32 s22, s14;
	s21 =	sand.u32 $0x40, s18;
	s24 =	sand.u32 $0x1C00, s31;
	v13 =	vor.u32 $0xD000, v8;
	v14 =	vld [tilespmem:s5+$0x0];
	v11 =	vxor.u32 v5, v11  }
0x613: {  	s30 =	sor.u32 s13, s14;
	s14 =	sor.u32 $0x4000, s24;
	s25 =	sor.u32 $0x30, s21;
	v15 =	vor.u32 $0xD000, v9;
	[tilespmem:v12+s6+$0x0] =	vst.idx.add.f32.msk $0xffff, v11  }
0x614: {  	s26 =	sor.u32 s25, s14;
	v2 =	vxor.u32 v2, v3;
	v3 =	vld [tilespmem:s29+$0x0]  }
0x615: {  	v20 =	vld [tilespmem:s26+$0x0]  }
0x616: {  	[tilespmem:v1+s6+$0x0] =	vst.idx.add.f32.msk $0xffff, v2;
	v11 =	vor.u32 $0xE000, v7;
	v1 =	vxor.u32 v6, v10  }
0x617: {  	[tilespmem:v13+s6+$0x0] =	vst.idx.add.f32.msk $0xffff, v1;
	v1 =	vxor.u32 v4, v14  }
0x618: {  	[tilespmem:v15+s6+$0x0] =	vst.idx.add.f32.msk $0xffff, v1  }
0x619: {  	v2 =	vxor.u32 v5, v3;
	v3 =	vld [tilespmem:s2+$0x0];
	s2 =	sshrl.u32 s24, $0x2  }
0x61a: {  	v1 =	vld [tilespmem:s30+$0x0];
	s0 =	sor.u32 $0x8000, s2  }
0x61b: {  	s23 =	sor.u32 $0x20, s21;
	[tilespmem:v11+s6+$0x0] =	vst.idx.add.f32.msk $0xffff, v2;
	s7 =	sor.u32 s25, s0  }
0x61c: {  	s5 =	sor.u32 s22, s20;
	s22 =	sor.u32 $0x10, s21;
	s9 =	sor.u32 s21, s0;
	v2 =	vld [tilespmem:s7+$0x80]  }
0x61d: {  	s10 =	sor.u32 s22, s0;
	s0 =	sor.u32 s23, s0;
	v62 =	vld [tilespmem:s9+$0x80]  }
0x61e: {  	s28 =	sor.u32 s21, s14;
	v12 =	vor.u32 $0xE000, v8;
	v18 =	vld [tilespmem:s0+$0x80]  }
0x61f: {  	v21 =	vld [tilespmem:s28+$0x0];
	s29 =	sor.u32 s22, s14  }
0x620: {  	v19 =	vor.u32 $0xE000, v9;
	v22 =	vld [tilespmem:s29+$0x0];
	s30 =	sor.u32 s23, s14  }
0x621: {  	v23 =	vld [tilespmem:s30+$0x0];
	v15 =	vand.u32 $0xFFF, v2  }
0x622: {  	v17 =	vld [tilespmem:s10+$0x80];
	v1 =	vxor.u32 v6, v1;
	v11 =	vand.u32 $0xFFF, v62  }
0x623: {  	[tilespmem:v12+s6+$0x0] =	vst.idx.add.f32.msk $0xffff, v1;
	v12 =	vand.u32 $0xFFF, v18  }
0x624: {  	v10 =	vld [tilespmem:s5+$0x0];
	v3 =	vxor.u32 v4, v3;
	v13 =	vand.u32 $0x80000000, v2  }
0x625: {  	[tilespmem:v19+s6+$0x0] =	vst.idx.add.f32.msk $0xffff, v3;
	v3 =	vand.u32 $0x80000000, v62;
	v1 =	vxor.u32 v13, v20  }
0x626: {  	v2 =	vand.u32 $0x80000000, v18;
	v16 =	vxor.u32 v3, v21;
	[tilespmem:v15+s6+$0x0] =	vst.idx.add.f32.msk $0xffff, v1  }
0x627: {  	s31 =	sor.u32 $0x4080, s24;
	v26 =	vxor.u32 v2, v23;
	[tilespmem:v11+s6+$0x0] =	vst.idx.add.f32.msk $0xffff, v16  }
0x628: {  	s7 =	sor.u32 s25, s31;
	v14 =	vand.u32 $0xFFF, v17;
	[tilespmem:v12+s6+$0x0] =	vst.idx.add.f32.msk $0xffff, v26  }
0x629: {  	s28 =	sor.u32 s13, s20;
	v63 =	vld [tilespmem:s7+$0x0]  }
0x62a: {  	s9 =	sor.u32 s21, s31;
	v25 =	vor.u32 $0x1000, v15;
	v16 =	vld [tilespmem:s28+$0x0]  }
0x62b: {  	s0 =	sor.u32 s23, s31;
	v1 =	vand.u32 $0x80000000, v17;
	v27 =	vld [tilespmem:s9+$0x0]  }
0x62c: {  	v28 =	vor.u32 $0x1000, v11;
	v24 =	vxor.u32 v1, v22;
	v31 =	vld [tilespmem:s0+$0x0]  }
0x62d: {  	s10 =	sor.u32 s22, s31;
	[tilespmem:v14+s6+$0x0] =	vst.idx.add.f32.msk $0xffff, v24;
	v24 =	vor.u32 $0x1000, v12  }
0x62e: {  	s14 =	sor.u32 $0x4100, s24;
	v29 =	vld [tilespmem:s10+$0x0];
	v17 =	vxor.u32 v13, v63  }
0x62f: {  	s26 =	sor.u32 s25, s14;
	[tilespmem:v25+s6+$0x0] =	vst.idx.add.f32.msk $0xffff, v17  }
0x630: {  	v30 =	vor.u32 $0x1000, v14;
	v18 =	vxor.u32 v3, v27;
	v17 =	vld [tilespmem:s26+$0x0]  }
0x631: {  	v32 =	vor.u32 $0x2000, v15;
	v36 =	vxor.u32 v2, v31;
	[tilespmem:v28+s6+$0x0] =	vst.idx.add.f32.msk $0xffff, v18  }
0x632: {  	s29 =	sor.u32 s21, s14;
	[tilespmem:v24+s6+$0x0] =	vst.idx.add.f32.msk $0xffff, v36  }
0x633: {  	s2 =	sor.u32 s23, s14;
	v34 =	vld [tilespmem:s29+$0x0]  }
0x634: {  	v35 =	vor.u32 $0x2000, v11;
	v33 =	vxor.u32 v1, v29;
	v40 =	vld [tilespmem:s2+$0x0]  }
0x635: {  	s30 =	sor.u32 $0x4180, s24;
	v41 =	vor.u32 $0x2000, v12;
	[tilespmem:v30+s6+$0x0] =	vst.idx.add.f32.msk $0xffff, v33;
	v17 =	vxor.u32 v13, v17  }
0x636: {  	s31 =	sor.u32 s25, s30;
	[tilespmem:v32+s6+$0x0] =	vst.idx.add.f32.msk $0xffff, v17  }
0x637: {  	s7 =	sor.u32 s22, s14;
	v37 =	vld [tilespmem:s31+$0x0]  }
0x638: {  	v38 =	vor.u32 $0x3000, v15;
	v21 =	vld [tilespmem:s7+$0x0];
	v18 =	vxor.u32 v3, v34  }
0x639: {  	v46 =	vxor.u32 v2, v40;
	[tilespmem:v35+s6+$0x0] =	vst.idx.add.f32.msk $0xffff, v18  }
0x63a: {  	v39 =	vor.u32 $0x2000, v14;
	s9 =	sor.u32 s21, s30;
	[tilespmem:v41+s6+$0x0] =	vst.idx.add.f32.msk $0xffff, v46  }
0x63b: {  	s0 =	sor.u32 s23, s30;
	v18 =	vld [tilespmem:s9+$0x0]  }
0x63c: {  	v43 =	vor.u32 $0x3000, v11;
	s10 =	sor.u32 $0x4200, s24;
	v50 =	vld [tilespmem:s0+$0x0];
	v42 =	vxor.u32 v13, v37  }
0x63d: {  	v51 =	vor.u32 $0x3000, v12;
	s13 =	sor.u32 s25, s10;
	[tilespmem:v38+s6+$0x0] =	vst.idx.add.f32.msk $0xffff, v42  }
0x63e: {  	v44 =	vxor.u32 v1, v21;
	v45 =	vld [tilespmem:s13+$0x0]  }
0x63f: {  	v47 =	vor.u32 $0x4000, v15;
	s14 =	sor.u32 s22, s30;
	[tilespmem:v39+s6+$0x0] =	vst.idx.add.f32.msk $0xffff, v44  }
0x640: {  	v48 =	vld [tilespmem:s14+$0x0];
	v18 =	vxor.u32 v3, v18  }
0x641: {  	v54 =	vxor.u32 v2, v50;
	[tilespmem:v43+s6+$0x0] =	vst.idx.add.f32.msk $0xffff, v18  }
0x642: {  	v49 =	vor.u32 $0x3000, v14;
	s29 =	sor.u32 s21, s10;
	[tilespmem:v51+s6+$0x0] =	vst.idx.add.f32.msk $0xffff, v54  }
0x643: {  	s26 =	sor.u32 $0x4280, s24;
	v18 =	vld [tilespmem:s29+$0x0];
	v52 =	vxor.u32 v13, v45  }
0x644: {  	v55 =	vor.u32 $0x4000, v11;
	s28 =	sor.u32 s25, s26;
	[tilespmem:v47+s6+$0x0] =	vst.idx.add.f32.msk $0xffff, v52  }
0x645: {  	s2 =	sor.u32 s23, s10;
	v17 =	vld [tilespmem:s28+$0x0]  }
0x646: {  	v53 =	vor.u32 $0x5000, v15;
	v19 =	vxor.u32 v1, v48;
	v58 =	vld [tilespmem:s2+$0x0]  }
0x647: {  	s30 =	sor.u32 s22, s10;
	[tilespmem:v49+s6+$0x0] =	vst.idx.add.f32.msk $0xffff, v19  }
0x648: {  	v59 =	vor.u32 $0x4000, v12;
	v56 =	vld [tilespmem:s30+$0x0];
	v60 =	vxor.u32 v3, v18  }
0x649: {  	s9 =	sor.u32 s21, s26;
	[tilespmem:v55+s6+$0x0] =	vst.idx.add.f32.msk $0xffff, v60  }
0x64a: {  	v57 =	vor.u32 $0x4000, v14;
	s31 =	sor.u32 $0x4300, s24;
	v63 =	vld [tilespmem:s9+$0x0];
	v17 =	vxor.u32 v13, v17  }
0x64b: {  	s7 =	sor.u32 s25, s31;
	[tilespmem:v53+s6+$0x0] =	vst.idx.add.f32.msk $0xffff, v17  }
0x64c: {  	v26 =	vor.u32 $0x5000, v11;
	v25 =	vxor.u32 v2, v58;
	v61 =	vld [tilespmem:s7+$0x0]  }
0x64d: {  	v62 =	vor.u32 $0x6000, v15;
	s0 =	sor.u32 s23, s26;
	[tilespmem:v59+s6+$0x0] =	vst.idx.add.f32.msk $0xffff, v25  }
0x64e: {  	v19 =	vxor.u32 v1, v56;
	v30 =	vld [tilespmem:s0+$0x0]  }
0x64f: {  	s10 =	sor.u32 s22, s26;
	v32 =	vor.u32 $0x5000, v12;
	[tilespmem:v57+s6+$0x0] =	vst.idx.add.f32.msk $0xffff, v19  }
0x650: {  	v27 =	vld [tilespmem:s10+$0x0];
	v29 =	vxor.u32 v3, v63  }
0x651: {  	s13 =	sor.u32 $0x4380, s24;
	[tilespmem:v26+s6+$0x0] =	vst.idx.add.f32.msk $0xffff, v29;
	v18 =	vxor.u32 v13, v61  }
0x652: {  	v28 =	vor.u32 $0x5000, v14;
	s14 =	sor.u32 s25, s13;
	[tilespmem:v62+s6+$0x0] =	vst.idx.add.f32.msk $0xffff, v18  }
0x653: {  	v35 =	vxor.u32 v2, v30;
	v17 =	vld [tilespmem:s14+$0x0]  }
0x654: {  	v31 =	vor.u32 $0x7000, v15;
	s26 =	sor.u32 s21, s31;
	[tilespmem:v32+s6+$0x0] =	vst.idx.add.f32.msk $0xffff, v35  }
0x655: {  	s28 =	sor.u32 s22, s31;
	s31 =	sor.u32 s23, s31;
	v21 =	vld [tilespmem:s26+$0x0]  }
0x656: {  	v33 =	vor.u32 $0x6000, v11;
	v19 =	vxor.u32 v1, v27;
	v39 =	vld [tilespmem:s31+$0x0]  }
0x657: {  	v40 =	vor.u32 $0x6000, v12;
	[tilespmem:v28+s6+$0x0] =	vst.idx.add.f32.msk $0xffff, v19  }
0x658: {  	s29 =	sor.u32 $0x6000, s24;
	v22 =	vld [tilespmem:s28+$0x0];
	v17 =	vxor.u32 v13, v17  }
0x659: {  	s30 =	sor.u32 s25, s29;
	[tilespmem:v31+s6+$0x0] =	vst.idx.add.f32.msk $0xffff, v17  }
0x65a: {  	v34 =	vor.u32 $0x6000, v14;
	v38 =	vxor.u32 v3, v21;
	v36 =	vld [tilespmem:s30+$0x0]  }
0x65b: {  	v37 =	vor.u32 $0x8000, v15;
	v45 =	vxor.u32 v2, v39;
	[tilespmem:v33+s6+$0x0] =	vst.idx.add.f32.msk $0xffff, v38  }
0x65c: {  	s5 =	sor.u32 s21, s13;
	[tilespmem:v40+s6+$0x0] =	vst.idx.add.f32.msk $0xffff, v45  }
0x65d: {  	s7 =	sor.u32 s23, s13;
	v42 =	vld [tilespmem:s5+$0x0]  }
0x65e: {  	v44 =	vor.u32 $0x7000, v11;
	v41 =	vxor.u32 v1, v22;
	v23 =	vld [tilespmem:s7+$0x0]  }
0x65f: {  	s0 =	sor.u32 $0x6080, s24;
	[tilespmem:v34+s6+$0x0] =	vst.idx.add.f32.msk $0xffff, v41;
	v43 =	vxor.u32 v13, v36  }
0x660: {  	v49 =	vor.u32 $0x7000, v12;
	s9 =	sor.u32 s25, s0;
	[tilespmem:v37+s6+$0x0] =	vst.idx.add.f32.msk $0xffff, v43  }
0x661: {  	s10 =	sor.u32 s22, s13;
	v19 =	vld [tilespmem:s9+$0x0]  }
0x662: {  	v46 =	vor.u32 $0x9000, v15;
	v47 =	vld [tilespmem:s10+$0x0];
	v18 =	vxor.u32 v3, v42  }
0x663: {  	s13 =	sor.u32 s21, s29;
	[tilespmem:v44+s6+$0x0] =	vst.idx.add.f32.msk $0xffff, v18  }
0x664: {  	v48 =	vor.u32 $0x7000, v14;
	v53 =	vxor.u32 v2, v23;
	v18 =	vld [tilespmem:s13+$0x0]  }
0x665: {  	v50 =	vor.u32 $0x8000, v11;
	s2 =	sor.u32 s23, s29;
	[tilespmem:v49+s6+$0x0] =	vst.idx.add.f32.msk $0xffff, v53  }
0x666: {  	s14 =	sor.u32 $0x6100, s24;
	v57 =	vld [tilespmem:s2+$0x0];
	v19 =	vxor.u32 v13, v19  }
0x667: {  	s26 =	sor.u32 s25, s14;
	[tilespmem:v46+s6+$0x0] =	vst.idx.add.f32.msk $0xffff, v19  }
0x668: {  	v58 =	vor.u32 $0x8000, v12;
	v51 =	vxor.u32 v1, v47;
	v52 =	vld [tilespmem:s26+$0x0]  }
0x669: {  	v54 =	vor.u32 $0xA000, v15;
	[tilespmem:v48+s6+$0x0] =	vst.idx.add.f32.msk $0xffff, v51;
	v18 =	vxor.u32 v3, v18  }
0x66a: {  	s30 =	sor.u32 s21, s0;
	[tilespmem:v50+s6+$0x0] =	vst.idx.add.f32.msk $0xffff, v18  }
0x66b: {  	s28 =	sor.u32 s22, s29;
	v18 =	vld [tilespmem:s30+$0x0]  }
0x66c: {  	v62 =	vor.u32 $0x9000, v11;
	v55 =	vld [tilespmem:s28+$0x0];
	v61 =	vxor.u32 v2, v57  }
0x66d: {  	v56 =	vor.u32 $0x8000, v14;
	[tilespmem:v58+s6+$0x0] =	vst.idx.add.f32.msk $0xffff, v61;
	s9 =	sor.u32 $0x6180, s24;
	v59 =	vxor.u32 v13, v52  }
0x66e: {  	s29 =	sor.u32 s25, s9;
	[tilespmem:v54+s6+$0x0] =	vst.idx.add.f32.msk $0xffff, v59  }
0x66f: {  	s31 =	sor.u32 s22, s0;
	s0 =	sor.u32 s23, s0;
	v17 =	vld [tilespmem:s29+$0x0]  }
0x670: {  	v60 =	vor.u32 $0xB000, v15;
	v29 =	vld [tilespmem:s0+$0x0];
	v31 =	vxor.u32 v3, v18  }
0x671: {  	v19 =	vxor.u32 v1, v55;
	[tilespmem:v62+s6+$0x0] =	vst.idx.add.f32.msk $0xffff, v31  }
0x672: {  	v30 =	vor.u32 $0x9000, v12;
	s28 =	sor.u32 s21, s14;
	[tilespmem:v56+s6+$0x0] =	vst.idx.add.f32.msk $0xffff, v19  }
0x673: {  	v34 =	vld [tilespmem:s28+$0x0]  }
0x674: {  	s2 =	sor.u32 $0x6200, s24;
	v36 =	vor.u32 $0xA000, v11;
	v63 =	vld [tilespmem:s31+$0x0];
	v17 =	vxor.u32 v13, v17  }
0x675: {  	v28 =	vor.u32 $0x9000, v14;
	s26 =	sor.u32 s25, s2;
	[tilespmem:v60+s6+$0x0] =	vst.idx.add.f32.msk $0xffff, v17  }
0x676: {  	v35 =	vxor.u32 v2, v29;
	v32 =	vld [tilespmem:s26+$0x0]  }
0x677: {  	v33 =	vor.u32 $0xC000, v15;
	s7 =	sor.u32 s23, s14;
	[tilespmem:v30+s6+$0x0] =	vst.idx.add.f32.msk $0xffff, v35  }
0x678: {  	v40 =	vld [tilespmem:s7+$0x0];
	v39 =	vxor.u32 v3, v34  }
0x679: {  	v42 =	vor.u32 $0xA000, v12;
	v19 =	vxor.u32 v1, v63;
	[tilespmem:v36+s6+$0x0] =	vst.idx.add.f32.msk $0xffff, v39  }
0x67a: {  	[tilespmem:v28+s6+$0x0] =	vst.idx.add.f32.msk $0xffff, v19;
	s29 =	sor.u32 s22, s14  }
0x67b: {  	s30 =	sor.u32 $0x6280, s24;
	v37 =	vld [tilespmem:s29+$0x0];
	v18 =	vxor.u32 v13, v32  }
0x67c: {  	v38 =	vor.u32 $0xA000, v14;
	s31 =	sor.u32 s25, s30;
	[tilespmem:v33+s6+$0x0] =	vst.idx.add.f32.msk $0xffff, v18  }
0x67d: {  	v45 =	vxor.u32 v2, v40;
	v17 =	vld [tilespmem:s31+$0x0]  }
0x67e: {  	v41 =	vor.u32 $0xD000, v15;
	s10 =	sor.u32 s21, s9;
	[tilespmem:v42+s6+$0x0] =	vst.idx.add.f32.msk $0xffff, v45  }
0x67f: {  	s13 =	sor.u32 s22, s9;
	s9 =	sor.u32 s23, s9;
	v21 =	vld [tilespmem:s10+$0x0]  }
0x680: {  	v49 =	vld [tilespmem:s9+$0x0];
	v19 =	vxor.u32 v1, v37  }
0x681: {  	v43 =	vor.u32 $0xB000, v11;
	[tilespmem:v38+s6+$0x0] =	vst.idx.add.f32.msk $0xffff, v19  }
0x682: {  	v50 =	vor.u32 $0xB000, v12;
	s14 =	sor.u32 $0x6300, s24;
	v22 =	vld [tilespmem:s13+$0x0];
	v17 =	vxor.u32 v13, v17  }
0x683: {  	s31 =	sor.u32 s25, s14;
	[tilespmem:v41+s6+$0x0] =	vst.idx.add.f32.msk $0xffff, v17  }
0x684: {  	v44 =	vor.u32 $0xB000, v14;
	v46 =	vld [tilespmem:s31+$0x0]  }
0x685: {  	v47 =	vor.u32 $0xE000, v15;
	v48 =	vxor.u32 v3, v21  }
0x686: {  	v55 =	vxor.u32 v2, v49;
	[tilespmem:v43+s6+$0x0] =	vst.idx.add.f32.msk $0xffff, v48  }
0x687: {  	s10 =	sor.u32 s21, s2;
	[tilespmem:v50+s6+$0x0] =	vst.idx.add.f32.msk $0xffff, v55  }
0x688: {  	v52 =	vld [tilespmem:s10+$0x0];
	v51 =	vxor.u32 v1, v22  }
0x689: {  	s13 =	sor.u32 $0x6380, s24;
	[tilespmem:v44+s6+$0x0] =	vst.idx.add.f32.msk $0xffff, v51;
	v53 =	vxor.u32 v13, v46  }
0x68a: {  	v54 =	vor.u32 $0xC000, v11;
	s24 =	sor.u32 s25, s13;
	[tilespmem:v47+s6+$0x0] =	vst.idx.add.f32.msk $0xffff, v53  }
0x68b: {  	s25 =	sor.u32 s22, s2;
	v19 =	vld [tilespmem:s24+$0x0]  }
0x68c: {  	v15 =	vor.u32 $0xF000, v15;
	s5 =	sor.u32 s23, s2;
	v56 =	vld [tilespmem:s25+$0x0]  }
0x68d: {  	v57 =	vor.u32 $0xC000, v14;
	s28 =	sor.u32 s19, s20;
	v58 =	vld [tilespmem:s5+$0x0]  }
0x68e: {  	v59 =	vor.u32 $0xC000, v12;
	v60 =	vld [tilespmem:s28+$0x0];
	v18 =	vxor.u32 v3, v52  }
0x68f: {  	s26 =	sor.u32 s21, s30;
	[tilespmem:v54+s6+$0x0] =	vst.idx.add.f32.msk $0xffff, v18  }
0x690: {  	v18 =	vld [tilespmem:s26+$0x0];
	v13 =	vxor.u32 v13, v19  }
0x691: {  	[tilespmem:v15+s6+$0x0] =	vst.idx.add.f32.msk $0xffff, v13;
	v13 =	vor.u32 $0xD000, v11;
	v15 =	vxor.u32 v1, v56  }
0x692: {  	[tilespmem:v57+s6+$0x0] =	vst.idx.add.f32.msk $0xffff, v15;
	v15 =	vxor.u32 v2, v58  }
0x693: {  	v7 =	vor.u32 $0xF000, v7;
	s29 =	sor.u32 s22, s30;
	[tilespmem:v59+s6+$0x0] =	vst.idx.add.f32.msk $0xffff, v15  }
0x694: {  	v8 =	vor.u32 $0xF000, v8;
	s2 =	sor.u32 s23, s30;
	v15 =	vld [tilespmem:s29+$0x0]  }
0x695: {  	v61 =	vor.u32 $0xD000, v14;
	v18 =	vxor.u32 v3, v18;
	v62 =	vld [tilespmem:s2+$0x0]  }
0x696: {  	v63 =	vor.u32 $0xD000, v12;
	s30 =	sor.u32 s21, s14;
	[tilespmem:v13+s6+$0x0] =	vst.idx.add.f32.msk $0xffff, v18  }
0x697: {  	v5 =	vxor.u32 v5, v10;
	v18 =	vld [tilespmem:s30+$0x0]  }
0x698: {  	[tilespmem:v7+s6+$0x0] =	vst.idx.add.f32.msk $0xffff, v5;
	v6 =	vxor.u32 v6, v16  }
0x699: {  	[tilespmem:v8+s6+$0x0] =	vst.idx.add.f32.msk $0xffff, v6;
	v13 =	vor.u32 $0xE000, v11;
	v7 =	vxor.u32 v1, v15  }
0x69a: {  	v5 =	vor.u32 $0xF000, v9;
	v10 =	vor.u32 $0xE000, v12;
	s19 =	simm.s32 $0x4;
	[tilespmem:v61+s6+$0x0] =	vst.idx.add.f32.msk $0xffff, v7;
	v9 =	vxor.u32 v2, v62  }
0x69b: {  	v8 =	vor.u32 $0xE000, v14;
	v6 =	vor.u32 $0xF000, v14;
	v14 =	vor.u32 $0xF000, v12;
	s0 =	sor.u32 s22, s13;
	s20 =	sor.u32 s23, s13;
	s31 =	sor.u32 s22, s14;
	[tilespmem:v63+s6+$0x0] =	vst.idx.add.f32.msk $0xffff, v9  }
0x69c: {  	s2 =	sor.u32 s23, s14;
	s14 =	sor.u32 s21, s13;
	s21 =	simm.s32 $0x400;
	v7 =	vor.u32 $0xF000, v11;
	v11 =	vxor.u32 v4, v60;
	v4 =	vld [tilespmem:s31+$0x0];
	v9 =	vxor.u32 v3, v18  }
.LBB2_16:
0x69d: {  	s22 =	sand.u32 $0x1C00, s21;
	s19 =	sadd.s32 $0x4, s19;
	v12 =	vld [tilespmem:s2+$0x0];
	s18 =	sadd.s32 $0x40, s18  }
0x69e: {  	s23 =	sand.u32 $0x40, s18;
	s2 =	sshrl.u32 s22, $0x2;
	p1 =	slt.u32 s19, $0x3C;
	[tilespmem:v13+s6+$0x0] =	vst.idx.add.f32.msk $0xffff, v9  }
0x69f: {  	s2 =	sor.u32 $0x8000, s2;
	s13 =	sor.u32 $0x10, s23;
	s24 =	sor.u32 $0x30, s23;
	v9 =	vld [tilespmem:s14+$0x0]  }
0x6a0: {  	s25 =	sor.u32 $0x20, s23;
	s5 =	sor.u32 s23, s2;
	s7 =	sor.u32 s24, s2;
	[tilespmem:v5+s6+$0x0] =	vst.idx.add.f32.msk $0xffff, v11;
	v5 =	vmov v14  }
0x6a1: {  	s9 =	sor.u32 s13, s2;
	s2 =	sor.u32 s25, s2;
	v13 =	vld [tilespmem:s7+$0x80];
	v14 =	vxor.u32 v1, v4  }
0x6a2: {  	v15 =	vld [tilespmem:s5+$0x80];
	v16 =	vxor.u32 v2, v12  }
0x6a3: {  	s5 =	sor.u32 $0x4000, s22;
	v12 =	vld [tilespmem:s9+$0x80]  }
0x6a4: {  	s7 =	sor.u32 s23, s5;
	s9 =	sor.u32 s13, s5;
	v17 =	vld [tilespmem:s2+$0x80];
	s2 =	sor.u32 s24, s5;
	v4 =	vxor.u32 v3, v9  }
0x6a5: {  	s5 =	sor.u32 s25, s5;
	v18 =	vld [tilespmem:s2+$0x0]  }
0x6a6: {  	v19 =	vld [tilespmem:s7+$0x0];
	v11 =	vand.u32 $0xFFF, v13  }
0x6a7: {  	v3 =	vand.u32 $0x80000000, v15;
	v22 =	vand.u32 $0xFFF, v15;
	v15 =	vld [tilespmem:s9+$0x0]  }
0x6a8: {  	v20 =	vor.u32 $0x1000, v22;
	v23 =	vand.u32 $0x80000000, v12;
	v50 =	vand.u32 $0xFFF, v12;
	v21 =	vld [tilespmem:s5+$0x0]  }
0x6a9: {  	v12 =	vand.u32 $0x80000000, v13;
	v9 =	vand.u32 $0x80000000, v17;
	v51 =	vand.u32 $0xFFF, v17;
	[tilespmem:v8+s6+$0x0] =	vst.idx.add.f32.msk $0xffff, v14  }
0x6aa: {  	s2 =	sor.u32 $0x4080, s22;
	v8 =	vor.u32 $0x1000, v50;
	v14 =	vor.u32 $0x1000, v51;
	v13 =	vxor.u32 v12, v18;
	[tilespmem:v10+s6+$0x0] =	vst.idx.add.f32.msk $0xffff, v16  }
0x6ab: {  	s7 =	sor.u32 s13, s2;
	s9 =	sor.u32 s24, s2;
	s5 =	sor.u32 s23, s2;
	v52 =	vor.u32 $0x2000, v22;
	v53 =	vor.u32 $0x2000, v50;
	v10 =	vxor.u32 v3, v19;
	[tilespmem:v11+s6+$0x0] =	vst.idx.add.f32.msk $0xffff, v13  }
0x6ac: {  	v54 =	vor.u32 $0x3000, v22;
	s2 =	sor.u32 s25, s2;
	v55 =	vor.u32 $0x2000, v51;
	v13 =	vxor.u32 v23, v15;
	v15 =	vld [tilespmem:s9+$0x0]  }
0x6ad: {  	v48 =	vor.u32 $0x3000, v50;
	v16 =	vor.u32 $0x1000, v11;
	[tilespmem:v22+s6+$0x0] =	vst.idx.add.f32.msk $0xffff, v10;
	v10 =	vxor.u32 v9, v21  }
0x6ae: {  	v47 =	vor.u32 $0x4000, v22;
	v45 =	vor.u32 $0x4000, v50;
	v49 =	vor.u32 $0x3000, v51;
	[tilespmem:v50+s6+$0x0] =	vst.idx.add.f32.msk $0xffff, v13  }
0x6af: {  	v44 =	vor.u32 $0x5000, v22;
	v43 =	vor.u32 $0x5000, v50;
	v46 =	vor.u32 $0x4000, v51;
	[tilespmem:v51+s6+$0x0] =	vst.idx.add.f32.msk $0xffff, v10  }
0x6b0: {  	v41 =	vor.u32 $0x6000, v22;
	v40 =	vor.u32 $0x6000, v50;
	v42 =	vor.u32 $0x5000, v51;
	v10 =	vld [tilespmem:s5+$0x0]  }
0x6b1: {  	v38 =	vor.u32 $0x7000, v22;
	v39 =	vor.u32 $0x6000, v51;
	s5 =	sor.u32 $0x4100, s22;
	v13 =	vld [tilespmem:s7+$0x0];
	v15 =	vxor.u32 v12, v15  }
0x6b2: {  	v35 =	vor.u32 $0x8000, v22;
	v37 =	vor.u32 $0x7000, v50;
	v36 =	vor.u32 $0x7000, v51;
	s7 =	sor.u32 s23, s5;
	s9 =	sor.u32 s13, s5;
	s10 =	sor.u32 s24, s5;
	[tilespmem:v16+s6+$0x0] =	vst.idx.add.f32.msk $0xffff, v15  }
0x6b3: {  	v31 =	vor.u32 $0x9000, v22;
	v34 =	vor.u32 $0x8000, v50;
	v33 =	vor.u32 $0x8000, v51;
	s5 =	sor.u32 s25, s5;
	v15 =	vld [tilespmem:s10+$0x0]  }
0x6b4: {  	v56 =	vor.u32 $0x2000, v11;
	v32 =	vor.u32 $0x9000, v50;
	v30 =	vor.u32 $0x9000, v51;
	v16 =	vld [tilespmem:s2+$0x0]  }
0x6b5: {  	v29 =	vor.u32 $0xA000, v22;
	v28 =	vor.u32 $0xA000, v50;
	v10 =	vxor.u32 v3, v10;
	v57 =	vld [tilespmem:s0+$0x0]  }
0x6b6: {  	v25 =	vor.u32 $0xB000, v22;
	v27 =	vor.u32 $0xA000, v51;
	[tilespmem:v20+s6+$0x0] =	vst.idx.add.f32.msk $0xffff, v10;
	v10 =	vxor.u32 v23, v13  }
0x6b7: {  	v26 =	vor.u32 $0xB000, v50;
	v24 =	vor.u32 $0xB000, v51;
	v21 =	vor.u32 $0xC000, v22;
	[tilespmem:v8+s6+$0x0] =	vst.idx.add.f32.msk $0xffff, v10  }
0x6b8: {  	v18 =	vor.u32 $0xC000, v51;
	v19 =	vor.u32 $0xC000, v50;
	s0 =	sor.u32 $0x4180, s22;
	v58 =	vld [tilespmem:s7+$0x0];
	v8 =	vxor.u32 v12, v15  }
0x6b9: {  	v17 =	vor.u32 $0xD000, v22;
	s2 =	sor.u32 s23, s0;
	s10 =	sor.u32 s24, s0;
	s7 =	sor.u32 s13, s0;
	v15 =	vor.u32 $0xD000, v50;
	v10 =	vxor.u32 v9, v16;
	[tilespmem:v56+s6+$0x0] =	vst.idx.add.f32.msk $0xffff, v8  }
0x6ba: {  	v13 =	vor.u32 $0xE000, v22;
	s0 =	sor.u32 s25, s0;
	v8 =	vor.u32 $0xE000, v50;
	v16 =	vor.u32 $0xD000, v51;
	v56 =	vld [tilespmem:s10+$0x0]  }
0x6bb: {  	v59 =	vor.u32 $0x3000, v11;
	v20 =	vxor.u32 v1, v57;
	v1 =	vmovc v23;
	[tilespmem:v14+s6+$0x0] =	vst.idx.add.f32.msk $0xffff, v10;
	v10 =	vor.u32 $0xE000, v51  }
0x6bc: {  	v23 =	vor.u32 $0xF000, v22;
	v22 =	vor.u32 $0xF000, v50;
	v14 =	vor.u32 $0xF000, v51;
	v57 =	vld [tilespmem:s9+$0x0]  }
0x6bd: {  	v50 =	vxor.u32 v3, v58;
	v51 =	vld [tilespmem:s5+$0x0]  }
0x6be: {  	[tilespmem:v52+s6+$0x0] =	vst.idx.add.f32.msk $0xffff, v50  }
0x6bf: {  	v50 =	vld [tilespmem:s2+$0x0];
	s2 =	sor.u32 $0x4200, s22;
	v52 =	vxor.u32 v12, v56  }
0x6c0: {  	s5 =	sor.u32 s23, s2;
	s9 =	sor.u32 s13, s2;
	[tilespmem:v59+s6+$0x0] =	vst.idx.add.f32.msk $0xffff, v52;
	s10 =	sor.u32 s24, s2  }
0x6c1: {  	s2 =	sor.u32 s25, s2;
	v52 =	vxor.u32 v1, v57;
	v56 =	vld [tilespmem:s10+$0x0]  }
0x6c2: {  	[tilespmem:v53+s6+$0x0] =	vst.idx.add.f32.msk $0xffff, v52;
	v51 =	vxor.u32 v9, v51;
	v52 =	vor.u32 $0x4000, v11  }
0x6c3: {  	[tilespmem:v55+s6+$0x0] =	vst.idx.add.f32.msk $0xffff, v51  }
0x6c4: {  	v50 =	vxor.u32 v3, v50;
	v51 =	vld [tilespmem:s7+$0x0]  }
0x6c5: {  	v53 =	vld [tilespmem:s0+$0x0]  }
0x6c6: {  	s0 =	sor.u32 $0x4280, s22;
	[tilespmem:v54+s6+$0x0] =	vst.idx.add.f32.msk $0xffff, v50;
	v50 =	vxor.u32 v12, v56  }
0x6c7: {  	s7 =	sor.u32 s23, s0;
	s10 =	sor.u32 s13, s0;
	s14 =	sor.u32 s24, s0;
	[tilespmem:v52+s6+$0x0] =	vst.idx.add.f32.msk $0xffff, v50  }
0x6c8: {  	s0 =	sor.u32 s25, s0;
	v50 =	vld [tilespmem:s14+$0x0]  }
0x6c9: {  	v54 =	vor.u32 $0x5000, v11;
	v52 =	vld [tilespmem:s5+$0x0];
	v51 =	vxor.u32 v1, v51  }
0x6ca: {  	[tilespmem:v48+s6+$0x0] =	vst.idx.add.f32.msk $0xffff, v51;
	v48 =	vxor.u32 v9, v53  }
0x6cb: {  	[tilespmem:v49+s6+$0x0] =	vst.idx.add.f32.msk $0xffff, v48  }
0x6cc: {  	v48 =	vld [tilespmem:s9+$0x0]  }
0x6cd: {  	s5 =	sor.u32 $0x4300, s22;
	v49 =	vld [tilespmem:s2+$0x0];
	v50 =	vxor.u32 v12, v50  }
0x6ce: {  	s14 =	sor.u32 s24, s5;
	s9 =	sor.u32 s13, s5;
	s2 =	sor.u32 s23, s5;
	v51 =	vxor.u32 v3, v52;
	[tilespmem:v54+s6+$0x0] =	vst.idx.add.f32.msk $0xffff, v50  }
0x6cf: {  	s5 =	sor.u32 s25, s5;
	v50 =	vld [tilespmem:s14+$0x0]  }
0x6d0: {  	[tilespmem:v47+s6+$0x0] =	vst.idx.add.f32.msk $0xffff, v51;
	v47 =	vor.u32 $0x6000, v11  }
0x6d1: {  	v51 =	vld [tilespmem:s7+$0x0];
	v48 =	vxor.u32 v1, v48  }
0x6d2: {  	[tilespmem:v45+s6+$0x0] =	vst.idx.add.f32.msk $0xffff, v48;
	v45 =	vxor.u32 v9, v49  }
0x6d3: {  	[tilespmem:v46+s6+$0x0] =	vst.idx.add.f32.msk $0xffff, v45  }
0x6d4: {  	s7 =	sor.u32 $0x4380, s22;
	v45 =	vld [tilespmem:s10+$0x0];
	v46 =	vxor.u32 v12, v50  }
0x6d5: {  	s14 =	sor.u32 s13, s7;
	s26 =	sor.u32 s24, s7;
	s10 =	sor.u32 s23, s7;
	[tilespmem:v47+s6+$0x0] =	vst.idx.add.f32.msk $0xffff, v46  }
0x6d6: {  	s28 =	sor.u32 s25, s7;
	v46 =	vxor.u32 v3, v51;
	v47 =	vld [tilespmem:s26+$0x0]  }
0x6d7: {  	v49 =	vor.u32 $0x7000, v11;
	v48 =	vld [tilespmem:s0+$0x0]  }
0x6d8: {  	[tilespmem:v44+s6+$0x0] =	vst.idx.add.f32.msk $0xffff, v46  }
0x6d9: {  	v44 =	vld [tilespmem:s2+$0x0];
	v45 =	vxor.u32 v1, v45  }
0x6da: {  	[tilespmem:v43+s6+$0x0] =	vst.idx.add.f32.msk $0xffff, v45  }
0x6db: {  	s0 =	sor.u32 $0x6000, s22;
	v43 =	vld [tilespmem:s9+$0x0];
	v45 =	vxor.u32 v12, v47  }
0x6dc: {  	s7 =	sor.u32 s24, s0;
	s2 =	sor.u32 s23, s0;
	s9 =	sor.u32 s13, s0;
	v46 =	vxor.u32 v9, v48;
	[tilespmem:v49+s6+$0x0] =	vst.idx.add.f32.msk $0xffff, v45  }
0x6dd: {  	s0 =	sor.u32 s25, s0;
	v45 =	vld [tilespmem:s7+$0x0]  }
0x6de: {  	v44 =	vxor.u32 v3, v44;
	[tilespmem:v42+s6+$0x0] =	vst.idx.add.f32.msk $0xffff, v46;
	v42 =	vor.u32 $0x8000, v11  }
0x6df: {  	v46 =	vld [tilespmem:s5+$0x0]  }
0x6e0: {  	[tilespmem:v41+s6+$0x0] =	vst.idx.add.f32.msk $0xffff, v44;
	v41 =	vxor.u32 v1, v43  }
0x6e1: {  	[tilespmem:v40+s6+$0x0] =	vst.idx.add.f32.msk $0xffff, v41  }
0x6e2: {  	s5 =	sor.u32 $0x6080, s22;
	v40 =	vld [tilespmem:s10+$0x0];
	v41 =	vxor.u32 v12, v45  }
0x6e3: {  	s7 =	sor.u32 s13, s5;
	s26 =	sor.u32 s24, s5;
	s10 =	sor.u32 s23, s5;
	[tilespmem:v42+s6+$0x0] =	vst.idx.add.f32.msk $0xffff, v41  }
0x6e4: {  	s29 =	sor.u32 s25, s5;
	v41 =	vxor.u32 v9, v46;
	v42 =	vld [tilespmem:s26+$0x0]  }
0x6e5: {  	[tilespmem:v39+s6+$0x0] =	vst.idx.add.f32.msk $0xffff, v41;
	v39 =	vor.u32 $0x9000, v11  }
0x6e6: {  	v41 =	vld [tilespmem:s14+$0x0]  }
0x6e7: {  	v40 =	vxor.u32 v3, v40;
	v43 =	vld [tilespmem:s28+$0x0]  }
0x6e8: {  	[tilespmem:v38+s6+$0x0] =	vst.idx.add.f32.msk $0xffff, v40  }
0x6e9: {  	v38 =	vld [tilespmem:s2+$0x0];
	s2 =	sor.u32 $0x6100, s22;
	v40 =	vxor.u32 v12, v42  }
0x6ea: {  	s26 =	sor.u32 s23, s2;
	s5 =	sor.u32 s13, s2;
	[tilespmem:v39+s6+$0x0] =	vst.idx.add.f32.msk $0xffff, v40;
	s14 =	sor.u32 s24, s2  }
0x6eb: {  	s2 =	sor.u32 s25, s2;
	v39 =	vxor.u32 v1, v41;
	v40 =	vld [tilespmem:s14+$0x0]  }
0x6ec: {  	[tilespmem:v37+s6+$0x0] =	vst.idx.add.f32.msk $0xffff, v39;
	v37 =	vxor.u32 v9, v43;
	v39 =	vor.u32 $0xA000, v11  }
0x6ed: {  	[tilespmem:v36+s6+$0x0] =	vst.idx.add.f32.msk $0xffff, v37  }
0x6ee: {  	v36 =	vxor.u32 v3, v38;
	v37 =	vld [tilespmem:s9+$0x0]  }
0x6ef: {  	v38 =	vld [tilespmem:s0+$0x0]  }
0x6f0: {  	s0 =	sor.u32 $0x6180, s22;
	[tilespmem:v35+s6+$0x0] =	vst.idx.add.f32.msk $0xffff, v36;
	v35 =	vxor.u32 v12, v40  }
0x6f1: {  	s28 =	sor.u32 s23, s0;
	s14 =	sor.u32 s13, s0;
	s9 =	sor.u32 s24, s0;
	[tilespmem:v39+s6+$0x0] =	vst.idx.add.f32.msk $0xffff, v35  }
0x6f2: {  	s0 =	sor.u32 s25, s0;
	v35 =	vld [tilespmem:s9+$0x0]  }
0x6f3: {  	v39 =	vor.u32 $0xB000, v11;
	v36 =	vld [tilespmem:s10+$0x0];
	v37 =	vxor.u32 v1, v37  }
0x6f4: {  	[tilespmem:v34+s6+$0x0] =	vst.idx.add.f32.msk $0xffff, v37;
	v34 =	vxor.u32 v9, v38  }
0x6f5: {  	[tilespmem:v33+s6+$0x0] =	vst.idx.add.f32.msk $0xffff, v34  }
0x6f6: {  	v33 =	vld [tilespmem:s7+$0x0]  }
0x6f7: {  	s7 =	sor.u32 $0x6200, s22;
	v34 =	vld [tilespmem:s29+$0x0];
	v35 =	vxor.u32 v12, v35  }
0x6f8: {  	s9 =	sor.u32 s23, s7;
	s29 =	sor.u32 s13, s7;
	s10 =	sor.u32 s24, s7;
	v36 =	vxor.u32 v3, v36;
	[tilespmem:v39+s6+$0x0] =	vst.idx.add.f32.msk $0xffff, v35  }
0x6f9: {  	s31 =	sor.u32 s25, s7;
	v35 =	vld [tilespmem:s10+$0x0]  }
0x6fa: {  	[tilespmem:v31+s6+$0x0] =	vst.idx.add.f32.msk $0xffff, v36;
	v31 =	vor.u32 $0xC000, v11  }
0x6fb: {  	v36 =	vld [tilespmem:s26+$0x0];
	v33 =	vxor.u32 v1, v33  }
0x6fc: {  	[tilespmem:v32+s6+$0x0] =	vst.idx.add.f32.msk $0xffff, v33;
	v32 =	vxor.u32 v9, v34  }
0x6fd: {  	[tilespmem:v30+s6+$0x0] =	vst.idx.add.f32.msk $0xffff, v32  }
0x6fe: {  	s7 =	sor.u32 $0x6280, s22;
	v30 =	vld [tilespmem:s5+$0x0];
	v32 =	vxor.u32 v12, v35  }
0x6ff: {  	s10 =	sor.u32 s23, s7;
	s26 =	sor.u32 s24, s7;
	s5 =	sor.u32 s13, s7;
	[tilespmem:v31+s6+$0x0] =	vst.idx.add.f32.msk $0xffff, v32  }
0x700: {  	s7 =	sor.u32 s25, s7;
	v31 =	vxor.u32 v3, v36;
	v32 =	vld [tilespmem:s26+$0x0]  }
0x701: {  	v34 =	vor.u32 $0xD000, v11;
	v33 =	vld [tilespmem:s2+$0x0]  }
0x702: {  	[tilespmem:v29+s6+$0x0] =	vst.idx.add.f32.msk $0xffff, v31  }
0x703: {  	v29 =	vld [tilespmem:s28+$0x0];
	v30 =	vxor.u32 v1, v30  }
0x704: {  	[tilespmem:v28+s6+$0x0] =	vst.idx.add.f32.msk $0xffff, v30  }
0x705: {  	s2 =	sor.u32 $0x6300, s22;
	v28 =	vld [tilespmem:s14+$0x0];
	v30 =	vxor.u32 v12, v32  }
0x706: {  	s26 =	sor.u32 s23, s2;
	s30 =	sor.u32 s13, s2;
	s14 =	sor.u32 s24, s2;
	v31 =	vxor.u32 v9, v33;
	[tilespmem:v34+s6+$0x0] =	vst.idx.add.f32.msk $0xffff, v30  }
0x707: {  	s2 =	sor.u32 s25, s2;
	v30 =	vld [tilespmem:s14+$0x0]  }
0x708: {  	v29 =	vxor.u32 v3, v29;
	[tilespmem:v27+s6+$0x0] =	vst.idx.add.f32.msk $0xffff, v31;
	v27 =	vor.u32 $0xE000, v11  }
0x709: {  	v31 =	vld [tilespmem:s0+$0x0]  }
0x70a: {  	[tilespmem:v25+s6+$0x0] =	vst.idx.add.f32.msk $0xffff, v29;
	v25 =	vxor.u32 v1, v28  }
0x70b: {  	[tilespmem:v26+s6+$0x0] =	vst.idx.add.f32.msk $0xffff, v25  }
0x70c: {  	v25 =	vld [tilespmem:s9+$0x0];
	s9 =	sor.u32 $0x6380, s22;
	v26 =	vxor.u32 v12, v30  }
0x70d: {  	s14 =	sor.u32 s23, s9;
	s0 =	sor.u32 s13, s9;
	[tilespmem:v27+s6+$0x0] =	vst.idx.add.f32.msk $0xffff, v26;
	s13 =	sor.u32 s24, s9  }
0x70e: {  	s9 =	sor.u32 s25, s9;
	v26 =	vxor.u32 v9, v31;
	v27 =	vld [tilespmem:s13+$0x0]  }
0x70f: {  	v11 =	vor.u32 $0xF000, v11;
	[tilespmem:v24+s6+$0x0] =	vst.idx.add.f32.msk $0xffff, v26  }
0x710: {  	v24 =	vld [tilespmem:s29+$0x0]  }
0x711: {  	v25 =	vxor.u32 v3, v25;
	v26 =	vld [tilespmem:s31+$0x0]  }
0x712: {  	[tilespmem:v21+s6+$0x0] =	vst.idx.add.f32.msk $0xffff, v25  }
0x713: {  	v21 =	vld [tilespmem:s10+$0x0];
	v12 =	vxor.u32 v12, v27  }
0x714: {  	[tilespmem:v11+s6+$0x0] =	vst.idx.add.f32.msk $0xffff, v12  }
0x715: {  	v11 =	vxor.u32 v1, v24;
	v12 =	vld [tilespmem:s20+$0x0];
	s20 =	smov.u32 s9  }
0x716: {  	[tilespmem:v19+s6+$0x0] =	vst.idx.add.f32.msk $0xffff, v11;
	v11 =	vxor.u32 v9, v26  }
0x717: {  	[tilespmem:v18+s6+$0x0] =	vst.idx.add.f32.msk $0xffff, v11  }
0x718: {  	v11 =	vxor.u32 v3, v21;
	v18 =	vld [tilespmem:s5+$0x0]  }
0x719: {  	v19 =	vld [tilespmem:s7+$0x0]  }
0x71a: {  	[tilespmem:v17+s6+$0x0] =	vst.idx.add.f32.msk $0xffff, v11;
	v11 =	vxor.u32 v2, v12;
	v2 =	vmov v9  }
0x71b: {  	v9 =	vld [tilespmem:s26+$0x0]  }
.Ltmp9:
0x71c: {  	[tilespmem:v7+s6+$0x0] =	vst.idx.add.f32.msk $0xffff, v4;
	v7 =	vmov v23;
	(pc) =	sbr.rel @p1 .LBB2_16-.Ltmp9, $4  }
0x71d: {  	v4 =	vxor.u32 v1, v18;
	[tilespmem:v6+s6+$0x0] =	vst.idx.add.f32.msk $0xffff, v20;
	v6 =	vmov v22  }
0x71e: {  	[tilespmem:v15+s6+$0x0] =	vst.idx.add.f32.msk $0xffff, v4;
	v4 =	vxor.u32 v2, v19  }
0x71f: {  	[tilespmem:v16+s6+$0x0] =	vst.idx.add.f32.msk $0xffff, v4  }
0x720: {  	s21 =	sadd.s32 $0x200, s21;
	v9 =	vxor.u32 v3, v9;
	v4 =	vld [tilespmem:s30+$0x0]  }
0x721: {  	_ = 	snop  }
0x722: {  	v12 =	vld [tilespmem:s2+$0x0];
	_ =	sdelay $0x2  }
0x723: {  	[tilespmem:v13+s6+$0x0] =	vst.idx.add.f32.msk $0xffff, v9  }
0x724: {  	v9 =	vld [tilespmem:s14+$0x0];
	v4 =	vxor.u32 v1, v4  }
0x725: {  	v12 =	vxor.u32 v2, v12;
	[tilespmem:v8+s6+$0x0] =	vst.idx.add.f32.msk $0xffff, v4  }
0x726: {  	[tilespmem:v10+s6+$0x0] =	vst.idx.add.f32.msk $0xffff, v12  }
0x727: {  	v4 =	vld [tilespmem:s0+$0x0]  }
0x728: {  	v63 =	vld [tilespmem:s20+$0x0];
	_ =	sdelay $0x1  }
.Ltmp10:
0x729: {  	_ = 	snop;
	(pc) =	sbr.rel @p0 .LBB2_19-.Ltmp10, $4  }
0x72a: {  	[tilespmem:v5+s6+$0x0] =	vst.idx.add.f32.msk $0xffff, v11;
	v3 =	vxor.u32 v3, v9  }
0x72b: {  	[tilespmem:v7+s6+$0x0] =	vst.idx.add.f32.msk $0xffff, v3;
	v1 =	vxor.u32 v1, v4  }
0x72c: {  	v2 =	vxor.u32 v2, v63;
	[tilespmem:v6+s6+$0x0] =	vst.idx.add.f32.msk $0xffff, v1  }
0x72d: {  	[tilespmem:v14+s6+$0x0] =	vst.idx.add.f32.msk $0xffff, v2  }
0x72e: {  	s0 =	sadd.s32 $0xC00, s17;
	s5 =	simm.s32 $0x2000;
	s7 =	simm.s32 $0x80000  }
0x72f: {  	s9 =	simm.s32 $0x4000;
	s2 =	sadd.s32 s0, s8;
	s0 =	sshrl.u32 s0, $0x3  }
0x730: {  	[tilespmem:s9], [sflag:$0x2] =	stream.strided.gather [hbm4b:s2+s5], $0x4000, s7, s5, $0x38;
	[tilespmem:$0x18800] =	vst v63  }
0x731: {  	s17 =	simm.s32 $0x8080;
	s0 =	sadd.s32 s1, s0  }
0x732: {  	[tilespmem:s17], [sflag:$0x2] =	stream.linear.gather [hbm4b:s0+s3], $0x80, $0x38;
	[tilespmem:$0x18800] =	vst v63  }
0x733: {  	s19 =	simm.s32 $0x8180;
	s18 =	sadd.s32 $0x10, s0  }
0x734: {  	[tilespmem:s19], [sflag:$0x2] =	stream.linear.gather [hbm4b:s18+s3], $0x80, $0x38;
	[tilespmem:$0x18800] =	vst v63  }
0x735: {  	s21 =	simm.s32 $0x8280;
	s20 =	sadd.s32 $0x20, s0  }
0x736: {  	[tilespmem:s21], [sflag:$0x2] =	stream.linear.gather [hbm4b:s20+s3], $0x80, $0x38;
	[tilespmem:$0x18800] =	vst v63  }
0x737: {  	s23 =	simm.s32 $0x8380;
	s22 =	sadd.s32 $0x30, s0  }
0x738: {  	[tilespmem:s23], [sflag:$0x2] =	stream.linear.gather [hbm4b:s22+s3], $0x80, $0x38;
	[tilespmem:$0x18800] =	vst v63  }
0x739: {  	s25 =	simm.s32 $0x8480;
	s24 =	sadd.s32 $0x40, s0  }
0x73a: {  	[tilespmem:s25], [sflag:$0x2] =	stream.linear.gather [hbm4b:s24+s3], $0x80, $0x38;
	[tilespmem:$0x18800] =	vst v63  }
0x73b: {  	s28 =	simm.s32 $0x8580;
	s26 =	sadd.s32 $0x50, s0  }
0x73c: {  	[tilespmem:s28], [sflag:$0x2] =	stream.linear.gather [hbm4b:s26+s3], $0x80, $0x38;
	[tilespmem:$0x18800] =	vst v63  }
.Ltmp11:
0x73d: {  	_ = 	snop;
	(pc) =	sbr.rel .LBB2_13-.Ltmp11, $4  }
0x73e: {  	s30 =	simm.s32 $0x8680;
	s29 =	sadd.s32 $0x60, s0  }
0x73f: {  	[tilespmem:s30], [sflag:$0x2] =	stream.linear.gather [hbm4b:s29+s3], $0x80, $0x38;
	[tilespmem:$0x18800] =	vst v63  }
0x740: {  	s31 =	simm.s32 $0x8780;
	s16 =	sadd.s32 $0x1, s16;
	s0 =	sadd.s32 $0x70, s0  }
0x741: {  	[tilespmem:s31], [sflag:$0x2] =	stream.linear.gather [hbm4b:s0+s3], $0x80, $0x38;
	[tilespmem:$0x18800] =	vst v63  }
.LBB2_20:
0x742: {  	_ =	sfence.sel $0x180000  }
0x743: {  	[bflag:$0x0] =	sbarrier.arrive $0xFFFF  }
0x744: {  	_ =	strace $0x90000047  }
0x745: {  	s0 =	stileid.u32;
	[bflag:$0x2] =	sbarrier.arrive $0xFFFF  }
0x746: {  	p0 =	sne.s32 s0, $0x0;
	s0 =	rddreg [dreg:$0x3]  }
0x747: {  	s0 =	sadd.s32 @!p0 $0x100000, s0  }
0x748: {  	[sflag:s0] =	ssyncadd.tile.s32 @!p0 $0x1;
	_ =	shalt  }
.Lfunc_end2:
_tile_overlayer_lowered:
.L_overlay_start_2:
0x749: {  	(tag) =	ssettag $0x2  }
0x74a: {  	s0 =	rddreg [dreg:$0x0];
	s2 =	stileid.u32  }
0x74b: {  	s1 =	rddreg [dreg:$0x1];
	p0 =	sne.s32 s2, $0x0  }
0x74c: {  	s3 =	rddreg [dreg:$0x2];
	[bflag:$0x3] =	sbarrier.arrive $0xFFFF;
	s2 =	simm.s32 @!p0 $0x1C03  }
0x74d: {  	[timem:s3], [sflag:s2] =	dma.local @!p0 [hbm:s0], s1  }
0x74e: {  	s0 =	simm.s32 @!p0 $0x3  }
0x74f: {  	_ =	swait.ge @!p0 [sflag:s0], s1  }
0x750: {  	s1 =	ssub.s32 @!p0 $0x0, s1;
	[sflag:s0] =	ssyncset.done @!p0 $0x0  }
0x751: {  	[sflag:s0] =	ssyncadd.s32 @!p0 s1  }
0x752: {  	[bflag:$0x3] =	sbarrier.arrive $0xFFFF  }
0x753: {  	_ =	shalt  }

</sc_bundles>
